<compile_context>
chip_gen: v7x
topology: tpu7x:2x2x1
jax: 0.10.2.dev20260603
libtpu: 0.0.44.dev20260713+nightly
codegen_flags: <defaults>
</compile_context>

<pallas_src>
import functools

import jax
import jax.numpy as jnp
from jax import lax
from jax.experimental import pallas as pl
from jax.experimental.pallas import tpu as pltpu
from jax.experimental.pallas import tpu_sc as plsc

BLANK = 0
EMBED = 64
NUM_CORES = 2
NUM_SUBCORES = 16
LANES = 16
NUM_WORKERS = NUM_CORES * NUM_SUBCORES

CHUNK = 128
D = 6
L = 5


def _make_lookup(total_lines):
    per_w = total_lines // NUM_WORKERS
    n_chunks = per_w // CHUNK
    assert n_chunks * CHUNK == per_w
    assert L < n_chunks and D > L
    mesh = plsc.VectorSubcoreMesh(core_axis_name="c", subcore_axis_name="s")

    @functools.partial(
        pl.kernel,
        out_type=jax.ShapeDtypeStruct((total_lines, 2 * EMBED), jnp.float32),
        mesh=mesh,
        scratch_types=[
            pltpu.VMEM((2 * per_w,), jnp.int32),
            pltpu.VMEM((per_w,), jnp.int32),
            pltpu.VMEM((per_w,), jnp.int32),
            pltpu.VMEM((D * CHUNK, EMBED), jnp.float32),
            pltpu.VMEM((D * CHUNK, EMBED), jnp.float32),
            pltpu.SemaphoreType.DMA((D,)),
            pltpu.SemaphoreType.DMA((D,)),
            pltpu.SemaphoreType.DMA((D,)),
            pltpu.SemaphoreType.DMA((D,)),
        ],
        compiler_params=pltpu.CompilerParams(use_tc_tiling_on_sc=False),
    )
    def lookup(
        idx_hbm, table_hbm, out_hbm,
        idx2_v, idx_e_v, idx_o_v, e_rows, o_rows, gsem_e, gsem_o, ssem_e, ssem_o,
    ):
        wid = lax.axis_index("s") * NUM_CORES + lax.axis_index("c")
        base = wid * per_w
        pltpu.sync_copy(idx_hbm.at[pl.ds(2 * base, 2 * per_w)], idx2_v)

        lanes = lax.broadcasted_iota(jnp.int32, (LANES,), 0)
        zeros = jnp.zeros((LANES,), jnp.float32)
        perm_e = (2 * lanes) % LANES
        perm_o = (2 * lanes + 1) % LANES
        lo_half = lanes < (LANES // 2)

        def deinterleave(j):
            for g in range(CHUNK // LANES):
                off = 2 * j * CHUNK + 2 * g * LANES
                v0 = idx2_v[pl.ds(off, LANES)]
                v1 = idx2_v[pl.ds(off + LANES, LANES)]
                ev = jnp.where(lo_half, jnp.take(v0, perm_e), jnp.take(v1, perm_e))
                ov = jnp.where(lo_half, jnp.take(v0, perm_o), jnp.take(v1, perm_o))
                dst = j * CHUNK + g * LANES
                idx_e_v[pl.ds(dst, LANES)] = ev
                idx_o_v[pl.ds(dst, LANES)] = ov

        def gather(i, slot, idx_v, rows_v, gsem):
            return pltpu.make_async_copy(
                table_hbm.at[idx_v.at[pl.ds(i * CHUNK, CHUNK)]],
                rows_v.at[pl.ds(slot * CHUNK, CHUNK)],
                gsem.at[slot],
            )

        def store(i, slot, rows_v, ssem, lane_off):
            return pltpu.make_async_copy(
                rows_v.at[pl.ds(slot * CHUNK, CHUNK)],
                out_hbm.at[pl.ds(base + i * CHUNK, CHUNK),
                           pl.ds(lane_off, EMBED)],
                ssem.at[slot],
            )

        def store_e(i, slot):
            return store(i, slot, e_rows, ssem_e, 0)

        def store_o(i, slot):
            return store(i, slot, o_rows, ssem_o, EMBED)

        def fixup(slot, i, idx_v, rows_v):
            buf_off = slot * CHUNK
            chunk_off = i * CHUNK
            m_any = None
            for g in range(CHUNK // LANES):
                iv = idx_v[pl.ds(chunk_off + g * LANES, LANES)]
                m = iv == BLANK
                m_any = m if m_any is None else jnp.logical_or(m_any, m)
            v = jnp.where(m_any, jnp.int32(1), jnp.int32(0))
            for sh in (8, 4, 2, 1):
                v = v | jnp.take(v, (lanes + sh) % LANES)

            @pl.when(v[0] > 0)
            def _fix():
                def group_body(g, carry):
                    iv = idx_v[pl.ds(chunk_off + g * LANES, LANES)]
                    for l in range(LANES):
                        row = g * LANES + l

                        @pl.when(iv[l] == BLANK)
                        def _zero_row(row=row):
                            for c in range(EMBED // LANES):
                                rows_v[
                                    buf_off + row, pl.ds(c * LANES, LANES)
                                ] = zeros

                    return carry

                lax.fori_loop(0, CHUNK // LANES, group_body, 0)

        for i in range(L):
            deinterleave(i)
            gather(i, i, idx_e_v, e_rows, gsem_e).start()
            gather(i, i, idx_o_v, o_rows, gsem_o).start()

        def body(i, carry):
            slot = i % D
            gather(i, slot, idx_e_v, e_rows, gsem_e).wait()
            gather(i, slot, idx_o_v, o_rows, gsem_o).wait()
            fixup(slot, i, idx_e_v, e_rows)
            fixup(slot, i, idx_o_v, o_rows)
            store_e(i, slot).start()

            @pl.when(i >= 1)
            def _odd_prev():
                store_o(i - 1, (i - 1) % D).start()

            j = i + L
            sj = j % D

            @pl.when(jnp.logical_and(j < n_chunks, j >= D))
            def _reuse():
                store_e(j - D, sj).wait()
                store_o(j - D, sj).wait()

            @pl.when(j < n_chunks)
            def _next():
                deinterleave(j)
                gather(j, sj, idx_e_v, e_rows, gsem_e).start()
                gather(j, sj, idx_o_v, o_rows, gsem_o).start()

            return carry

        lax.fori_loop(0, n_chunks, body, 0)

        store_o(n_chunks - 1, (n_chunks - 1) % D).start()
        for i in range(n_chunks - D, n_chunks):
            store_e(i, i % D).wait()
            store_o(i, i % D).wait()

    return lookup


_LOOKUP_CACHE = {}


def kernel(history, table):
    b, u, h = history.shape
    assert h == 2
    lines = b * u
    if lines not in _LOOKUP_CACHE:
        _LOOKUP_CACHE[lines] = _make_lookup(lines)
    idx = history.reshape(lines * 2)
    out = _LOOKUP_CACHE[lines](idx, table)
    return out.reshape(b, u, 2 * EMBED)

# --- scband reference (transcript-rebuilt; emitter-appended) ---
"""Pipeline reference for scband-embedding-transducer-prediction-network-v1-83081847374010 (READ-ONLY COPY).

The authoritative reference and input builder live on the scoring server;
editing this copy changes nothing except your own understanding.
"""

import jax, jax.numpy as jnp
import numpy as np

NUM_OUTPUTS = 100000
EMBED_DIM = 64
BLANK_ID = 0
CTX = 2
BATCH = 1024
SEQ = 200


def setup_inputs(seed: int = 0) -> dict:
    key = jax.random.key(seed)
    k1, k2 = jax.random.split(key)
    history = jax.random.randint(k1, (BATCH, SEQ, CTX), 0, NUM_OUTPUTS, dtype=jnp.int32)
    table = jax.random.normal(k2, (NUM_OUTPUTS, EMBED_DIM), dtype=jnp.float32)
    return {"history": history, "table": table}


def reference(history, table):
    # nn.Embedding with padding_idx=BLANK_ID: that row embeds to zeros
    t = table.at[BLANK_ID].set(0.0)
    # history is 3D [B, U, H] -> embedding gives [B, U, H, E]
    emb = jnp.take(t, history, axis=0)
    # dropout p=0.0 -> identity
    # reduce_embedding=False -> flatten last two dims: [B, U, H*E]
    out = emb.reshape(emb.shape[0], emb.shape[1], CTX * EMBED_DIM)
    return out

if __name__ == "__main__":
    import jax
    _d = setup_inputs()
    print(jax.jit(kernel)(*tuple(_d.values())))

</pallas_src>

<mosaic_0001>
#map = affine_map<(d0, d1) -> (0)>
#map1 = affine_map<(d0, d1) -> (0, 0)>
module attributes {stable_mosaic.version = 14 : i64} {
  func.func @lookup(%arg0: i32, %arg1: i32, %arg2: memref<409600xi32, #tpu.memory_space<hbm>>, %arg3: memref<100000x64xf32, #tpu.memory_space<hbm>>, %arg4: memref<204800x128xf32, #tpu.memory_space<hbm>>, %arg5: memref<12800xi32, #tpu.memory_space<vmem>>, %arg6: memref<6400xi32, #tpu.memory_space<vmem>>, %arg7: memref<6400xi32, #tpu.memory_space<vmem>>, %arg8: memref<768x64xf32, #tpu.memory_space<vmem>>, %arg9: memref<768x64xf32, #tpu.memory_space<vmem>>, %arg10: memref<6x!tpu.dma_semaphore, #tpu.memory_space<semaphore_mem>>, %arg11: memref<6x!tpu.dma_semaphore, #tpu.memory_space<semaphore_mem>>, %arg12: memref<6x!tpu.dma_semaphore, #tpu.memory_space<semaphore_mem>>, %arg13: memref<6x!tpu.dma_semaphore, #tpu.memory_space<semaphore_mem>>) attributes {dimension_semantics = [#tpu.dimension_semantics<core_parallel>, #tpu.dimension_semantics<subcore_parallel>], iteration_bounds = array<i64: 2, 16>, scalar_prefetch = 0 : i64, scratch_operands = 9 : i64, tpu.core_type = #tpu.core_type<sc_vector_subcore>, window_params = [{transform_indices = #map}, {transform_indices = #map1}, {transform_indices = #map1}]} {
    %mul3A = arith.constant 2 : i32
    %mul3A_0 = arith.muli %arg1, %mul3A : i32
    %add3A = arith.addi %mul3A_0, %arg0 : i32
    %mul3A_1 = arith.constant 6400 : i32
    %mul3A_2 = arith.muli %add3A, %mul3A_1 : i32
    %mul3A_3 = arith.constant 2 : i32
    %mul3A_4 = arith.muli %mul3A_3, %mul3A_2 : i32
    "tpu.region"() ({
      %run_scoped3A = tpu.sem_alloc : memref<!tpu.dma_semaphore, #tpu.memory_space<semaphore_mem>>
      %dma_start3A_2600 = tpu.memref_slice %arg2[%mul3A_4] : memref<409600xi32, #tpu.memory_space<hbm>> -> memref<12800xi32, #tpu.memory_space<hbm>>
      %dma_start3A_2601 = tpu.memref_slice %arg2[%mul3A_4] : memref<409600xi32, #tpu.memory_space<hbm>> -> memref<12800xi32, #tpu.memory_space<hbm>>
      tpu.enqueue_dma source(%dma_start3A_2601 : memref<12800xi32, #tpu.memory_space<hbm>>) target(%arg5 : memref<12800xi32, #tpu.memory_space<vmem>>) target_semaphore(%run_scoped3A : memref<!tpu.dma_semaphore, #tpu.memory_space<semaphore_mem>>)
      %dma_wait3A_2602 = tpu.memref_slice %arg2[%mul3A_4] : memref<409600xi32, #tpu.memory_space<hbm>> -> memref<12800xi32, #tpu.memory_space<hbm>>
      %dma_wait3A_2603 = tpu.memref_slice %arg2[%mul3A_4] : memref<409600xi32, #tpu.memory_space<hbm>> -> memref<12800xi32, #tpu.memory_space<hbm>>
      tpu.wait_dma2 semaphore(%run_scoped3A : memref<!tpu.dma_semaphore, #tpu.memory_space<semaphore_mem>>) src(%dma_wait3A_2603 : memref<12800xi32, #tpu.memory_space<hbm>>) dst(%arg5 : memref<12800xi32, #tpu.memory_space<vmem>>)
      tpu.yield
    }) : () -> ()
    %iota3A = tpu.iota {dimensions = array<i32: 0>} : vector<16xi32>
    %broadcast_in_dim3A = arith.constant 0.000000e+00 : f32
    %broadcast_in_dim3A_5 = vector.broadcast %broadcast_in_dim3A : f32 to vector<16xf32>
    %mul3A_6 = arith.constant 2 : i32
    %mul3A_7 = vector.broadcast %mul3A_6 : i32 to vector<16xi32>
    %mul3A_8 = arith.muli %mul3A_7, %iota3A : vector<16xi32>
    %jit3A = arith.constant 16 : i32
    %eq3A = arith.constant 0 : i32
    %eq3A_9 = arith.cmpi eq, %jit3A, %eq3A : i32
    %jit3A_10 = arith.constant 1 : i32
    %select_n3A = arith.select %eq3A_9, %jit3A_10, %jit3A : i32
    %rem3A = vector.broadcast %select_n3A : i32 to vector<16xi32>
    %rem3A_11 = arith.remsi %mul3A_8, %rem3A : vector<16xi32>
    %ne3A = arith.constant 0 : i32
    %ne3A_12 = vector.broadcast %ne3A : i32 to vector<16xi32>
    %ne3A_13 = arith.cmpi ne, %rem3A_11, %ne3A_12 : vector<16xi32>
    %lt3A = arith.constant 0 : i32
    %lt3A_14 = vector.broadcast %lt3A : i32 to vector<16xi32>
    %lt3A_15 = arith.cmpi slt, %rem3A_11, %lt3A_14 : vector<16xi32>
    %lt3A_16 = arith.constant 0 : i32
    %lt3A_17 = arith.cmpi slt, %select_n3A, %lt3A_16 : i32
    %ne3A_18 = vector.broadcast %lt3A_17 : i1 to vector<16xi1>
    %ne3A_19 = vector.broadcast %ne3A_18 : vector<16xi1> to vector<16xi1>
    %ne3A_20 = arith.xori %lt3A_15, %ne3A_19 : vector<16xi1>
    %and3A = arith.andi %ne3A_20, %ne3A_13 : vector<16xi1>
    %add3A_21 = vector.broadcast %select_n3A : i32 to vector<16xi32>
    %add3A_22 = arith.addi %rem3A_11, %add3A_21 : vector<16xi32>
    %select_n3A_23 = arith.select %and3A, %add3A_22, %rem3A_11 : vector<16xi1>, vector<16xi32>
    %mul3A_24 = arith.constant 2 : i32
    %mul3A_25 = vector.broadcast %mul3A_24 : i32 to vector<16xi32>
    %mul3A_26 = arith.muli %mul3A_25, %iota3A : vector<16xi32>
    %add3A_27 = arith.constant 1 : i32
    %add3A_28 = vector.broadcast %add3A_27 : i32 to vector<16xi32>
    %add3A_29 = arith.addi %mul3A_26, %add3A_28 : vector<16xi32>
    %jit3A_30 = arith.constant 16 : i32
    %eq3A_31 = arith.constant 0 : i32
    %eq3A_32 = arith.cmpi eq, %jit3A_30, %eq3A_31 : i32
    %jit3A_33 = arith.constant 1 : i32
    %select_n3A_34 = arith.select %eq3A_32, %jit3A_33, %jit3A_30 : i32
    %rem3A_35 = vector.broadcast %select_n3A_34 : i32 to vector<16xi32>
    %rem3A_36 = arith.remsi %add3A_29, %rem3A_35 : vector<16xi32>
    %ne3A_37 = arith.constant 0 : i32
    %ne3A_38 = vector.broadcast %ne3A_37 : i32 to vector<16xi32>
    %ne3A_39 = arith.cmpi ne, %rem3A_36, %ne3A_38 : vector<16xi32>
    %lt3A_40 = arith.constant 0 : i32
    %lt3A_41 = vector.broadcast %lt3A_40 : i32 to vector<16xi32>
    %lt3A_42 = arith.cmpi slt, %rem3A_36, %lt3A_41 : vector<16xi32>
    %lt3A_43 = arith.constant 0 : i32
    %lt3A_44 = arith.cmpi slt, %select_n3A_34, %lt3A_43 : i32
    %ne3A_45 = vector.broadcast %lt3A_44 : i1 to vector<16xi1>
    %ne3A_46 = vector.broadcast %ne3A_45 : vector<16xi1> to vector<16xi1>
    %ne3A_47 = arith.xori %lt3A_42, %ne3A_46 : vector<16xi1>
    %and3A_48 = arith.andi %ne3A_47, %ne3A_39 : vector<16xi1>
    %add3A_49 = vector.broadcast %select_n3A_34 : i32 to vector<16xi32>
    %add3A_50 = arith.addi %rem3A_36, %add3A_49 : vector<16xi32>
    %select_n3A_51 = arith.select %and3A_48, %add3A_50, %rem3A_36 : vector<16xi1>, vector<16xi32>
    %lt3A_52 = arith.constant 8 : i32
    %lt3A_53 = vector.broadcast %lt3A_52 : i32 to vector<16xi32>
    %lt3A_54 = arith.cmpi slt, %iota3A, %lt3A_53 : vector<16xi32>
    %get3A = arith.constant 0 : index
    %get3A_55 = tpu.vector_load %arg5[%get3A] {strides = array<i32>} : memref<12800xi32, #tpu.memory_space<vmem>>, vector<16xi32>,
    %get3A_56 = vector.shape_cast %get3A_55 : vector<16xi32> to vector<16xi32>
    %get3A_57 = arith.constant 16 : index
    %get3A_58 = tpu.vector_load %arg5[%get3A_57] {strides = array<i32>} : memref<12800xi32, #tpu.memory_space<vmem>>, vector<16xi32>,
    %get3A_59 = vector.shape_cast %get3A_58 : vector<16xi32> to vector<16xi32>
    %lt3A_60 = arith.constant 0 : i32
    %lt3A_61 = vector.broadcast %lt3A_60 : i32 to vector<16xi32>
    %lt3A_62 = arith.cmpi slt, %select_n3A_23, %lt3A_61 : vector<16xi32>
    %add3A_63 = arith.constant 16 : i32
    %add3A_64 = vector.broadcast %add3A_63 : i32 to vector<16xi32>
    %add3A_65 = arith.addi %select_n3A_23, %add3A_64 : vector<16xi32>
    %select_n3A_66 = arith.select %lt3A_62, %add3A_65, %select_n3A_23 : vector<16xi1>, vector<16xi32>
    %broadcast_in_dim3A_67 = vector.shape_cast %select_n3A_66 : vector<16xi32> to vector<16x1xi32>
    %gather3A = vector.shape_cast %broadcast_in_dim3A_67 : vector<16x1xi32> to vector<16xi32>
    %gather3A_68 = tpu.dynamic_gather %get3A_56[%gather3A] in [0] : vector<16xi32>, vector<16xi32> -> vector<16xi32>
    %lt3A_69 = arith.constant 0 : i32
    %lt3A_70 = vector.broadcast %lt3A_69 : i32 to vector<16xi32>
    %lt3A_71 = arith.cmpi slt, %select_n3A_23, %lt3A_70 : vector<16xi32>
    %add3A_72 = arith.constant 16 : i32
    %add3A_73 = vector.broadcast %add3A_72 : i32 to vector<16xi32>
    %add3A_74 = arith.addi %select_n3A_23, %add3A_73 : vector<16xi32>
    %select_n3A_75 = arith.select %lt3A_71, %add3A_74, %select_n3A_23 : vector<16xi1>, vector<16xi32>
    %broadcast_in_dim3A_76 = vector.shape_cast %select_n3A_75 : vector<16xi32> to vector<16x1xi32>
    %gather3A_77 = vector.shape_cast %broadcast_in_dim3A_76 : vector<16x1xi32> to vector<16xi32>
    %gather3A_78 = tpu.dynamic_gather %get3A_59[%gather3A_77] in [0] : vector<16xi32>, vector<16xi32> -> vector<16xi32>
    %select_n3A_79 = arith.select %lt3A_54, %gather3A_68, %gather3A_78 : vector<16xi1>, vector<16xi32>
    %lt3A_80 = arith.constant 0 : i32
    %lt3A_81 = vector.broadcast %lt3A_80 : i32 to vector<16xi32>
    %lt3A_82 = arith.cmpi slt, %select_n3A_51, %lt3A_81 : vector<16xi32>
    %add3A_83 = arith.constant 16 : i32
    %add3A_84 = vector.broadcast %add3A_83 : i32 to vector<16xi32>
    %add3A_85 = arith.addi %select_n3A_51, %add3A_84 : vector<16xi32>
    %select_n3A_86 = arith.select %lt3A_82, %add3A_85, %select_n3A_51 : vector<16xi1>, vector<16xi32>
    %broadcast_in_dim3A_87 = vector.shape_cast %select_n3A_86 : vector<16xi32> to vector<16x1xi32>
    %gather3A_88 = vector.shape_cast %broadcast_in_dim3A_87 : vector<16x1xi32> to vector<16xi32>
    %gather3A_89 = tpu.dynamic_gather %get3A_56[%gather3A_88] in [0] : vector<16xi32>, vector<16xi32> -> vector<16xi32>
    %lt3A_90 = arith.constant 0 : i32
    %lt3A_91 = vector.broadcast %lt3A_90 : i32 to vector<16xi32>
    %lt3A_92 = arith.cmpi slt, %select_n3A_51, %lt3A_91 : vector<16xi32>
    %add3A_93 = arith.constant 16 : i32
    %add3A_94 = vector.broadcast %add3A_93 : i32 to vector<16xi32>
    %add3A_95 = arith.addi %select_n3A_51, %add3A_94 : vector<16xi32>
    %select_n3A_96 = arith.select %lt3A_92, %add3A_95, %select_n3A_51 : vector<16xi1>, vector<16xi32>
    %broadcast_in_dim3A_97 = vector.shape_cast %select_n3A_96 : vector<16xi32> to vector<16x1xi32>
    %gather3A_98 = vector.shape_cast %broadcast_in_dim3A_97 : vector<16x1xi32> to vector<16xi32>
    %gather3A_99 = tpu.dynamic_gather %get3A_59[%gather3A_98] in [0] : vector<16xi32>, vector<16xi32> -> vector<16xi32>
    %select_n3A_100 = arith.select %lt3A_54, %gather3A_89, %gather3A_99 : vector<16xi1>, vector<16xi32>
    %swap3A = arith.constant 0 : index
    %swap3A_101 = tpu.vector_load %arg6[%swap3A] {strides = array<i32>} : memref<6400xi32, #tpu.memory_space<vmem>>, vector<16xi32>,
    %swap3A_102 = vector.shape_cast %swap3A_101 : vector<16xi32> to vector<16xi32>
    %swap3A_103 = vector.shape_cast %select_n3A_79 : vector<16xi32> to vector<16xi32>
    tpu.vector_store %arg6[%swap3A], %swap3A_103 {strides = array<i32>} : memref<6400xi32, #tpu.memory_space<vmem>>, vector<16xi32>,
    %swap3A_104 = arith.constant 0 : index
    %swap3A_105 = tpu.vector_load %arg7[%swap3A_104] {strides = array<i32>} : memref<6400xi32, #tpu.memory_space<vmem>>, vector<16xi32>,
    %swap3A_106 = vector.shape_cast %swap3A_105 : vector<16xi32> to vector<16xi32>
    %swap3A_107 = vector.shape_cast %select_n3A_100 : vector<16xi32> to vector<16xi32>
    tpu.vector_store %arg7[%swap3A_104], %swap3A_107 {strides = array<i32>} : memref<6400xi32, #tpu.memory_space<vmem>>, vector<16xi32>,
    %get3A_108 = arith.constant 32 : index
    %get3A_109 = tpu.vector_load %arg5[%get3A_108] {strides = array<i32>} : memref<12800xi32, #tpu.memory_space<vmem>>, vector<16xi32>,
    %get3A_110 = vector.shape_cast %get3A_109 : vector<16xi32> to vector<16xi32>
    %get3A_111 = arith.constant 48 : index
    %get3A_112 = tpu.vector_load %arg5[%get3A_111] {strides = array<i32>} : memref<12800xi32, #tpu.memory_space<vmem>>, vector<16xi32>,
    %get3A_113 = vector.shape_cast %get3A_112 : vector<16xi32> to vector<16xi32>
    %lt3A_114 = arith.constant 0 : i32
    %lt3A_115 = vector.broadcast %lt3A_114 : i32 to vector<16xi32>
    %lt3A_116 = arith.cmpi slt, %select_n3A_23, %lt3A_115 : vector<16xi32>
    %add3A_117 = arith.constant 16 : i32
    %add3A_118 = vector.broadcast %add3A_117 : i32 to vector<16xi32>
    %add3A_119 = arith.addi %select_n3A_23, %add3A_118 : vector<16xi32>
    %select_n3A_120 = arith.select %lt3A_116, %add3A_119, %select_n3A_23 : vector<16xi1>, vector<16xi32>
    %broadcast_in_dim3A_121 = vector.shape_cast %select_n3A_120 : vector<16xi32> to vector<16x1xi32>
    %gather3A_122 = vector.shape_cast %broadcast_in_dim3A_121 : vector<16x1xi32> to vector<16xi32>
    %gather3A_123 = tpu.dynamic_gather %get3A_110[%gather3A_122] in [0] : vector<16xi32>, vector<16xi32> -> vector<16xi32>
    %lt3A_124 = arith.constant 0 : i32
    %lt3A_125 = vector.broadcast %lt3A_124 : i32 to vector<16xi32>
    %lt3A_126 = arith.cmpi slt, %select_n3A_23, %lt3A_125 : vector<16xi32>
    %add3A_127 = arith.constant 16 : i32
    %add3A_128 = vector.broadcast %add3A_127 : i32 to vector<16xi32>
    %add3A_129 = arith.addi %select_n3A_23, %add3A_128 : vector<16xi32>
    %select_n3A_130 = arith.select %lt3A_126, %add3A_129, %select_n3A_23 : vector<16xi1>, vector<16xi32>
    %broadcast_in_dim3A_131 = vector.shape_cast %select_n3A_130 : vector<16xi32> to vector<16x1xi32>
    %gather3A_132 = vector.shape_cast %broadcast_in_dim3A_131 : vector<16x1xi32> to vector<16xi32>
    %gather3A_133 = tpu.dynamic_gather %get3A_113[%gather3A_132] in [0] : vector<16xi32>, vector<16xi32> -> vector<16xi32>
    %select_n3A_134 = arith.select %lt3A_54, %gather3A_123, %gather3A_133 : vector<16xi1>, vector<16xi32>
    %lt3A_135 = arith.constant 0 : i32
    %lt3A_136 = vector.broadcast %lt3A_135 : i32 to vector<16xi32>
    %lt3A_137 = arith.cmpi slt, %select_n3A_51, %lt3A_136 : vector<16xi32>
    %add3A_138 = arith.constant 16 : i32
    %add3A_139 = vector.broadcast %add3A_138 : i32 to vector<16xi32>
    %add3A_140 = arith.addi %select_n3A_51, %add3A_139 : vector<16xi32>
    %select_n3A_141 = arith.select %lt3A_137, %add3A_140, %select_n3A_51 : vector<16xi1>, vector<16xi32>
    %broadcast_in_dim3A_142 = vector.shape_cast %select_n3A_141 : vector<16xi32> to vector<16x1xi32>
    %gather3A_143 = vector.shape_cast %broadcast_in_dim3A_142 : vector<16x1xi32> to vector<16xi32>
    %gather3A_144 = tpu.dynamic_gather %get3A_110[%gather3A_143] in [0] : vector<16xi32>, vector<16xi32> -> vector<16xi32>
    %lt3A_145 = arith.constant 0 : i32
    %lt3A_146 = vector.broadcast %lt3A_145 : i32 to vector<16xi32>
    %lt3A_147 = arith.cmpi slt, %select_n3A_51, %lt3A_146 : vector<16xi32>
    %add3A_148 = arith.constant 16 : i32
    %add3A_149 = vector.broadcast %add3A_148 : i32 to vector<16xi32>
    %add3A_150 = arith.addi %select_n3A_51, %add3A_149 : vector<16xi32>
    %select_n3A_151 = arith.select %lt3A_147, %add3A_150, %select_n3A_51 : vector<16xi1>, vector<16xi32>
    %broadcast_in_dim3A_152 = vector.shape_cast %select_n3A_151 : vector<16xi32> to vector<16x1xi32>
    %gather3A_153 = vector.shape_cast %broadcast_in_dim3A_152 : vector<16x1xi32> to vector<16xi32>
    %gather3A_154 = tpu.dynamic_gather %get3A_113[%gather3A_153] in [0] : vector<16xi32>, vector<16xi32> -> vector<16xi32>
    %select_n3A_155 = arith.select %lt3A_54, %gather3A_144, %gather3A_154 : vector<16xi1>, vector<16xi32>
    %swap3A_156 = arith.constant 16 : index
    %swap3A_157 = tpu.vector_load %arg6[%swap3A_156] {strides = array<i32>} : memref<6400xi32, #tpu.memory_space<vmem>>, vector<16xi32>,
    %swap3A_158 = vector.shape_cast %swap3A_157 : vector<16xi32> to vector<16xi32>
    %swap3A_159 = vector.shape_cast %select_n3A_134 : vector<16xi32> to vector<16xi32>
    tpu.vector_store %arg6[%swap3A_156], %swap3A_159 {strides = array<i32>} : memref<6400xi32, #tpu.memory_space<vmem>>, vector<16xi32>,
    %swap3A_160 = arith.constant 16 : index
    %swap3A_161 = tpu.vector_load %arg7[%swap3A_160] {strides = array<i32>} : memref<6400xi32, #tpu.memory_space<vmem>>, vector<16xi32>,
    %swap3A_162 = vector.shape_cast %swap3A_161 : vector<16xi32> to vector<16xi32>
    %swap3A_163 = vector.shape_cast %select_n3A_155 : vector<16xi32> to vector<16xi32>
    tpu.vector_store %arg7[%swap3A_160], %swap3A_163 {strides = array<i32>} : memref<6400xi32, #tpu.memory_space<vmem>>, vector<16xi32>,
    %get3A_164 = arith.constant 64 : index
    %get3A_165 = tpu.vector_load %arg5[%get3A_164] {strides = array<i32>} : memref<12800xi32, #tpu.memory_space<vmem>>, vector<16xi32>,
    %get3A_166 = vector.shape_cast %get3A_165 : vector<16xi32> to vector<16xi32>
    %get3A_167 = arith.constant 80 : index
    %get3A_168 = tpu.vector_load %arg5[%get3A_167] {strides = array<i32>} : memref<12800xi32, #tpu.memory_space<vmem>>, vector<16xi32>,
    %get3A_169 = vector.shape_cast %get3A_168 : vector<16xi32> to vector<16xi32>
    %lt3A_170 = arith.constant 0 : i32
    %lt3A_171 = vector.broadcast %lt3A_170 : i32 to vector<16xi32>
    %lt3A_172 = arith.cmpi slt, %select_n3A_23, %lt3A_171 : vector<16xi32>
    %add3A_173 = arith.constant 16 : i32
    %add3A_174 = vector.broadcast %add3A_173 : i32 to vector<16xi32>
    %add3A_175 = arith.addi %select_n3A_23, %add3A_174 : vector<16xi32>
    %select_n3A_176 = arith.select %lt3A_172, %add3A_175, %select_n3A_23 : vector<16xi1>, vector<16xi32>
    %broadcast_in_dim3A_177 = vector.shape_cast %select_n3A_176 : vector<16xi32> to vector<16x1xi32>
    %gather3A_178 = vector.shape_cast %broadcast_in_dim3A_177 : vector<16x1xi32> to vector<16xi32>
    %gather3A_179 = tpu.dynamic_gather %get3A_166[%gather3A_178] in [0] : vector<16xi32>, vector<16xi32> -> vector<16xi32>
    %lt3A_180 = arith.constant 0 : i32
    %lt3A_181 = vector.broadcast %lt3A_180 : i32 to vector<16xi32>
    %lt3A_182 = arith.cmpi slt, %select_n3A_23, %lt3A_181 : vector<16xi32>
    %add3A_183 = arith.constant 16 : i32
    %add3A_184 = vector.broadcast %add3A_183 : i32 to vector<16xi32>
    %add3A_185 = arith.addi %select_n3A_23, %add3A_184 : vector<16xi32>
    %select_n3A_186 = arith.select %lt3A_182, %add3A_185, %select_n3A_23 : vector<16xi1>, vector<16xi32>
    %broadcast_in_dim3A_187 = vector.shape_cast %select_n3A_186 : vector<16xi32> to vector<16x1xi32>
    %gather3A_188 = vector.shape_cast %broadcast_in_dim3A_187 : vector<16x1xi32> to vector<16xi32>
    %gather3A_189 = tpu.dynamic_gather %get3A_169[%gather3A_188] in [0] : vector<16xi32>, vector<16xi32> -> vector<16xi32>
    %select_n3A_190 = arith.select %lt3A_54, %gather3A_179, %gather3A_189 : vector<16xi1>, vector<16xi32>
    %lt3A_191 = arith.constant 0 : i32
    %lt3A_192 = vector.broadcast %lt3A_191 : i32 to vector<16xi32>
    %lt3A_193 = arith.cmpi slt, %select_n3A_51, %lt3A_192 : vector<16xi32>
    %add3A_194 = arith.constant 16 : i32
    %add3A_195 = vector.broadcast %add3A_194 : i32 to vector<16xi32>
    %add3A_196 = arith.addi %select_n3A_51, %add3A_195 : vector<16xi32>
    %select_n3A_197 = arith.select %lt3A_193, %add3A_196, %select_n3A_51 : vector<16xi1>, vector<16xi32>
    %broadcast_in_dim3A_198 = vector.shape_cast %select_n3A_197 : vector<16xi32> to vector<16x1xi32>
    %gather3A_199 = vector.shape_cast %broadcast_in_dim3A_198 : vector<16x1xi32> to vector<16xi32>
    %gather3A_200 = tpu.dynamic_gather %get3A_166[%gather3A_199] in [0] : vector<16xi32>, vector<16xi32> -> vector<16xi32>
    %lt3A_201 = arith.constant 0 : i32
    %lt3A_202 = vector.broadcast %lt3A_201 : i32 to vector<16xi32>
    %lt3A_203 = arith.cmpi slt, %select_n3A_51, %lt3A_202 : vector<16xi32>
    %add3A_204 = arith.constant 16 : i32
    %add3A_205 = vector.broadcast %add3A_204 : i32 to vector<16xi32>
    %add3A_206 = arith.addi %select_n3A_51, %add3A_205 : vector<16xi32>
    %select_n3A_207 = arith.select %lt3A_203, %add3A_206, %select_n3A_51 : vector<16xi1>, vector<16xi32>
    %broadcast_in_dim3A_208 = vector.shape_cast %select_n3A_207 : vector<16xi32> to vector<16x1xi32>
    %gather3A_209 = vector.shape_cast %broadcast_in_dim3A_208 : vector<16x1xi32> to vector<16xi32>
    %gather3A_210 = tpu.dynamic_gather %get3A_169[%gather3A_209] in [0] : vector<16xi32>, vector<16xi32> -> vector<16xi32>
    %select_n3A_211 = arith.select %lt3A_54, %gather3A_200, %gather3A_210 : vector<16xi1>, vector<16xi32>
    %swap3A_212 = arith.constant 32 : index
    %swap3A_213 = tpu.vector_load %arg6[%swap3A_212] {strides = array<i32>} : memref<6400xi32, #tpu.memory_space<vmem>>, vector<16xi32>,
    %swap3A_214 = vector.shape_cast %swap3A_213 : vector<16xi32> to vector<16xi32>
    %swap3A_215 = vector.shape_cast %select_n3A_190 : vector<16xi32> to vector<16xi32>
    tpu.vector_store %arg6[%swap3A_212], %swap3A_215 {strides = array<i32>} : memref<6400xi32, #tpu.memory_space<vmem>>, vector<16xi32>,
    %swap3A_216 = arith.constant 32 : index
    %swap3A_217 = tpu.vector_load %arg7[%swap3A_216] {strides = array<i32>} : memref<6400xi32, #tpu.memory_space<vmem>>, vector<16xi32>,
    %swap3A_218 = vector.shape_cast %swap3A_217 : vector<16xi32> to vector<16xi32>
    %swap3A_219 = vector.shape_cast %select_n3A_211 : vector<16xi32> to vector<16xi32>
    tpu.vector_store %arg7[%swap3A_216], %swap3A_219 {strides = array<i32>} : memref<6400xi32, #tpu.memory_space<vmem>>, vector<16xi32>,
    %get3A_220 = arith.constant 96 : index
    %get3A_221 = tpu.vector_load %arg5[%get3A_220] {strides = array<i32>} : memref<12800xi32, #tpu.memory_space<vmem>>, vector<16xi32>,
    %get3A_222 = vector.shape_cast %get3A_221 : vector<16xi32> to vector<16xi32>
    %get3A_223 = arith.constant 112 : index
    %get3A_224 = tpu.vector_load %arg5[%get3A_223] {strides = array<i32>} : memref<12800xi32, #tpu.memory_space<vmem>>, vector<16xi32>,
    %get3A_225 = vector.shape_cast %get3A_224 : vector<16xi32> to vector<16xi32>
    %lt3A_226 = arith.constant 0 : i32
    %lt3A_227 = vector.broadcast %lt3A_226 : i32 to vector<16xi32>
    %lt3A_228 = arith.cmpi slt, %select_n3A_23, %lt3A_227 : vector<16xi32>
    %add3A_229 = arith.constant 16 : i32
    %add3A_230 = vector.broadcast %add3A_229 : i32 to vector<16xi32>
    %add3A_231 = arith.addi %select_n3A_23, %add3A_230 : vector<16xi32>
    %select_n3A_232 = arith.select %lt3A_228, %add3A_231, %select_n3A_23 : vector<16xi1>, vector<16xi32>
    %broadcast_in_dim3A_233 = vector.shape_cast %select_n3A_232 : vector<16xi32> to vector<16x1xi32>
    %gather3A_234 = vector.shape_cast %broadcast_in_dim3A_233 : vector<16x1xi32> to vector<16xi32>
    %gather3A_235 = tpu.dynamic_gather %get3A_222[%gather3A_234] in [0] : vector<16xi32>, vector<16xi32> -> vector<16xi32>
    %lt3A_236 = arith.constant 0 : i32
    %lt3A_237 = vector.broadcast %lt3A_236 : i32 to vector<16xi32>
    %lt3A_238 = arith.cmpi slt, %select_n3A_23, %lt3A_237 : vector<16xi32>
    %add3A_239 = arith.constant 16 : i32
    %add3A_240 = vector.broadcast %add3A_239 : i32 to vector<16xi32>
    %add3A_241 = arith.addi %select_n3A_23, %add3A_240 : vector<16xi32>
    %select_n3A_242 = arith.select %lt3A_238, %add3A_241, %select_n3A_23 : vector<16xi1>, vector<16xi32>
    %broadcast_in_dim3A_243 = vector.shape_cast %select_n3A_242 : vector<16xi32> to vector<16x1xi32>
    %gather3A_244 = vector.shape_cast %broadcast_in_dim3A_243 : vector<16x1xi32> to vector<16xi32>
    %gather3A_245 = tpu.dynamic_gather %get3A_225[%gather3A_244] in [0] : vector<16xi32>, vector<16xi32> -> vector<16xi32>
    %select_n3A_246 = arith.select %lt3A_54, %gather3A_235, %gather3A_245 : vector<16xi1>, vector<16xi32>
    %lt3A_247 = arith.constant 0 : i32
    %lt3A_248 = vector.broadcast %lt3A_247 : i32 to vector<16xi32>
    %lt3A_249 = arith.cmpi slt, %select_n3A_51, %lt3A_248 : vector<16xi32>
    %add3A_250 = arith.constant 16 : i32
    %add3A_251 = vector.broadcast %add3A_250 : i32 to vector<16xi32>
    %add3A_252 = arith.addi %select_n3A_51, %add3A_251 : vector<16xi32>
    %select_n3A_253 = arith.select %lt3A_249, %add3A_252, %select_n3A_51 : vector<16xi1>, vector<16xi32>
    %broadcast_in_dim3A_254 = vector.shape_cast %select_n3A_253 : vector<16xi32> to vector<16x1xi32>
    %gather3A_255 = vector.shape_cast %broadcast_in_dim3A_254 : vector<16x1xi32> to vector<16xi32>
    %gather3A_256 = tpu.dynamic_gather %get3A_222[%gather3A_255] in [0] : vector<16xi32>, vector<16xi32> -> vector<16xi32>
    %lt3A_257 = arith.constant 0 : i32
    %lt3A_258 = vector.broadcast %lt3A_257 : i32 to vector<16xi32>
    %lt3A_259 = arith.cmpi slt, %select_n3A_51, %lt3A_258 : vector<16xi32>
    %add3A_260 = arith.constant 16 : i32
    %add3A_261 = vector.broadcast %add3A_260 : i32 to vector<16xi32>
    %add3A_262 = arith.addi %select_n3A_51, %add3A_261 : vector<16xi32>
    %select_n3A_263 = arith.select %lt3A_259, %add3A_262, %select_n3A_51 : vector<16xi1>, vector<16xi32>
    %broadcast_in_dim3A_264 = vector.shape_cast %select_n3A_263 : vector<16xi32> to vector<16x1xi32>
    %gather3A_265 = vector.shape_cast %broadcast_in_dim3A_264 : vector<16x1xi32> to vector<16xi32>
    %gather3A_266 = tpu.dynamic_gather %get3A_225[%gather3A_265] in [0] : vector<16xi32>, vector<16xi32> -> vector<16xi32>
    %select_n3A_267 = arith.select %lt3A_54, %gather3A_256, %gather3A_266 : vector<16xi1>, vector<16xi32>
    %swap3A_268 = arith.constant 48 : index
    %swap3A_269 = tpu.vector_load %arg6[%swap3A_268] {strides = array<i32>} : memref<6400xi32, #tpu.memory_space<vmem>>, vector<16xi32>,
    %swap3A_270 = vector.shape_cast %swap3A_269 : vector<16xi32> to vector<16xi32>
    %swap3A_271 = vector.shape_cast %select_n3A_246 : vector<16xi32> to vector<16xi32>
    tpu.vector_store %arg6[%swap3A_268], %swap3A_271 {strides = array<i32>} : memref<6400xi32, #tpu.memory_space<vmem>>, vector<16xi32>,
    %swap3A_272 = arith.constant 48 : index
    %swap3A_273 = tpu.vector_load %arg7[%swap3A_272] {strides = array<i32>} : memref<6400xi32, #tpu.memory_space<vmem>>, vector<16xi32>,
    %swap3A_274 = vector.shape_cast %swap3A_273 : vector<16xi32> to vector<16xi32>
    %swap3A_275 = vector.shape_cast %select_n3A_267 : vector<16xi32> to vector<16xi32>
    tpu.vector_store %arg7[%swap3A_272], %swap3A_275 {strides = array<i32>} : memref<6400xi32, #tpu.memory_space<vmem>>, vector<16xi32>,
    %get3A_276 = arith.constant 128 : index
    %get3A_277 = tpu.vector_load %arg5[%get3A_276] {strides = array<i32>} : memref<12800xi32, #tpu.memory_space<vmem>>, vector<16xi32>,
    %get3A_278 = vector.shape_cast %get3A_277 : vector<16xi32> to vector<16xi32>
    %get3A_279 = arith.constant 144 : index
    %get3A_280 = tpu.vector_load %arg5[%get3A_279] {strides = array<i32>} : memref<12800xi32, #tpu.memory_space<vmem>>, vector<16xi32>,
    %get3A_281 = vector.shape_cast %get3A_280 : vector<16xi32> to vector<16xi32>
    %lt3A_282 = arith.constant 0 : i32
    %lt3A_283 = vector.broadcast %lt3A_282 : i32 to vector<16xi32>
    %lt3A_284 = arith.cmpi slt, %select_n3A_23, %lt3A_283 : vector<16xi32>
    %add3A_285 = arith.constant 16 : i32
    %add3A_286 = vector.broadcast %add3A_285 : i32 to vector<16xi32>
    %add3A_287 = arith.addi %select_n3A_23, %add3A_286 : vector<16xi32>
    %select_n3A_288 = arith.select %lt3A_284, %add3A_287, %select_n3A_23 : vector<16xi1>, vector<16xi32>
    %broadcast_in_dim3A_289 = vector.shape_cast %select_n3A_288 : vector<16xi32> to vector<16x1xi32>
    %gather3A_290 = vector.shape_cast %broadcast_in_dim3A_289 : vector<16x1xi32> to vector<16xi32>
    %gather3A_291 = tpu.dynamic_gather %get3A_278[%gather3A_290] in [0] : vector<16xi32>, vector<16xi32> -> vector<16xi32>
    %lt3A_292 = arith.constant 0 : i32
    %lt3A_293 = vector.broadcast %lt3A_292 : i32 to vector<16xi32>
    %lt3A_294 = arith.cmpi slt, %select_n3A_23, %lt3A_293 : vector<16xi32>
    %add3A_295 = arith.constant 16 : i32
    %add3A_296 = vector.broadcast %add3A_295 : i32 to vector<16xi32>
    %add3A_297 = arith.addi %select_n3A_23, %add3A_296 : vector<16xi32>
    %select_n3A_298 = arith.select %lt3A_294, %add3A_297, %select_n3A_23 : vector<16xi1>, vector<16xi32>
    %broadcast_in_dim3A_299 = vector.shape_cast %select_n3A_298 : vector<16xi32> to vector<16x1xi32>
    %gather3A_300 = vector.shape_cast %broadcast_in_dim3A_299 : vector<16x1xi32> to vector<16xi32>
    %gather3A_301 = tpu.dynamic_gather %get3A_281[%gather3A_300] in [0] : vector<16xi32>, vector<16xi32> -> vector<16xi32>
    %select_n3A_302 = arith.select %lt3A_54, %gather3A_291, %gather3A_301 : vector<16xi1>, vector<16xi32>
    %lt3A_303 = arith.constant 0 : i32
    %lt3A_304 = vector.broadcast %lt3A_303 : i32 to vector<16xi32>
    %lt3A_305 = arith.cmpi slt, %select_n3A_51, %lt3A_304 : vector<16xi32>
    %add3A_306 = arith.constant 16 : i32
    %add3A_307 = vector.broadcast %add3A_306 : i32 to vector<16xi32>
    %add3A_308 = arith.addi %select_n3A_51, %add3A_307 : vector<16xi32>
    %select_n3A_309 = arith.select %lt3A_305, %add3A_308, %select_n3A_51 : vector<16xi1>, vector<16xi32>
    %broadcast_in_dim3A_310 = vector.shape_cast %select_n3A_309 : vector<16xi32> to vector<16x1xi32>
    %gather3A_311 = vector.shape_cast %broadcast_in_dim3A_310 : vector<16x1xi32> to vector<16xi32>
    %gather3A_312 = tpu.dynamic_gather %get3A_278[%gather3A_311] in [0] : vector<16xi32>, vector<16xi32> -> vector<16xi32>
    %lt3A_313 = arith.constant 0 : i32
    %lt3A_314 = vector.broadcast %lt3A_313 : i32 to vector<16xi32>
    %lt3A_315 = arith.cmpi slt, %select_n3A_51, %lt3A_314 : vector<16xi32>
    %add3A_316 = arith.constant 16 : i32
    %add3A_317 = vector.broadcast %add3A_316 : i32 to vector<16xi32>
    %add3A_318 = arith.addi %select_n3A_51, %add3A_317 : vector<16xi32>
    %select_n3A_319 = arith.select %lt3A_315, %add3A_318, %select_n3A_51 : vector<16xi1>, vector<16xi32>
    %broadcast_in_dim3A_320 = vector.shape_cast %select_n3A_319 : vector<16xi32> to vector<16x1xi32>
    %gather3A_321 = vector.shape_cast %broadcast_in_dim3A_320 : vector<16x1xi32> to vector<16xi32>
    %gather3A_322 = tpu.dynamic_gather %get3A_281[%gather3A_321] in [0] : vector<16xi32>, vector<16xi32> -> vector<16xi32>
    %select_n3A_323 = arith.select %lt3A_54, %gather3A_312, %gather3A_322 : vector<16xi1>, vector<16xi32>
    %swap3A_324 = arith.constant 64 : index
    %swap3A_325 = tpu.vector_load %arg6[%swap3A_324] {strides = array<i32>} : memref<6400xi32, #tpu.memory_space<vmem>>, vector<16xi32>,
    %swap3A_326 = vector.shape_cast %swap3A_325 : vector<16xi32> to vector<16xi32>
    %swap3A_327 = vector.shape_cast %select_n3A_302 : vector<16xi32> to vector<16xi32>
    tpu.vector_store %arg6[%swap3A_324], %swap3A_327 {strides = array<i32>} : memref<6400xi32, #tpu.memory_space<vmem>>, vector<16xi32>,
    %swap3A_328 = arith.constant 64 : index
    %swap3A_329 = tpu.vector_load %arg7[%swap3A_328] {strides = array<i32>} : memref<6400xi32, #tpu.memory_space<vmem>>, vector<16xi32>,
    %swap3A_330 = vector.shape_cast %swap3A_329 : vector<16xi32> to vector<16xi32>
    %swap3A_331 = vector.shape_cast %select_n3A_323 : vector<16xi32> to vector<16xi32>
    tpu.vector_store %arg7[%swap3A_328], %swap3A_331 {strides = array<i32>} : memref<6400xi32, #tpu.memory_space<vmem>>, vector<16xi32>,
    %get3A_332 = arith.constant 160 : index
    %get3A_333 = tpu.vector_load %arg5[%get3A_332] {strides = array<i32>} : memref<12800xi32, #tpu.memory_space<vmem>>, vector<16xi32>,
    %get3A_334 = vector.shape_cast %get3A_333 : vector<16xi32> to vector<16xi32>
    %get3A_335 = arith.constant 176 : index
    %get3A_336 = tpu.vector_load %arg5[%get3A_335] {strides = array<i32>} : memref<12800xi32, #tpu.memory_space<vmem>>, vector<16xi32>,
    %get3A_337 = vector.shape_cast %get3A_336 : vector<16xi32> to vector<16xi32>
    %lt3A_338 = arith.constant 0 : i32
    %lt3A_339 = vector.broadcast %lt3A_338 : i32 to vector<16xi32>
    %lt3A_340 = arith.cmpi slt, %select_n3A_23, %lt3A_339 : vector<16xi32>
    %add3A_341 = arith.constant 16 : i32
    %add3A_342 = vector.broadcast %add3A_341 : i32 to vector<16xi32>
    %add3A_343 = arith.addi %select_n3A_23, %add3A_342 : vector<16xi32>
    %select_n3A_344 = arith.select %lt3A_340, %add3A_343, %select_n3A_23 : vector<16xi1>, vector<16xi32>
    %broadcast_in_dim3A_345 = vector.shape_cast %select_n3A_344 : vector<16xi32> to vector<16x1xi32>
    %gather3A_346 = vector.shape_cast %broadcast_in_dim3A_345 : vector<16x1xi32> to vector<16xi32>
    %gather3A_347 = tpu.dynamic_gather %get3A_334[%gather3A_346] in [0] : vector<16xi32>, vector<16xi32> -> vector<16xi32>
    %lt3A_348 = arith.constant 0 : i32
    %lt3A_349 = vector.broadcast %lt3A_348 : i32 to vector<16xi32>
    %lt3A_350 = arith.cmpi slt, %select_n3A_23, %lt3A_349 : vector<16xi32>
    %add3A_351 = arith.constant 16 : i32
    %add3A_352 = vector.broadcast %add3A_351 : i32 to vector<16xi32>
    %add3A_353 = arith.addi %select_n3A_23, %add3A_352 : vector<16xi32>
    %select_n3A_354 = arith.select %lt3A_350, %add3A_353, %select_n3A_23 : vector<16xi1>, vector<16xi32>
    %broadcast_in_dim3A_355 = vector.shape_cast %select_n3A_354 : vector<16xi32> to vector<16x1xi32>
    %gather3A_356 = vector.shape_cast %broadcast_in_dim3A_355 : vector<16x1xi32> to vector<16xi32>
    %gather3A_357 = tpu.dynamic_gather %get3A_337[%gather3A_356] in [0] : vector<16xi32>, vector<16xi32> -> vector<16xi32>
    %select_n3A_358 = arith.select %lt3A_54, %gather3A_347, %gather3A_357 : vector<16xi1>, vector<16xi32>
    %lt3A_359 = arith.constant 0 : i32
    %lt3A_360 = vector.broadcast %lt3A_359 : i32 to vector<16xi32>
    %lt3A_361 = arith.cmpi slt, %select_n3A_51, %lt3A_360 : vector<16xi32>
    %add3A_362 = arith.constant 16 : i32
    %add3A_363 = vector.broadcast %add3A_362 : i32 to vector<16xi32>
    %add3A_364 = arith.addi %select_n3A_51, %add3A_363 : vector<16xi32>
    %select_n3A_365 = arith.select %lt3A_361, %add3A_364, %select_n3A_51 : vector<16xi1>, vector<16xi32>
    %broadcast_in_dim3A_366 = vector.shape_cast %select_n3A_365 : vector<16xi32> to vector<16x1xi32>
    %gather3A_367 = vector.shape_cast %broadcast_in_dim3A_366 : vector<16x1xi32> to vector<16xi32>
    %gather3A_368 = tpu.dynamic_gather %get3A_334[%gather3A_367] in [0] : vector<16xi32>, vector<16xi32> -> vector<16xi32>
    %lt3A_369 = arith.constant 0 : i32
    %lt3A_370 = vector.broadcast %lt3A_369 : i32 to vector<16xi32>
    %lt3A_371 = arith.cmpi slt, %select_n3A_51, %lt3A_370 : vector<16xi32>
    %add3A_372 = arith.constant 16 : i32
    %add3A_373 = vector.broadcast %add3A_372 : i32 to vector<16xi32>
    %add3A_374 = arith.addi %select_n3A_51, %add3A_373 : vector<16xi32>
    %select_n3A_375 = arith.select %lt3A_371, %add3A_374, %select_n3A_51 : vector<16xi1>, vector<16xi32>
    %broadcast_in_dim3A_376 = vector.shape_cast %select_n3A_375 : vector<16xi32> to vector<16x1xi32>
    %gather3A_377 = vector.shape_cast %broadcast_in_dim3A_376 : vector<16x1xi32> to vector<16xi32>
    %gather3A_378 = tpu.dynamic_gather %get3A_337[%gather3A_377] in [0] : vector<16xi32>, vector<16xi32> -> vector<16xi32>
    %select_n3A_379 = arith.select %lt3A_54, %gather3A_368, %gather3A_378 : vector<16xi1>, vector<16xi32>
    %swap3A_380 = arith.constant 80 : index
    %swap3A_381 = tpu.vector_load %arg6[%swap3A_380] {strides = array<i32>} : memref<6400xi32, #tpu.memory_space<vmem>>, vector<16xi32>,
    %swap3A_382 = vector.shape_cast %swap3A_381 : vector<16xi32> to vector<16xi32>
    %swap3A_383 = vector.shape_cast %select_n3A_358 : vector<16xi32> to vector<16xi32>
    tpu.vector_store %arg6[%swap3A_380], %swap3A_383 {strides = array<i32>} : memref<6400xi32, #tpu.memory_space<vmem>>, vector<16xi32>,
    %swap3A_384 = arith.constant 80 : index
    %swap3A_385 = tpu.vector_load %arg7[%swap3A_384] {strides = array<i32>} : memref<6400xi32, #tpu.memory_space<vmem>>, vector<16xi32>,
    %swap3A_386 = vector.shape_cast %swap3A_385 : vector<16xi32> to vector<16xi32>
    %swap3A_387 = vector.shape_cast %select_n3A_379 : vector<16xi32> to vector<16xi32>
    tpu.vector_store %arg7[%swap3A_384], %swap3A_387 {strides = array<i32>} : memref<6400xi32, #tpu.memory_space<vmem>>, vector<16xi32>,
    %get3A_388 = arith.constant 192 : index
    %get3A_389 = tpu.vector_load %arg5[%get3A_388] {strides = array<i32>} : memref<12800xi32, #tpu.memory_space<vmem>>, vector<16xi32>,
    %get3A_390 = vector.shape_cast %get3A_389 : vector<16xi32> to vector<16xi32>
    %get3A_391 = arith.constant 208 : index
    %get3A_392 = tpu.vector_load %arg5[%get3A_391] {strides = array<i32>} : memref<12800xi32, #tpu.memory_space<vmem>>, vector<16xi32>,
    %get3A_393 = vector.shape_cast %get3A_392 : vector<16xi32> to vector<16xi32>
    %lt3A_394 = arith.constant 0 : i32
    %lt3A_395 = vector.broadcast %lt3A_394 : i32 to vector<16xi32>
    %lt3A_396 = arith.cmpi slt, %select_n3A_23, %lt3A_395 : vector<16xi32>
    %add3A_397 = arith.constant 16 : i32
    %add3A_398 = vector.broadcast %add3A_397 : i32 to vector<16xi32>
    %add3A_399 = arith.addi %select_n3A_23, %add3A_398 : vector<16xi32>
    %select_n3A_400 = arith.select %lt3A_396, %add3A_399, %select_n3A_23 : vector<16xi1>, vector<16xi32>
    %broadcast_in_dim3A_401 = vector.shape_cast %select_n3A_400 : vector<16xi32> to vector<16x1xi32>
    %gather3A_402 = vector.shape_cast %broadcast_in_dim3A_401 : vector<16x1xi32> to vector<16xi32>
    %gather3A_403 = tpu.dynamic_gather %get3A_390[%gather3A_402] in [0] : vector<16xi32>, vector<16xi32> -> vector<16xi32>
    %lt3A_404 = arith.constant 0 : i32
    %lt3A_405 = vector.broadcast %lt3A_404 : i32 to vector<16xi32>
    %lt3A_406 = arith.cmpi slt, %select_n3A_23, %lt3A_405 : vector<16xi32>
    %add3A_407 = arith.constant 16 : i32
    %add3A_408 = vector.broadcast %add3A_407 : i32 to vector<16xi32>
    %add3A_409 = arith.addi %select_n3A_23, %add3A_408 : vector<16xi32>
    %select_n3A_410 = arith.select %lt3A_406, %add3A_409, %select_n3A_23 : vector<16xi1>, vector<16xi32>
    %broadcast_in_dim3A_411 = vector.shape_cast %select_n3A_410 : vector<16xi32> to vector<16x1xi32>
    %gather3A_412 = vector.shape_cast %broadcast_in_dim3A_411 : vector<16x1xi32> to vector<16xi32>
    %gather3A_413 = tpu.dynamic_gather %get3A_393[%gather3A_412] in [0] : vector<16xi32>, vector<16xi32> -> vector<16xi32>
    %select_n3A_414 = arith.select %lt3A_54, %gather3A_403, %gather3A_413 : vector<16xi1>, vector<16xi32>
    %lt3A_415 = arith.constant 0 : i32
    %lt3A_416 = vector.broadcast %lt3A_415 : i32 to vector<16xi32>
    %lt3A_417 = arith.cmpi slt, %select_n3A_51, %lt3A_416 : vector<16xi32>
    %add3A_418 = arith.constant 16 : i32
    %add3A_419 = vector.broadcast %add3A_418 : i32 to vector<16xi32>
    %add3A_420 = arith.addi %select_n3A_51, %add3A_419 : vector<16xi32>
    %select_n3A_421 = arith.select %lt3A_417, %add3A_420, %select_n3A_51 : vector<16xi1>, vector<16xi32>
    %broadcast_in_dim3A_422 = vector.shape_cast %select_n3A_421 : vector<16xi32> to vector<16x1xi32>
    %gather3A_423 = vector.shape_cast %broadcast_in_dim3A_422 : vector<16x1xi32> to vector<16xi32>
    %gather3A_424 = tpu.dynamic_gather %get3A_390[%gather3A_423] in [0] : vector<16xi32>, vector<16xi32> -> vector<16xi32>
    %lt3A_425 = arith.constant 0 : i32
    %lt3A_426 = vector.broadcast %lt3A_425 : i32 to vector<16xi32>
    %lt3A_427 = arith.cmpi slt, %select_n3A_51, %lt3A_426 : vector<16xi32>
    %add3A_428 = arith.constant 16 : i32
    %add3A_429 = vector.broadcast %add3A_428 : i32 to vector<16xi32>
    %add3A_430 = arith.addi %select_n3A_51, %add3A_429 : vector<16xi32>
    %select_n3A_431 = arith.select %lt3A_427, %add3A_430, %select_n3A_51 : vector<16xi1>, vector<16xi32>
    %broadcast_in_dim3A_432 = vector.shape_cast %select_n3A_431 : vector<16xi32> to vector<16x1xi32>
    %gather3A_433 = vector.shape_cast %broadcast_in_dim3A_432 : vector<16x1xi32> to vector<16xi32>
    %gather3A_434 = tpu.dynamic_gather %get3A_393[%gather3A_433] in [0] : vector<16xi32>, vector<16xi32> -> vector<16xi32>
    %select_n3A_435 = arith.select %lt3A_54, %gather3A_424, %gather3A_434 : vector<16xi1>, vector<16xi32>
    %swap3A_436 = arith.constant 96 : index
    %swap3A_437 = tpu.vector_load %arg6[%swap3A_436] {strides = array<i32>} : memref<6400xi32, #tpu.memory_space<vmem>>, vector<16xi32>,
    %swap3A_438 = vector.shape_cast %swap3A_437 : vector<16xi32> to vector<16xi32>
    %swap3A_439 = vector.shape_cast %select_n3A_414 : vector<16xi32> to vector<16xi32>
    tpu.vector_store %arg6[%swap3A_436], %swap3A_439 {strides = array<i32>} : memref<6400xi32, #tpu.memory_space<vmem>>, vector<16xi32>,
    %swap3A_440 = arith.constant 96 : index
    %swap3A_441 = tpu.vector_load %arg7[%swap3A_440] {strides = array<i32>} : memref<6400xi32, #tpu.memory_space<vmem>>, vector<16xi32>,
    %swap3A_442 = vector.shape_cast %swap3A_441 : vector<16xi32> to vector<16xi32>
    %swap3A_443 = vector.shape_cast %select_n3A_435 : vector<16xi32> to vector<16xi32>
    tpu.vector_store %arg7[%swap3A_440], %swap3A_443 {strides = array<i32>} : memref<6400xi32, #tpu.memory_space<vmem>>, vector<16xi32>,
    %get3A_444 = arith.constant 224 : index
    %get3A_445 = tpu.vector_load %arg5[%get3A_444] {strides = array<i32>} : memref<12800xi32, #tpu.memory_space<vmem>>, vector<16xi32>,
    %get3A_446 = vector.shape_cast %get3A_445 : vector<16xi32> to vector<16xi32>
    %get3A_447 = arith.constant 240 : index
    %get3A_448 = tpu.vector_load %arg5[%get3A_447] {strides = array<i32>} : memref<12800xi32, #tpu.memory_space<vmem>>, vector<16xi32>,
    %get3A_449 = vector.shape_cast %get3A_448 : vector<16xi32> to vector<16xi32>
    %lt3A_450 = arith.constant 0 : i32
    %lt3A_451 = vector.broadcast %lt3A_450 : i32 to vector<16xi32>
    %lt3A_452 = arith.cmpi slt, %select_n3A_23, %lt3A_451 : vector<16xi32>
    %add3A_453 = arith.constant 16 : i32
    %add3A_454 = vector.broadcast %add3A_453 : i32 to vector<16xi32>
    %add3A_455 = arith.addi %select_n3A_23, %add3A_454 : vector<16xi32>
    %select_n3A_456 = arith.select %lt3A_452, %add3A_455, %select_n3A_23 : vector<16xi1>, vector<16xi32>
    %broadcast_in_dim3A_457 = vector.shape_cast %select_n3A_456 : vector<16xi32> to vector<16x1xi32>
    %gather3A_458 = vector.shape_cast %broadcast_in_dim3A_457 : vector<16x1xi32> to vector<16xi32>
    %gather3A_459 = tpu.dynamic_gather %get3A_446[%gather3A_458] in [0] : vector<16xi32>, vector<16xi32> -> vector<16xi32>
    %lt3A_460 = arith.constant 0 : i32
    %lt3A_461 = vector.broadcast %lt3A_460 : i32 to vector<16xi32>
    %lt3A_462 = arith.cmpi slt, %select_n3A_23, %lt3A_461 : vector<16xi32>
    %add3A_463 = arith.constant 16 : i32
    %add3A_464 = vector.broadcast %add3A_463 : i32 to vector<16xi32>
    %add3A_465 = arith.addi %select_n3A_23, %add3A_464 : vector<16xi32>
    %select_n3A_466 = arith.select %lt3A_462, %add3A_465, %select_n3A_23 : vector<16xi1>, vector<16xi32>
    %broadcast_in_dim3A_467 = vector.shape_cast %select_n3A_466 : vector<16xi32> to vector<16x1xi32>
    %gather3A_468 = vector.shape_cast %broadcast_in_dim3A_467 : vector<16x1xi32> to vector<16xi32>
    %gather3A_469 = tpu.dynamic_gather %get3A_449[%gather3A_468] in [0] : vector<16xi32>, vector<16xi32> -> vector<16xi32>
    %select_n3A_470 = arith.select %lt3A_54, %gather3A_459, %gather3A_469 : vector<16xi1>, vector<16xi32>
    %lt3A_471 = arith.constant 0 : i32
    %lt3A_472 = vector.broadcast %lt3A_471 : i32 to vector<16xi32>
    %lt3A_473 = arith.cmpi slt, %select_n3A_51, %lt3A_472 : vector<16xi32>
    %add3A_474 = arith.constant 16 : i32
    %add3A_475 = vector.broadcast %add3A_474 : i32 to vector<16xi32>
    %add3A_476 = arith.addi %select_n3A_51, %add3A_475 : vector<16xi32>
    %select_n3A_477 = arith.select %lt3A_473, %add3A_476, %select_n3A_51 : vector<16xi1>, vector<16xi32>
    %broadcast_in_dim3A_478 = vector.shape_cast %select_n3A_477 : vector<16xi32> to vector<16x1xi32>
    %gather3A_479 = vector.shape_cast %broadcast_in_dim3A_478 : vector<16x1xi32> to vector<16xi32>
    %gather3A_480 = tpu.dynamic_gather %get3A_446[%gather3A_479] in [0] : vector<16xi32>, vector<16xi32> -> vector<16xi32>
    %lt3A_481 = arith.constant 0 : i32
    %lt3A_482 = vector.broadcast %lt3A_481 : i32 to vector<16xi32>
    %lt3A_483 = arith.cmpi slt, %select_n3A_51, %lt3A_482 : vector<16xi32>
    %add3A_484 = arith.constant 16 : i32
    %add3A_485 = vector.broadcast %add3A_484 : i32 to vector<16xi32>
    %add3A_486 = arith.addi %select_n3A_51, %add3A_485 : vector<16xi32>
    %select_n3A_487 = arith.select %lt3A_483, %add3A_486, %select_n3A_51 : vector<16xi1>, vector<16xi32>
    %broadcast_in_dim3A_488 = vector.shape_cast %select_n3A_487 : vector<16xi32> to vector<16x1xi32>
    %gather3A_489 = vector.shape_cast %broadcast_in_dim3A_488 : vector<16x1xi32> to vector<16xi32>
    %gather3A_490 = tpu.dynamic_gather %get3A_449[%gather3A_489] in [0] : vector<16xi32>, vector<16xi32> -> vector<16xi32>
    %select_n3A_491 = arith.select %lt3A_54, %gather3A_480, %gather3A_490 : vector<16xi1>, vector<16xi32>
    %swap3A_492 = arith.constant 112 : index
    %swap3A_493 = tpu.vector_load %arg6[%swap3A_492] {strides = array<i32>} : memref<6400xi32, #tpu.memory_space<vmem>>, vector<16xi32>,
    %swap3A_494 = vector.shape_cast %swap3A_493 : vector<16xi32> to vector<16xi32>
    %swap3A_495 = vector.shape_cast %select_n3A_470 : vector<16xi32> to vector<16xi32>
    tpu.vector_store %arg6[%swap3A_492], %swap3A_495 {strides = array<i32>} : memref<6400xi32, #tpu.memory_space<vmem>>, vector<16xi32>,
    %swap3A_496 = arith.constant 112 : index
    %swap3A_497 = tpu.vector_load %arg7[%swap3A_496] {strides = array<i32>} : memref<6400xi32, #tpu.memory_space<vmem>>, vector<16xi32>,
    %swap3A_498 = vector.shape_cast %swap3A_497 : vector<16xi32> to vector<16xi32>
    %swap3A_499 = vector.shape_cast %select_n3A_491 : vector<16xi32> to vector<16xi32>
    tpu.vector_store %arg7[%swap3A_496], %swap3A_499 {strides = array<i32>} : memref<6400xi32, #tpu.memory_space<vmem>>, vector<16xi32>,
    %dma_start3A = arith.constant 0 : i32
    %dma_start3A_500 = arith.constant 0 : i32
    %dma_start3A_501 = arith.constant 0 : i32
    %dma_start3A_502 = tpu.memref_slice %arg8[%dma_start3A_500, %dma_start3A_501] : memref<768x64xf32, #tpu.memory_space<vmem>> -> memref<128x64xf32, #tpu.memory_space<vmem>>
    %dma_start3A_503 = arith.constant 0 : i32
    %dma_start3A_504 = tpu.memref_slice %arg6[%dma_start3A_503] : memref<6400xi32, #tpu.memory_space<vmem>> -> memref<128xi32, #tpu.memory_space<vmem>>
    %dma_start3A_505 = arith.constant 0 : i32
    %dma_start3A_506 = arith.constant 0 : i32
    %dma_start3A_507 = tpu.memref_slice %arg3[%dma_start3A_505, %dma_start3A_506] : memref<100000x64xf32, #tpu.memory_space<hbm>> -> memref<100000x64xf32, #tpu.memory_space<hbm>>
    %dma_start3A_508 = tpu.memref_slice %arg10[%dma_start3A] : memref<6x!tpu.dma_semaphore, #tpu.memory_space<semaphore_mem>> -> memref<1x!tpu.dma_semaphore, #tpu.memory_space<semaphore_mem>>
    %dma_start3A_509 = tpu.memref_squeeze %dma_start3A_508 : memref<1x!tpu.dma_semaphore, #tpu.memory_space<semaphore_mem>> -> memref<!tpu.dma_semaphore, #tpu.memory_space<semaphore_mem>>
    tpu.enqueue_indirect_dma source(%dma_start3A_507 : memref<100000x64xf32, #tpu.memory_space<hbm>>) target(%dma_start3A_502 : memref<128x64xf32, #tpu.memory_space<vmem>>) offsets(%dma_start3A_504 : memref<128xi32, #tpu.memory_space<vmem>>) semaphore(%dma_start3A_509 : memref<!tpu.dma_semaphore, #tpu.memory_space<semaphore_mem>>)
    %dma_start3A_510 = arith.constant 0 : i32
    %dma_start3A_511 = arith.constant 0 : i32
    %dma_start3A_512 = arith.constant 0 : i32
    %dma_start3A_513 = tpu.memref_slice %arg9[%dma_start3A_511, %dma_start3A_512] : memref<768x64xf32, #tpu.memory_space<vmem>> -> memref<128x64xf32, #tpu.memory_space<vmem>>
    %dma_start3A_514 = arith.constant 0 : i32
    %dma_start3A_515 = tpu.memref_slice %arg7[%dma_start3A_514] : memref<6400xi32, #tpu.memory_space<vmem>> -> memref<128xi32, #tpu.memory_space<vmem>>
    %dma_start3A_516 = arith.constant 0 : i32
    %dma_start3A_517 = arith.constant 0 : i32
    %dma_start3A_518 = tpu.memref_slice %arg3[%dma_start3A_516, %dma_start3A_517] : memref<100000x64xf32, #tpu.memory_space<hbm>> -> memref<100000x64xf32, #tpu.memory_space<hbm>>
    %dma_start3A_519 = tpu.memref_slice %arg11[%dma_start3A_510] : memref<6x!tpu.dma_semaphore, #tpu.memory_space<semaphore_mem>> -> memref<1x!tpu.dma_semaphore, #tpu.memory_space<semaphore_mem>>
    %dma_start3A_520 = tpu.memref_squeeze %dma_start3A_519 : memref<1x!tpu.dma_semaphore, #tpu.memory_space<semaphore_mem>> -> memref<!tpu.dma_semaphore, #tpu.memory_space<semaphore_mem>>
    tpu.enqueue_indirect_dma source(%dma_start3A_518 : memref<100000x64xf32, #tpu.memory_space<hbm>>) target(%dma_start3A_513 : memref<128x64xf32, #tpu.memory_space<vmem>>) offsets(%dma_start3A_515 : memref<128xi32, #tpu.memory_space<vmem>>) semaphore(%dma_start3A_520 : memref<!tpu.dma_semaphore, #tpu.memory_space<semaphore_mem>>)
    %get3A_521 = arith.constant 256 : index
    %get3A_522 = tpu.vector_load %arg5[%get3A_521] {strides = array<i32>} : memref<12800xi32, #tpu.memory_space<vmem>>, vector<16xi32>,
    %get3A_523 = vector.shape_cast %get3A_522 : vector<16xi32> to vector<16xi32>
    %get3A_524 = arith.constant 272 : index
    %get3A_525 = tpu.vector_load %arg5[%get3A_524] {strides = array<i32>} : memref<12800xi32, #tpu.memory_space<vmem>>, vector<16xi32>,
    %get3A_526 = vector.shape_cast %get3A_525 : vector<16xi32> to vector<16xi32>
    %lt3A_527 = arith.constant 0 : i32
    %lt3A_528 = vector.broadcast %lt3A_527 : i32 to vector<16xi32>
    %lt3A_529 = arith.cmpi slt, %select_n3A_23, %lt3A_528 : vector<16xi32>
    %add3A_530 = arith.constant 16 : i32
    %add3A_531 = vector.broadcast %add3A_530 : i32 to vector<16xi32>
    %add3A_532 = arith.addi %select_n3A_23, %add3A_531 : vector<16xi32>
    %select_n3A_533 = arith.select %lt3A_529, %add3A_532, %select_n3A_23 : vector<16xi1>, vector<16xi32>
    %broadcast_in_dim3A_534 = vector.shape_cast %select_n3A_533 : vector<16xi32> to vector<16x1xi32>
    %gather3A_535 = vector.shape_cast %broadcast_in_dim3A_534 : vector<16x1xi32> to vector<16xi32>
    %gather3A_536 = tpu.dynamic_gather %get3A_523[%gather3A_535] in [0] : vector<16xi32>, vector<16xi32> -> vector<16xi32>
    %lt3A_537 = arith.constant 0 : i32
    %lt3A_538 = vector.broadcast %lt3A_537 : i32 to vector<16xi32>
    %lt3A_539 = arith.cmpi slt, %select_n3A_23, %lt3A_538 : vector<16xi32>
    %add3A_540 = arith.constant 16 : i32
    %add3A_541 = vector.broadcast %add3A_540 : i32 to vector<16xi32>
    %add3A_542 = arith.addi %select_n3A_23, %add3A_541 : vector<16xi32>
    %select_n3A_543 = arith.select %lt3A_539, %add3A_542, %select_n3A_23 : vector<16xi1>, vector<16xi32>
    %broadcast_in_dim3A_544 = vector.shape_cast %select_n3A_543 : vector<16xi32> to vector<16x1xi32>
    %gather3A_545 = vector.shape_cast %broadcast_in_dim3A_544 : vector<16x1xi32> to vector<16xi32>
    %gather3A_546 = tpu.dynamic_gather %get3A_526[%gather3A_545] in [0] : vector<16xi32>, vector<16xi32> -> vector<16xi32>
    %select_n3A_547 = arith.select %lt3A_54, %gather3A_536, %gather3A_546 : vector<16xi1>, vector<16xi32>
    %lt3A_548 = arith.constant 0 : i32
    %lt3A_549 = vector.broadcast %lt3A_548 : i32 to vector<16xi32>
    %lt3A_550 = arith.cmpi slt, %select_n3A_51, %lt3A_549 : vector<16xi32>
    %add3A_551 = arith.constant 16 : i32
    %add3A_552 = vector.broadcast %add3A_551 : i32 to vector<16xi32>
    %add3A_553 = arith.addi %select_n3A_51, %add3A_552 : vector<16xi32>
    %select_n3A_554 = arith.select %lt3A_550, %add3A_553, %select_n3A_51 : vector<16xi1>, vector<16xi32>
    %broadcast_in_dim3A_555 = vector.shape_cast %select_n3A_554 : vector<16xi32> to vector<16x1xi32>
    %gather3A_556 = vector.shape_cast %broadcast_in_dim3A_555 : vector<16x1xi32> to vector<16xi32>
    %gather3A_557 = tpu.dynamic_gather %get3A_523[%gather3A_556] in [0] : vector<16xi32>, vector<16xi32> -> vector<16xi32>
    %lt3A_558 = arith.constant 0 : i32
    %lt3A_559 = vector.broadcast %lt3A_558 : i32 to vector<16xi32>
    %lt3A_560 = arith.cmpi slt, %select_n3A_51, %lt3A_559 : vector<16xi32>
    %add3A_561 = arith.constant 16 : i32
    %add3A_562 = vector.broadcast %add3A_561 : i32 to vector<16xi32>
    %add3A_563 = arith.addi %select_n3A_51, %add3A_562 : vector<16xi32>
    %select_n3A_564 = arith.select %lt3A_560, %add3A_563, %select_n3A_51 : vector<16xi1>, vector<16xi32>
    %broadcast_in_dim3A_565 = vector.shape_cast %select_n3A_564 : vector<16xi32> to vector<16x1xi32>
    %gather3A_566 = vector.shape_cast %broadcast_in_dim3A_565 : vector<16x1xi32> to vector<16xi32>
    %gather3A_567 = tpu.dynamic_gather %get3A_526[%gather3A_566] in [0] : vector<16xi32>, vector<16xi32> -> vector<16xi32>
    %select_n3A_568 = arith.select %lt3A_54, %gather3A_557, %gather3A_567 : vector<16xi1>, vector<16xi32>
    %swap3A_569 = arith.constant 128 : index
    %swap3A_570 = tpu.vector_load %arg6[%swap3A_569] {strides = array<i32>} : memref<6400xi32, #tpu.memory_space<vmem>>, vector<16xi32>,
    %swap3A_571 = vector.shape_cast %swap3A_570 : vector<16xi32> to vector<16xi32>
    %swap3A_572 = vector.shape_cast %select_n3A_547 : vector<16xi32> to vector<16xi32>
    tpu.vector_store %arg6[%swap3A_569], %swap3A_572 {strides = array<i32>} : memref<6400xi32, #tpu.memory_space<vmem>>, vector<16xi32>,
    %swap3A_573 = arith.constant 128 : index
    %swap3A_574 = tpu.vector_load %arg7[%swap3A_573] {strides = array<i32>} : memref<6400xi32, #tpu.memory_space<vmem>>, vector<16xi32>,
    %swap3A_575 = vector.shape_cast %swap3A_574 : vector<16xi32> to vector<16xi32>
    %swap3A_576 = vector.shape_cast %select_n3A_568 : vector<16xi32> to vector<16xi32>
    tpu.vector_store %arg7[%swap3A_573], %swap3A_576 {strides = array<i32>} : memref<6400xi32, #tpu.memory_space<vmem>>, vector<16xi32>,
    %get3A_577 = arith.constant 288 : index
    %get3A_578 = tpu.vector_load %arg5[%get3A_577] {strides = array<i32>} : memref<12800xi32, #tpu.memory_space<vmem>>, vector<16xi32>,
    %get3A_579 = vector.shape_cast %get3A_578 : vector<16xi32> to vector<16xi32>
    %get3A_580 = arith.constant 304 : index
    %get3A_581 = tpu.vector_load %arg5[%get3A_580] {strides = array<i32>} : memref<12800xi32, #tpu.memory_space<vmem>>, vector<16xi32>,
    %get3A_582 = vector.shape_cast %get3A_581 : vector<16xi32> to vector<16xi32>
    %lt3A_583 = arith.constant 0 : i32
    %lt3A_584 = vector.broadcast %lt3A_583 : i32 to vector<16xi32>
    %lt3A_585 = arith.cmpi slt, %select_n3A_23, %lt3A_584 : vector<16xi32>
    %add3A_586 = arith.constant 16 : i32
    %add3A_587 = vector.broadcast %add3A_586 : i32 to vector<16xi32>
    %add3A_588 = arith.addi %select_n3A_23, %add3A_587 : vector<16xi32>
    %select_n3A_589 = arith.select %lt3A_585, %add3A_588, %select_n3A_23 : vector<16xi1>, vector<16xi32>
    %broadcast_in_dim3A_590 = vector.shape_cast %select_n3A_589 : vector<16xi32> to vector<16x1xi32>
    %gather3A_591 = vector.shape_cast %broadcast_in_dim3A_590 : vector<16x1xi32> to vector<16xi32>
    %gather3A_592 = tpu.dynamic_gather %get3A_579[%gather3A_591] in [0] : vector<16xi32>, vector<16xi32> -> vector<16xi32>
    %lt3A_593 = arith.constant 0 : i32
    %lt3A_594 = vector.broadcast %lt3A_593 : i32 to vector<16xi32>
    %lt3A_595 = arith.cmpi slt, %select_n3A_23, %lt3A_594 : vector<16xi32>
    %add3A_596 = arith.constant 16 : i32
    %add3A_597 = vector.broadcast %add3A_596 : i32 to vector<16xi32>
    %add3A_598 = arith.addi %select_n3A_23, %add3A_597 : vector<16xi32>
    %select_n3A_599 = arith.select %lt3A_595, %add3A_598, %select_n3A_23 : vector<16xi1>, vector<16xi32>
    %broadcast_in_dim3A_600 = vector.shape_cast %select_n3A_599 : vector<16xi32> to vector<16x1xi32>
    %gather3A_601 = vector.shape_cast %broadcast_in_dim3A_600 : vector<16x1xi32> to vector<16xi32>
    %gather3A_602 = tpu.dynamic_gather %get3A_582[%gather3A_601] in [0] : vector<16xi32>, vector<16xi32> -> vector<16xi32>
    %select_n3A_603 = arith.select %lt3A_54, %gather3A_592, %gather3A_602 : vector<16xi1>, vector<16xi32>
    %lt3A_604 = arith.constant 0 : i32
    %lt3A_605 = vector.broadcast %lt3A_604 : i32 to vector<16xi32>
    %lt3A_606 = arith.cmpi slt, %select_n3A_51, %lt3A_605 : vector<16xi32>
    %add3A_607 = arith.constant 16 : i32
    %add3A_608 = vector.broadcast %add3A_607 : i32 to vector<16xi32>
    %add3A_609 = arith.addi %select_n3A_51, %add3A_608 : vector<16xi32>
    %select_n3A_610 = arith.select %lt3A_606, %add3A_609, %select_n3A_51 : vector<16xi1>, vector<16xi32>
    %broadcast_in_dim3A_611 = vector.shape_cast %select_n3A_610 : vector<16xi32> to vector<16x1xi32>
    %gather3A_612 = vector.shape_cast %broadcast_in_dim3A_611 : vector<16x1xi32> to vector<16xi32>
    %gather3A_613 = tpu.dynamic_gather %get3A_579[%gather3A_612] in [0] : vector<16xi32>, vector<16xi32> -> vector<16xi32>
    %lt3A_614 = arith.constant 0 : i32
    %lt3A_615 = vector.broadcast %lt3A_614 : i32 to vector<16xi32>
    %lt3A_616 = arith.cmpi slt, %select_n3A_51, %lt3A_615 : vector<16xi32>
    %add3A_617 = arith.constant 16 : i32
    %add3A_618 = vector.broadcast %add3A_617 : i32 to vector<16xi32>
    %add3A_619 = arith.addi %select_n3A_51, %add3A_618 : vector<16xi32>
    %select_n3A_620 = arith.select %lt3A_616, %add3A_619, %select_n3A_51 : vector<16xi1>, vector<16xi32>
    %broadcast_in_dim3A_621 = vector.shape_cast %select_n3A_620 : vector<16xi32> to vector<16x1xi32>
    %gather3A_622 = vector.shape_cast %broadcast_in_dim3A_621 : vector<16x1xi32> to vector<16xi32>
    %gather3A_623 = tpu.dynamic_gather %get3A_582[%gather3A_622] in [0] : vector<16xi32>, vector<16xi32> -> vector<16xi32>
    %select_n3A_624 = arith.select %lt3A_54, %gather3A_613, %gather3A_623 : vector<16xi1>, vector<16xi32>
    %swap3A_625 = arith.constant 144 : index
    %swap3A_626 = tpu.vector_load %arg6[%swap3A_625] {strides = array<i32>} : memref<6400xi32, #tpu.memory_space<vmem>>, vector<16xi32>,
    %swap3A_627 = vector.shape_cast %swap3A_626 : vector<16xi32> to vector<16xi32>
    %swap3A_628 = vector.shape_cast %select_n3A_603 : vector<16xi32> to vector<16xi32>
    tpu.vector_store %arg6[%swap3A_625], %swap3A_628 {strides = array<i32>} : memref<6400xi32, #tpu.memory_space<vmem>>, vector<16xi32>,
    %swap3A_629 = arith.constant 144 : index
    %swap3A_630 = tpu.vector_load %arg7[%swap3A_629] {strides = array<i32>} : memref<6400xi32, #tpu.memory_space<vmem>>, vector<16xi32>,
    %swap3A_631 = vector.shape_cast %swap3A_630 : vector<16xi32> to vector<16xi32>
    %swap3A_632 = vector.shape_cast %select_n3A_624 : vector<16xi32> to vector<16xi32>
    tpu.vector_store %arg7[%swap3A_629], %swap3A_632 {strides = array<i32>} : memref<6400xi32, #tpu.memory_space<vmem>>, vector<16xi32>,
    %get3A_633 = arith.constant 320 : index
    %get3A_634 = tpu.vector_load %arg5[%get3A_633] {strides = array<i32>} : memref<12800xi32, #tpu.memory_space<vmem>>, vector<16xi32>,
    %get3A_635 = vector.shape_cast %get3A_634 : vector<16xi32> to vector<16xi32>
    %get3A_636 = arith.constant 336 : index
    %get3A_637 = tpu.vector_load %arg5[%get3A_636] {strides = array<i32>} : memref<12800xi32, #tpu.memory_space<vmem>>, vector<16xi32>,
    %get3A_638 = vector.shape_cast %get3A_637 : vector<16xi32> to vector<16xi32>
    %lt3A_639 = arith.constant 0 : i32
    %lt3A_640 = vector.broadcast %lt3A_639 : i32 to vector<16xi32>
    %lt3A_641 = arith.cmpi slt, %select_n3A_23, %lt3A_640 : vector<16xi32>
    %add3A_642 = arith.constant 16 : i32
    %add3A_643 = vector.broadcast %add3A_642 : i32 to vector<16xi32>
    %add3A_644 = arith.addi %select_n3A_23, %add3A_643 : vector<16xi32>
    %select_n3A_645 = arith.select %lt3A_641, %add3A_644, %select_n3A_23 : vector<16xi1>, vector<16xi32>
    %broadcast_in_dim3A_646 = vector.shape_cast %select_n3A_645 : vector<16xi32> to vector<16x1xi32>
    %gather3A_647 = vector.shape_cast %broadcast_in_dim3A_646 : vector<16x1xi32> to vector<16xi32>
    %gather3A_648 = tpu.dynamic_gather %get3A_635[%gather3A_647] in [0] : vector<16xi32>, vector<16xi32> -> vector<16xi32>
    %lt3A_649 = arith.constant 0 : i32
    %lt3A_650 = vector.broadcast %lt3A_649 : i32 to vector<16xi32>
    %lt3A_651 = arith.cmpi slt, %select_n3A_23, %lt3A_650 : vector<16xi32>
    %add3A_652 = arith.constant 16 : i32
    %add3A_653 = vector.broadcast %add3A_652 : i32 to vector<16xi32>
    %add3A_654 = arith.addi %select_n3A_23, %add3A_653 : vector<16xi32>
    %select_n3A_655 = arith.select %lt3A_651, %add3A_654, %select_n3A_23 : vector<16xi1>, vector<16xi32>
    %broadcast_in_dim3A_656 = vector.shape_cast %select_n3A_655 : vector<16xi32> to vector<16x1xi32>
    %gather3A_657 = vector.shape_cast %broadcast_in_dim3A_656 : vector<16x1xi32> to vector<16xi32>
    %gather3A_658 = tpu.dynamic_gather %get3A_638[%gather3A_657] in [0] : vector<16xi32>, vector<16xi32> -> vector<16xi32>
    %select_n3A_659 = arith.select %lt3A_54, %gather3A_648, %gather3A_658 : vector<16xi1>, vector<16xi32>
    %lt3A_660 = arith.constant 0 : i32
    %lt3A_661 = vector.broadcast %lt3A_660 : i32 to vector<16xi32>
    %lt3A_662 = arith.cmpi slt, %select_n3A_51, %lt3A_661 : vector<16xi32>
    %add3A_663 = arith.constant 16 : i32
    %add3A_664 = vector.broadcast %add3A_663 : i32 to vector<16xi32>
    %add3A_665 = arith.addi %select_n3A_51, %add3A_664 : vector<16xi32>
    %select_n3A_666 = arith.select %lt3A_662, %add3A_665, %select_n3A_51 : vector<16xi1>, vector<16xi32>
    %broadcast_in_dim3A_667 = vector.shape_cast %select_n3A_666 : vector<16xi32> to vector<16x1xi32>
    %gather3A_668 = vector.shape_cast %broadcast_in_dim3A_667 : vector<16x1xi32> to vector<16xi32>
    %gather3A_669 = tpu.dynamic_gather %get3A_635[%gather3A_668] in [0] : vector<16xi32>, vector<16xi32> -> vector<16xi32>
    %lt3A_670 = arith.constant 0 : i32
    %lt3A_671 = vector.broadcast %lt3A_670 : i32 to vector<16xi32>
    %lt3A_672 = arith.cmpi slt, %select_n3A_51, %lt3A_671 : vector<16xi32>
    %add3A_673 = arith.constant 16 : i32
    %add3A_674 = vector.broadcast %add3A_673 : i32 to vector<16xi32>
    %add3A_675 = arith.addi %select_n3A_51, %add3A_674 : vector<16xi32>
    %select_n3A_676 = arith.select %lt3A_672, %add3A_675, %select_n3A_51 : vector<16xi1>, vector<16xi32>
    %broadcast_in_dim3A_677 = vector.shape_cast %select_n3A_676 : vector<16xi32> to vector<16x1xi32>
    %gather3A_678 = vector.shape_cast %broadcast_in_dim3A_677 : vector<16x1xi32> to vector<16xi32>
    %gather3A_679 = tpu.dynamic_gather %get3A_638[%gather3A_678] in [0] : vector<16xi32>, vector<16xi32> -> vector<16xi32>
    %select_n3A_680 = arith.select %lt3A_54, %gather3A_669, %gather3A_679 : vector<16xi1>, vector<16xi32>
    %swap3A_681 = arith.constant 160 : index
    %swap3A_682 = tpu.vector_load %arg6[%swap3A_681] {strides = array<i32>} : memref<6400xi32, #tpu.memory_space<vmem>>, vector<16xi32>,
    %swap3A_683 = vector.shape_cast %swap3A_682 : vector<16xi32> to vector<16xi32>
    %swap3A_684 = vector.shape_cast %select_n3A_659 : vector<16xi32> to vector<16xi32>
    tpu.vector_store %arg6[%swap3A_681], %swap3A_684 {strides = array<i32>} : memref<6400xi32, #tpu.memory_space<vmem>>, vector<16xi32>,
    %swap3A_685 = arith.constant 160 : index
    %swap3A_686 = tpu.vector_load %arg7[%swap3A_685] {strides = array<i32>} : memref<6400xi32, #tpu.memory_space<vmem>>, vector<16xi32>,
    %swap3A_687 = vector.shape_cast %swap3A_686 : vector<16xi32> to vector<16xi32>
    %swap3A_688 = vector.shape_cast %select_n3A_680 : vector<16xi32> to vector<16xi32>
    tpu.vector_store %arg7[%swap3A_685], %swap3A_688 {strides = array<i32>} : memref<6400xi32, #tpu.memory_space<vmem>>, vector<16xi32>,
    %get3A_689 = arith.constant 352 : index
    %get3A_690 = tpu.vector_load %arg5[%get3A_689] {strides = array<i32>} : memref<12800xi32, #tpu.memory_space<vmem>>, vector<16xi32>,
    %get3A_691 = vector.shape_cast %get3A_690 : vector<16xi32> to vector<16xi32>
    %get3A_692 = arith.constant 368 : index
    %get3A_693 = tpu.vector_load %arg5[%get3A_692] {strides = array<i32>} : memref<12800xi32, #tpu.memory_space<vmem>>, vector<16xi32>,
    %get3A_694 = vector.shape_cast %get3A_693 : vector<16xi32> to vector<16xi32>
    %lt3A_695 = arith.constant 0 : i32
    %lt3A_696 = vector.broadcast %lt3A_695 : i32 to vector<16xi32>
    %lt3A_697 = arith.cmpi slt, %select_n3A_23, %lt3A_696 : vector<16xi32>
    %add3A_698 = arith.constant 16 : i32
    %add3A_699 = vector.broadcast %add3A_698 : i32 to vector<16xi32>
    %add3A_700 = arith.addi %select_n3A_23, %add3A_699 : vector<16xi32>
    %select_n3A_701 = arith.select %lt3A_697, %add3A_700, %select_n3A_23 : vector<16xi1>, vector<16xi32>
    %broadcast_in_dim3A_702 = vector.shape_cast %select_n3A_701 : vector<16xi32> to vector<16x1xi32>
    %gather3A_703 = vector.shape_cast %broadcast_in_dim3A_702 : vector<16x1xi32> to vector<16xi32>
    %gather3A_704 = tpu.dynamic_gather %get3A_691[%gather3A_703] in [0] : vector<16xi32>, vector<16xi32> -> vector<16xi32>
    %lt3A_705 = arith.constant 0 : i32
    %lt3A_706 = vector.broadcast %lt3A_705 : i32 to vector<16xi32>
    %lt3A_707 = arith.cmpi slt, %select_n3A_23, %lt3A_706 : vector<16xi32>
    %add3A_708 = arith.constant 16 : i32
    %add3A_709 = vector.broadcast %add3A_708 : i32 to vector<16xi32>
    %add3A_710 = arith.addi %select_n3A_23, %add3A_709 : vector<16xi32>
    %select_n3A_711 = arith.select %lt3A_707, %add3A_710, %select_n3A_23 : vector<16xi1>, vector<16xi32>
    %broadcast_in_dim3A_712 = vector.shape_cast %select_n3A_711 : vector<16xi32> to vector<16x1xi32>
    %gather3A_713 = vector.shape_cast %broadcast_in_dim3A_712 : vector<16x1xi32> to vector<16xi32>
    %gather3A_714 = tpu.dynamic_gather %get3A_694[%gather3A_713] in [0] : vector<16xi32>, vector<16xi32> -> vector<16xi32>
    %select_n3A_715 = arith.select %lt3A_54, %gather3A_704, %gather3A_714 : vector<16xi1>, vector<16xi32>
    %lt3A_716 = arith.constant 0 : i32
    %lt3A_717 = vector.broadcast %lt3A_716 : i32 to vector<16xi32>
    %lt3A_718 = arith.cmpi slt, %select_n3A_51, %lt3A_717 : vector<16xi32>
    %add3A_719 = arith.constant 16 : i32
    %add3A_720 = vector.broadcast %add3A_719 : i32 to vector<16xi32>
    %add3A_721 = arith.addi %select_n3A_51, %add3A_720 : vector<16xi32>
    %select_n3A_722 = arith.select %lt3A_718, %add3A_721, %select_n3A_51 : vector<16xi1>, vector<16xi32>
    %broadcast_in_dim3A_723 = vector.shape_cast %select_n3A_722 : vector<16xi32> to vector<16x1xi32>
    %gather3A_724 = vector.shape_cast %broadcast_in_dim3A_723 : vector<16x1xi32> to vector<16xi32>
    %gather3A_725 = tpu.dynamic_gather %get3A_691[%gather3A_724] in [0] : vector<16xi32>, vector<16xi32> -> vector<16xi32>
    %lt3A_726 = arith.constant 0 : i32
    %lt3A_727 = vector.broadcast %lt3A_726 : i32 to vector<16xi32>
    %lt3A_728 = arith.cmpi slt, %select_n3A_51, %lt3A_727 : vector<16xi32>
    %add3A_729 = arith.constant 16 : i32
    %add3A_730 = vector.broadcast %add3A_729 : i32 to vector<16xi32>
    %add3A_731 = arith.addi %select_n3A_51, %add3A_730 : vector<16xi32>
    %select_n3A_732 = arith.select %lt3A_728, %add3A_731, %select_n3A_51 : vector<16xi1>, vector<16xi32>
    %broadcast_in_dim3A_733 = vector.shape_cast %select_n3A_732 : vector<16xi32> to vector<16x1xi32>
    %gather3A_734 = vector.shape_cast %broadcast_in_dim3A_733 : vector<16x1xi32> to vector<16xi32>
    %gather3A_735 = tpu.dynamic_gather %get3A_694[%gather3A_734] in [0] : vector<16xi32>, vector<16xi32> -> vector<16xi32>
    %select_n3A_736 = arith.select %lt3A_54, %gather3A_725, %gather3A_735 : vector<16xi1>, vector<16xi32>
    %swap3A_737 = arith.constant 176 : index
    %swap3A_738 = tpu.vector_load %arg6[%swap3A_737] {strides = array<i32>} : memref<6400xi32, #tpu.memory_space<vmem>>, vector<16xi32>,
    %swap3A_739 = vector.shape_cast %swap3A_738 : vector<16xi32> to vector<16xi32>
    %swap3A_740 = vector.shape_cast %select_n3A_715 : vector<16xi32> to vector<16xi32>
    tpu.vector_store %arg6[%swap3A_737], %swap3A_740 {strides = array<i32>} : memref<6400xi32, #tpu.memory_space<vmem>>, vector<16xi32>,
    %swap3A_741 = arith.constant 176 : index
    %swap3A_742 = tpu.vector_load %arg7[%swap3A_741] {strides = array<i32>} : memref<6400xi32, #tpu.memory_space<vmem>>, vector<16xi32>,
    %swap3A_743 = vector.shape_cast %swap3A_742 : vector<16xi32> to vector<16xi32>
    %swap3A_744 = vector.shape_cast %select_n3A_736 : vector<16xi32> to vector<16xi32>
    tpu.vector_store %arg7[%swap3A_741], %swap3A_744 {strides = array<i32>} : memref<6400xi32, #tpu.memory_space<vmem>>, vector<16xi32>,
    %get3A_745 = arith.constant 384 : index
    %get3A_746 = tpu.vector_load %arg5[%get3A_745] {strides = array<i32>} : memref<12800xi32, #tpu.memory_space<vmem>>, vector<16xi32>,
    %get3A_747 = vector.shape_cast %get3A_746 : vector<16xi32> to vector<16xi32>
    %get3A_748 = arith.constant 400 : index
    %get3A_749 = tpu.vector_load %arg5[%get3A_748] {strides = array<i32>} : memref<12800xi32, #tpu.memory_space<vmem>>, vector<16xi32>,
    %get3A_750 = vector.shape_cast %get3A_749 : vector<16xi32> to vector<16xi32>
    %lt3A_751 = arith.constant 0 : i32
    %lt3A_752 = vector.broadcast %lt3A_751 : i32 to vector<16xi32>
    %lt3A_753 = arith.cmpi slt, %select_n3A_23, %lt3A_752 : vector<16xi32>
    %add3A_754 = arith.constant 16 : i32
    %add3A_755 = vector.broadcast %add3A_754 : i32 to vector<16xi32>
    %add3A_756 = arith.addi %select_n3A_23, %add3A_755 : vector<16xi32>
    %select_n3A_757 = arith.select %lt3A_753, %add3A_756, %select_n3A_23 : vector<16xi1>, vector<16xi32>
    %broadcast_in_dim3A_758 = vector.shape_cast %select_n3A_757 : vector<16xi32> to vector<16x1xi32>
    %gather3A_759 = vector.shape_cast %broadcast_in_dim3A_758 : vector<16x1xi32> to vector<16xi32>
    %gather3A_760 = tpu.dynamic_gather %get3A_747[%gather3A_759] in [0] : vector<16xi32>, vector<16xi32> -> vector<16xi32>
    %lt3A_761 = arith.constant 0 : i32
    %lt3A_762 = vector.broadcast %lt3A_761 : i32 to vector<16xi32>
    %lt3A_763 = arith.cmpi slt, %select_n3A_23, %lt3A_762 : vector<16xi32>
    %add3A_764 = arith.constant 16 : i32
    %add3A_765 = vector.broadcast %add3A_764 : i32 to vector<16xi32>
    %add3A_766 = arith.addi %select_n3A_23, %add3A_765 : vector<16xi32>
    %select_n3A_767 = arith.select %lt3A_763, %add3A_766, %select_n3A_23 : vector<16xi1>, vector<16xi32>
    %broadcast_in_dim3A_768 = vector.shape_cast %select_n3A_767 : vector<16xi32> to vector<16x1xi32>
    %gather3A_769 = vector.shape_cast %broadcast_in_dim3A_768 : vector<16x1xi32> to vector<16xi32>
    %gather3A_770 = tpu.dynamic_gather %get3A_750[%gather3A_769] in [0] : vector<16xi32>, vector<16xi32> -> vector<16xi32>
    %select_n3A_771 = arith.select %lt3A_54, %gather3A_760, %gather3A_770 : vector<16xi1>, vector<16xi32>
    %lt3A_772 = arith.constant 0 : i32
    %lt3A_773 = vector.broadcast %lt3A_772 : i32 to vector<16xi32>
    %lt3A_774 = arith.cmpi slt, %select_n3A_51, %lt3A_773 : vector<16xi32>
    %add3A_775 = arith.constant 16 : i32
    %add3A_776 = vector.broadcast %add3A_775 : i32 to vector<16xi32>
    %add3A_777 = arith.addi %select_n3A_51, %add3A_776 : vector<16xi32>
    %select_n3A_778 = arith.select %lt3A_774, %add3A_777, %select_n3A_51 : vector<16xi1>, vector<16xi32>
    %broadcast_in_dim3A_779 = vector.shape_cast %select_n3A_778 : vector<16xi32> to vector<16x1xi32>
    %gather3A_780 = vector.shape_cast %broadcast_in_dim3A_779 : vector<16x1xi32> to vector<16xi32>
    %gather3A_781 = tpu.dynamic_gather %get3A_747[%gather3A_780] in [0] : vector<16xi32>, vector<16xi32> -> vector<16xi32>
    %lt3A_782 = arith.constant 0 : i32
    %lt3A_783 = vector.broadcast %lt3A_782 : i32 to vector<16xi32>
    %lt3A_784 = arith.cmpi slt, %select_n3A_51, %lt3A_783 : vector<16xi32>
    %add3A_785 = arith.constant 16 : i32
    %add3A_786 = vector.broadcast %add3A_785 : i32 to vector<16xi32>
    %add3A_787 = arith.addi %select_n3A_51, %add3A_786 : vector<16xi32>
    %select_n3A_788 = arith.select %lt3A_784, %add3A_787, %select_n3A_51 : vector<16xi1>, vector<16xi32>
    %broadcast_in_dim3A_789 = vector.shape_cast %select_n3A_788 : vector<16xi32> to vector<16x1xi32>
    %gather3A_790 = vector.shape_cast %broadcast_in_dim3A_789 : vector<16x1xi32> to vector<16xi32>
    %gather3A_791 = tpu.dynamic_gather %get3A_750[%gather3A_790] in [0] : vector<16xi32>, vector<16xi32> -> vector<16xi32>
    %select_n3A_792 = arith.select %lt3A_54, %gather3A_781, %gather3A_791 : vector<16xi1>, vector<16xi32>
    %swap3A_793 = arith.constant 192 : index
    %swap3A_794 = tpu.vector_load %arg6[%swap3A_793] {strides = array<i32>} : memref<6400xi32, #tpu.memory_space<vmem>>, vector<16xi32>,
    %swap3A_795 = vector.shape_cast %swap3A_794 : vector<16xi32> to vector<16xi32>
    %swap3A_796 = vector.shape_cast %select_n3A_771 : vector<16xi32> to vector<16xi32>
    tpu.vector_store %arg6[%swap3A_793], %swap3A_796 {strides = array<i32>} : memref<6400xi32, #tpu.memory_space<vmem>>, vector<16xi32>,
    %swap3A_797 = arith.constant 192 : index
    %swap3A_798 = tpu.vector_load %arg7[%swap3A_797] {strides = array<i32>} : memref<6400xi32, #tpu.memory_space<vmem>>, vector<16xi32>,
    %swap3A_799 = vector.shape_cast %swap3A_798 : vector<16xi32> to vector<16xi32>
    %swap3A_800 = vector.shape_cast %select_n3A_792 : vector<16xi32> to vector<16xi32>
    tpu.vector_store %arg7[%swap3A_797], %swap3A_800 {strides = array<i32>} : memref<6400xi32, #tpu.memory_space<vmem>>, vector<16xi32>,
    %get3A_801 = arith.constant 416 : index
    %get3A_802 = tpu.vector_load %arg5[%get3A_801] {strides = array<i32>} : memref<12800xi32, #tpu.memory_space<vmem>>, vector<16xi32>,
    %get3A_803 = vector.shape_cast %get3A_802 : vector<16xi32> to vector<16xi32>
    %get3A_804 = arith.constant 432 : index
    %get3A_805 = tpu.vector_load %arg5[%get3A_804] {strides = array<i32>} : memref<12800xi32, #tpu.memory_space<vmem>>, vector<16xi32>,
    %get3A_806 = vector.shape_cast %get3A_805 : vector<16xi32> to vector<16xi32>
    %lt3A_807 = arith.constant 0 : i32
    %lt3A_808 = vector.broadcast %lt3A_807 : i32 to vector<16xi32>
    %lt3A_809 = arith.cmpi slt, %select_n3A_23, %lt3A_808 : vector<16xi32>
    %add3A_810 = arith.constant 16 : i32
    %add3A_811 = vector.broadcast %add3A_810 : i32 to vector<16xi32>
    %add3A_812 = arith.addi %select_n3A_23, %add3A_811 : vector<16xi32>
    %select_n3A_813 = arith.select %lt3A_809, %add3A_812, %select_n3A_23 : vector<16xi1>, vector<16xi32>
    %broadcast_in_dim3A_814 = vector.shape_cast %select_n3A_813 : vector<16xi32> to vector<16x1xi32>
    %gather3A_815 = vector.shape_cast %broadcast_in_dim3A_814 : vector<16x1xi32> to vector<16xi32>
    %gather3A_816 = tpu.dynamic_gather %get3A_803[%gather3A_815] in [0] : vector<16xi32>, vector<16xi32> -> vector<16xi32>
    %lt3A_817 = arith.constant 0 : i32
    %lt3A_818 = vector.broadcast %lt3A_817 : i32 to vector<16xi32>
    %lt3A_819 = arith.cmpi slt, %select_n3A_23, %lt3A_818 : vector<16xi32>
    %add3A_820 = arith.constant 16 : i32
    %add3A_821 = vector.broadcast %add3A_820 : i32 to vector<16xi32>
    %add3A_822 = arith.addi %select_n3A_23, %add3A_821 : vector<16xi32>
    %select_n3A_823 = arith.select %lt3A_819, %add3A_822, %select_n3A_23 : vector<16xi1>, vector<16xi32>
    %broadcast_in_dim3A_824 = vector.shape_cast %select_n3A_823 : vector<16xi32> to vector<16x1xi32>
    %gather3A_825 = vector.shape_cast %broadcast_in_dim3A_824 : vector<16x1xi32> to vector<16xi32>
    %gather3A_826 = tpu.dynamic_gather %get3A_806[%gather3A_825] in [0] : vector<16xi32>, vector<16xi32> -> vector<16xi32>
    %select_n3A_827 = arith.select %lt3A_54, %gather3A_816, %gather3A_826 : vector<16xi1>, vector<16xi32>
    %lt3A_828 = arith.constant 0 : i32
    %lt3A_829 = vector.broadcast %lt3A_828 : i32 to vector<16xi32>
    %lt3A_830 = arith.cmpi slt, %select_n3A_51, %lt3A_829 : vector<16xi32>
    %add3A_831 = arith.constant 16 : i32
    %add3A_832 = vector.broadcast %add3A_831 : i32 to vector<16xi32>
    %add3A_833 = arith.addi %select_n3A_51, %add3A_832 : vector<16xi32>
    %select_n3A_834 = arith.select %lt3A_830, %add3A_833, %select_n3A_51 : vector<16xi1>, vector<16xi32>
    %broadcast_in_dim3A_835 = vector.shape_cast %select_n3A_834 : vector<16xi32> to vector<16x1xi32>
    %gather3A_836 = vector.shape_cast %broadcast_in_dim3A_835 : vector<16x1xi32> to vector<16xi32>
    %gather3A_837 = tpu.dynamic_gather %get3A_803[%gather3A_836] in [0] : vector<16xi32>, vector<16xi32> -> vector<16xi32>
    %lt3A_838 = arith.constant 0 : i32
    %lt3A_839 = vector.broadcast %lt3A_838 : i32 to vector<16xi32>
    %lt3A_840 = arith.cmpi slt, %select_n3A_51, %lt3A_839 : vector<16xi32>
    %add3A_841 = arith.constant 16 : i32
    %add3A_842 = vector.broadcast %add3A_841 : i32 to vector<16xi32>
    %add3A_843 = arith.addi %select_n3A_51, %add3A_842 : vector<16xi32>
    %select_n3A_844 = arith.select %lt3A_840, %add3A_843, %select_n3A_51 : vector<16xi1>, vector<16xi32>
    %broadcast_in_dim3A_845 = vector.shape_cast %select_n3A_844 : vector<16xi32> to vector<16x1xi32>
    %gather3A_846 = vector.shape_cast %broadcast_in_dim3A_845 : vector<16x1xi32> to vector<16xi32>
    %gather3A_847 = tpu.dynamic_gather %get3A_806[%gather3A_846] in [0] : vector<16xi32>, vector<16xi32> -> vector<16xi32>
    %select_n3A_848 = arith.select %lt3A_54, %gather3A_837, %gather3A_847 : vector<16xi1>, vector<16xi32>
    %swap3A_849 = arith.constant 208 : index
    %swap3A_850 = tpu.vector_load %arg6[%swap3A_849] {strides = array<i32>} : memref<6400xi32, #tpu.memory_space<vmem>>, vector<16xi32>,
    %swap3A_851 = vector.shape_cast %swap3A_850 : vector<16xi32> to vector<16xi32>
    %swap3A_852 = vector.shape_cast %select_n3A_827 : vector<16xi32> to vector<16xi32>
    tpu.vector_store %arg6[%swap3A_849], %swap3A_852 {strides = array<i32>} : memref<6400xi32, #tpu.memory_space<vmem>>, vector<16xi32>,
    %swap3A_853 = arith.constant 208 : index
    %swap3A_854 = tpu.vector_load %arg7[%swap3A_853] {strides = array<i32>} : memref<6400xi32, #tpu.memory_space<vmem>>, vector<16xi32>,
    %swap3A_855 = vector.shape_cast %swap3A_854 : vector<16xi32> to vector<16xi32>
    %swap3A_856 = vector.shape_cast %select_n3A_848 : vector<16xi32> to vector<16xi32>
    tpu.vector_store %arg7[%swap3A_853], %swap3A_856 {strides = array<i32>} : memref<6400xi32, #tpu.memory_space<vmem>>, vector<16xi32>,
    %get3A_857 = arith.constant 448 : index
    %get3A_858 = tpu.vector_load %arg5[%get3A_857] {strides = array<i32>} : memref<12800xi32, #tpu.memory_space<vmem>>, vector<16xi32>,
    %get3A_859 = vector.shape_cast %get3A_858 : vector<16xi32> to vector<16xi32>
    %get3A_860 = arith.constant 464 : index
    %get3A_861 = tpu.vector_load %arg5[%get3A_860] {strides = array<i32>} : memref<12800xi32, #tpu.memory_space<vmem>>, vector<16xi32>,
    %get3A_862 = vector.shape_cast %get3A_861 : vector<16xi32> to vector<16xi32>
    %lt3A_863 = arith.constant 0 : i32
    %lt3A_864 = vector.broadcast %lt3A_863 : i32 to vector<16xi32>
    %lt3A_865 = arith.cmpi slt, %select_n3A_23, %lt3A_864 : vector<16xi32>
    %add3A_866 = arith.constant 16 : i32
    %add3A_867 = vector.broadcast %add3A_866 : i32 to vector<16xi32>
    %add3A_868 = arith.addi %select_n3A_23, %add3A_867 : vector<16xi32>
    %select_n3A_869 = arith.select %lt3A_865, %add3A_868, %select_n3A_23 : vector<16xi1>, vector<16xi32>
    %broadcast_in_dim3A_870 = vector.shape_cast %select_n3A_869 : vector<16xi32> to vector<16x1xi32>
    %gather3A_871 = vector.shape_cast %broadcast_in_dim3A_870 : vector<16x1xi32> to vector<16xi32>
    %gather3A_872 = tpu.dynamic_gather %get3A_859[%gather3A_871] in [0] : vector<16xi32>, vector<16xi32> -> vector<16xi32>
    %lt3A_873 = arith.constant 0 : i32
    %lt3A_874 = vector.broadcast %lt3A_873 : i32 to vector<16xi32>
    %lt3A_875 = arith.cmpi slt, %select_n3A_23, %lt3A_874 : vector<16xi32>
    %add3A_876 = arith.constant 16 : i32
    %add3A_877 = vector.broadcast %add3A_876 : i32 to vector<16xi32>
    %add3A_878 = arith.addi %select_n3A_23, %add3A_877 : vector<16xi32>
    %select_n3A_879 = arith.select %lt3A_875, %add3A_878, %select_n3A_23 : vector<16xi1>, vector<16xi32>
    %broadcast_in_dim3A_880 = vector.shape_cast %select_n3A_879 : vector<16xi32> to vector<16x1xi32>
    %gather3A_881 = vector.shape_cast %broadcast_in_dim3A_880 : vector<16x1xi32> to vector<16xi32>
    %gather3A_882 = tpu.dynamic_gather %get3A_862[%gather3A_881] in [0] : vector<16xi32>, vector<16xi32> -> vector<16xi32>
    %select_n3A_883 = arith.select %lt3A_54, %gather3A_872, %gather3A_882 : vector<16xi1>, vector<16xi32>
    %lt3A_884 = arith.constant 0 : i32
    %lt3A_885 = vector.broadcast %lt3A_884 : i32 to vector<16xi32>
    %lt3A_886 = arith.cmpi slt, %select_n3A_51, %lt3A_885 : vector<16xi32>
    %add3A_887 = arith.constant 16 : i32
    %add3A_888 = vector.broadcast %add3A_887 : i32 to vector<16xi32>
    %add3A_889 = arith.addi %select_n3A_51, %add3A_888 : vector<16xi32>
    %select_n3A_890 = arith.select %lt3A_886, %add3A_889, %select_n3A_51 : vector<16xi1>, vector<16xi32>
    %broadcast_in_dim3A_891 = vector.shape_cast %select_n3A_890 : vector<16xi32> to vector<16x1xi32>
    %gather3A_892 = vector.shape_cast %broadcast_in_dim3A_891 : vector<16x1xi32> to vector<16xi32>
    %gather3A_893 = tpu.dynamic_gather %get3A_859[%gather3A_892] in [0] : vector<16xi32>, vector<16xi32> -> vector<16xi32>
    %lt3A_894 = arith.constant 0 : i32
    %lt3A_895 = vector.broadcast %lt3A_894 : i32 to vector<16xi32>
    %lt3A_896 = arith.cmpi slt, %select_n3A_51, %lt3A_895 : vector<16xi32>
    %add3A_897 = arith.constant 16 : i32
    %add3A_898 = vector.broadcast %add3A_897 : i32 to vector<16xi32>
    %add3A_899 = arith.addi %select_n3A_51, %add3A_898 : vector<16xi32>
    %select_n3A_900 = arith.select %lt3A_896, %add3A_899, %select_n3A_51 : vector<16xi1>, vector<16xi32>
    %broadcast_in_dim3A_901 = vector.shape_cast %select_n3A_900 : vector<16xi32> to vector<16x1xi32>
    %gather3A_902 = vector.shape_cast %broadcast_in_dim3A_901 : vector<16x1xi32> to vector<16xi32>
    %gather3A_903 = tpu.dynamic_gather %get3A_862[%gather3A_902] in [0] : vector<16xi32>, vector<16xi32> -> vector<16xi32>
    %select_n3A_904 = arith.select %lt3A_54, %gather3A_893, %gather3A_903 : vector<16xi1>, vector<16xi32>
    %swap3A_905 = arith.constant 224 : index
    %swap3A_906 = tpu.vector_load %arg6[%swap3A_905] {strides = array<i32>} : memref<6400xi32, #tpu.memory_space<vmem>>, vector<16xi32>,
    %swap3A_907 = vector.shape_cast %swap3A_906 : vector<16xi32> to vector<16xi32>
    %swap3A_908 = vector.shape_cast %select_n3A_883 : vector<16xi32> to vector<16xi32>
    tpu.vector_store %arg6[%swap3A_905], %swap3A_908 {strides = array<i32>} : memref<6400xi32, #tpu.memory_space<vmem>>, vector<16xi32>,
    %swap3A_909 = arith.constant 224 : index
    %swap3A_910 = tpu.vector_load %arg7[%swap3A_909] {strides = array<i32>} : memref<6400xi32, #tpu.memory_space<vmem>>, vector<16xi32>,
    %swap3A_911 = vector.shape_cast %swap3A_910 : vector<16xi32> to vector<16xi32>
    %swap3A_912 = vector.shape_cast %select_n3A_904 : vector<16xi32> to vector<16xi32>
    tpu.vector_store %arg7[%swap3A_909], %swap3A_912 {strides = array<i32>} : memref<6400xi32, #tpu.memory_space<vmem>>, vector<16xi32>,
    %get3A_913 = arith.constant 480 : index
    %get3A_914 = tpu.vector_load %arg5[%get3A_913] {strides = array<i32>} : memref<12800xi32, #tpu.memory_space<vmem>>, vector<16xi32>,
    %get3A_915 = vector.shape_cast %get3A_914 : vector<16xi32> to vector<16xi32>
    %get3A_916 = arith.constant 496 : index
    %get3A_917 = tpu.vector_load %arg5[%get3A_916] {strides = array<i32>} : memref<12800xi32, #tpu.memory_space<vmem>>, vector<16xi32>,
    %get3A_918 = vector.shape_cast %get3A_917 : vector<16xi32> to vector<16xi32>
    %lt3A_919 = arith.constant 0 : i32
    %lt3A_920 = vector.broadcast %lt3A_919 : i32 to vector<16xi32>
    %lt3A_921 = arith.cmpi slt, %select_n3A_23, %lt3A_920 : vector<16xi32>
    %add3A_922 = arith.constant 16 : i32
    %add3A_923 = vector.broadcast %add3A_922 : i32 to vector<16xi32>
    %add3A_924 = arith.addi %select_n3A_23, %add3A_923 : vector<16xi32>
    %select_n3A_925 = arith.select %lt3A_921, %add3A_924, %select_n3A_23 : vector<16xi1>, vector<16xi32>
    %broadcast_in_dim3A_926 = vector.shape_cast %select_n3A_925 : vector<16xi32> to vector<16x1xi32>
    %gather3A_927 = vector.shape_cast %broadcast_in_dim3A_926 : vector<16x1xi32> to vector<16xi32>
    %gather3A_928 = tpu.dynamic_gather %get3A_915[%gather3A_927] in [0] : vector<16xi32>, vector<16xi32> -> vector<16xi32>
    %lt3A_929 = arith.constant 0 : i32
    %lt3A_930 = vector.broadcast %lt3A_929 : i32 to vector<16xi32>
    %lt3A_931 = arith.cmpi slt, %select_n3A_23, %lt3A_930 : vector<16xi32>
    %add3A_932 = arith.constant 16 : i32
    %add3A_933 = vector.broadcast %add3A_932 : i32 to vector<16xi32>
    %add3A_934 = arith.addi %select_n3A_23, %add3A_933 : vector<16xi32>
    %select_n3A_935 = arith.select %lt3A_931, %add3A_934, %select_n3A_23 : vector<16xi1>, vector<16xi32>
    %broadcast_in_dim3A_936 = vector.shape_cast %select_n3A_935 : vector<16xi32> to vector<16x1xi32>
    %gather3A_937 = vector.shape_cast %broadcast_in_dim3A_936 : vector<16x1xi32> to vector<16xi32>
    %gather3A_938 = tpu.dynamic_gather %get3A_918[%gather3A_937] in [0] : vector<16xi32>, vector<16xi32> -> vector<16xi32>
    %select_n3A_939 = arith.select %lt3A_54, %gather3A_928, %gather3A_938 : vector<16xi1>, vector<16xi32>
    %lt3A_940 = arith.constant 0 : i32
    %lt3A_941 = vector.broadcast %lt3A_940 : i32 to vector<16xi32>
    %lt3A_942 = arith.cmpi slt, %select_n3A_51, %lt3A_941 : vector<16xi32>
    %add3A_943 = arith.constant 16 : i32
    %add3A_944 = vector.broadcast %add3A_943 : i32 to vector<16xi32>
    %add3A_945 = arith.addi %select_n3A_51, %add3A_944 : vector<16xi32>
    %select_n3A_946 = arith.select %lt3A_942, %add3A_945, %select_n3A_51 : vector<16xi1>, vector<16xi32>
    %broadcast_in_dim3A_947 = vector.shape_cast %select_n3A_946 : vector<16xi32> to vector<16x1xi32>
    %gather3A_948 = vector.shape_cast %broadcast_in_dim3A_947 : vector<16x1xi32> to vector<16xi32>
    %gather3A_949 = tpu.dynamic_gather %get3A_915[%gather3A_948] in [0] : vector<16xi32>, vector<16xi32> -> vector<16xi32>
    %lt3A_950 = arith.constant 0 : i32
    %lt3A_951 = vector.broadcast %lt3A_950 : i32 to vector<16xi32>
    %lt3A_952 = arith.cmpi slt, %select_n3A_51, %lt3A_951 : vector<16xi32>
    %add3A_953 = arith.constant 16 : i32
    %add3A_954 = vector.broadcast %add3A_953 : i32 to vector<16xi32>
    %add3A_955 = arith.addi %select_n3A_51, %add3A_954 : vector<16xi32>
    %select_n3A_956 = arith.select %lt3A_952, %add3A_955, %select_n3A_51 : vector<16xi1>, vector<16xi32>
    %broadcast_in_dim3A_957 = vector.shape_cast %select_n3A_956 : vector<16xi32> to vector<16x1xi32>
    %gather3A_958 = vector.shape_cast %broadcast_in_dim3A_957 : vector<16x1xi32> to vector<16xi32>
    %gather3A_959 = tpu.dynamic_gather %get3A_918[%gather3A_958] in [0] : vector<16xi32>, vector<16xi32> -> vector<16xi32>
    %select_n3A_960 = arith.select %lt3A_54, %gather3A_949, %gather3A_959 : vector<16xi1>, vector<16xi32>
    %swap3A_961 = arith.constant 240 : index
    %swap3A_962 = tpu.vector_load %arg6[%swap3A_961] {strides = array<i32>} : memref<6400xi32, #tpu.memory_space<vmem>>, vector<16xi32>,
    %swap3A_963 = vector.shape_cast %swap3A_962 : vector<16xi32> to vector<16xi32>
    %swap3A_964 = vector.shape_cast %select_n3A_939 : vector<16xi32> to vector<16xi32>
    tpu.vector_store %arg6[%swap3A_961], %swap3A_964 {strides = array<i32>} : memref<6400xi32, #tpu.memory_space<vmem>>, vector<16xi32>,
    %swap3A_965 = arith.constant 240 : index
    %swap3A_966 = tpu.vector_load %arg7[%swap3A_965] {strides = array<i32>} : memref<6400xi32, #tpu.memory_space<vmem>>, vector<16xi32>,
    %swap3A_967 = vector.shape_cast %swap3A_966 : vector<16xi32> to vector<16xi32>
    %swap3A_968 = vector.shape_cast %select_n3A_960 : vector<16xi32> to vector<16xi32>
    tpu.vector_store %arg7[%swap3A_965], %swap3A_968 {strides = array<i32>} : memref<6400xi32, #tpu.memory_space<vmem>>, vector<16xi32>,
    %dma_start3A_969 = arith.constant 1 : i32
    %dma_start3A_970 = arith.constant 128 : i32
    %dma_start3A_971 = arith.constant 0 : i32
    %dma_start3A_972 = tpu.memref_slice %arg8[%dma_start3A_970, %dma_start3A_971] : memref<768x64xf32, #tpu.memory_space<vmem>> -> memref<128x64xf32, #tpu.memory_space<vmem>>
    %dma_start3A_973 = arith.constant 128 : i32
    %dma_start3A_974 = tpu.memref_slice %arg6[%dma_start3A_973] : memref<6400xi32, #tpu.memory_space<vmem>> -> memref<128xi32, #tpu.memory_space<vmem>>
    %dma_start3A_975 = arith.constant 0 : i32
    %dma_start3A_976 = arith.constant 0 : i32
    %dma_start3A_977 = tpu.memref_slice %arg3[%dma_start3A_975, %dma_start3A_976] : memref<100000x64xf32, #tpu.memory_space<hbm>> -> memref<100000x64xf32, #tpu.memory_space<hbm>>
    %dma_start3A_978 = tpu.memref_slice %arg10[%dma_start3A_969] : memref<6x!tpu.dma_semaphore, #tpu.memory_space<semaphore_mem>> -> memref<1x!tpu.dma_semaphore, #tpu.memory_space<semaphore_mem>>
    %dma_start3A_979 = tpu.memref_squeeze %dma_start3A_978 : memref<1x!tpu.dma_semaphore, #tpu.memory_space<semaphore_mem>> -> memref<!tpu.dma_semaphore, #tpu.memory_space<semaphore_mem>>
    tpu.enqueue_indirect_dma source(%dma_start3A_977 : memref<100000x64xf32, #tpu.memory_space<hbm>>) target(%dma_start3A_972 : memref<128x64xf32, #tpu.memory_space<vmem>>) offsets(%dma_start3A_974 : memref<128xi32, #tpu.memory_space<vmem>>) semaphore(%dma_start3A_979 : memref<!tpu.dma_semaphore, #tpu.memory_space<semaphore_mem>>)
    %dma_start3A_980 = arith.constant 1 : i32
    %dma_start3A_981 = arith.constant 128 : i32
    %dma_start3A_982 = arith.constant 0 : i32
    %dma_start3A_983 = tpu.memref_slice %arg9[%dma_start3A_981, %dma_start3A_982] : memref<768x64xf32, #tpu.memory_space<vmem>> -> memref<128x64xf32, #tpu.memory_space<vmem>>
    %dma_start3A_984 = arith.constant 128 : i32
    %dma_start3A_985 = tpu.memref_slice %arg7[%dma_start3A_984] : memref<6400xi32, #tpu.memory_space<vmem>> -> memref<128xi32, #tpu.memory_space<vmem>>
    %dma_start3A_986 = arith.constant 0 : i32
    %dma_start3A_987 = arith.constant 0 : i32
    %dma_start3A_988 = tpu.memref_slice %arg3[%dma_start3A_986, %dma_start3A_987] : memref<100000x64xf32, #tpu.memory_space<hbm>> -> memref<100000x64xf32, #tpu.memory_space<hbm>>
    %dma_start3A_989 = tpu.memref_slice %arg11[%dma_start3A_980] : memref<6x!tpu.dma_semaphore, #tpu.memory_space<semaphore_mem>> -> memref<1x!tpu.dma_semaphore, #tpu.memory_space<semaphore_mem>>
    %dma_start3A_990 = tpu.memref_squeeze %dma_start3A_989 : memref<1x!tpu.dma_semaphore, #tpu.memory_space<semaphore_mem>> -> memref<!tpu.dma_semaphore, #tpu.memory_space<semaphore_mem>>
    tpu.enqueue_indirect_dma source(%dma_start3A_988 : memref<100000x64xf32, #tpu.memory_space<hbm>>) target(%dma_start3A_983 : memref<128x64xf32, #tpu.memory_space<vmem>>) offsets(%dma_start3A_985 : memref<128xi32, #tpu.memory_space<vmem>>) semaphore(%dma_start3A_990 : memref<!tpu.dma_semaphore, #tpu.memory_space<semaphore_mem>>)
    %get3A_991 = arith.constant 512 : index
    %get3A_992 = tpu.vector_load %arg5[%get3A_991] {strides = array<i32>} : memref<12800xi32, #tpu.memory_space<vmem>>, vector<16xi32>,
    %get3A_993 = vector.shape_cast %get3A_992 : vector<16xi32> to vector<16xi32>
    %get3A_994 = arith.constant 528 : index
    %get3A_995 = tpu.vector_load %arg5[%get3A_994] {strides = array<i32>} : memref<12800xi32, #tpu.memory_space<vmem>>, vector<16xi32>,
    %get3A_996 = vector.shape_cast %get3A_995 : vector<16xi32> to vector<16xi32>
    %lt3A_997 = arith.constant 0 : i32
    %lt3A_998 = vector.broadcast %lt3A_997 : i32 to vector<16xi32>
    %lt3A_999 = arith.cmpi slt, %select_n3A_23, %lt3A_998 : vector<16xi32>
    %add3A_1000 = arith.constant 16 : i32
    %add3A_1001 = vector.broadcast %add3A_1000 : i32 to vector<16xi32>
    %add3A_1002 = arith.addi %select_n3A_23, %add3A_1001 : vector<16xi32>
    %select_n3A_1003 = arith.select %lt3A_999, %add3A_1002, %select_n3A_23 : vector<16xi1>, vector<16xi32>
    %broadcast_in_dim3A_1004 = vector.shape_cast %select_n3A_1003 : vector<16xi32> to vector<16x1xi32>
    %gather3A_1005 = vector.shape_cast %broadcast_in_dim3A_1004 : vector<16x1xi32> to vector<16xi32>
    %gather3A_1006 = tpu.dynamic_gather %get3A_993[%gather3A_1005] in [0] : vector<16xi32>, vector<16xi32> -> vector<16xi32>
    %lt3A_1007 = arith.constant 0 : i32
    %lt3A_1008 = vector.broadcast %lt3A_1007 : i32 to vector<16xi32>
    %lt3A_1009 = arith.cmpi slt, %select_n3A_23, %lt3A_1008 : vector<16xi32>
    %add3A_1010 = arith.constant 16 : i32
    %add3A_1011 = vector.broadcast %add3A_1010 : i32 to vector<16xi32>
    %add3A_1012 = arith.addi %select_n3A_23, %add3A_1011 : vector<16xi32>
    %select_n3A_1013 = arith.select %lt3A_1009, %add3A_1012, %select_n3A_23 : vector<16xi1>, vector<16xi32>
    %broadcast_in_dim3A_1014 = vector.shape_cast %select_n3A_1013 : vector<16xi32> to vector<16x1xi32>
    %gather3A_1015 = vector.shape_cast %broadcast_in_dim3A_1014 : vector<16x1xi32> to vector<16xi32>
    %gather3A_1016 = tpu.dynamic_gather %get3A_996[%gather3A_1015] in [0] : vector<16xi32>, vector<16xi32> -> vector<16xi32>
    %select_n3A_1017 = arith.select %lt3A_54, %gather3A_1006, %gather3A_1016 : vector<16xi1>, vector<16xi32>
    %lt3A_1018 = arith.constant 0 : i32
    %lt3A_1019 = vector.broadcast %lt3A_1018 : i32 to vector<16xi32>
    %lt3A_1020 = arith.cmpi slt, %select_n3A_51, %lt3A_1019 : vector<16xi32>
    %add3A_1021 = arith.constant 16 : i32
    %add3A_1022 = vector.broadcast %add3A_1021 : i32 to vector<16xi32>
    %add3A_1023 = arith.addi %select_n3A_51, %add3A_1022 : vector<16xi32>
    %select_n3A_1024 = arith.select %lt3A_1020, %add3A_1023, %select_n3A_51 : vector<16xi1>, vector<16xi32>
    %broadcast_in_dim3A_1025 = vector.shape_cast %select_n3A_1024 : vector<16xi32> to vector<16x1xi32>
    %gather3A_1026 = vector.shape_cast %broadcast_in_dim3A_1025 : vector<16x1xi32> to vector<16xi32>
    %gather3A_1027 = tpu.dynamic_gather %get3A_993[%gather3A_1026] in [0] : vector<16xi32>, vector<16xi32> -> vector<16xi32>
    %lt3A_1028 = arith.constant 0 : i32
    %lt3A_1029 = vector.broadcast %lt3A_1028 : i32 to vector<16xi32>
    %lt3A_1030 = arith.cmpi slt, %select_n3A_51, %lt3A_1029 : vector<16xi32>
    %add3A_1031 = arith.constant 16 : i32
    %add3A_1032 = vector.broadcast %add3A_1031 : i32 to vector<16xi32>
    %add3A_1033 = arith.addi %select_n3A_51, %add3A_1032 : vector<16xi32>
    %select_n3A_1034 = arith.select %lt3A_1030, %add3A_1033, %select_n3A_51 : vector<16xi1>, vector<16xi32>
    %broadcast_in_dim3A_1035 = vector.shape_cast %select_n3A_1034 : vector<16xi32> to vector<16x1xi32>
    %gather3A_1036 = vector.shape_cast %broadcast_in_dim3A_1035 : vector<16x1xi32> to vector<16xi32>
    %gather3A_1037 = tpu.dynamic_gather %get3A_996[%gather3A_1036] in [0] : vector<16xi32>, vector<16xi32> -> vector<16xi32>
    %select_n3A_1038 = arith.select %lt3A_54, %gather3A_1027, %gather3A_1037 : vector<16xi1>, vector<16xi32>
    %swap3A_1039 = arith.constant 256 : index
    %swap3A_1040 = tpu.vector_load %arg6[%swap3A_1039] {strides = array<i32>} : memref<6400xi32, #tpu.memory_space<vmem>>, vector<16xi32>,
    %swap3A_1041 = vector.shape_cast %swap3A_1040 : vector<16xi32> to vector<16xi32>
    %swap3A_1042 = vector.shape_cast %select_n3A_1017 : vector<16xi32> to vector<16xi32>
    tpu.vector_store %arg6[%swap3A_1039], %swap3A_1042 {strides = array<i32>} : memref<6400xi32, #tpu.memory_space<vmem>>, vector<16xi32>,
    %swap3A_1043 = arith.constant 256 : index
    %swap3A_1044 = tpu.vector_load %arg7[%swap3A_1043] {strides = array<i32>} : memref<6400xi32, #tpu.memory_space<vmem>>, vector<16xi32>,
    %swap3A_1045 = vector.shape_cast %swap3A_1044 : vector<16xi32> to vector<16xi32>
    %swap3A_1046 = vector.shape_cast %select_n3A_1038 : vector<16xi32> to vector<16xi32>
    tpu.vector_store %arg7[%swap3A_1043], %swap3A_1046 {strides = array<i32>} : memref<6400xi32, #tpu.memory_space<vmem>>, vector<16xi32>,
    %get3A_1047 = arith.constant 544 : index
    %get3A_1048 = tpu.vector_load %arg5[%get3A_1047] {strides = array<i32>} : memref<12800xi32, #tpu.memory_space<vmem>>, vector<16xi32>,
    %get3A_1049 = vector.shape_cast %get3A_1048 : vector<16xi32> to vector<16xi32>
    %get3A_1050 = arith.constant 560 : index
    %get3A_1051 = tpu.vector_load %arg5[%get3A_1050] {strides = array<i32>} : memref<12800xi32, #tpu.memory_space<vmem>>, vector<16xi32>,
    %get3A_1052 = vector.shape_cast %get3A_1051 : vector<16xi32> to vector<16xi32>
    %lt3A_1053 = arith.constant 0 : i32
    %lt3A_1054 = vector.broadcast %lt3A_1053 : i32 to vector<16xi32>
    %lt3A_1055 = arith.cmpi slt, %select_n3A_23, %lt3A_1054 : vector<16xi32>
    %add3A_1056 = arith.constant 16 : i32
    %add3A_1057 = vector.broadcast %add3A_1056 : i32 to vector<16xi32>
    %add3A_1058 = arith.addi %select_n3A_23, %add3A_1057 : vector<16xi32>
    %select_n3A_1059 = arith.select %lt3A_1055, %add3A_1058, %select_n3A_23 : vector<16xi1>, vector<16xi32>
    %broadcast_in_dim3A_1060 = vector.shape_cast %select_n3A_1059 : vector<16xi32> to vector<16x1xi32>
    %gather3A_1061 = vector.shape_cast %broadcast_in_dim3A_1060 : vector<16x1xi32> to vector<16xi32>
    %gather3A_1062 = tpu.dynamic_gather %get3A_1049[%gather3A_1061] in [0] : vector<16xi32>, vector<16xi32> -> vector<16xi32>
    %lt3A_1063 = arith.constant 0 : i32
    %lt3A_1064 = vector.broadcast %lt3A_1063 : i32 to vector<16xi32>
    %lt3A_1065 = arith.cmpi slt, %select_n3A_23, %lt3A_1064 : vector<16xi32>
    %add3A_1066 = arith.constant 16 : i32
    %add3A_1067 = vector.broadcast %add3A_1066 : i32 to vector<16xi32>
    %add3A_1068 = arith.addi %select_n3A_23, %add3A_1067 : vector<16xi32>
    %select_n3A_1069 = arith.select %lt3A_1065, %add3A_1068, %select_n3A_23 : vector<16xi1>, vector<16xi32>
    %broadcast_in_dim3A_1070 = vector.shape_cast %select_n3A_1069 : vector<16xi32> to vector<16x1xi32>
    %gather3A_1071 = vector.shape_cast %broadcast_in_dim3A_1070 : vector<16x1xi32> to vector<16xi32>
    %gather3A_1072 = tpu.dynamic_gather %get3A_1052[%gather3A_1071] in [0] : vector<16xi32>, vector<16xi32> -> vector<16xi32>
    %select_n3A_1073 = arith.select %lt3A_54, %gather3A_1062, %gather3A_1072 : vector<16xi1>, vector<16xi32>
    %lt3A_1074 = arith.constant 0 : i32
    %lt3A_1075 = vector.broadcast %lt3A_1074 : i32 to vector<16xi32>
    %lt3A_1076 = arith.cmpi slt, %select_n3A_51, %lt3A_1075 : vector<16xi32>
    %add3A_1077 = arith.constant 16 : i32
    %add3A_1078 = vector.broadcast %add3A_1077 : i32 to vector<16xi32>
    %add3A_1079 = arith.addi %select_n3A_51, %add3A_1078 : vector<16xi32>
    %select_n3A_1080 = arith.select %lt3A_1076, %add3A_1079, %select_n3A_51 : vector<16xi1>, vector<16xi32>
    %broadcast_in_dim3A_1081 = vector.shape_cast %select_n3A_1080 : vector<16xi32> to vector<16x1xi32>
    %gather3A_1082 = vector.shape_cast %broadcast_in_dim3A_1081 : vector<16x1xi32> to vector<16xi32>
    %gather3A_1083 = tpu.dynamic_gather %get3A_1049[%gather3A_1082] in [0] : vector<16xi32>, vector<16xi32> -> vector<16xi32>
    %lt3A_1084 = arith.constant 0 : i32
    %lt3A_1085 = vector.broadcast %lt3A_1084 : i32 to vector<16xi32>
    %lt3A_1086 = arith.cmpi slt, %select_n3A_51, %lt3A_1085 : vector<16xi32>
    %add3A_1087 = arith.constant 16 : i32
    %add3A_1088 = vector.broadcast %add3A_1087 : i32 to vector<16xi32>
    %add3A_1089 = arith.addi %select_n3A_51, %add3A_1088 : vector<16xi32>
    %select_n3A_1090 = arith.select %lt3A_1086, %add3A_1089, %select_n3A_51 : vector<16xi1>, vector<16xi32>
    %broadcast_in_dim3A_1091 = vector.shape_cast %select_n3A_1090 : vector<16xi32> to vector<16x1xi32>
    %gather3A_1092 = vector.shape_cast %broadcast_in_dim3A_1091 : vector<16x1xi32> to vector<16xi32>
    %gather3A_1093 = tpu.dynamic_gather %get3A_1052[%gather3A_1092] in [0] : vector<16xi32>, vector<16xi32> -> vector<16xi32>
    %select_n3A_1094 = arith.select %lt3A_54, %gather3A_1083, %gather3A_1093 : vector<16xi1>, vector<16xi32>
    %swap3A_1095 = arith.constant 272 : index
    %swap3A_1096 = tpu.vector_load %arg6[%swap3A_1095] {strides = array<i32>} : memref<6400xi32, #tpu.memory_space<vmem>>, vector<16xi32>,
    %swap3A_1097 = vector.shape_cast %swap3A_1096 : vector<16xi32> to vector<16xi32>
    %swap3A_1098 = vector.shape_cast %select_n3A_1073 : vector<16xi32> to vector<16xi32>
    tpu.vector_store %arg6[%swap3A_1095], %swap3A_1098 {strides = array<i32>} : memref<6400xi32, #tpu.memory_space<vmem>>, vector<16xi32>,
    %swap3A_1099 = arith.constant 272 : index
    %swap3A_1100 = tpu.vector_load %arg7[%swap3A_1099] {strides = array<i32>} : memref<6400xi32, #tpu.memory_space<vmem>>, vector<16xi32>,
    %swap3A_1101 = vector.shape_cast %swap3A_1100 : vector<16xi32> to vector<16xi32>
    %swap3A_1102 = vector.shape_cast %select_n3A_1094 : vector<16xi32> to vector<16xi32>
    tpu.vector_store %arg7[%swap3A_1099], %swap3A_1102 {strides = array<i32>} : memref<6400xi32, #tpu.memory_space<vmem>>, vector<16xi32>,
    %get3A_1103 = arith.constant 576 : index
    %get3A_1104 = tpu.vector_load %arg5[%get3A_1103] {strides = array<i32>} : memref<12800xi32, #tpu.memory_space<vmem>>, vector<16xi32>,
    %get3A_1105 = vector.shape_cast %get3A_1104 : vector<16xi32> to vector<16xi32>
    %get3A_1106 = arith.constant 592 : index
    %get3A_1107 = tpu.vector_load %arg5[%get3A_1106] {strides = array<i32>} : memref<12800xi32, #tpu.memory_space<vmem>>, vector<16xi32>,
    %get3A_1108 = vector.shape_cast %get3A_1107 : vector<16xi32> to vector<16xi32>
    %lt3A_1109 = arith.constant 0 : i32
    %lt3A_1110 = vector.broadcast %lt3A_1109 : i32 to vector<16xi32>
    %lt3A_1111 = arith.cmpi slt, %select_n3A_23, %lt3A_1110 : vector<16xi32>
    %add3A_1112 = arith.constant 16 : i32
    %add3A_1113 = vector.broadcast %add3A_1112 : i32 to vector<16xi32>
    %add3A_1114 = arith.addi %select_n3A_23, %add3A_1113 : vector<16xi32>
    %select_n3A_1115 = arith.select %lt3A_1111, %add3A_1114, %select_n3A_23 : vector<16xi1>, vector<16xi32>
    %broadcast_in_dim3A_1116 = vector.shape_cast %select_n3A_1115 : vector<16xi32> to vector<16x1xi32>
    %gather3A_1117 = vector.shape_cast %broadcast_in_dim3A_1116 : vector<16x1xi32> to vector<16xi32>
    %gather3A_1118 = tpu.dynamic_gather %get3A_1105[%gather3A_1117] in [0] : vector<16xi32>, vector<16xi32> -> vector<16xi32>
    %lt3A_1119 = arith.constant 0 : i32
    %lt3A_1120 = vector.broadcast %lt3A_1119 : i32 to vector<16xi32>
    %lt3A_1121 = arith.cmpi slt, %select_n3A_23, %lt3A_1120 : vector<16xi32>
    %add3A_1122 = arith.constant 16 : i32
    %add3A_1123 = vector.broadcast %add3A_1122 : i32 to vector<16xi32>
    %add3A_1124 = arith.addi %select_n3A_23, %add3A_1123 : vector<16xi32>
    %select_n3A_1125 = arith.select %lt3A_1121, %add3A_1124, %select_n3A_23 : vector<16xi1>, vector<16xi32>
    %broadcast_in_dim3A_1126 = vector.shape_cast %select_n3A_1125 : vector<16xi32> to vector<16x1xi32>
    %gather3A_1127 = vector.shape_cast %broadcast_in_dim3A_1126 : vector<16x1xi32> to vector<16xi32>
    %gather3A_1128 = tpu.dynamic_gather %get3A_1108[%gather3A_1127] in [0] : vector<16xi32>, vector<16xi32> -> vector<16xi32>
    %select_n3A_1129 = arith.select %lt3A_54, %gather3A_1118, %gather3A_1128 : vector<16xi1>, vector<16xi32>
    %lt3A_1130 = arith.constant 0 : i32
    %lt3A_1131 = vector.broadcast %lt3A_1130 : i32 to vector<16xi32>
    %lt3A_1132 = arith.cmpi slt, %select_n3A_51, %lt3A_1131 : vector<16xi32>
    %add3A_1133 = arith.constant 16 : i32
    %add3A_1134 = vector.broadcast %add3A_1133 : i32 to vector<16xi32>
    %add3A_1135 = arith.addi %select_n3A_51, %add3A_1134 : vector<16xi32>
    %select_n3A_1136 = arith.select %lt3A_1132, %add3A_1135, %select_n3A_51 : vector<16xi1>, vector<16xi32>
    %broadcast_in_dim3A_1137 = vector.shape_cast %select_n3A_1136 : vector<16xi32> to vector<16x1xi32>
    %gather3A_1138 = vector.shape_cast %broadcast_in_dim3A_1137 : vector<16x1xi32> to vector<16xi32>
    %gather3A_1139 = tpu.dynamic_gather %get3A_1105[%gather3A_1138] in [0] : vector<16xi32>, vector<16xi32> -> vector<16xi32>
    %lt3A_1140 = arith.constant 0 : i32
    %lt3A_1141 = vector.broadcast %lt3A_1140 : i32 to vector<16xi32>
    %lt3A_1142 = arith.cmpi slt, %select_n3A_51, %lt3A_1141 : vector<16xi32>
    %add3A_1143 = arith.constant 16 : i32
    %add3A_1144 = vector.broadcast %add3A_1143 : i32 to vector<16xi32>
    %add3A_1145 = arith.addi %select_n3A_51, %add3A_1144 : vector<16xi32>
    %select_n3A_1146 = arith.select %lt3A_1142, %add3A_1145, %select_n3A_51 : vector<16xi1>, vector<16xi32>
    %broadcast_in_dim3A_1147 = vector.shape_cast %select_n3A_1146 : vector<16xi32> to vector<16x1xi32>
    %gather3A_1148 = vector.shape_cast %broadcast_in_dim3A_1147 : vector<16x1xi32> to vector<16xi32>
    %gather3A_1149 = tpu.dynamic_gather %get3A_1108[%gather3A_1148] in [0] : vector<16xi32>, vector<16xi32> -> vector<16xi32>
    %select_n3A_1150 = arith.select %lt3A_54, %gather3A_1139, %gather3A_1149 : vector<16xi1>, vector<16xi32>
    %swap3A_1151 = arith.constant 288 : index
    %swap3A_1152 = tpu.vector_load %arg6[%swap3A_1151] {strides = array<i32>} : memref<6400xi32, #tpu.memory_space<vmem>>, vector<16xi32>,
    %swap3A_1153 = vector.shape_cast %swap3A_1152 : vector<16xi32> to vector<16xi32>
    %swap3A_1154 = vector.shape_cast %select_n3A_1129 : vector<16xi32> to vector<16xi32>
    tpu.vector_store %arg6[%swap3A_1151], %swap3A_1154 {strides = array<i32>} : memref<6400xi32, #tpu.memory_space<vmem>>, vector<16xi32>,
    %swap3A_1155 = arith.constant 288 : index
    %swap3A_1156 = tpu.vector_load %arg7[%swap3A_1155] {strides = array<i32>} : memref<6400xi32, #tpu.memory_space<vmem>>, vector<16xi32>,
    %swap3A_1157 = vector.shape_cast %swap3A_1156 : vector<16xi32> to vector<16xi32>
    %swap3A_1158 = vector.shape_cast %select_n3A_1150 : vector<16xi32> to vector<16xi32>
    tpu.vector_store %arg7[%swap3A_1155], %swap3A_1158 {strides = array<i32>} : memref<6400xi32, #tpu.memory_space<vmem>>, vector<16xi32>,
    %get3A_1159 = arith.constant 608 : index
    %get3A_1160 = tpu.vector_load %arg5[%get3A_1159] {strides = array<i32>} : memref<12800xi32, #tpu.memory_space<vmem>>, vector<16xi32>,
    %get3A_1161 = vector.shape_cast %get3A_1160 : vector<16xi32> to vector<16xi32>
    %get3A_1162 = arith.constant 624 : index
    %get3A_1163 = tpu.vector_load %arg5[%get3A_1162] {strides = array<i32>} : memref<12800xi32, #tpu.memory_space<vmem>>, vector<16xi32>,
    %get3A_1164 = vector.shape_cast %get3A_1163 : vector<16xi32> to vector<16xi32>
    %lt3A_1165 = arith.constant 0 : i32
    %lt3A_1166 = vector.broadcast %lt3A_1165 : i32 to vector<16xi32>
    %lt3A_1167 = arith.cmpi slt, %select_n3A_23, %lt3A_1166 : vector<16xi32>
    %add3A_1168 = arith.constant 16 : i32
    %add3A_1169 = vector.broadcast %add3A_1168 : i32 to vector<16xi32>
    %add3A_1170 = arith.addi %select_n3A_23, %add3A_1169 : vector<16xi32>
    %select_n3A_1171 = arith.select %lt3A_1167, %add3A_1170, %select_n3A_23 : vector<16xi1>, vector<16xi32>
    %broadcast_in_dim3A_1172 = vector.shape_cast %select_n3A_1171 : vector<16xi32> to vector<16x1xi32>
    %gather3A_1173 = vector.shape_cast %broadcast_in_dim3A_1172 : vector<16x1xi32> to vector<16xi32>
    %gather3A_1174 = tpu.dynamic_gather %get3A_1161[%gather3A_1173] in [0] : vector<16xi32>, vector<16xi32> -> vector<16xi32>
    %lt3A_1175 = arith.constant 0 : i32
    %lt3A_1176 = vector.broadcast %lt3A_1175 : i32 to vector<16xi32>
    %lt3A_1177 = arith.cmpi slt, %select_n3A_23, %lt3A_1176 : vector<16xi32>
    %add3A_1178 = arith.constant 16 : i32
    %add3A_1179 = vector.broadcast %add3A_1178 : i32 to vector<16xi32>
    %add3A_1180 = arith.addi %select_n3A_23, %add3A_1179 : vector<16xi32>
    %select_n3A_1181 = arith.select %lt3A_1177, %add3A_1180, %select_n3A_23 : vector<16xi1>, vector<16xi32>
    %broadcast_in_dim3A_1182 = vector.shape_cast %select_n3A_1181 : vector<16xi32> to vector<16x1xi32>
    %gather3A_1183 = vector.shape_cast %broadcast_in_dim3A_1182 : vector<16x1xi32> to vector<16xi32>
    %gather3A_1184 = tpu.dynamic_gather %get3A_1164[%gather3A_1183] in [0] : vector<16xi32>, vector<16xi32> -> vector<16xi32>
    %select_n3A_1185 = arith.select %lt3A_54, %gather3A_1174, %gather3A_1184 : vector<16xi1>, vector<16xi32>
    %lt3A_1186 = arith.constant 0 : i32
    %lt3A_1187 = vector.broadcast %lt3A_1186 : i32 to vector<16xi32>
    %lt3A_1188 = arith.cmpi slt, %select_n3A_51, %lt3A_1187 : vector<16xi32>
    %add3A_1189 = arith.constant 16 : i32
    %add3A_1190 = vector.broadcast %add3A_1189 : i32 to vector<16xi32>
    %add3A_1191 = arith.addi %select_n3A_51, %add3A_1190 : vector<16xi32>
    %select_n3A_1192 = arith.select %lt3A_1188, %add3A_1191, %select_n3A_51 : vector<16xi1>, vector<16xi32>
    %broadcast_in_dim3A_1193 = vector.shape_cast %select_n3A_1192 : vector<16xi32> to vector<16x1xi32>
    %gather3A_1194 = vector.shape_cast %broadcast_in_dim3A_1193 : vector<16x1xi32> to vector<16xi32>
    %gather3A_1195 = tpu.dynamic_gather %get3A_1161[%gather3A_1194] in [0] : vector<16xi32>, vector<16xi32> -> vector<16xi32>
    %lt3A_1196 = arith.constant 0 : i32
    %lt3A_1197 = vector.broadcast %lt3A_1196 : i32 to vector<16xi32>
    %lt3A_1198 = arith.cmpi slt, %select_n3A_51, %lt3A_1197 : vector<16xi32>
    %add3A_1199 = arith.constant 16 : i32
    %add3A_1200 = vector.broadcast %add3A_1199 : i32 to vector<16xi32>
    %add3A_1201 = arith.addi %select_n3A_51, %add3A_1200 : vector<16xi32>
    %select_n3A_1202 = arith.select %lt3A_1198, %add3A_1201, %select_n3A_51 : vector<16xi1>, vector<16xi32>
    %broadcast_in_dim3A_1203 = vector.shape_cast %select_n3A_1202 : vector<16xi32> to vector<16x1xi32>
    %gather3A_1204 = vector.shape_cast %broadcast_in_dim3A_1203 : vector<16x1xi32> to vector<16xi32>
    %gather3A_1205 = tpu.dynamic_gather %get3A_1164[%gather3A_1204] in [0] : vector<16xi32>, vector<16xi32> -> vector<16xi32>
    %select_n3A_1206 = arith.select %lt3A_54, %gather3A_1195, %gather3A_1205 : vector<16xi1>, vector<16xi32>
    %swap3A_1207 = arith.constant 304 : index
    %swap3A_1208 = tpu.vector_load %arg6[%swap3A_1207] {strides = array<i32>} : memref<6400xi32, #tpu.memory_space<vmem>>, vector<16xi32>,
    %swap3A_1209 = vector.shape_cast %swap3A_1208 : vector<16xi32> to vector<16xi32>
    %swap3A_1210 = vector.shape_cast %select_n3A_1185 : vector<16xi32> to vector<16xi32>
    tpu.vector_store %arg6[%swap3A_1207], %swap3A_1210 {strides = array<i32>} : memref<6400xi32, #tpu.memory_space<vmem>>, vector<16xi32>,
    %swap3A_1211 = arith.constant 304 : index
    %swap3A_1212 = tpu.vector_load %arg7[%swap3A_1211] {strides = array<i32>} : memref<6400xi32, #tpu.memory_space<vmem>>, vector<16xi32>,
    %swap3A_1213 = vector.shape_cast %swap3A_1212 : vector<16xi32> to vector<16xi32>
    %swap3A_1214 = vector.shape_cast %select_n3A_1206 : vector<16xi32> to vector<16xi32>
    tpu.vector_store %arg7[%swap3A_1211], %swap3A_1214 {strides = array<i32>} : memref<6400xi32, #tpu.memory_space<vmem>>, vector<16xi32>,
    %get3A_1215 = arith.constant 640 : index
    %get3A_1216 = tpu.vector_load %arg5[%get3A_1215] {strides = array<i32>} : memref<12800xi32, #tpu.memory_space<vmem>>, vector<16xi32>,
    %get3A_1217 = vector.shape_cast %get3A_1216 : vector<16xi32> to vector<16xi32>
    %get3A_1218 = arith.constant 656 : index
    %get3A_1219 = tpu.vector_load %arg5[%get3A_1218] {strides = array<i32>} : memref<12800xi32, #tpu.memory_space<vmem>>, vector<16xi32>,
    %get3A_1220 = vector.shape_cast %get3A_1219 : vector<16xi32> to vector<16xi32>
    %lt3A_1221 = arith.constant 0 : i32
    %lt3A_1222 = vector.broadcast %lt3A_1221 : i32 to vector<16xi32>
    %lt3A_1223 = arith.cmpi slt, %select_n3A_23, %lt3A_1222 : vector<16xi32>
    %add3A_1224 = arith.constant 16 : i32
    %add3A_1225 = vector.broadcast %add3A_1224 : i32 to vector<16xi32>
    %add3A_1226 = arith.addi %select_n3A_23, %add3A_1225 : vector<16xi32>
    %select_n3A_1227 = arith.select %lt3A_1223, %add3A_1226, %select_n3A_23 : vector<16xi1>, vector<16xi32>
    %broadcast_in_dim3A_1228 = vector.shape_cast %select_n3A_1227 : vector<16xi32> to vector<16x1xi32>
    %gather3A_1229 = vector.shape_cast %broadcast_in_dim3A_1228 : vector<16x1xi32> to vector<16xi32>
    %gather3A_1230 = tpu.dynamic_gather %get3A_1217[%gather3A_1229] in [0] : vector<16xi32>, vector<16xi32> -> vector<16xi32>
    %lt3A_1231 = arith.constant 0 : i32
    %lt3A_1232 = vector.broadcast %lt3A_1231 : i32 to vector<16xi32>
    %lt3A_1233 = arith.cmpi slt, %select_n3A_23, %lt3A_1232 : vector<16xi32>
    %add3A_1234 = arith.constant 16 : i32
    %add3A_1235 = vector.broadcast %add3A_1234 : i32 to vector<16xi32>
    %add3A_1236 = arith.addi %select_n3A_23, %add3A_1235 : vector<16xi32>
    %select_n3A_1237 = arith.select %lt3A_1233, %add3A_1236, %select_n3A_23 : vector<16xi1>, vector<16xi32>
    %broadcast_in_dim3A_1238 = vector.shape_cast %select_n3A_1237 : vector<16xi32> to vector<16x1xi32>
    %gather3A_1239 = vector.shape_cast %broadcast_in_dim3A_1238 : vector<16x1xi32> to vector<16xi32>
    %gather3A_1240 = tpu.dynamic_gather %get3A_1220[%gather3A_1239] in [0] : vector<16xi32>, vector<16xi32> -> vector<16xi32>
    %select_n3A_1241 = arith.select %lt3A_54, %gather3A_1230, %gather3A_1240 : vector<16xi1>, vector<16xi32>
    %lt3A_1242 = arith.constant 0 : i32
    %lt3A_1243 = vector.broadcast %lt3A_1242 : i32 to vector<16xi32>
    %lt3A_1244 = arith.cmpi slt, %select_n3A_51, %lt3A_1243 : vector<16xi32>
    %add3A_1245 = arith.constant 16 : i32
    %add3A_1246 = vector.broadcast %add3A_1245 : i32 to vector<16xi32>
    %add3A_1247 = arith.addi %select_n3A_51, %add3A_1246 : vector<16xi32>
    %select_n3A_1248 = arith.select %lt3A_1244, %add3A_1247, %select_n3A_51 : vector<16xi1>, vector<16xi32>
    %broadcast_in_dim3A_1249 = vector.shape_cast %select_n3A_1248 : vector<16xi32> to vector<16x1xi32>
    %gather3A_1250 = vector.shape_cast %broadcast_in_dim3A_1249 : vector<16x1xi32> to vector<16xi32>
    %gather3A_1251 = tpu.dynamic_gather %get3A_1217[%gather3A_1250] in [0] : vector<16xi32>, vector<16xi32> -> vector<16xi32>
    %lt3A_1252 = arith.constant 0 : i32
    %lt3A_1253 = vector.broadcast %lt3A_1252 : i32 to vector<16xi32>
    %lt3A_1254 = arith.cmpi slt, %select_n3A_51, %lt3A_1253 : vector<16xi32>
    %add3A_1255 = arith.constant 16 : i32
    %add3A_1256 = vector.broadcast %add3A_1255 : i32 to vector<16xi32>
    %add3A_1257 = arith.addi %select_n3A_51, %add3A_1256 : vector<16xi32>
    %select_n3A_1258 = arith.select %lt3A_1254, %add3A_1257, %select_n3A_51 : vector<16xi1>, vector<16xi32>
    %broadcast_in_dim3A_1259 = vector.shape_cast %select_n3A_1258 : vector<16xi32> to vector<16x1xi32>
    %gather3A_1260 = vector.shape_cast %broadcast_in_dim3A_1259 : vector<16x1xi32> to vector<16xi32>
    %gather3A_1261 = tpu.dynamic_gather %get3A_1220[%gather3A_1260] in [0] : vector<16xi32>, vector<16xi32> -> vector<16xi32>
    %select_n3A_1262 = arith.select %lt3A_54, %gather3A_1251, %gather3A_1261 : vector<16xi1>, vector<16xi32>
    %swap3A_1263 = arith.constant 320 : index
    %swap3A_1264 = tpu.vector_load %arg6[%swap3A_1263] {strides = array<i32>} : memref<6400xi32, #tpu.memory_space<vmem>>, vector<16xi32>,
    %swap3A_1265 = vector.shape_cast %swap3A_1264 : vector<16xi32> to vector<16xi32>
    %swap3A_1266 = vector.shape_cast %select_n3A_1241 : vector<16xi32> to vector<16xi32>
    tpu.vector_store %arg6[%swap3A_1263], %swap3A_1266 {strides = array<i32>} : memref<6400xi32, #tpu.memory_space<vmem>>, vector<16xi32>,
    %swap3A_1267 = arith.constant 320 : index
    %swap3A_1268 = tpu.vector_load %arg7[%swap3A_1267] {strides = array<i32>} : memref<6400xi32, #tpu.memory_space<vmem>>, vector<16xi32>,
    %swap3A_1269 = vector.shape_cast %swap3A_1268 : vector<16xi32> to vector<16xi32>
    %swap3A_1270 = vector.shape_cast %select_n3A_1262 : vector<16xi32> to vector<16xi32>
    tpu.vector_store %arg7[%swap3A_1267], %swap3A_1270 {strides = array<i32>} : memref<6400xi32, #tpu.memory_space<vmem>>, vector<16xi32>,
    %get3A_1271 = arith.constant 672 : index
    %get3A_1272 = tpu.vector_load %arg5[%get3A_1271] {strides = array<i32>} : memref<12800xi32, #tpu.memory_space<vmem>>, vector<16xi32>,
    %get3A_1273 = vector.shape_cast %get3A_1272 : vector<16xi32> to vector<16xi32>
    %get3A_1274 = arith.constant 688 : index
    %get3A_1275 = tpu.vector_load %arg5[%get3A_1274] {strides = array<i32>} : memref<12800xi32, #tpu.memory_space<vmem>>, vector<16xi32>,
    %get3A_1276 = vector.shape_cast %get3A_1275 : vector<16xi32> to vector<16xi32>
    %lt3A_1277 = arith.constant 0 : i32
    %lt3A_1278 = vector.broadcast %lt3A_1277 : i32 to vector<16xi32>
    %lt3A_1279 = arith.cmpi slt, %select_n3A_23, %lt3A_1278 : vector<16xi32>
    %add3A_1280 = arith.constant 16 : i32
    %add3A_1281 = vector.broadcast %add3A_1280 : i32 to vector<16xi32>
    %add3A_1282 = arith.addi %select_n3A_23, %add3A_1281 : vector<16xi32>
    %select_n3A_1283 = arith.select %lt3A_1279, %add3A_1282, %select_n3A_23 : vector<16xi1>, vector<16xi32>
    %broadcast_in_dim3A_1284 = vector.shape_cast %select_n3A_1283 : vector<16xi32> to vector<16x1xi32>
    %gather3A_1285 = vector.shape_cast %broadcast_in_dim3A_1284 : vector<16x1xi32> to vector<16xi32>
    %gather3A_1286 = tpu.dynamic_gather %get3A_1273[%gather3A_1285] in [0] : vector<16xi32>, vector<16xi32> -> vector<16xi32>
    %lt3A_1287 = arith.constant 0 : i32
    %lt3A_1288 = vector.broadcast %lt3A_1287 : i32 to vector<16xi32>
    %lt3A_1289 = arith.cmpi slt, %select_n3A_23, %lt3A_1288 : vector<16xi32>
    %add3A_1290 = arith.constant 16 : i32
    %add3A_1291 = vector.broadcast %add3A_1290 : i32 to vector<16xi32>
    %add3A_1292 = arith.addi %select_n3A_23, %add3A_1291 : vector<16xi32>
    %select_n3A_1293 = arith.select %lt3A_1289, %add3A_1292, %select_n3A_23 : vector<16xi1>, vector<16xi32>
    %broadcast_in_dim3A_1294 = vector.shape_cast %select_n3A_1293 : vector<16xi32> to vector<16x1xi32>
    %gather3A_1295 = vector.shape_cast %broadcast_in_dim3A_1294 : vector<16x1xi32> to vector<16xi32>
    %gather3A_1296 = tpu.dynamic_gather %get3A_1276[%gather3A_1295] in [0] : vector<16xi32>, vector<16xi32> -> vector<16xi32>
    %select_n3A_1297 = arith.select %lt3A_54, %gather3A_1286, %gather3A_1296 : vector<16xi1>, vector<16xi32>
    %lt3A_1298 = arith.constant 0 : i32
    %lt3A_1299 = vector.broadcast %lt3A_1298 : i32 to vector<16xi32>
    %lt3A_1300 = arith.cmpi slt, %select_n3A_51, %lt3A_1299 : vector<16xi32>
    %add3A_1301 = arith.constant 16 : i32
    %add3A_1302 = vector.broadcast %add3A_1301 : i32 to vector<16xi32>
    %add3A_1303 = arith.addi %select_n3A_51, %add3A_1302 : vector<16xi32>
    %select_n3A_1304 = arith.select %lt3A_1300, %add3A_1303, %select_n3A_51 : vector<16xi1>, vector<16xi32>
    %broadcast_in_dim3A_1305 = vector.shape_cast %select_n3A_1304 : vector<16xi32> to vector<16x1xi32>
    %gather3A_1306 = vector.shape_cast %broadcast_in_dim3A_1305 : vector<16x1xi32> to vector<16xi32>
    %gather3A_1307 = tpu.dynamic_gather %get3A_1273[%gather3A_1306] in [0] : vector<16xi32>, vector<16xi32> -> vector<16xi32>
    %lt3A_1308 = arith.constant 0 : i32
    %lt3A_1309 = vector.broadcast %lt3A_1308 : i32 to vector<16xi32>
    %lt3A_1310 = arith.cmpi slt, %select_n3A_51, %lt3A_1309 : vector<16xi32>
    %add3A_1311 = arith.constant 16 : i32
    %add3A_1312 = vector.broadcast %add3A_1311 : i32 to vector<16xi32>
    %add3A_1313 = arith.addi %select_n3A_51, %add3A_1312 : vector<16xi32>
    %select_n3A_1314 = arith.select %lt3A_1310, %add3A_1313, %select_n3A_51 : vector<16xi1>, vector<16xi32>
    %broadcast_in_dim3A_1315 = vector.shape_cast %select_n3A_1314 : vector<16xi32> to vector<16x1xi32>
    %gather3A_1316 = vector.shape_cast %broadcast_in_dim3A_1315 : vector<16x1xi32> to vector<16xi32>
    %gather3A_1317 = tpu.dynamic_gather %get3A_1276[%gather3A_1316] in [0] : vector<16xi32>, vector<16xi32> -> vector<16xi32>
    %select_n3A_1318 = arith.select %lt3A_54, %gather3A_1307, %gather3A_1317 : vector<16xi1>, vector<16xi32>
    %swap3A_1319 = arith.constant 336 : index
    %swap3A_1320 = tpu.vector_load %arg6[%swap3A_1319] {strides = array<i32>} : memref<6400xi32, #tpu.memory_space<vmem>>, vector<16xi32>,
    %swap3A_1321 = vector.shape_cast %swap3A_1320 : vector<16xi32> to vector<16xi32>
    %swap3A_1322 = vector.shape_cast %select_n3A_1297 : vector<16xi32> to vector<16xi32>
    tpu.vector_store %arg6[%swap3A_1319], %swap3A_1322 {strides = array<i32>} : memref<6400xi32, #tpu.memory_space<vmem>>, vector<16xi32>,
    %swap3A_1323 = arith.constant 336 : index
    %swap3A_1324 = tpu.vector_load %arg7[%swap3A_1323] {strides = array<i32>} : memref<6400xi32, #tpu.memory_space<vmem>>, vector<16xi32>,
    %swap3A_1325 = vector.shape_cast %swap3A_1324 : vector<16xi32> to vector<16xi32>
    %swap3A_1326 = vector.shape_cast %select_n3A_1318 : vector<16xi32> to vector<16xi32>
    tpu.vector_store %arg7[%swap3A_1323], %swap3A_1326 {strides = array<i32>} : memref<6400xi32, #tpu.memory_space<vmem>>, vector<16xi32>,
    %get3A_1327 = arith.constant 704 : index
    %get3A_1328 = tpu.vector_load %arg5[%get3A_1327] {strides = array<i32>} : memref<12800xi32, #tpu.memory_space<vmem>>, vector<16xi32>,
    %get3A_1329 = vector.shape_cast %get3A_1328 : vector<16xi32> to vector<16xi32>
    %get3A_1330 = arith.constant 720 : index
    %get3A_1331 = tpu.vector_load %arg5[%get3A_1330] {strides = array<i32>} : memref<12800xi32, #tpu.memory_space<vmem>>, vector<16xi32>,
    %get3A_1332 = vector.shape_cast %get3A_1331 : vector<16xi32> to vector<16xi32>
    %lt3A_1333 = arith.constant 0 : i32
    %lt3A_1334 = vector.broadcast %lt3A_1333 : i32 to vector<16xi32>
    %lt3A_1335 = arith.cmpi slt, %select_n3A_23, %lt3A_1334 : vector<16xi32>
    %add3A_1336 = arith.constant 16 : i32
    %add3A_1337 = vector.broadcast %add3A_1336 : i32 to vector<16xi32>
    %add3A_1338 = arith.addi %select_n3A_23, %add3A_1337 : vector<16xi32>
    %select_n3A_1339 = arith.select %lt3A_1335, %add3A_1338, %select_n3A_23 : vector<16xi1>, vector<16xi32>
    %broadcast_in_dim3A_1340 = vector.shape_cast %select_n3A_1339 : vector<16xi32> to vector<16x1xi32>
    %gather3A_1341 = vector.shape_cast %broadcast_in_dim3A_1340 : vector<16x1xi32> to vector<16xi32>
    %gather3A_1342 = tpu.dynamic_gather %get3A_1329[%gather3A_1341] in [0] : vector<16xi32>, vector<16xi32> -> vector<16xi32>
    %lt3A_1343 = arith.constant 0 : i32
    %lt3A_1344 = vector.broadcast %lt3A_1343 : i32 to vector<16xi32>
    %lt3A_1345 = arith.cmpi slt, %select_n3A_23, %lt3A_1344 : vector<16xi32>
    %add3A_1346 = arith.constant 16 : i32
    %add3A_1347 = vector.broadcast %add3A_1346 : i32 to vector<16xi32>
    %add3A_1348 = arith.addi %select_n3A_23, %add3A_1347 : vector<16xi32>
    %select_n3A_1349 = arith.select %lt3A_1345, %add3A_1348, %select_n3A_23 : vector<16xi1>, vector<16xi32>
    %broadcast_in_dim3A_1350 = vector.shape_cast %select_n3A_1349 : vector<16xi32> to vector<16x1xi32>
    %gather3A_1351 = vector.shape_cast %broadcast_in_dim3A_1350 : vector<16x1xi32> to vector<16xi32>
    %gather3A_1352 = tpu.dynamic_gather %get3A_1332[%gather3A_1351] in [0] : vector<16xi32>, vector<16xi32> -> vector<16xi32>
    %select_n3A_1353 = arith.select %lt3A_54, %gather3A_1342, %gather3A_1352 : vector<16xi1>, vector<16xi32>
    %lt3A_1354 = arith.constant 0 : i32
    %lt3A_1355 = vector.broadcast %lt3A_1354 : i32 to vector<16xi32>
    %lt3A_1356 = arith.cmpi slt, %select_n3A_51, %lt3A_1355 : vector<16xi32>
    %add3A_1357 = arith.constant 16 : i32
    %add3A_1358 = vector.broadcast %add3A_1357 : i32 to vector<16xi32>
    %add3A_1359 = arith.addi %select_n3A_51, %add3A_1358 : vector<16xi32>
    %select_n3A_1360 = arith.select %lt3A_1356, %add3A_1359, %select_n3A_51 : vector<16xi1>, vector<16xi32>
    %broadcast_in_dim3A_1361 = vector.shape_cast %select_n3A_1360 : vector<16xi32> to vector<16x1xi32>
    %gather3A_1362 = vector.shape_cast %broadcast_in_dim3A_1361 : vector<16x1xi32> to vector<16xi32>
    %gather3A_1363 = tpu.dynamic_gather %get3A_1329[%gather3A_1362] in [0] : vector<16xi32>, vector<16xi32> -> vector<16xi32>
    %lt3A_1364 = arith.constant 0 : i32
    %lt3A_1365 = vector.broadcast %lt3A_1364 : i32 to vector<16xi32>
    %lt3A_1366 = arith.cmpi slt, %select_n3A_51, %lt3A_1365 : vector<16xi32>
    %add3A_1367 = arith.constant 16 : i32
    %add3A_1368 = vector.broadcast %add3A_1367 : i32 to vector<16xi32>
    %add3A_1369 = arith.addi %select_n3A_51, %add3A_1368 : vector<16xi32>
    %select_n3A_1370 = arith.select %lt3A_1366, %add3A_1369, %select_n3A_51 : vector<16xi1>, vector<16xi32>
    %broadcast_in_dim3A_1371 = vector.shape_cast %select_n3A_1370 : vector<16xi32> to vector<16x1xi32>
    %gather3A_1372 = vector.shape_cast %broadcast_in_dim3A_1371 : vector<16x1xi32> to vector<16xi32>
    %gather3A_1373 = tpu.dynamic_gather %get3A_1332[%gather3A_1372] in [0] : vector<16xi32>, vector<16xi32> -> vector<16xi32>
    %select_n3A_1374 = arith.select %lt3A_54, %gather3A_1363, %gather3A_1373 : vector<16xi1>, vector<16xi32>
    %swap3A_1375 = arith.constant 352 : index
    %swap3A_1376 = tpu.vector_load %arg6[%swap3A_1375] {strides = array<i32>} : memref<6400xi32, #tpu.memory_space<vmem>>, vector<16xi32>,
    %swap3A_1377 = vector.shape_cast %swap3A_1376 : vector<16xi32> to vector<16xi32>
    %swap3A_1378 = vector.shape_cast %select_n3A_1353 : vector<16xi32> to vector<16xi32>
    tpu.vector_store %arg6[%swap3A_1375], %swap3A_1378 {strides = array<i32>} : memref<6400xi32, #tpu.memory_space<vmem>>, vector<16xi32>,
    %swap3A_1379 = arith.constant 352 : index
    %swap3A_1380 = tpu.vector_load %arg7[%swap3A_1379] {strides = array<i32>} : memref<6400xi32, #tpu.memory_space<vmem>>, vector<16xi32>,
    %swap3A_1381 = vector.shape_cast %swap3A_1380 : vector<16xi32> to vector<16xi32>
    %swap3A_1382 = vector.shape_cast %select_n3A_1374 : vector<16xi32> to vector<16xi32>
    tpu.vector_store %arg7[%swap3A_1379], %swap3A_1382 {strides = array<i32>} : memref<6400xi32, #tpu.memory_space<vmem>>, vector<16xi32>,
    %get3A_1383 = arith.constant 736 : index
    %get3A_1384 = tpu.vector_load %arg5[%get3A_1383] {strides = array<i32>} : memref<12800xi32, #tpu.memory_space<vmem>>, vector<16xi32>,
    %get3A_1385 = vector.shape_cast %get3A_1384 : vector<16xi32> to vector<16xi32>
    %get3A_1386 = arith.constant 752 : index
    %get3A_1387 = tpu.vector_load %arg5[%get3A_1386] {strides = array<i32>} : memref<12800xi32, #tpu.memory_space<vmem>>, vector<16xi32>,
    %get3A_1388 = vector.shape_cast %get3A_1387 : vector<16xi32> to vector<16xi32>
    %lt3A_1389 = arith.constant 0 : i32
    %lt3A_1390 = vector.broadcast %lt3A_1389 : i32 to vector<16xi32>
    %lt3A_1391 = arith.cmpi slt, %select_n3A_23, %lt3A_1390 : vector<16xi32>
    %add3A_1392 = arith.constant 16 : i32
    %add3A_1393 = vector.broadcast %add3A_1392 : i32 to vector<16xi32>
    %add3A_1394 = arith.addi %select_n3A_23, %add3A_1393 : vector<16xi32>
    %select_n3A_1395 = arith.select %lt3A_1391, %add3A_1394, %select_n3A_23 : vector<16xi1>, vector<16xi32>
    %broadcast_in_dim3A_1396 = vector.shape_cast %select_n3A_1395 : vector<16xi32> to vector<16x1xi32>
    %gather3A_1397 = vector.shape_cast %broadcast_in_dim3A_1396 : vector<16x1xi32> to vector<16xi32>
    %gather3A_1398 = tpu.dynamic_gather %get3A_1385[%gather3A_1397] in [0] : vector<16xi32>, vector<16xi32> -> vector<16xi32>
    %lt3A_1399 = arith.constant 0 : i32
    %lt3A_1400 = vector.broadcast %lt3A_1399 : i32 to vector<16xi32>
    %lt3A_1401 = arith.cmpi slt, %select_n3A_23, %lt3A_1400 : vector<16xi32>
    %add3A_1402 = arith.constant 16 : i32
    %add3A_1403 = vector.broadcast %add3A_1402 : i32 to vector<16xi32>
    %add3A_1404 = arith.addi %select_n3A_23, %add3A_1403 : vector<16xi32>
    %select_n3A_1405 = arith.select %lt3A_1401, %add3A_1404, %select_n3A_23 : vector<16xi1>, vector<16xi32>
    %broadcast_in_dim3A_1406 = vector.shape_cast %select_n3A_1405 : vector<16xi32> to vector<16x1xi32>
    %gather3A_1407 = vector.shape_cast %broadcast_in_dim3A_1406 : vector<16x1xi32> to vector<16xi32>
    %gather3A_1408 = tpu.dynamic_gather %get3A_1388[%gather3A_1407] in [0] : vector<16xi32>, vector<16xi32> -> vector<16xi32>
    %select_n3A_1409 = arith.select %lt3A_54, %gather3A_1398, %gather3A_1408 : vector<16xi1>, vector<16xi32>
    %lt3A_1410 = arith.constant 0 : i32
    %lt3A_1411 = vector.broadcast %lt3A_1410 : i32 to vector<16xi32>
    %lt3A_1412 = arith.cmpi slt, %select_n3A_51, %lt3A_1411 : vector<16xi32>
    %add3A_1413 = arith.constant 16 : i32
    %add3A_1414 = vector.broadcast %add3A_1413 : i32 to vector<16xi32>
    %add3A_1415 = arith.addi %select_n3A_51, %add3A_1414 : vector<16xi32>
    %select_n3A_1416 = arith.select %lt3A_1412, %add3A_1415, %select_n3A_51 : vector<16xi1>, vector<16xi32>
    %broadcast_in_dim3A_1417 = vector.shape_cast %select_n3A_1416 : vector<16xi32> to vector<16x1xi32>
    %gather3A_1418 = vector.shape_cast %broadcast_in_dim3A_1417 : vector<16x1xi32> to vector<16xi32>
    %gather3A_1419 = tpu.dynamic_gather %get3A_1385[%gather3A_1418] in [0] : vector<16xi32>, vector<16xi32> -> vector<16xi32>
    %lt3A_1420 = arith.constant 0 : i32
    %lt3A_1421 = vector.broadcast %lt3A_1420 : i32 to vector<16xi32>
    %lt3A_1422 = arith.cmpi slt, %select_n3A_51, %lt3A_1421 : vector<16xi32>
    %add3A_1423 = arith.constant 16 : i32
    %add3A_1424 = vector.broadcast %add3A_1423 : i32 to vector<16xi32>
    %add3A_1425 = arith.addi %select_n3A_51, %add3A_1424 : vector<16xi32>
    %select_n3A_1426 = arith.select %lt3A_1422, %add3A_1425, %select_n3A_51 : vector<16xi1>, vector<16xi32>
    %broadcast_in_dim3A_1427 = vector.shape_cast %select_n3A_1426 : vector<16xi32> to vector<16x1xi32>
    %gather3A_1428 = vector.shape_cast %broadcast_in_dim3A_1427 : vector<16x1xi32> to vector<16xi32>
    %gather3A_1429 = tpu.dynamic_gather %get3A_1388[%gather3A_1428] in [0] : vector<16xi32>, vector<16xi32> -> vector<16xi32>
    %select_n3A_1430 = arith.select %lt3A_54, %gather3A_1419, %gather3A_1429 : vector<16xi1>, vector<16xi32>
    %swap3A_1431 = arith.constant 368 : index
    %swap3A_1432 = tpu.vector_load %arg6[%swap3A_1431] {strides = array<i32>} : memref<6400xi32, #tpu.memory_space<vmem>>, vector<16xi32>,
    %swap3A_1433 = vector.shape_cast %swap3A_1432 : vector<16xi32> to vector<16xi32>
    %swap3A_1434 = vector.shape_cast %select_n3A_1409 : vector<16xi32> to vector<16xi32>
    tpu.vector_store %arg6[%swap3A_1431], %swap3A_1434 {strides = array<i32>} : memref<6400xi32, #tpu.memory_space<vmem>>, vector<16xi32>,
    %swap3A_1435 = arith.constant 368 : index
    %swap3A_1436 = tpu.vector_load %arg7[%swap3A_1435] {strides = array<i32>} : memref<6400xi32, #tpu.memory_space<vmem>>, vector<16xi32>,
    %swap3A_1437 = vector.shape_cast %swap3A_1436 : vector<16xi32> to vector<16xi32>
    %swap3A_1438 = vector.shape_cast %select_n3A_1430 : vector<16xi32> to vector<16xi32>
    tpu.vector_store %arg7[%swap3A_1435], %swap3A_1438 {strides = array<i32>} : memref<6400xi32, #tpu.memory_space<vmem>>, vector<16xi32>,
    %dma_start3A_1439 = arith.constant 2 : i32
    %dma_start3A_1440 = arith.constant 256 : i32
    %dma_start3A_1441 = arith.constant 0 : i32
    %dma_start3A_1442 = tpu.memref_slice %arg8[%dma_start3A_1440, %dma_start3A_1441] : memref<768x64xf32, #tpu.memory_space<vmem>> -> memref<128x64xf32, #tpu.memory_space<vmem>>
    %dma_start3A_1443 = arith.constant 256 : i32
    %dma_start3A_1444 = tpu.memref_slice %arg6[%dma_start3A_1443] : memref<6400xi32, #tpu.memory_space<vmem>> -> memref<128xi32, #tpu.memory_space<vmem>>
    %dma_start3A_1445 = arith.constant 0 : i32
    %dma_start3A_1446 = arith.constant 0 : i32
    %dma_start3A_1447 = tpu.memref_slice %arg3[%dma_start3A_1445, %dma_start3A_1446] : memref<100000x64xf32, #tpu.memory_space<hbm>> -> memref<100000x64xf32, #tpu.memory_space<hbm>>
    %dma_start3A_1448 = tpu.memref_slice %arg10[%dma_start3A_1439] : memref<6x!tpu.dma_semaphore, #tpu.memory_space<semaphore_mem>> -> memref<1x!tpu.dma_semaphore, #tpu.memory_space<semaphore_mem>>
    %dma_start3A_1449 = tpu.memref_squeeze %dma_start3A_1448 : memref<1x!tpu.dma_semaphore, #tpu.memory_space<semaphore_mem>> -> memref<!tpu.dma_semaphore, #tpu.memory_space<semaphore_mem>>
    tpu.enqueue_indirect_dma source(%dma_start3A_1447 : memref<100000x64xf32, #tpu.memory_space<hbm>>) target(%dma_start3A_1442 : memref<128x64xf32, #tpu.memory_space<vmem>>) offsets(%dma_start3A_1444 : memref<128xi32, #tpu.memory_space<vmem>>) semaphore(%dma_start3A_1449 : memref<!tpu.dma_semaphore, #tpu.memory_space<semaphore_mem>>)
    %dma_start3A_1450 = arith.constant 2 : i32
    %dma_start3A_1451 = arith.constant 256 : i32
    %dma_start3A_1452 = arith.constant 0 : i32
    %dma_start3A_1453 = tpu.memref_slice %arg9[%dma_start3A_1451, %dma_start3A_1452] : memref<768x64xf32, #tpu.memory_space<vmem>> -> memref<128x64xf32, #tpu.memory_space<vmem>>
    %dma_start3A_1454 = arith.constant 256 : i32
    %dma_start3A_1455 = tpu.memref_slice %arg7[%dma_start3A_1454] : memref<6400xi32, #tpu.memory_space<vmem>> -> memref<128xi32, #tpu.memory_space<vmem>>
    %dma_start3A_1456 = arith.constant 0 : i32
    %dma_start3A_1457 = arith.constant 0 : i32
    %dma_start3A_1458 = tpu.memref_slice %arg3[%dma_start3A_1456, %dma_start3A_1457] : memref<100000x64xf32, #tpu.memory_space<hbm>> -> memref<100000x64xf32, #tpu.memory_space<hbm>>
    %dma_start3A_1459 = tpu.memref_slice %arg11[%dma_start3A_1450] : memref<6x!tpu.dma_semaphore, #tpu.memory_space<semaphore_mem>> -> memref<1x!tpu.dma_semaphore, #tpu.memory_space<semaphore_mem>>
    %dma_start3A_1460 = tpu.memref_squeeze %dma_start3A_1459 : memref<1x!tpu.dma_semaphore, #tpu.memory_space<semaphore_mem>> -> memref<!tpu.dma_semaphore, #tpu.memory_space<semaphore_mem>>
    tpu.enqueue_indirect_dma source(%dma_start3A_1458 : memref<100000x64xf32, #tpu.memory_space<hbm>>) target(%dma_start3A_1453 : memref<128x64xf32, #tpu.memory_space<vmem>>) offsets(%dma_start3A_1455 : memref<128xi32, #tpu.memory_space<vmem>>) semaphore(%dma_start3A_1460 : memref<!tpu.dma_semaphore, #tpu.memory_space<semaphore_mem>>)
    %get3A_1461 = arith.constant 768 : index
    %get3A_1462 = tpu.vector_load %arg5[%get3A_1461] {strides = array<i32>} : memref<12800xi32, #tpu.memory_space<vmem>>, vector<16xi32>,
    %get3A_1463 = vector.shape_cast %get3A_1462 : vector<16xi32> to vector<16xi32>
    %get3A_1464 = arith.constant 784 : index
    %get3A_1465 = tpu.vector_load %arg5[%get3A_1464] {strides = array<i32>} : memref<12800xi32, #tpu.memory_space<vmem>>, vector<16xi32>,
    %get3A_1466 = vector.shape_cast %get3A_1465 : vector<16xi32> to vector<16xi32>
    %lt3A_1467 = arith.constant 0 : i32
    %lt3A_1468 = vector.broadcast %lt3A_1467 : i32 to vector<16xi32>
    %lt3A_1469 = arith.cmpi slt, %select_n3A_23, %lt3A_1468 : vector<16xi32>
    %add3A_1470 = arith.constant 16 : i32
    %add3A_1471 = vector.broadcast %add3A_1470 : i32 to vector<16xi32>
    %add3A_1472 = arith.addi %select_n3A_23, %add3A_1471 : vector<16xi32>
    %select_n3A_1473 = arith.select %lt3A_1469, %add3A_1472, %select_n3A_23 : vector<16xi1>, vector<16xi32>
    %broadcast_in_dim3A_1474 = vector.shape_cast %select_n3A_1473 : vector<16xi32> to vector<16x1xi32>
    %gather3A_1475 = vector.shape_cast %broadcast_in_dim3A_1474 : vector<16x1xi32> to vector<16xi32>
    %gather3A_1476 = tpu.dynamic_gather %get3A_1463[%gather3A_1475] in [0] : vector<16xi32>, vector<16xi32> -> vector<16xi32>
    %lt3A_1477 = arith.constant 0 : i32
    %lt3A_1478 = vector.broadcast %lt3A_1477 : i32 to vector<16xi32>
    %lt3A_1479 = arith.cmpi slt, %select_n3A_23, %lt3A_1478 : vector<16xi32>
    %add3A_1480 = arith.constant 16 : i32
    %add3A_1481 = vector.broadcast %add3A_1480 : i32 to vector<16xi32>
    %add3A_1482 = arith.addi %select_n3A_23, %add3A_1481 : vector<16xi32>
    %select_n3A_1483 = arith.select %lt3A_1479, %add3A_1482, %select_n3A_23 : vector<16xi1>, vector<16xi32>
    %broadcast_in_dim3A_1484 = vector.shape_cast %select_n3A_1483 : vector<16xi32> to vector<16x1xi32>
    %gather3A_1485 = vector.shape_cast %broadcast_in_dim3A_1484 : vector<16x1xi32> to vector<16xi32>
    %gather3A_1486 = tpu.dynamic_gather %get3A_1466[%gather3A_1485] in [0] : vector<16xi32>, vector<16xi32> -> vector<16xi32>
    %select_n3A_1487 = arith.select %lt3A_54, %gather3A_1476, %gather3A_1486 : vector<16xi1>, vector<16xi32>
    %lt3A_1488 = arith.constant 0 : i32
    %lt3A_1489 = vector.broadcast %lt3A_1488 : i32 to vector<16xi32>
    %lt3A_1490 = arith.cmpi slt, %select_n3A_51, %lt3A_1489 : vector<16xi32>
    %add3A_1491 = arith.constant 16 : i32
    %add3A_1492 = vector.broadcast %add3A_1491 : i32 to vector<16xi32>
    %add3A_1493 = arith.addi %select_n3A_51, %add3A_1492 : vector<16xi32>
    %select_n3A_1494 = arith.select %lt3A_1490, %add3A_1493, %select_n3A_51 : vector<16xi1>, vector<16xi32>
    %broadcast_in_dim3A_1495 = vector.shape_cast %select_n3A_1494 : vector<16xi32> to vector<16x1xi32>
    %gather3A_1496 = vector.shape_cast %broadcast_in_dim3A_1495 : vector<16x1xi32> to vector<16xi32>
    %gather3A_1497 = tpu.dynamic_gather %get3A_1463[%gather3A_1496] in [0] : vector<16xi32>, vector<16xi32> -> vector<16xi32>
    %lt3A_1498 = arith.constant 0 : i32
    %lt3A_1499 = vector.broadcast %lt3A_1498 : i32 to vector<16xi32>
    %lt3A_1500 = arith.cmpi slt, %select_n3A_51, %lt3A_1499 : vector<16xi32>
    %add3A_1501 = arith.constant 16 : i32
    %add3A_1502 = vector.broadcast %add3A_1501 : i32 to vector<16xi32>
    %add3A_1503 = arith.addi %select_n3A_51, %add3A_1502 : vector<16xi32>
    %select_n3A_1504 = arith.select %lt3A_1500, %add3A_1503, %select_n3A_51 : vector<16xi1>, vector<16xi32>
    %broadcast_in_dim3A_1505 = vector.shape_cast %select_n3A_1504 : vector<16xi32> to vector<16x1xi32>
    %gather3A_1506 = vector.shape_cast %broadcast_in_dim3A_1505 : vector<16x1xi32> to vector<16xi32>
    %gather3A_1507 = tpu.dynamic_gather %get3A_1466[%gather3A_1506] in [0] : vector<16xi32>, vector<16xi32> -> vector<16xi32>
    %select_n3A_1508 = arith.select %lt3A_54, %gather3A_1497, %gather3A_1507 : vector<16xi1>, vector<16xi32>
    %swap3A_1509 = arith.constant 384 : index
    %swap3A_1510 = tpu.vector_load %arg6[%swap3A_1509] {strides = array<i32>} : memref<6400xi32, #tpu.memory_space<vmem>>, vector<16xi32>,
    %swap3A_1511 = vector.shape_cast %swap3A_1510 : vector<16xi32> to vector<16xi32>
    %swap3A_1512 = vector.shape_cast %select_n3A_1487 : vector<16xi32> to vector<16xi32>
    tpu.vector_store %arg6[%swap3A_1509], %swap3A_1512 {strides = array<i32>} : memref<6400xi32, #tpu.memory_space<vmem>>, vector<16xi32>,
    %swap3A_1513 = arith.constant 384 : index
    %swap3A_1514 = tpu.vector_load %arg7[%swap3A_1513] {strides = array<i32>} : memref<6400xi32, #tpu.memory_space<vmem>>, vector<16xi32>,
    %swap3A_1515 = vector.shape_cast %swap3A_1514 : vector<16xi32> to vector<16xi32>
    %swap3A_1516 = vector.shape_cast %select_n3A_1508 : vector<16xi32> to vector<16xi32>
    tpu.vector_store %arg7[%swap3A_1513], %swap3A_1516 {strides = array<i32>} : memref<6400xi32, #tpu.memory_space<vmem>>, vector<16xi32>,
    %get3A_1517 = arith.constant 800 : index
    %get3A_1518 = tpu.vector_load %arg5[%get3A_1517] {strides = array<i32>} : memref<12800xi32, #tpu.memory_space<vmem>>, vector<16xi32>,
    %get3A_1519 = vector.shape_cast %get3A_1518 : vector<16xi32> to vector<16xi32>
    %get3A_1520 = arith.constant 816 : index
    %get3A_1521 = tpu.vector_load %arg5[%get3A_1520] {strides = array<i32>} : memref<12800xi32, #tpu.memory_space<vmem>>, vector<16xi32>,
    %get3A_1522 = vector.shape_cast %get3A_1521 : vector<16xi32> to vector<16xi32>
    %lt3A_1523 = arith.constant 0 : i32
    %lt3A_1524 = vector.broadcast %lt3A_1523 : i32 to vector<16xi32>
    %lt3A_1525 = arith.cmpi slt, %select_n3A_23, %lt3A_1524 : vector<16xi32>
    %add3A_1526 = arith.constant 16 : i32
    %add3A_1527 = vector.broadcast %add3A_1526 : i32 to vector<16xi32>
    %add3A_1528 = arith.addi %select_n3A_23, %add3A_1527 : vector<16xi32>
    %select_n3A_1529 = arith.select %lt3A_1525, %add3A_1528, %select_n3A_23 : vector<16xi1>, vector<16xi32>
    %broadcast_in_dim3A_1530 = vector.shape_cast %select_n3A_1529 : vector<16xi32> to vector<16x1xi32>
    %gather3A_1531 = vector.shape_cast %broadcast_in_dim3A_1530 : vector<16x1xi32> to vector<16xi32>
    %gather3A_1532 = tpu.dynamic_gather %get3A_1519[%gather3A_1531] in [0] : vector<16xi32>, vector<16xi32> -> vector<16xi32>
    %lt3A_1533 = arith.constant 0 : i32
    %lt3A_1534 = vector.broadcast %lt3A_1533 : i32 to vector<16xi32>
    %lt3A_1535 = arith.cmpi slt, %select_n3A_23, %lt3A_1534 : vector<16xi32>
    %add3A_1536 = arith.constant 16 : i32
    %add3A_1537 = vector.broadcast %add3A_1536 : i32 to vector<16xi32>
    %add3A_1538 = arith.addi %select_n3A_23, %add3A_1537 : vector<16xi32>
    %select_n3A_1539 = arith.select %lt3A_1535, %add3A_1538, %select_n3A_23 : vector<16xi1>, vector<16xi32>
    %broadcast_in_dim3A_1540 = vector.shape_cast %select_n3A_1539 : vector<16xi32> to vector<16x1xi32>
    %gather3A_1541 = vector.shape_cast %broadcast_in_dim3A_1540 : vector<16x1xi32> to vector<16xi32>
    %gather3A_1542 = tpu.dynamic_gather %get3A_1522[%gather3A_1541] in [0] : vector<16xi32>, vector<16xi32> -> vector<16xi32>
    %select_n3A_1543 = arith.select %lt3A_54, %gather3A_1532, %gather3A_1542 : vector<16xi1>, vector<16xi32>
    %lt3A_1544 = arith.constant 0 : i32
    %lt3A_1545 = vector.broadcast %lt3A_1544 : i32 to vector<16xi32>
    %lt3A_1546 = arith.cmpi slt, %select_n3A_51, %lt3A_1545 : vector<16xi32>
    %add3A_1547 = arith.constant 16 : i32
    %add3A_1548 = vector.broadcast %add3A_1547 : i32 to vector<16xi32>
    %add3A_1549 = arith.addi %select_n3A_51, %add3A_1548 : vector<16xi32>
    %select_n3A_1550 = arith.select %lt3A_1546, %add3A_1549, %select_n3A_51 : vector<16xi1>, vector<16xi32>
    %broadcast_in_dim3A_1551 = vector.shape_cast %select_n3A_1550 : vector<16xi32> to vector<16x1xi32>
    %gather3A_1552 = vector.shape_cast %broadcast_in_dim3A_1551 : vector<16x1xi32> to vector<16xi32>
    %gather3A_1553 = tpu.dynamic_gather %get3A_1519[%gather3A_1552] in [0] : vector<16xi32>, vector<16xi32> -> vector<16xi32>
    %lt3A_1554 = arith.constant 0 : i32
    %lt3A_1555 = vector.broadcast %lt3A_1554 : i32 to vector<16xi32>
    %lt3A_1556 = arith.cmpi slt, %select_n3A_51, %lt3A_1555 : vector<16xi32>
    %add3A_1557 = arith.constant 16 : i32
    %add3A_1558 = vector.broadcast %add3A_1557 : i32 to vector<16xi32>
    %add3A_1559 = arith.addi %select_n3A_51, %add3A_1558 : vector<16xi32>
    %select_n3A_1560 = arith.select %lt3A_1556, %add3A_1559, %select_n3A_51 : vector<16xi1>, vector<16xi32>
    %broadcast_in_dim3A_1561 = vector.shape_cast %select_n3A_1560 : vector<16xi32> to vector<16x1xi32>
    %gather3A_1562 = vector.shape_cast %broadcast_in_dim3A_1561 : vector<16x1xi32> to vector<16xi32>
    %gather3A_1563 = tpu.dynamic_gather %get3A_1522[%gather3A_1562] in [0] : vector<16xi32>, vector<16xi32> -> vector<16xi32>
    %select_n3A_1564 = arith.select %lt3A_54, %gather3A_1553, %gather3A_1563 : vector<16xi1>, vector<16xi32>
    %swap3A_1565 = arith.constant 400 : index
    %swap3A_1566 = tpu.vector_load %arg6[%swap3A_1565] {strides = array<i32>} : memref<6400xi32, #tpu.memory_space<vmem>>, vector<16xi32>,
    %swap3A_1567 = vector.shape_cast %swap3A_1566 : vector<16xi32> to vector<16xi32>
    %swap3A_1568 = vector.shape_cast %select_n3A_1543 : vector<16xi32> to vector<16xi32>
    tpu.vector_store %arg6[%swap3A_1565], %swap3A_1568 {strides = array<i32>} : memref<6400xi32, #tpu.memory_space<vmem>>, vector<16xi32>,
    %swap3A_1569 = arith.constant 400 : index
    %swap3A_1570 = tpu.vector_load %arg7[%swap3A_1569] {strides = array<i32>} : memref<6400xi32, #tpu.memory_space<vmem>>, vector<16xi32>,
    %swap3A_1571 = vector.shape_cast %swap3A_1570 : vector<16xi32> to vector<16xi32>
    %swap3A_1572 = vector.shape_cast %select_n3A_1564 : vector<16xi32> to vector<16xi32>
    tpu.vector_store %arg7[%swap3A_1569], %swap3A_1572 {strides = array<i32>} : memref<6400xi32, #tpu.memory_space<vmem>>, vector<16xi32>,
    %get3A_1573 = arith.constant 832 : index
    %get3A_1574 = tpu.vector_load %arg5[%get3A_1573] {strides = array<i32>} : memref<12800xi32, #tpu.memory_space<vmem>>, vector<16xi32>,
    %get3A_1575 = vector.shape_cast %get3A_1574 : vector<16xi32> to vector<16xi32>
    %get3A_1576 = arith.constant 848 : index
    %get3A_1577 = tpu.vector_load %arg5[%get3A_1576] {strides = array<i32>} : memref<12800xi32, #tpu.memory_space<vmem>>, vector<16xi32>,
    %get3A_1578 = vector.shape_cast %get3A_1577 : vector<16xi32> to vector<16xi32>
    %lt3A_1579 = arith.constant 0 : i32
    %lt3A_1580 = vector.broadcast %lt3A_1579 : i32 to vector<16xi32>
    %lt3A_1581 = arith.cmpi slt, %select_n3A_23, %lt3A_1580 : vector<16xi32>
    %add3A_1582 = arith.constant 16 : i32
    %add3A_1583 = vector.broadcast %add3A_1582 : i32 to vector<16xi32>
    %add3A_1584 = arith.addi %select_n3A_23, %add3A_1583 : vector<16xi32>
    %select_n3A_1585 = arith.select %lt3A_1581, %add3A_1584, %select_n3A_23 : vector<16xi1>, vector<16xi32>
    %broadcast_in_dim3A_1586 = vector.shape_cast %select_n3A_1585 : vector<16xi32> to vector<16x1xi32>
    %gather3A_1587 = vector.shape_cast %broadcast_in_dim3A_1586 : vector<16x1xi32> to vector<16xi32>
    %gather3A_1588 = tpu.dynamic_gather %get3A_1575[%gather3A_1587] in [0] : vector<16xi32>, vector<16xi32> -> vector<16xi32>
    %lt3A_1589 = arith.constant 0 : i32
    %lt3A_1590 = vector.broadcast %lt3A_1589 : i32 to vector<16xi32>
    %lt3A_1591 = arith.cmpi slt, %select_n3A_23, %lt3A_1590 : vector<16xi32>
    %add3A_1592 = arith.constant 16 : i32
    %add3A_1593 = vector.broadcast %add3A_1592 : i32 to vector<16xi32>
    %add3A_1594 = arith.addi %select_n3A_23, %add3A_1593 : vector<16xi32>
    %select_n3A_1595 = arith.select %lt3A_1591, %add3A_1594, %select_n3A_23 : vector<16xi1>, vector<16xi32>
    %broadcast_in_dim3A_1596 = vector.shape_cast %select_n3A_1595 : vector<16xi32> to vector<16x1xi32>
    %gather3A_1597 = vector.shape_cast %broadcast_in_dim3A_1596 : vector<16x1xi32> to vector<16xi32>
    %gather3A_1598 = tpu.dynamic_gather %get3A_1578[%gather3A_1597] in [0] : vector<16xi32>, vector<16xi32> -> vector<16xi32>
    %select_n3A_1599 = arith.select %lt3A_54, %gather3A_1588, %gather3A_1598 : vector<16xi1>, vector<16xi32>
    %lt3A_1600 = arith.constant 0 : i32
    %lt3A_1601 = vector.broadcast %lt3A_1600 : i32 to vector<16xi32>
    %lt3A_1602 = arith.cmpi slt, %select_n3A_51, %lt3A_1601 : vector<16xi32>
    %add3A_1603 = arith.constant 16 : i32
    %add3A_1604 = vector.broadcast %add3A_1603 : i32 to vector<16xi32>
    %add3A_1605 = arith.addi %select_n3A_51, %add3A_1604 : vector<16xi32>
    %select_n3A_1606 = arith.select %lt3A_1602, %add3A_1605, %select_n3A_51 : vector<16xi1>, vector<16xi32>
    %broadcast_in_dim3A_1607 = vector.shape_cast %select_n3A_1606 : vector<16xi32> to vector<16x1xi32>
    %gather3A_1608 = vector.shape_cast %broadcast_in_dim3A_1607 : vector<16x1xi32> to vector<16xi32>
    %gather3A_1609 = tpu.dynamic_gather %get3A_1575[%gather3A_1608] in [0] : vector<16xi32>, vector<16xi32> -> vector<16xi32>
    %lt3A_1610 = arith.constant 0 : i32
    %lt3A_1611 = vector.broadcast %lt3A_1610 : i32 to vector<16xi32>
    %lt3A_1612 = arith.cmpi slt, %select_n3A_51, %lt3A_1611 : vector<16xi32>
    %add3A_1613 = arith.constant 16 : i32
    %add3A_1614 = vector.broadcast %add3A_1613 : i32 to vector<16xi32>
    %add3A_1615 = arith.addi %select_n3A_51, %add3A_1614 : vector<16xi32>
    %select_n3A_1616 = arith.select %lt3A_1612, %add3A_1615, %select_n3A_51 : vector<16xi1>, vector<16xi32>
    %broadcast_in_dim3A_1617 = vector.shape_cast %select_n3A_1616 : vector<16xi32> to vector<16x1xi32>
    %gather3A_1618 = vector.shape_cast %broadcast_in_dim3A_1617 : vector<16x1xi32> to vector<16xi32>
    %gather3A_1619 = tpu.dynamic_gather %get3A_1578[%gather3A_1618] in [0] : vector<16xi32>, vector<16xi32> -> vector<16xi32>
    %select_n3A_1620 = arith.select %lt3A_54, %gather3A_1609, %gather3A_1619 : vector<16xi1>, vector<16xi32>
    %swap3A_1621 = arith.constant 416 : index
    %swap3A_1622 = tpu.vector_load %arg6[%swap3A_1621] {strides = array<i32>} : memref<6400xi32, #tpu.memory_space<vmem>>, vector<16xi32>,
    %swap3A_1623 = vector.shape_cast %swap3A_1622 : vector<16xi32> to vector<16xi32>
    %swap3A_1624 = vector.shape_cast %select_n3A_1599 : vector<16xi32> to vector<16xi32>
    tpu.vector_store %arg6[%swap3A_1621], %swap3A_1624 {strides = array<i32>} : memref<6400xi32, #tpu.memory_space<vmem>>, vector<16xi32>,
    %swap3A_1625 = arith.constant 416 : index
    %swap3A_1626 = tpu.vector_load %arg7[%swap3A_1625] {strides = array<i32>} : memref<6400xi32, #tpu.memory_space<vmem>>, vector<16xi32>,
    %swap3A_1627 = vector.shape_cast %swap3A_1626 : vector<16xi32> to vector<16xi32>
    %swap3A_1628 = vector.shape_cast %select_n3A_1620 : vector<16xi32> to vector<16xi32>
    tpu.vector_store %arg7[%swap3A_1625], %swap3A_1628 {strides = array<i32>} : memref<6400xi32, #tpu.memory_space<vmem>>, vector<16xi32>,
    %get3A_1629 = arith.constant 864 : index
    %get3A_1630 = tpu.vector_load %arg5[%get3A_1629] {strides = array<i32>} : memref<12800xi32, #tpu.memory_space<vmem>>, vector<16xi32>,
    %get3A_1631 = vector.shape_cast %get3A_1630 : vector<16xi32> to vector<16xi32>
    %get3A_1632 = arith.constant 880 : index
    %get3A_1633 = tpu.vector_load %arg5[%get3A_1632] {strides = array<i32>} : memref<12800xi32, #tpu.memory_space<vmem>>, vector<16xi32>,
    %get3A_1634 = vector.shape_cast %get3A_1633 : vector<16xi32> to vector<16xi32>
    %lt3A_1635 = arith.constant 0 : i32
    %lt3A_1636 = vector.broadcast %lt3A_1635 : i32 to vector<16xi32>
    %lt3A_1637 = arith.cmpi slt, %select_n3A_23, %lt3A_1636 : vector<16xi32>
    %add3A_1638 = arith.constant 16 : i32
    %add3A_1639 = vector.broadcast %add3A_1638 : i32 to vector<16xi32>
    %add3A_1640 = arith.addi %select_n3A_23, %add3A_1639 : vector<16xi32>
    %select_n3A_1641 = arith.select %lt3A_1637, %add3A_1640, %select_n3A_23 : vector<16xi1>, vector<16xi32>
    %broadcast_in_dim3A_1642 = vector.shape_cast %select_n3A_1641 : vector<16xi32> to vector<16x1xi32>
    %gather3A_1643 = vector.shape_cast %broadcast_in_dim3A_1642 : vector<16x1xi32> to vector<16xi32>
    %gather3A_1644 = tpu.dynamic_gather %get3A_1631[%gather3A_1643] in [0] : vector<16xi32>, vector<16xi32> -> vector<16xi32>
    %lt3A_1645 = arith.constant 0 : i32
    %lt3A_1646 = vector.broadcast %lt3A_1645 : i32 to vector<16xi32>
    %lt3A_1647 = arith.cmpi slt, %select_n3A_23, %lt3A_1646 : vector<16xi32>
    %add3A_1648 = arith.constant 16 : i32
    %add3A_1649 = vector.broadcast %add3A_1648 : i32 to vector<16xi32>
    %add3A_1650 = arith.addi %select_n3A_23, %add3A_1649 : vector<16xi32>
    %select_n3A_1651 = arith.select %lt3A_1647, %add3A_1650, %select_n3A_23 : vector<16xi1>, vector<16xi32>
    %broadcast_in_dim3A_1652 = vector.shape_cast %select_n3A_1651 : vector<16xi32> to vector<16x1xi32>
    %gather3A_1653 = vector.shape_cast %broadcast_in_dim3A_1652 : vector<16x1xi32> to vector<16xi32>
    %gather3A_1654 = tpu.dynamic_gather %get3A_1634[%gather3A_1653] in [0] : vector<16xi32>, vector<16xi32> -> vector<16xi32>
    %select_n3A_1655 = arith.select %lt3A_54, %gather3A_1644, %gather3A_1654 : vector<16xi1>, vector<16xi32>
    %lt3A_1656 = arith.constant 0 : i32
    %lt3A_1657 = vector.broadcast %lt3A_1656 : i32 to vector<16xi32>
    %lt3A_1658 = arith.cmpi slt, %select_n3A_51, %lt3A_1657 : vector<16xi32>
    %add3A_1659 = arith.constant 16 : i32
    %add3A_1660 = vector.broadcast %add3A_1659 : i32 to vector<16xi32>
    %add3A_1661 = arith.addi %select_n3A_51, %add3A_1660 : vector<16xi32>
    %select_n3A_1662 = arith.select %lt3A_1658, %add3A_1661, %select_n3A_51 : vector<16xi1>, vector<16xi32>
    %broadcast_in_dim3A_1663 = vector.shape_cast %select_n3A_1662 : vector<16xi32> to vector<16x1xi32>
    %gather3A_1664 = vector.shape_cast %broadcast_in_dim3A_1663 : vector<16x1xi32> to vector<16xi32>
    %gather3A_1665 = tpu.dynamic_gather %get3A_1631[%gather3A_1664] in [0] : vector<16xi32>, vector<16xi32> -> vector<16xi32>
    %lt3A_1666 = arith.constant 0 : i32
    %lt3A_1667 = vector.broadcast %lt3A_1666 : i32 to vector<16xi32>
    %lt3A_1668 = arith.cmpi slt, %select_n3A_51, %lt3A_1667 : vector<16xi32>
    %add3A_1669 = arith.constant 16 : i32
    %add3A_1670 = vector.broadcast %add3A_1669 : i32 to vector<16xi32>
    %add3A_1671 = arith.addi %select_n3A_51, %add3A_1670 : vector<16xi32>
    %select_n3A_1672 = arith.select %lt3A_1668, %add3A_1671, %select_n3A_51 : vector<16xi1>, vector<16xi32>
    %broadcast_in_dim3A_1673 = vector.shape_cast %select_n3A_1672 : vector<16xi32> to vector<16x1xi32>
    %gather3A_1674 = vector.shape_cast %broadcast_in_dim3A_1673 : vector<16x1xi32> to vector<16xi32>
    %gather3A_1675 = tpu.dynamic_gather %get3A_1634[%gather3A_1674] in [0] : vector<16xi32>, vector<16xi32> -> vector<16xi32>
    %select_n3A_1676 = arith.select %lt3A_54, %gather3A_1665, %gather3A_1675 : vector<16xi1>, vector<16xi32>
    %swap3A_1677 = arith.constant 432 : index
    %swap3A_1678 = tpu.vector_load %arg6[%swap3A_1677] {strides = array<i32>} : memref<6400xi32, #tpu.memory_space<vmem>>, vector<16xi32>,
    %swap3A_1679 = vector.shape_cast %swap3A_1678 : vector<16xi32> to vector<16xi32>
    %swap3A_1680 = vector.shape_cast %select_n3A_1655 : vector<16xi32> to vector<16xi32>
    tpu.vector_store %arg6[%swap3A_1677], %swap3A_1680 {strides = array<i32>} : memref<6400xi32, #tpu.memory_space<vmem>>, vector<16xi32>,
    %swap3A_1681 = arith.constant 432 : index
    %swap3A_1682 = tpu.vector_load %arg7[%swap3A_1681] {strides = array<i32>} : memref<6400xi32, #tpu.memory_space<vmem>>, vector<16xi32>,
    %swap3A_1683 = vector.shape_cast %swap3A_1682 : vector<16xi32> to vector<16xi32>
    %swap3A_1684 = vector.shape_cast %select_n3A_1676 : vector<16xi32> to vector<16xi32>
    tpu.vector_store %arg7[%swap3A_1681], %swap3A_1684 {strides = array<i32>} : memref<6400xi32, #tpu.memory_space<vmem>>, vector<16xi32>,
    %get3A_1685 = arith.constant 896 : index
    %get3A_1686 = tpu.vector_load %arg5[%get3A_1685] {strides = array<i32>} : memref<12800xi32, #tpu.memory_space<vmem>>, vector<16xi32>,
    %get3A_1687 = vector.shape_cast %get3A_1686 : vector<16xi32> to vector<16xi32>
    %get3A_1688 = arith.constant 912 : index
    %get3A_1689 = tpu.vector_load %arg5[%get3A_1688] {strides = array<i32>} : memref<12800xi32, #tpu.memory_space<vmem>>, vector<16xi32>,
    %get3A_1690 = vector.shape_cast %get3A_1689 : vector<16xi32> to vector<16xi32>
    %lt3A_1691 = arith.constant 0 : i32
    %lt3A_1692 = vector.broadcast %lt3A_1691 : i32 to vector<16xi32>
    %lt3A_1693 = arith.cmpi slt, %select_n3A_23, %lt3A_1692 : vector<16xi32>
    %add3A_1694 = arith.constant 16 : i32
    %add3A_1695 = vector.broadcast %add3A_1694 : i32 to vector<16xi32>
    %add3A_1696 = arith.addi %select_n3A_23, %add3A_1695 : vector<16xi32>
    %select_n3A_1697 = arith.select %lt3A_1693, %add3A_1696, %select_n3A_23 : vector<16xi1>, vector<16xi32>
    %broadcast_in_dim3A_1698 = vector.shape_cast %select_n3A_1697 : vector<16xi32> to vector<16x1xi32>
    %gather3A_1699 = vector.shape_cast %broadcast_in_dim3A_1698 : vector<16x1xi32> to vector<16xi32>
    %gather3A_1700 = tpu.dynamic_gather %get3A_1687[%gather3A_1699] in [0] : vector<16xi32>, vector<16xi32> -> vector<16xi32>
    %lt3A_1701 = arith.constant 0 : i32
    %lt3A_1702 = vector.broadcast %lt3A_1701 : i32 to vector<16xi32>
    %lt3A_1703 = arith.cmpi slt, %select_n3A_23, %lt3A_1702 : vector<16xi32>
    %add3A_1704 = arith.constant 16 : i32
    %add3A_1705 = vector.broadcast %add3A_1704 : i32 to vector<16xi32>
    %add3A_1706 = arith.addi %select_n3A_23, %add3A_1705 : vector<16xi32>
    %select_n3A_1707 = arith.select %lt3A_1703, %add3A_1706, %select_n3A_23 : vector<16xi1>, vector<16xi32>
    %broadcast_in_dim3A_1708 = vector.shape_cast %select_n3A_1707 : vector<16xi32> to vector<16x1xi32>
    %gather3A_1709 = vector.shape_cast %broadcast_in_dim3A_1708 : vector<16x1xi32> to vector<16xi32>
    %gather3A_1710 = tpu.dynamic_gather %get3A_1690[%gather3A_1709] in [0] : vector<16xi32>, vector<16xi32> -> vector<16xi32>
    %select_n3A_1711 = arith.select %lt3A_54, %gather3A_1700, %gather3A_1710 : vector<16xi1>, vector<16xi32>
    %lt3A_1712 = arith.constant 0 : i32
    %lt3A_1713 = vector.broadcast %lt3A_1712 : i32 to vector<16xi32>
    %lt3A_1714 = arith.cmpi slt, %select_n3A_51, %lt3A_1713 : vector<16xi32>
    %add3A_1715 = arith.constant 16 : i32
    %add3A_1716 = vector.broadcast %add3A_1715 : i32 to vector<16xi32>
    %add3A_1717 = arith.addi %select_n3A_51, %add3A_1716 : vector<16xi32>
    %select_n3A_1718 = arith.select %lt3A_1714, %add3A_1717, %select_n3A_51 : vector<16xi1>, vector<16xi32>
    %broadcast_in_dim3A_1719 = vector.shape_cast %select_n3A_1718 : vector<16xi32> to vector<16x1xi32>
    %gather3A_1720 = vector.shape_cast %broadcast_in_dim3A_1719 : vector<16x1xi32> to vector<16xi32>
    %gather3A_1721 = tpu.dynamic_gather %get3A_1687[%gather3A_1720] in [0] : vector<16xi32>, vector<16xi32> -> vector<16xi32>
    %lt3A_1722 = arith.constant 0 : i32
    %lt3A_1723 = vector.broadcast %lt3A_1722 : i32 to vector<16xi32>
    %lt3A_1724 = arith.cmpi slt, %select_n3A_51, %lt3A_1723 : vector<16xi32>
    %add3A_1725 = arith.constant 16 : i32
    %add3A_1726 = vector.broadcast %add3A_1725 : i32 to vector<16xi32>
    %add3A_1727 = arith.addi %select_n3A_51, %add3A_1726 : vector<16xi32>
    %select_n3A_1728 = arith.select %lt3A_1724, %add3A_1727, %select_n3A_51 : vector<16xi1>, vector<16xi32>
    %broadcast_in_dim3A_1729 = vector.shape_cast %select_n3A_1728 : vector<16xi32> to vector<16x1xi32>
    %gather3A_1730 = vector.shape_cast %broadcast_in_dim3A_1729 : vector<16x1xi32> to vector<16xi32>
    %gather3A_1731 = tpu.dynamic_gather %get3A_1690[%gather3A_1730] in [0] : vector<16xi32>, vector<16xi32> -> vector<16xi32>
    %select_n3A_1732 = arith.select %lt3A_54, %gather3A_1721, %gather3A_1731 : vector<16xi1>, vector<16xi32>
    %swap3A_1733 = arith.constant 448 : index
    %swap3A_1734 = tpu.vector_load %arg6[%swap3A_1733] {strides = array<i32>} : memref<6400xi32, #tpu.memory_space<vmem>>, vector<16xi32>,
    %swap3A_1735 = vector.shape_cast %swap3A_1734 : vector<16xi32> to vector<16xi32>
    %swap3A_1736 = vector.shape_cast %select_n3A_1711 : vector<16xi32> to vector<16xi32>
    tpu.vector_store %arg6[%swap3A_1733], %swap3A_1736 {strides = array<i32>} : memref<6400xi32, #tpu.memory_space<vmem>>, vector<16xi32>,
    %swap3A_1737 = arith.constant 448 : index
    %swap3A_1738 = tpu.vector_load %arg7[%swap3A_1737] {strides = array<i32>} : memref<6400xi32, #tpu.memory_space<vmem>>, vector<16xi32>,
    %swap3A_1739 = vector.shape_cast %swap3A_1738 : vector<16xi32> to vector<16xi32>
    %swap3A_1740 = vector.shape_cast %select_n3A_1732 : vector<16xi32> to vector<16xi32>
    tpu.vector_store %arg7[%swap3A_1737], %swap3A_1740 {strides = array<i32>} : memref<6400xi32, #tpu.memory_space<vmem>>, vector<16xi32>,
    %get3A_1741 = arith.constant 928 : index
    %get3A_1742 = tpu.vector_load %arg5[%get3A_1741] {strides = array<i32>} : memref<12800xi32, #tpu.memory_space<vmem>>, vector<16xi32>,
    %get3A_1743 = vector.shape_cast %get3A_1742 : vector<16xi32> to vector<16xi32>
    %get3A_1744 = arith.constant 944 : index
    %get3A_1745 = tpu.vector_load %arg5[%get3A_1744] {strides = array<i32>} : memref<12800xi32, #tpu.memory_space<vmem>>, vector<16xi32>,
    %get3A_1746 = vector.shape_cast %get3A_1745 : vector<16xi32> to vector<16xi32>
    %lt3A_1747 = arith.constant 0 : i32
    %lt3A_1748 = vector.broadcast %lt3A_1747 : i32 to vector<16xi32>
    %lt3A_1749 = arith.cmpi slt, %select_n3A_23, %lt3A_1748 : vector<16xi32>
    %add3A_1750 = arith.constant 16 : i32
    %add3A_1751 = vector.broadcast %add3A_1750 : i32 to vector<16xi32>
    %add3A_1752 = arith.addi %select_n3A_23, %add3A_1751 : vector<16xi32>
    %select_n3A_1753 = arith.select %lt3A_1749, %add3A_1752, %select_n3A_23 : vector<16xi1>, vector<16xi32>
    %broadcast_in_dim3A_1754 = vector.shape_cast %select_n3A_1753 : vector<16xi32> to vector<16x1xi32>
    %gather3A_1755 = vector.shape_cast %broadcast_in_dim3A_1754 : vector<16x1xi32> to vector<16xi32>
    %gather3A_1756 = tpu.dynamic_gather %get3A_1743[%gather3A_1755] in [0] : vector<16xi32>, vector<16xi32> -> vector<16xi32>
    %lt3A_1757 = arith.constant 0 : i32
    %lt3A_1758 = vector.broadcast %lt3A_1757 : i32 to vector<16xi32>
    %lt3A_1759 = arith.cmpi slt, %select_n3A_23, %lt3A_1758 : vector<16xi32>
    %add3A_1760 = arith.constant 16 : i32
    %add3A_1761 = vector.broadcast %add3A_1760 : i32 to vector<16xi32>
    %add3A_1762 = arith.addi %select_n3A_23, %add3A_1761 : vector<16xi32>
    %select_n3A_1763 = arith.select %lt3A_1759, %add3A_1762, %select_n3A_23 : vector<16xi1>, vector<16xi32>
    %broadcast_in_dim3A_1764 = vector.shape_cast %select_n3A_1763 : vector<16xi32> to vector<16x1xi32>
    %gather3A_1765 = vector.shape_cast %broadcast_in_dim3A_1764 : vector<16x1xi32> to vector<16xi32>
    %gather3A_1766 = tpu.dynamic_gather %get3A_1746[%gather3A_1765] in [0] : vector<16xi32>, vector<16xi32> -> vector<16xi32>
    %select_n3A_1767 = arith.select %lt3A_54, %gather3A_1756, %gather3A_1766 : vector<16xi1>, vector<16xi32>
    %lt3A_1768 = arith.constant 0 : i32
    %lt3A_1769 = vector.broadcast %lt3A_1768 : i32 to vector<16xi32>
    %lt3A_1770 = arith.cmpi slt, %select_n3A_51, %lt3A_1769 : vector<16xi32>
    %add3A_1771 = arith.constant 16 : i32
    %add3A_1772 = vector.broadcast %add3A_1771 : i32 to vector<16xi32>
    %add3A_1773 = arith.addi %select_n3A_51, %add3A_1772 : vector<16xi32>
    %select_n3A_1774 = arith.select %lt3A_1770, %add3A_1773, %select_n3A_51 : vector<16xi1>, vector<16xi32>
    %broadcast_in_dim3A_1775 = vector.shape_cast %select_n3A_1774 : vector<16xi32> to vector<16x1xi32>
    %gather3A_1776 = vector.shape_cast %broadcast_in_dim3A_1775 : vector<16x1xi32> to vector<16xi32>
    %gather3A_1777 = tpu.dynamic_gather %get3A_1743[%gather3A_1776] in [0] : vector<16xi32>, vector<16xi32> -> vector<16xi32>
    %lt3A_1778 = arith.constant 0 : i32
    %lt3A_1779 = vector.broadcast %lt3A_1778 : i32 to vector<16xi32>
    %lt3A_1780 = arith.cmpi slt, %select_n3A_51, %lt3A_1779 : vector<16xi32>
    %add3A_1781 = arith.constant 16 : i32
    %add3A_1782 = vector.broadcast %add3A_1781 : i32 to vector<16xi32>
    %add3A_1783 = arith.addi %select_n3A_51, %add3A_1782 : vector<16xi32>
    %select_n3A_1784 = arith.select %lt3A_1780, %add3A_1783, %select_n3A_51 : vector<16xi1>, vector<16xi32>
    %broadcast_in_dim3A_1785 = vector.shape_cast %select_n3A_1784 : vector<16xi32> to vector<16x1xi32>
    %gather3A_1786 = vector.shape_cast %broadcast_in_dim3A_1785 : vector<16x1xi32> to vector<16xi32>
    %gather3A_1787 = tpu.dynamic_gather %get3A_1746[%gather3A_1786] in [0] : vector<16xi32>, vector<16xi32> -> vector<16xi32>
    %select_n3A_1788 = arith.select %lt3A_54, %gather3A_1777, %gather3A_1787 : vector<16xi1>, vector<16xi32>
    %swap3A_1789 = arith.constant 464 : index
    %swap3A_1790 = tpu.vector_load %arg6[%swap3A_1789] {strides = array<i32>} : memref<6400xi32, #tpu.memory_space<vmem>>, vector<16xi32>,
    %swap3A_1791 = vector.shape_cast %swap3A_1790 : vector<16xi32> to vector<16xi32>
    %swap3A_1792 = vector.shape_cast %select_n3A_1767 : vector<16xi32> to vector<16xi32>
    tpu.vector_store %arg6[%swap3A_1789], %swap3A_1792 {strides = array<i32>} : memref<6400xi32, #tpu.memory_space<vmem>>, vector<16xi32>,
    %swap3A_1793 = arith.constant 464 : index
    %swap3A_1794 = tpu.vector_load %arg7[%swap3A_1793] {strides = array<i32>} : memref<6400xi32, #tpu.memory_space<vmem>>, vector<16xi32>,
    %swap3A_1795 = vector.shape_cast %swap3A_1794 : vector<16xi32> to vector<16xi32>
    %swap3A_1796 = vector.shape_cast %select_n3A_1788 : vector<16xi32> to vector<16xi32>
    tpu.vector_store %arg7[%swap3A_1793], %swap3A_1796 {strides = array<i32>} : memref<6400xi32, #tpu.memory_space<vmem>>, vector<16xi32>,
    %get3A_1797 = arith.constant 960 : index
    %get3A_1798 = tpu.vector_load %arg5[%get3A_1797] {strides = array<i32>} : memref<12800xi32, #tpu.memory_space<vmem>>, vector<16xi32>,
    %get3A_1799 = vector.shape_cast %get3A_1798 : vector<16xi32> to vector<16xi32>
    %get3A_1800 = arith.constant 976 : index
    %get3A_1801 = tpu.vector_load %arg5[%get3A_1800] {strides = array<i32>} : memref<12800xi32, #tpu.memory_space<vmem>>, vector<16xi32>,
    %get3A_1802 = vector.shape_cast %get3A_1801 : vector<16xi32> to vector<16xi32>
    %lt3A_1803 = arith.constant 0 : i32
    %lt3A_1804 = vector.broadcast %lt3A_1803 : i32 to vector<16xi32>
    %lt3A_1805 = arith.cmpi slt, %select_n3A_23, %lt3A_1804 : vector<16xi32>
    %add3A_1806 = arith.constant 16 : i32
    %add3A_1807 = vector.broadcast %add3A_1806 : i32 to vector<16xi32>
    %add3A_1808 = arith.addi %select_n3A_23, %add3A_1807 : vector<16xi32>
    %select_n3A_1809 = arith.select %lt3A_1805, %add3A_1808, %select_n3A_23 : vector<16xi1>, vector<16xi32>
    %broadcast_in_dim3A_1810 = vector.shape_cast %select_n3A_1809 : vector<16xi32> to vector<16x1xi32>
    %gather3A_1811 = vector.shape_cast %broadcast_in_dim3A_1810 : vector<16x1xi32> to vector<16xi32>
    %gather3A_1812 = tpu.dynamic_gather %get3A_1799[%gather3A_1811] in [0] : vector<16xi32>, vector<16xi32> -> vector<16xi32>
    %lt3A_1813 = arith.constant 0 : i32
    %lt3A_1814 = vector.broadcast %lt3A_1813 : i32 to vector<16xi32>
    %lt3A_1815 = arith.cmpi slt, %select_n3A_23, %lt3A_1814 : vector<16xi32>
    %add3A_1816 = arith.constant 16 : i32
    %add3A_1817 = vector.broadcast %add3A_1816 : i32 to vector<16xi32>
    %add3A_1818 = arith.addi %select_n3A_23, %add3A_1817 : vector<16xi32>
    %select_n3A_1819 = arith.select %lt3A_1815, %add3A_1818, %select_n3A_23 : vector<16xi1>, vector<16xi32>
    %broadcast_in_dim3A_1820 = vector.shape_cast %select_n3A_1819 : vector<16xi32> to vector<16x1xi32>
    %gather3A_1821 = vector.shape_cast %broadcast_in_dim3A_1820 : vector<16x1xi32> to vector<16xi32>
    %gather3A_1822 = tpu.dynamic_gather %get3A_1802[%gather3A_1821] in [0] : vector<16xi32>, vector<16xi32> -> vector<16xi32>
    %select_n3A_1823 = arith.select %lt3A_54, %gather3A_1812, %gather3A_1822 : vector<16xi1>, vector<16xi32>
    %lt3A_1824 = arith.constant 0 : i32
    %lt3A_1825 = vector.broadcast %lt3A_1824 : i32 to vector<16xi32>
    %lt3A_1826 = arith.cmpi slt, %select_n3A_51, %lt3A_1825 : vector<16xi32>
    %add3A_1827 = arith.constant 16 : i32
    %add3A_1828 = vector.broadcast %add3A_1827 : i32 to vector<16xi32>
    %add3A_1829 = arith.addi %select_n3A_51, %add3A_1828 : vector<16xi32>
    %select_n3A_1830 = arith.select %lt3A_1826, %add3A_1829, %select_n3A_51 : vector<16xi1>, vector<16xi32>
    %broadcast_in_dim3A_1831 = vector.shape_cast %select_n3A_1830 : vector<16xi32> to vector<16x1xi32>
    %gather3A_1832 = vector.shape_cast %broadcast_in_dim3A_1831 : vector<16x1xi32> to vector<16xi32>
    %gather3A_1833 = tpu.dynamic_gather %get3A_1799[%gather3A_1832] in [0] : vector<16xi32>, vector<16xi32> -> vector<16xi32>
    %lt3A_1834 = arith.constant 0 : i32
    %lt3A_1835 = vector.broadcast %lt3A_1834 : i32 to vector<16xi32>
    %lt3A_1836 = arith.cmpi slt, %select_n3A_51, %lt3A_1835 : vector<16xi32>
    %add3A_1837 = arith.constant 16 : i32
    %add3A_1838 = vector.broadcast %add3A_1837 : i32 to vector<16xi32>
    %add3A_1839 = arith.addi %select_n3A_51, %add3A_1838 : vector<16xi32>
    %select_n3A_1840 = arith.select %lt3A_1836, %add3A_1839, %select_n3A_51 : vector<16xi1>, vector<16xi32>
    %broadcast_in_dim3A_1841 = vector.shape_cast %select_n3A_1840 : vector<16xi32> to vector<16x1xi32>
    %gather3A_1842 = vector.shape_cast %broadcast_in_dim3A_1841 : vector<16x1xi32> to vector<16xi32>
    %gather3A_1843 = tpu.dynamic_gather %get3A_1802[%gather3A_1842] in [0] : vector<16xi32>, vector<16xi32> -> vector<16xi32>
    %select_n3A_1844 = arith.select %lt3A_54, %gather3A_1833, %gather3A_1843 : vector<16xi1>, vector<16xi32>
    %swap3A_1845 = arith.constant 480 : index
    %swap3A_1846 = tpu.vector_load %arg6[%swap3A_1845] {strides = array<i32>} : memref<6400xi32, #tpu.memory_space<vmem>>, vector<16xi32>,
    %swap3A_1847 = vector.shape_cast %swap3A_1846 : vector<16xi32> to vector<16xi32>
    %swap3A_1848 = vector.shape_cast %select_n3A_1823 : vector<16xi32> to vector<16xi32>
    tpu.vector_store %arg6[%swap3A_1845], %swap3A_1848 {strides = array<i32>} : memref<6400xi32, #tpu.memory_space<vmem>>, vector<16xi32>,
    %swap3A_1849 = arith.constant 480 : index
    %swap3A_1850 = tpu.vector_load %arg7[%swap3A_1849] {strides = array<i32>} : memref<6400xi32, #tpu.memory_space<vmem>>, vector<16xi32>,
    %swap3A_1851 = vector.shape_cast %swap3A_1850 : vector<16xi32> to vector<16xi32>
    %swap3A_1852 = vector.shape_cast %select_n3A_1844 : vector<16xi32> to vector<16xi32>
    tpu.vector_store %arg7[%swap3A_1849], %swap3A_1852 {strides = array<i32>} : memref<6400xi32, #tpu.memory_space<vmem>>, vector<16xi32>,
    %get3A_1853 = arith.constant 992 : index
    %get3A_1854 = tpu.vector_load %arg5[%get3A_1853] {strides = array<i32>} : memref<12800xi32, #tpu.memory_space<vmem>>, vector<16xi32>,
    %get3A_1855 = vector.shape_cast %get3A_1854 : vector<16xi32> to vector<16xi32>
    %get3A_1856 = arith.constant 1008 : index
    %get3A_1857 = tpu.vector_load %arg5[%get3A_1856] {strides = array<i32>} : memref<12800xi32, #tpu.memory_space<vmem>>, vector<16xi32>,
    %get3A_1858 = vector.shape_cast %get3A_1857 : vector<16xi32> to vector<16xi32>
    %lt3A_1859 = arith.constant 0 : i32
    %lt3A_1860 = vector.broadcast %lt3A_1859 : i32 to vector<16xi32>
    %lt3A_1861 = arith.cmpi slt, %select_n3A_23, %lt3A_1860 : vector<16xi32>
    %add3A_1862 = arith.constant 16 : i32
    %add3A_1863 = vector.broadcast %add3A_1862 : i32 to vector<16xi32>
    %add3A_1864 = arith.addi %select_n3A_23, %add3A_1863 : vector<16xi32>
    %select_n3A_1865 = arith.select %lt3A_1861, %add3A_1864, %select_n3A_23 : vector<16xi1>, vector<16xi32>
    %broadcast_in_dim3A_1866 = vector.shape_cast %select_n3A_1865 : vector<16xi32> to vector<16x1xi32>
    %gather3A_1867 = vector.shape_cast %broadcast_in_dim3A_1866 : vector<16x1xi32> to vector<16xi32>
    %gather3A_1868 = tpu.dynamic_gather %get3A_1855[%gather3A_1867] in [0] : vector<16xi32>, vector<16xi32> -> vector<16xi32>
    %lt3A_1869 = arith.constant 0 : i32
    %lt3A_1870 = vector.broadcast %lt3A_1869 : i32 to vector<16xi32>
    %lt3A_1871 = arith.cmpi slt, %select_n3A_23, %lt3A_1870 : vector<16xi32>
    %add3A_1872 = arith.constant 16 : i32
    %add3A_1873 = vector.broadcast %add3A_1872 : i32 to vector<16xi32>
    %add3A_1874 = arith.addi %select_n3A_23, %add3A_1873 : vector<16xi32>
    %select_n3A_1875 = arith.select %lt3A_1871, %add3A_1874, %select_n3A_23 : vector<16xi1>, vector<16xi32>
    %broadcast_in_dim3A_1876 = vector.shape_cast %select_n3A_1875 : vector<16xi32> to vector<16x1xi32>
    %gather3A_1877 = vector.shape_cast %broadcast_in_dim3A_1876 : vector<16x1xi32> to vector<16xi32>
    %gather3A_1878 = tpu.dynamic_gather %get3A_1858[%gather3A_1877] in [0] : vector<16xi32>, vector<16xi32> -> vector<16xi32>
    %select_n3A_1879 = arith.select %lt3A_54, %gather3A_1868, %gather3A_1878 : vector<16xi1>, vector<16xi32>
    %lt3A_1880 = arith.constant 0 : i32
    %lt3A_1881 = vector.broadcast %lt3A_1880 : i32 to vector<16xi32>
    %lt3A_1882 = arith.cmpi slt, %select_n3A_51, %lt3A_1881 : vector<16xi32>
    %add3A_1883 = arith.constant 16 : i32
    %add3A_1884 = vector.broadcast %add3A_1883 : i32 to vector<16xi32>
    %add3A_1885 = arith.addi %select_n3A_51, %add3A_1884 : vector<16xi32>
    %select_n3A_1886 = arith.select %lt3A_1882, %add3A_1885, %select_n3A_51 : vector<16xi1>, vector<16xi32>
    %broadcast_in_dim3A_1887 = vector.shape_cast %select_n3A_1886 : vector<16xi32> to vector<16x1xi32>
    %gather3A_1888 = vector.shape_cast %broadcast_in_dim3A_1887 : vector<16x1xi32> to vector<16xi32>
    %gather3A_1889 = tpu.dynamic_gather %get3A_1855[%gather3A_1888] in [0] : vector<16xi32>, vector<16xi32> -> vector<16xi32>
    %lt3A_1890 = arith.constant 0 : i32
    %lt3A_1891 = vector.broadcast %lt3A_1890 : i32 to vector<16xi32>
    %lt3A_1892 = arith.cmpi slt, %select_n3A_51, %lt3A_1891 : vector<16xi32>
    %add3A_1893 = arith.constant 16 : i32
    %add3A_1894 = vector.broadcast %add3A_1893 : i32 to vector<16xi32>
    %add3A_1895 = arith.addi %select_n3A_51, %add3A_1894 : vector<16xi32>
    %select_n3A_1896 = arith.select %lt3A_1892, %add3A_1895, %select_n3A_51 : vector<16xi1>, vector<16xi32>
    %broadcast_in_dim3A_1897 = vector.shape_cast %select_n3A_1896 : vector<16xi32> to vector<16x1xi32>
    %gather3A_1898 = vector.shape_cast %broadcast_in_dim3A_1897 : vector<16x1xi32> to vector<16xi32>
    %gather3A_1899 = tpu.dynamic_gather %get3A_1858[%gather3A_1898] in [0] : vector<16xi32>, vector<16xi32> -> vector<16xi32>
    %select_n3A_1900 = arith.select %lt3A_54, %gather3A_1889, %gather3A_1899 : vector<16xi1>, vector<16xi32>
    %swap3A_1901 = arith.constant 496 : index
    %swap3A_1902 = tpu.vector_load %arg6[%swap3A_1901] {strides = array<i32>} : memref<6400xi32, #tpu.memory_space<vmem>>, vector<16xi32>,
    %swap3A_1903 = vector.shape_cast %swap3A_1902 : vector<16xi32> to vector<16xi32>
    %swap3A_1904 = vector.shape_cast %select_n3A_1879 : vector<16xi32> to vector<16xi32>
    tpu.vector_store %arg6[%swap3A_1901], %swap3A_1904 {strides = array<i32>} : memref<6400xi32, #tpu.memory_space<vmem>>, vector<16xi32>,
    %swap3A_1905 = arith.constant 496 : index
    %swap3A_1906 = tpu.vector_load %arg7[%swap3A_1905] {strides = array<i32>} : memref<6400xi32, #tpu.memory_space<vmem>>, vector<16xi32>,
    %swap3A_1907 = vector.shape_cast %swap3A_1906 : vector<16xi32> to vector<16xi32>
    %swap3A_1908 = vector.shape_cast %select_n3A_1900 : vector<16xi32> to vector<16xi32>
    tpu.vector_store %arg7[%swap3A_1905], %swap3A_1908 {strides = array<i32>} : memref<6400xi32, #tpu.memory_space<vmem>>, vector<16xi32>,
    %dma_start3A_1909 = arith.constant 3 : i32
    %dma_start3A_1910 = arith.constant 384 : i32
    %dma_start3A_1911 = arith.constant 0 : i32
    %dma_start3A_1912 = tpu.memref_slice %arg8[%dma_start3A_1910, %dma_start3A_1911] : memref<768x64xf32, #tpu.memory_space<vmem>> -> memref<128x64xf32, #tpu.memory_space<vmem>>
    %dma_start3A_1913 = arith.constant 384 : i32
    %dma_start3A_1914 = tpu.memref_slice %arg6[%dma_start3A_1913] : memref<6400xi32, #tpu.memory_space<vmem>> -> memref<128xi32, #tpu.memory_space<vmem>>
    %dma_start3A_1915 = arith.constant 0 : i32
    %dma_start3A_1916 = arith.constant 0 : i32
    %dma_start3A_1917 = tpu.memref_slice %arg3[%dma_start3A_1915, %dma_start3A_1916] : memref<100000x64xf32, #tpu.memory_space<hbm>> -> memref<100000x64xf32, #tpu.memory_space<hbm>>
    %dma_start3A_1918 = tpu.memref_slice %arg10[%dma_start3A_1909] : memref<6x!tpu.dma_semaphore, #tpu.memory_space<semaphore_mem>> -> memref<1x!tpu.dma_semaphore, #tpu.memory_space<semaphore_mem>>
    %dma_start3A_1919 = tpu.memref_squeeze %dma_start3A_1918 : memref<1x!tpu.dma_semaphore, #tpu.memory_space<semaphore_mem>> -> memref<!tpu.dma_semaphore, #tpu.memory_space<semaphore_mem>>
    tpu.enqueue_indirect_dma source(%dma_start3A_1917 : memref<100000x64xf32, #tpu.memory_space<hbm>>) target(%dma_start3A_1912 : memref<128x64xf32, #tpu.memory_space<vmem>>) offsets(%dma_start3A_1914 : memref<128xi32, #tpu.memory_space<vmem>>) semaphore(%dma_start3A_1919 : memref<!tpu.dma_semaphore, #tpu.memory_space<semaphore_mem>>)
    %dma_start3A_1920 = arith.constant 3 : i32
    %dma_start3A_1921 = arith.constant 384 : i32
    %dma_start3A_1922 = arith.constant 0 : i32
    %dma_start3A_1923 = tpu.memref_slice %arg9[%dma_start3A_1921, %dma_start3A_1922] : memref<768x64xf32, #tpu.memory_space<vmem>> -> memref<128x64xf32, #tpu.memory_space<vmem>>
    %dma_start3A_1924 = arith.constant 384 : i32
    %dma_start3A_1925 = tpu.memref_slice %arg7[%dma_start3A_1924] : memref<6400xi32, #tpu.memory_space<vmem>> -> memref<128xi32, #tpu.memory_space<vmem>>
    %dma_start3A_1926 = arith.constant 0 : i32
    %dma_start3A_1927 = arith.constant 0 : i32
    %dma_start3A_1928 = tpu.memref_slice %arg3[%dma_start3A_1926, %dma_start3A_1927] : memref<100000x64xf32, #tpu.memory_space<hbm>> -> memref<100000x64xf32, #tpu.memory_space<hbm>>
    %dma_start3A_1929 = tpu.memref_slice %arg11[%dma_start3A_1920] : memref<6x!tpu.dma_semaphore, #tpu.memory_space<semaphore_mem>> -> memref<1x!tpu.dma_semaphore, #tpu.memory_space<semaphore_mem>>
    %dma_start3A_1930 = tpu.memref_squeeze %dma_start3A_1929 : memref<1x!tpu.dma_semaphore, #tpu.memory_space<semaphore_mem>> -> memref<!tpu.dma_semaphore, #tpu.memory_space<semaphore_mem>>
    tpu.enqueue_indirect_dma source(%dma_start3A_1928 : memref<100000x64xf32, #tpu.memory_space<hbm>>) target(%dma_start3A_1923 : memref<128x64xf32, #tpu.memory_space<vmem>>) offsets(%dma_start3A_1925 : memref<128xi32, #tpu.memory_space<vmem>>) semaphore(%dma_start3A_1930 : memref<!tpu.dma_semaphore, #tpu.memory_space<semaphore_mem>>)
    %get3A_1931 = arith.constant 1024 : index
    %get3A_1932 = tpu.vector_load %arg5[%get3A_1931] {strides = array<i32>} : memref<12800xi32, #tpu.memory_space<vmem>>, vector<16xi32>,
    %get3A_1933 = vector.shape_cast %get3A_1932 : vector<16xi32> to vector<16xi32>
    %get3A_1934 = arith.constant 1040 : index
    %get3A_1935 = tpu.vector_load %arg5[%get3A_1934] {strides = array<i32>} : memref<12800xi32, #tpu.memory_space<vmem>>, vector<16xi32>,
    %get3A_1936 = vector.shape_cast %get3A_1935 : vector<16xi32> to vector<16xi32>
    %lt3A_1937 = arith.constant 0 : i32
    %lt3A_1938 = vector.broadcast %lt3A_1937 : i32 to vector<16xi32>
    %lt3A_1939 = arith.cmpi slt, %select_n3A_23, %lt3A_1938 : vector<16xi32>
    %add3A_1940 = arith.constant 16 : i32
    %add3A_1941 = vector.broadcast %add3A_1940 : i32 to vector<16xi32>
    %add3A_1942 = arith.addi %select_n3A_23, %add3A_1941 : vector<16xi32>
    %select_n3A_1943 = arith.select %lt3A_1939, %add3A_1942, %select_n3A_23 : vector<16xi1>, vector<16xi32>
    %broadcast_in_dim3A_1944 = vector.shape_cast %select_n3A_1943 : vector<16xi32> to vector<16x1xi32>
    %gather3A_1945 = vector.shape_cast %broadcast_in_dim3A_1944 : vector<16x1xi32> to vector<16xi32>
    %gather3A_1946 = tpu.dynamic_gather %get3A_1933[%gather3A_1945] in [0] : vector<16xi32>, vector<16xi32> -> vector<16xi32>
    %lt3A_1947 = arith.constant 0 : i32
    %lt3A_1948 = vector.broadcast %lt3A_1947 : i32 to vector<16xi32>
    %lt3A_1949 = arith.cmpi slt, %select_n3A_23, %lt3A_1948 : vector<16xi32>
    %add3A_1950 = arith.constant 16 : i32
    %add3A_1951 = vector.broadcast %add3A_1950 : i32 to vector<16xi32>
    %add3A_1952 = arith.addi %select_n3A_23, %add3A_1951 : vector<16xi32>
    %select_n3A_1953 = arith.select %lt3A_1949, %add3A_1952, %select_n3A_23 : vector<16xi1>, vector<16xi32>
    %broadcast_in_dim3A_1954 = vector.shape_cast %select_n3A_1953 : vector<16xi32> to vector<16x1xi32>
    %gather3A_1955 = vector.shape_cast %broadcast_in_dim3A_1954 : vector<16x1xi32> to vector<16xi32>
    %gather3A_1956 = tpu.dynamic_gather %get3A_1936[%gather3A_1955] in [0] : vector<16xi32>, vector<16xi32> -> vector<16xi32>
    %select_n3A_1957 = arith.select %lt3A_54, %gather3A_1946, %gather3A_1956 : vector<16xi1>, vector<16xi32>
    %lt3A_1958 = arith.constant 0 : i32
    %lt3A_1959 = vector.broadcast %lt3A_1958 : i32 to vector<16xi32>
    %lt3A_1960 = arith.cmpi slt, %select_n3A_51, %lt3A_1959 : vector<16xi32>
    %add3A_1961 = arith.constant 16 : i32
    %add3A_1962 = vector.broadcast %add3A_1961 : i32 to vector<16xi32>
    %add3A_1963 = arith.addi %select_n3A_51, %add3A_1962 : vector<16xi32>
    %select_n3A_1964 = arith.select %lt3A_1960, %add3A_1963, %select_n3A_51 : vector<16xi1>, vector<16xi32>
    %broadcast_in_dim3A_1965 = vector.shape_cast %select_n3A_1964 : vector<16xi32> to vector<16x1xi32>
    %gather3A_1966 = vector.shape_cast %broadcast_in_dim3A_1965 : vector<16x1xi32> to vector<16xi32>
    %gather3A_1967 = tpu.dynamic_gather %get3A_1933[%gather3A_1966] in [0] : vector<16xi32>, vector<16xi32> -> vector<16xi32>
    %lt3A_1968 = arith.constant 0 : i32
    %lt3A_1969 = vector.broadcast %lt3A_1968 : i32 to vector<16xi32>
    %lt3A_1970 = arith.cmpi slt, %select_n3A_51, %lt3A_1969 : vector<16xi32>
    %add3A_1971 = arith.constant 16 : i32
    %add3A_1972 = vector.broadcast %add3A_1971 : i32 to vector<16xi32>
    %add3A_1973 = arith.addi %select_n3A_51, %add3A_1972 : vector<16xi32>
    %select_n3A_1974 = arith.select %lt3A_1970, %add3A_1973, %select_n3A_51 : vector<16xi1>, vector<16xi32>
    %broadcast_in_dim3A_1975 = vector.shape_cast %select_n3A_1974 : vector<16xi32> to vector<16x1xi32>
    %gather3A_1976 = vector.shape_cast %broadcast_in_dim3A_1975 : vector<16x1xi32> to vector<16xi32>
    %gather3A_1977 = tpu.dynamic_gather %get3A_1936[%gather3A_1976] in [0] : vector<16xi32>, vector<16xi32> -> vector<16xi32>
    %select_n3A_1978 = arith.select %lt3A_54, %gather3A_1967, %gather3A_1977 : vector<16xi1>, vector<16xi32>
    %swap3A_1979 = arith.constant 512 : index
    %swap3A_1980 = tpu.vector_load %arg6[%swap3A_1979] {strides = array<i32>} : memref<6400xi32, #tpu.memory_space<vmem>>, vector<16xi32>,
    %swap3A_1981 = vector.shape_cast %swap3A_1980 : vector<16xi32> to vector<16xi32>
    %swap3A_1982 = vector.shape_cast %select_n3A_1957 : vector<16xi32> to vector<16xi32>
    tpu.vector_store %arg6[%swap3A_1979], %swap3A_1982 {strides = array<i32>} : memref<6400xi32, #tpu.memory_space<vmem>>, vector<16xi32>,
    %swap3A_1983 = arith.constant 512 : index
    %swap3A_1984 = tpu.vector_load %arg7[%swap3A_1983] {strides = array<i32>} : memref<6400xi32, #tpu.memory_space<vmem>>, vector<16xi32>,
    %swap3A_1985 = vector.shape_cast %swap3A_1984 : vector<16xi32> to vector<16xi32>
    %swap3A_1986 = vector.shape_cast %select_n3A_1978 : vector<16xi32> to vector<16xi32>
    tpu.vector_store %arg7[%swap3A_1983], %swap3A_1986 {strides = array<i32>} : memref<6400xi32, #tpu.memory_space<vmem>>, vector<16xi32>,
    %get3A_1987 = arith.constant 1056 : index
    %get3A_1988 = tpu.vector_load %arg5[%get3A_1987] {strides = array<i32>} : memref<12800xi32, #tpu.memory_space<vmem>>, vector<16xi32>,
    %get3A_1989 = vector.shape_cast %get3A_1988 : vector<16xi32> to vector<16xi32>
    %get3A_1990 = arith.constant 1072 : index
    %get3A_1991 = tpu.vector_load %arg5[%get3A_1990] {strides = array<i32>} : memref<12800xi32, #tpu.memory_space<vmem>>, vector<16xi32>,
    %get3A_1992 = vector.shape_cast %get3A_1991 : vector<16xi32> to vector<16xi32>
    %lt3A_1993 = arith.constant 0 : i32
    %lt3A_1994 = vector.broadcast %lt3A_1993 : i32 to vector<16xi32>
    %lt3A_1995 = arith.cmpi slt, %select_n3A_23, %lt3A_1994 : vector<16xi32>
    %add3A_1996 = arith.constant 16 : i32
    %add3A_1997 = vector.broadcast %add3A_1996 : i32 to vector<16xi32>
    %add3A_1998 = arith.addi %select_n3A_23, %add3A_1997 : vector<16xi32>
    %select_n3A_1999 = arith.select %lt3A_1995, %add3A_1998, %select_n3A_23 : vector<16xi1>, vector<16xi32>
    %broadcast_in_dim3A_2000 = vector.shape_cast %select_n3A_1999 : vector<16xi32> to vector<16x1xi32>
    %gather3A_2001 = vector.shape_cast %broadcast_in_dim3A_2000 : vector<16x1xi32> to vector<16xi32>
    %gather3A_2002 = tpu.dynamic_gather %get3A_1989[%gather3A_2001] in [0] : vector<16xi32>, vector<16xi32> -> vector<16xi32>
    %lt3A_2003 = arith.constant 0 : i32
    %lt3A_2004 = vector.broadcast %lt3A_2003 : i32 to vector<16xi32>
    %lt3A_2005 = arith.cmpi slt, %select_n3A_23, %lt3A_2004 : vector<16xi32>
    %add3A_2006 = arith.constant 16 : i32
    %add3A_2007 = vector.broadcast %add3A_2006 : i32 to vector<16xi32>
    %add3A_2008 = arith.addi %select_n3A_23, %add3A_2007 : vector<16xi32>
    %select_n3A_2009 = arith.select %lt3A_2005, %add3A_2008, %select_n3A_23 : vector<16xi1>, vector<16xi32>
    %broadcast_in_dim3A_2010 = vector.shape_cast %select_n3A_2009 : vector<16xi32> to vector<16x1xi32>
    %gather3A_2011 = vector.shape_cast %broadcast_in_dim3A_2010 : vector<16x1xi32> to vector<16xi32>
    %gather3A_2012 = tpu.dynamic_gather %get3A_1992[%gather3A_2011] in [0] : vector<16xi32>, vector<16xi32> -> vector<16xi32>
    %select_n3A_2013 = arith.select %lt3A_54, %gather3A_2002, %gather3A_2012 : vector<16xi1>, vector<16xi32>
    %lt3A_2014 = arith.constant 0 : i32
    %lt3A_2015 = vector.broadcast %lt3A_2014 : i32 to vector<16xi32>
    %lt3A_2016 = arith.cmpi slt, %select_n3A_51, %lt3A_2015 : vector<16xi32>
    %add3A_2017 = arith.constant 16 : i32
    %add3A_2018 = vector.broadcast %add3A_2017 : i32 to vector<16xi32>
    %add3A_2019 = arith.addi %select_n3A_51, %add3A_2018 : vector<16xi32>
    %select_n3A_2020 = arith.select %lt3A_2016, %add3A_2019, %select_n3A_51 : vector<16xi1>, vector<16xi32>
    %broadcast_in_dim3A_2021 = vector.shape_cast %select_n3A_2020 : vector<16xi32> to vector<16x1xi32>
    %gather3A_2022 = vector.shape_cast %broadcast_in_dim3A_2021 : vector<16x1xi32> to vector<16xi32>
    %gather3A_2023 = tpu.dynamic_gather %get3A_1989[%gather3A_2022] in [0] : vector<16xi32>, vector<16xi32> -> vector<16xi32>
    %lt3A_2024 = arith.constant 0 : i32
    %lt3A_2025 = vector.broadcast %lt3A_2024 : i32 to vector<16xi32>
    %lt3A_2026 = arith.cmpi slt, %select_n3A_51, %lt3A_2025 : vector<16xi32>
    %add3A_2027 = arith.constant 16 : i32
    %add3A_2028 = vector.broadcast %add3A_2027 : i32 to vector<16xi32>
    %add3A_2029 = arith.addi %select_n3A_51, %add3A_2028 : vector<16xi32>
    %select_n3A_2030 = arith.select %lt3A_2026, %add3A_2029, %select_n3A_51 : vector<16xi1>, vector<16xi32>
    %broadcast_in_dim3A_2031 = vector.shape_cast %select_n3A_2030 : vector<16xi32> to vector<16x1xi32>
    %gather3A_2032 = vector.shape_cast %broadcast_in_dim3A_2031 : vector<16x1xi32> to vector<16xi32>
    %gather3A_2033 = tpu.dynamic_gather %get3A_1992[%gather3A_2032] in [0] : vector<16xi32>, vector<16xi32> -> vector<16xi32>
    %select_n3A_2034 = arith.select %lt3A_54, %gather3A_2023, %gather3A_2033 : vector<16xi1>, vector<16xi32>
    %swap3A_2035 = arith.constant 528 : index
    %swap3A_2036 = tpu.vector_load %arg6[%swap3A_2035] {strides = array<i32>} : memref<6400xi32, #tpu.memory_space<vmem>>, vector<16xi32>,
    %swap3A_2037 = vector.shape_cast %swap3A_2036 : vector<16xi32> to vector<16xi32>
    %swap3A_2038 = vector.shape_cast %select_n3A_2013 : vector<16xi32> to vector<16xi32>
    tpu.vector_store %arg6[%swap3A_2035], %swap3A_2038 {strides = array<i32>} : memref<6400xi32, #tpu.memory_space<vmem>>, vector<16xi32>,
    %swap3A_2039 = arith.constant 528 : index
    %swap3A_2040 = tpu.vector_load %arg7[%swap3A_2039] {strides = array<i32>} : memref<6400xi32, #tpu.memory_space<vmem>>, vector<16xi32>,
    %swap3A_2041 = vector.shape_cast %swap3A_2040 : vector<16xi32> to vector<16xi32>
    %swap3A_2042 = vector.shape_cast %select_n3A_2034 : vector<16xi32> to vector<16xi32>
    tpu.vector_store %arg7[%swap3A_2039], %swap3A_2042 {strides = array<i32>} : memref<6400xi32, #tpu.memory_space<vmem>>, vector<16xi32>,
    %get3A_2043 = arith.constant 1088 : index
    %get3A_2044 = tpu.vector_load %arg5[%get3A_2043] {strides = array<i32>} : memref<12800xi32, #tpu.memory_space<vmem>>, vector<16xi32>,
    %get3A_2045 = vector.shape_cast %get3A_2044 : vector<16xi32> to vector<16xi32>
    %get3A_2046 = arith.constant 1104 : index
    %get3A_2047 = tpu.vector_load %arg5[%get3A_2046] {strides = array<i32>} : memref<12800xi32, #tpu.memory_space<vmem>>, vector<16xi32>,
    %get3A_2048 = vector.shape_cast %get3A_2047 : vector<16xi32> to vector<16xi32>
    %lt3A_2049 = arith.constant 0 : i32
    %lt3A_2050 = vector.broadcast %lt3A_2049 : i32 to vector<16xi32>
    %lt3A_2051 = arith.cmpi slt, %select_n3A_23, %lt3A_2050 : vector<16xi32>
    %add3A_2052 = arith.constant 16 : i32
    %add3A_2053 = vector.broadcast %add3A_2052 : i32 to vector<16xi32>
    %add3A_2054 = arith.addi %select_n3A_23, %add3A_2053 : vector<16xi32>
    %select_n3A_2055 = arith.select %lt3A_2051, %add3A_2054, %select_n3A_23 : vector<16xi1>, vector<16xi32>
    %broadcast_in_dim3A_2056 = vector.shape_cast %select_n3A_2055 : vector<16xi32> to vector<16x1xi32>
    %gather3A_2057 = vector.shape_cast %broadcast_in_dim3A_2056 : vector<16x1xi32> to vector<16xi32>
    %gather3A_2058 = tpu.dynamic_gather %get3A_2045[%gather3A_2057] in [0] : vector<16xi32>, vector<16xi32> -> vector<16xi32>
    %lt3A_2059 = arith.constant 0 : i32
    %lt3A_2060 = vector.broadcast %lt3A_2059 : i32 to vector<16xi32>
    %lt3A_2061 = arith.cmpi slt, %select_n3A_23, %lt3A_2060 : vector<16xi32>
    %add3A_2062 = arith.constant 16 : i32
    %add3A_2063 = vector.broadcast %add3A_2062 : i32 to vector<16xi32>
    %add3A_2064 = arith.addi %select_n3A_23, %add3A_2063 : vector<16xi32>
    %select_n3A_2065 = arith.select %lt3A_2061, %add3A_2064, %select_n3A_23 : vector<16xi1>, vector<16xi32>
    %broadcast_in_dim3A_2066 = vector.shape_cast %select_n3A_2065 : vector<16xi32> to vector<16x1xi32>
    %gather3A_2067 = vector.shape_cast %broadcast_in_dim3A_2066 : vector<16x1xi32> to vector<16xi32>
    %gather3A_2068 = tpu.dynamic_gather %get3A_2048[%gather3A_2067] in [0] : vector<16xi32>, vector<16xi32> -> vector<16xi32>
    %select_n3A_2069 = arith.select %lt3A_54, %gather3A_2058, %gather3A_2068 : vector<16xi1>, vector<16xi32>
    %lt3A_2070 = arith.constant 0 : i32
    %lt3A_2071 = vector.broadcast %lt3A_2070 : i32 to vector<16xi32>
    %lt3A_2072 = arith.cmpi slt, %select_n3A_51, %lt3A_2071 : vector<16xi32>
    %add3A_2073 = arith.constant 16 : i32
    %add3A_2074 = vector.broadcast %add3A_2073 : i32 to vector<16xi32>
    %add3A_2075 = arith.addi %select_n3A_51, %add3A_2074 : vector<16xi32>
    %select_n3A_2076 = arith.select %lt3A_2072, %add3A_2075, %select_n3A_51 : vector<16xi1>, vector<16xi32>
    %broadcast_in_dim3A_2077 = vector.shape_cast %select_n3A_2076 : vector<16xi32> to vector<16x1xi32>
    %gather3A_2078 = vector.shape_cast %broadcast_in_dim3A_2077 : vector<16x1xi32> to vector<16xi32>
    %gather3A_2079 = tpu.dynamic_gather %get3A_2045[%gather3A_2078] in [0] : vector<16xi32>, vector<16xi32> -> vector<16xi32>
    %lt3A_2080 = arith.constant 0 : i32
    %lt3A_2081 = vector.broadcast %lt3A_2080 : i32 to vector<16xi32>
    %lt3A_2082 = arith.cmpi slt, %select_n3A_51, %lt3A_2081 : vector<16xi32>
    %add3A_2083 = arith.constant 16 : i32
    %add3A_2084 = vector.broadcast %add3A_2083 : i32 to vector<16xi32>
    %add3A_2085 = arith.addi %select_n3A_51, %add3A_2084 : vector<16xi32>
    %select_n3A_2086 = arith.select %lt3A_2082, %add3A_2085, %select_n3A_51 : vector<16xi1>, vector<16xi32>
    %broadcast_in_dim3A_2087 = vector.shape_cast %select_n3A_2086 : vector<16xi32> to vector<16x1xi32>
    %gather3A_2088 = vector.shape_cast %broadcast_in_dim3A_2087 : vector<16x1xi32> to vector<16xi32>
    %gather3A_2089 = tpu.dynamic_gather %get3A_2048[%gather3A_2088] in [0] : vector<16xi32>, vector<16xi32> -> vector<16xi32>
    %select_n3A_2090 = arith.select %lt3A_54, %gather3A_2079, %gather3A_2089 : vector<16xi1>, vector<16xi32>
    %swap3A_2091 = arith.constant 544 : index
    %swap3A_2092 = tpu.vector_load %arg6[%swap3A_2091] {strides = array<i32>} : memref<6400xi32, #tpu.memory_space<vmem>>, vector<16xi32>,
    %swap3A_2093 = vector.shape_cast %swap3A_2092 : vector<16xi32> to vector<16xi32>
    %swap3A_2094 = vector.shape_cast %select_n3A_2069 : vector<16xi32> to vector<16xi32>
    tpu.vector_store %arg6[%swap3A_2091], %swap3A_2094 {strides = array<i32>} : memref<6400xi32, #tpu.memory_space<vmem>>, vector<16xi32>,
    %swap3A_2095 = arith.constant 544 : index
    %swap3A_2096 = tpu.vector_load %arg7[%swap3A_2095] {strides = array<i32>} : memref<6400xi32, #tpu.memory_space<vmem>>, vector<16xi32>,
    %swap3A_2097 = vector.shape_cast %swap3A_2096 : vector<16xi32> to vector<16xi32>
    %swap3A_2098 = vector.shape_cast %select_n3A_2090 : vector<16xi32> to vector<16xi32>
    tpu.vector_store %arg7[%swap3A_2095], %swap3A_2098 {strides = array<i32>} : memref<6400xi32, #tpu.memory_space<vmem>>, vector<16xi32>,
    %get3A_2099 = arith.constant 1120 : index
    %get3A_2100 = tpu.vector_load %arg5[%get3A_2099] {strides = array<i32>} : memref<12800xi32, #tpu.memory_space<vmem>>, vector<16xi32>,
    %get3A_2101 = vector.shape_cast %get3A_2100 : vector<16xi32> to vector<16xi32>
    %get3A_2102 = arith.constant 1136 : index
    %get3A_2103 = tpu.vector_load %arg5[%get3A_2102] {strides = array<i32>} : memref<12800xi32, #tpu.memory_space<vmem>>, vector<16xi32>,
    %get3A_2104 = vector.shape_cast %get3A_2103 : vector<16xi32> to vector<16xi32>
    %lt3A_2105 = arith.constant 0 : i32
    %lt3A_2106 = vector.broadcast %lt3A_2105 : i32 to vector<16xi32>
    %lt3A_2107 = arith.cmpi slt, %select_n3A_23, %lt3A_2106 : vector<16xi32>
    %add3A_2108 = arith.constant 16 : i32
    %add3A_2109 = vector.broadcast %add3A_2108 : i32 to vector<16xi32>
    %add3A_2110 = arith.addi %select_n3A_23, %add3A_2109 : vector<16xi32>
    %select_n3A_2111 = arith.select %lt3A_2107, %add3A_2110, %select_n3A_23 : vector<16xi1>, vector<16xi32>
    %broadcast_in_dim3A_2112 = vector.shape_cast %select_n3A_2111 : vector<16xi32> to vector<16x1xi32>
    %gather3A_2113 = vector.shape_cast %broadcast_in_dim3A_2112 : vector<16x1xi32> to vector<16xi32>
    %gather3A_2114 = tpu.dynamic_gather %get3A_2101[%gather3A_2113] in [0] : vector<16xi32>, vector<16xi32> -> vector<16xi32>
    %lt3A_2115 = arith.constant 0 : i32
    %lt3A_2116 = vector.broadcast %lt3A_2115 : i32 to vector<16xi32>
    %lt3A_2117 = arith.cmpi slt, %select_n3A_23, %lt3A_2116 : vector<16xi32>
    %add3A_2118 = arith.constant 16 : i32
    %add3A_2119 = vector.broadcast %add3A_2118 : i32 to vector<16xi32>
    %add3A_2120 = arith.addi %select_n3A_23, %add3A_2119 : vector<16xi32>
    %select_n3A_2121 = arith.select %lt3A_2117, %add3A_2120, %select_n3A_23 : vector<16xi1>, vector<16xi32>
    %broadcast_in_dim3A_2122 = vector.shape_cast %select_n3A_2121 : vector<16xi32> to vector<16x1xi32>
    %gather3A_2123 = vector.shape_cast %broadcast_in_dim3A_2122 : vector<16x1xi32> to vector<16xi32>
    %gather3A_2124 = tpu.dynamic_gather %get3A_2104[%gather3A_2123] in [0] : vector<16xi32>, vector<16xi32> -> vector<16xi32>
    %select_n3A_2125 = arith.select %lt3A_54, %gather3A_2114, %gather3A_2124 : vector<16xi1>, vector<16xi32>
    %lt3A_2126 = arith.constant 0 : i32
    %lt3A_2127 = vector.broadcast %lt3A_2126 : i32 to vector<16xi32>
    %lt3A_2128 = arith.cmpi slt, %select_n3A_51, %lt3A_2127 : vector<16xi32>
    %add3A_2129 = arith.constant 16 : i32
    %add3A_2130 = vector.broadcast %add3A_2129 : i32 to vector<16xi32>
    %add3A_2131 = arith.addi %select_n3A_51, %add3A_2130 : vector<16xi32>
    %select_n3A_2132 = arith.select %lt3A_2128, %add3A_2131, %select_n3A_51 : vector<16xi1>, vector<16xi32>
    %broadcast_in_dim3A_2133 = vector.shape_cast %select_n3A_2132 : vector<16xi32> to vector<16x1xi32>
    %gather3A_2134 = vector.shape_cast %broadcast_in_dim3A_2133 : vector<16x1xi32> to vector<16xi32>
    %gather3A_2135 = tpu.dynamic_gather %get3A_2101[%gather3A_2134] in [0] : vector<16xi32>, vector<16xi32> -> vector<16xi32>
    %lt3A_2136 = arith.constant 0 : i32
    %lt3A_2137 = vector.broadcast %lt3A_2136 : i32 to vector<16xi32>
    %lt3A_2138 = arith.cmpi slt, %select_n3A_51, %lt3A_2137 : vector<16xi32>
    %add3A_2139 = arith.constant 16 : i32
    %add3A_2140 = vector.broadcast %add3A_2139 : i32 to vector<16xi32>
    %add3A_2141 = arith.addi %select_n3A_51, %add3A_2140 : vector<16xi32>
    %select_n3A_2142 = arith.select %lt3A_2138, %add3A_2141, %select_n3A_51 : vector<16xi1>, vector<16xi32>
    %broadcast_in_dim3A_2143 = vector.shape_cast %select_n3A_2142 : vector<16xi32> to vector<16x1xi32>
    %gather3A_2144 = vector.shape_cast %broadcast_in_dim3A_2143 : vector<16x1xi32> to vector<16xi32>
    %gather3A_2145 = tpu.dynamic_gather %get3A_2104[%gather3A_2144] in [0] : vector<16xi32>, vector<16xi32> -> vector<16xi32>
    %select_n3A_2146 = arith.select %lt3A_54, %gather3A_2135, %gather3A_2145 : vector<16xi1>, vector<16xi32>
    %swap3A_2147 = arith.constant 560 : index
    %swap3A_2148 = tpu.vector_load %arg6[%swap3A_2147] {strides = array<i32>} : memref<6400xi32, #tpu.memory_space<vmem>>, vector<16xi32>,
    %swap3A_2149 = vector.shape_cast %swap3A_2148 : vector<16xi32> to vector<16xi32>
    %swap3A_2150 = vector.shape_cast %select_n3A_2125 : vector<16xi32> to vector<16xi32>
    tpu.vector_store %arg6[%swap3A_2147], %swap3A_2150 {strides = array<i32>} : memref<6400xi32, #tpu.memory_space<vmem>>, vector<16xi32>,
    %swap3A_2151 = arith.constant 560 : index
    %swap3A_2152 = tpu.vector_load %arg7[%swap3A_2151] {strides = array<i32>} : memref<6400xi32, #tpu.memory_space<vmem>>, vector<16xi32>,
    %swap3A_2153 = vector.shape_cast %swap3A_2152 : vector<16xi32> to vector<16xi32>
    %swap3A_2154 = vector.shape_cast %select_n3A_2146 : vector<16xi32> to vector<16xi32>
    tpu.vector_store %arg7[%swap3A_2151], %swap3A_2154 {strides = array<i32>} : memref<6400xi32, #tpu.memory_space<vmem>>, vector<16xi32>,
    %get3A_2155 = arith.constant 1152 : index
    %get3A_2156 = tpu.vector_load %arg5[%get3A_2155] {strides = array<i32>} : memref<12800xi32, #tpu.memory_space<vmem>>, vector<16xi32>,
    %get3A_2157 = vector.shape_cast %get3A_2156 : vector<16xi32> to vector<16xi32>
    %get3A_2158 = arith.constant 1168 : index
    %get3A_2159 = tpu.vector_load %arg5[%get3A_2158] {strides = array<i32>} : memref<12800xi32, #tpu.memory_space<vmem>>, vector<16xi32>,
    %get3A_2160 = vector.shape_cast %get3A_2159 : vector<16xi32> to vector<16xi32>
    %lt3A_2161 = arith.constant 0 : i32
    %lt3A_2162 = vector.broadcast %lt3A_2161 : i32 to vector<16xi32>
    %lt3A_2163 = arith.cmpi slt, %select_n3A_23, %lt3A_2162 : vector<16xi32>
    %add3A_2164 = arith.constant 16 : i32
    %add3A_2165 = vector.broadcast %add3A_2164 : i32 to vector<16xi32>
    %add3A_2166 = arith.addi %select_n3A_23, %add3A_2165 : vector<16xi32>
    %select_n3A_2167 = arith.select %lt3A_2163, %add3A_2166, %select_n3A_23 : vector<16xi1>, vector<16xi32>
    %broadcast_in_dim3A_2168 = vector.shape_cast %select_n3A_2167 : vector<16xi32> to vector<16x1xi32>
    %gather3A_2169 = vector.shape_cast %broadcast_in_dim3A_2168 : vector<16x1xi32> to vector<16xi32>
    %gather3A_2170 = tpu.dynamic_gather %get3A_2157[%gather3A_2169] in [0] : vector<16xi32>, vector<16xi32> -> vector<16xi32>
    %lt3A_2171 = arith.constant 0 : i32
    %lt3A_2172 = vector.broadcast %lt3A_2171 : i32 to vector<16xi32>
    %lt3A_2173 = arith.cmpi slt, %select_n3A_23, %lt3A_2172 : vector<16xi32>
    %add3A_2174 = arith.constant 16 : i32
    %add3A_2175 = vector.broadcast %add3A_2174 : i32 to vector<16xi32>
    %add3A_2176 = arith.addi %select_n3A_23, %add3A_2175 : vector<16xi32>
    %select_n3A_2177 = arith.select %lt3A_2173, %add3A_2176, %select_n3A_23 : vector<16xi1>, vector<16xi32>
    %broadcast_in_dim3A_2178 = vector.shape_cast %select_n3A_2177 : vector<16xi32> to vector<16x1xi32>
    %gather3A_2179 = vector.shape_cast %broadcast_in_dim3A_2178 : vector<16x1xi32> to vector<16xi32>
    %gather3A_2180 = tpu.dynamic_gather %get3A_2160[%gather3A_2179] in [0] : vector<16xi32>, vector<16xi32> -> vector<16xi32>
    %select_n3A_2181 = arith.select %lt3A_54, %gather3A_2170, %gather3A_2180 : vector<16xi1>, vector<16xi32>
    %lt3A_2182 = arith.constant 0 : i32
    %lt3A_2183 = vector.broadcast %lt3A_2182 : i32 to vector<16xi32>
    %lt3A_2184 = arith.cmpi slt, %select_n3A_51, %lt3A_2183 : vector<16xi32>
    %add3A_2185 = arith.constant 16 : i32
    %add3A_2186 = vector.broadcast %add3A_2185 : i32 to vector<16xi32>
    %add3A_2187 = arith.addi %select_n3A_51, %add3A_2186 : vector<16xi32>
    %select_n3A_2188 = arith.select %lt3A_2184, %add3A_2187, %select_n3A_51 : vector<16xi1>, vector<16xi32>
    %broadcast_in_dim3A_2189 = vector.shape_cast %select_n3A_2188 : vector<16xi32> to vector<16x1xi32>
    %gather3A_2190 = vector.shape_cast %broadcast_in_dim3A_2189 : vector<16x1xi32> to vector<16xi32>
    %gather3A_2191 = tpu.dynamic_gather %get3A_2157[%gather3A_2190] in [0] : vector<16xi32>, vector<16xi32> -> vector<16xi32>
    %lt3A_2192 = arith.constant 0 : i32
    %lt3A_2193 = vector.broadcast %lt3A_2192 : i32 to vector<16xi32>
    %lt3A_2194 = arith.cmpi slt, %select_n3A_51, %lt3A_2193 : vector<16xi32>
    %add3A_2195 = arith.constant 16 : i32
    %add3A_2196 = vector.broadcast %add3A_2195 : i32 to vector<16xi32>
    %add3A_2197 = arith.addi %select_n3A_51, %add3A_2196 : vector<16xi32>
    %select_n3A_2198 = arith.select %lt3A_2194, %add3A_2197, %select_n3A_51 : vector<16xi1>, vector<16xi32>
    %broadcast_in_dim3A_2199 = vector.shape_cast %select_n3A_2198 : vector<16xi32> to vector<16x1xi32>
    %gather3A_2200 = vector.shape_cast %broadcast_in_dim3A_2199 : vector<16x1xi32> to vector<16xi32>
    %gather3A_2201 = tpu.dynamic_gather %get3A_2160[%gather3A_2200] in [0] : vector<16xi32>, vector<16xi32> -> vector<16xi32>
    %select_n3A_2202 = arith.select %lt3A_54, %gather3A_2191, %gather3A_2201 : vector<16xi1>, vector<16xi32>
    %swap3A_2203 = arith.constant 576 : index
    %swap3A_2204 = tpu.vector_load %arg6[%swap3A_2203] {strides = array<i32>} : memref<6400xi32, #tpu.memory_space<vmem>>, vector<16xi32>,
    %swap3A_2205 = vector.shape_cast %swap3A_2204 : vector<16xi32> to vector<16xi32>
    %swap3A_2206 = vector.shape_cast %select_n3A_2181 : vector<16xi32> to vector<16xi32>
    tpu.vector_store %arg6[%swap3A_2203], %swap3A_2206 {strides = array<i32>} : memref<6400xi32, #tpu.memory_space<vmem>>, vector<16xi32>,
    %swap3A_2207 = arith.constant 576 : index
    %swap3A_2208 = tpu.vector_load %arg7[%swap3A_2207] {strides = array<i32>} : memref<6400xi32, #tpu.memory_space<vmem>>, vector<16xi32>,
    %swap3A_2209 = vector.shape_cast %swap3A_2208 : vector<16xi32> to vector<16xi32>
    %swap3A_2210 = vector.shape_cast %select_n3A_2202 : vector<16xi32> to vector<16xi32>
    tpu.vector_store %arg7[%swap3A_2207], %swap3A_2210 {strides = array<i32>} : memref<6400xi32, #tpu.memory_space<vmem>>, vector<16xi32>,
    %get3A_2211 = arith.constant 1184 : index
    %get3A_2212 = tpu.vector_load %arg5[%get3A_2211] {strides = array<i32>} : memref<12800xi32, #tpu.memory_space<vmem>>, vector<16xi32>,
    %get3A_2213 = vector.shape_cast %get3A_2212 : vector<16xi32> to vector<16xi32>
    %get3A_2214 = arith.constant 1200 : index
    %get3A_2215 = tpu.vector_load %arg5[%get3A_2214] {strides = array<i32>} : memref<12800xi32, #tpu.memory_space<vmem>>, vector<16xi32>,
    %get3A_2216 = vector.shape_cast %get3A_2215 : vector<16xi32> to vector<16xi32>
    %lt3A_2217 = arith.constant 0 : i32
    %lt3A_2218 = vector.broadcast %lt3A_2217 : i32 to vector<16xi32>
    %lt3A_2219 = arith.cmpi slt, %select_n3A_23, %lt3A_2218 : vector<16xi32>
    %add3A_2220 = arith.constant 16 : i32
    %add3A_2221 = vector.broadcast %add3A_2220 : i32 to vector<16xi32>
    %add3A_2222 = arith.addi %select_n3A_23, %add3A_2221 : vector<16xi32>
    %select_n3A_2223 = arith.select %lt3A_2219, %add3A_2222, %select_n3A_23 : vector<16xi1>, vector<16xi32>
    %broadcast_in_dim3A_2224 = vector.shape_cast %select_n3A_2223 : vector<16xi32> to vector<16x1xi32>
    %gather3A_2225 = vector.shape_cast %broadcast_in_dim3A_2224 : vector<16x1xi32> to vector<16xi32>
    %gather3A_2226 = tpu.dynamic_gather %get3A_2213[%gather3A_2225] in [0] : vector<16xi32>, vector<16xi32> -> vector<16xi32>
    %lt3A_2227 = arith.constant 0 : i32
    %lt3A_2228 = vector.broadcast %lt3A_2227 : i32 to vector<16xi32>
    %lt3A_2229 = arith.cmpi slt, %select_n3A_23, %lt3A_2228 : vector<16xi32>
    %add3A_2230 = arith.constant 16 : i32
    %add3A_2231 = vector.broadcast %add3A_2230 : i32 to vector<16xi32>
    %add3A_2232 = arith.addi %select_n3A_23, %add3A_2231 : vector<16xi32>
    %select_n3A_2233 = arith.select %lt3A_2229, %add3A_2232, %select_n3A_23 : vector<16xi1>, vector<16xi32>
    %broadcast_in_dim3A_2234 = vector.shape_cast %select_n3A_2233 : vector<16xi32> to vector<16x1xi32>
    %gather3A_2235 = vector.shape_cast %broadcast_in_dim3A_2234 : vector<16x1xi32> to vector<16xi32>
    %gather3A_2236 = tpu.dynamic_gather %get3A_2216[%gather3A_2235] in [0] : vector<16xi32>, vector<16xi32> -> vector<16xi32>
    %select_n3A_2237 = arith.select %lt3A_54, %gather3A_2226, %gather3A_2236 : vector<16xi1>, vector<16xi32>
    %lt3A_2238 = arith.constant 0 : i32
    %lt3A_2239 = vector.broadcast %lt3A_2238 : i32 to vector<16xi32>
    %lt3A_2240 = arith.cmpi slt, %select_n3A_51, %lt3A_2239 : vector<16xi32>
    %add3A_2241 = arith.constant 16 : i32
    %add3A_2242 = vector.broadcast %add3A_2241 : i32 to vector<16xi32>
    %add3A_2243 = arith.addi %select_n3A_51, %add3A_2242 : vector<16xi32>
    %select_n3A_2244 = arith.select %lt3A_2240, %add3A_2243, %select_n3A_51 : vector<16xi1>, vector<16xi32>
    %broadcast_in_dim3A_2245 = vector.shape_cast %select_n3A_2244 : vector<16xi32> to vector<16x1xi32>
    %gather3A_2246 = vector.shape_cast %broadcast_in_dim3A_2245 : vector<16x1xi32> to vector<16xi32>
    %gather3A_2247 = tpu.dynamic_gather %get3A_2213[%gather3A_2246] in [0] : vector<16xi32>, vector<16xi32> -> vector<16xi32>
    %lt3A_2248 = arith.constant 0 : i32
    %lt3A_2249 = vector.broadcast %lt3A_2248 : i32 to vector<16xi32>
    %lt3A_2250 = arith.cmpi slt, %select_n3A_51, %lt3A_2249 : vector<16xi32>
    %add3A_2251 = arith.constant 16 : i32
    %add3A_2252 = vector.broadcast %add3A_2251 : i32 to vector<16xi32>
    %add3A_2253 = arith.addi %select_n3A_51, %add3A_2252 : vector<16xi32>
    %select_n3A_2254 = arith.select %lt3A_2250, %add3A_2253, %select_n3A_51 : vector<16xi1>, vector<16xi32>
    %broadcast_in_dim3A_2255 = vector.shape_cast %select_n3A_2254 : vector<16xi32> to vector<16x1xi32>
    %gather3A_2256 = vector.shape_cast %broadcast_in_dim3A_2255 : vector<16x1xi32> to vector<16xi32>
    %gather3A_2257 = tpu.dynamic_gather %get3A_2216[%gather3A_2256] in [0] : vector<16xi32>, vector<16xi32> -> vector<16xi32>
    %select_n3A_2258 = arith.select %lt3A_54, %gather3A_2247, %gather3A_2257 : vector<16xi1>, vector<16xi32>
    %swap3A_2259 = arith.constant 592 : index
    %swap3A_2260 = tpu.vector_load %arg6[%swap3A_2259] {strides = array<i32>} : memref<6400xi32, #tpu.memory_space<vmem>>, vector<16xi32>,
    %swap3A_2261 = vector.shape_cast %swap3A_2260 : vector<16xi32> to vector<16xi32>
    %swap3A_2262 = vector.shape_cast %select_n3A_2237 : vector<16xi32> to vector<16xi32>
    tpu.vector_store %arg6[%swap3A_2259], %swap3A_2262 {strides = array<i32>} : memref<6400xi32, #tpu.memory_space<vmem>>, vector<16xi32>,
    %swap3A_2263 = arith.constant 592 : index
    %swap3A_2264 = tpu.vector_load %arg7[%swap3A_2263] {strides = array<i32>} : memref<6400xi32, #tpu.memory_space<vmem>>, vector<16xi32>,
    %swap3A_2265 = vector.shape_cast %swap3A_2264 : vector<16xi32> to vector<16xi32>
    %swap3A_2266 = vector.shape_cast %select_n3A_2258 : vector<16xi32> to vector<16xi32>
    tpu.vector_store %arg7[%swap3A_2263], %swap3A_2266 {strides = array<i32>} : memref<6400xi32, #tpu.memory_space<vmem>>, vector<16xi32>,
    %get3A_2267 = arith.constant 1216 : index
    %get3A_2268 = tpu.vector_load %arg5[%get3A_2267] {strides = array<i32>} : memref<12800xi32, #tpu.memory_space<vmem>>, vector<16xi32>,
    %get3A_2269 = vector.shape_cast %get3A_2268 : vector<16xi32> to vector<16xi32>
    %get3A_2270 = arith.constant 1232 : index
    %get3A_2271 = tpu.vector_load %arg5[%get3A_2270] {strides = array<i32>} : memref<12800xi32, #tpu.memory_space<vmem>>, vector<16xi32>,
    %get3A_2272 = vector.shape_cast %get3A_2271 : vector<16xi32> to vector<16xi32>
    %lt3A_2273 = arith.constant 0 : i32
    %lt3A_2274 = vector.broadcast %lt3A_2273 : i32 to vector<16xi32>
    %lt3A_2275 = arith.cmpi slt, %select_n3A_23, %lt3A_2274 : vector<16xi32>
    %add3A_2276 = arith.constant 16 : i32
    %add3A_2277 = vector.broadcast %add3A_2276 : i32 to vector<16xi32>
    %add3A_2278 = arith.addi %select_n3A_23, %add3A_2277 : vector<16xi32>
    %select_n3A_2279 = arith.select %lt3A_2275, %add3A_2278, %select_n3A_23 : vector<16xi1>, vector<16xi32>
    %broadcast_in_dim3A_2280 = vector.shape_cast %select_n3A_2279 : vector<16xi32> to vector<16x1xi32>
    %gather3A_2281 = vector.shape_cast %broadcast_in_dim3A_2280 : vector<16x1xi32> to vector<16xi32>
    %gather3A_2282 = tpu.dynamic_gather %get3A_2269[%gather3A_2281] in [0] : vector<16xi32>, vector<16xi32> -> vector<16xi32>
    %lt3A_2283 = arith.constant 0 : i32
    %lt3A_2284 = vector.broadcast %lt3A_2283 : i32 to vector<16xi32>
    %lt3A_2285 = arith.cmpi slt, %select_n3A_23, %lt3A_2284 : vector<16xi32>
    %add3A_2286 = arith.constant 16 : i32
    %add3A_2287 = vector.broadcast %add3A_2286 : i32 to vector<16xi32>
    %add3A_2288 = arith.addi %select_n3A_23, %add3A_2287 : vector<16xi32>
    %select_n3A_2289 = arith.select %lt3A_2285, %add3A_2288, %select_n3A_23 : vector<16xi1>, vector<16xi32>
    %broadcast_in_dim3A_2290 = vector.shape_cast %select_n3A_2289 : vector<16xi32> to vector<16x1xi32>
    %gather3A_2291 = vector.shape_cast %broadcast_in_dim3A_2290 : vector<16x1xi32> to vector<16xi32>
    %gather3A_2292 = tpu.dynamic_gather %get3A_2272[%gather3A_2291] in [0] : vector<16xi32>, vector<16xi32> -> vector<16xi32>
    %select_n3A_2293 = arith.select %lt3A_54, %gather3A_2282, %gather3A_2292 : vector<16xi1>, vector<16xi32>
    %lt3A_2294 = arith.constant 0 : i32
    %lt3A_2295 = vector.broadcast %lt3A_2294 : i32 to vector<16xi32>
    %lt3A_2296 = arith.cmpi slt, %select_n3A_51, %lt3A_2295 : vector<16xi32>
    %add3A_2297 = arith.constant 16 : i32
    %add3A_2298 = vector.broadcast %add3A_2297 : i32 to vector<16xi32>
    %add3A_2299 = arith.addi %select_n3A_51, %add3A_2298 : vector<16xi32>
    %select_n3A_2300 = arith.select %lt3A_2296, %add3A_2299, %select_n3A_51 : vector<16xi1>, vector<16xi32>
    %broadcast_in_dim3A_2301 = vector.shape_cast %select_n3A_2300 : vector<16xi32> to vector<16x1xi32>
    %gather3A_2302 = vector.shape_cast %broadcast_in_dim3A_2301 : vector<16x1xi32> to vector<16xi32>
    %gather3A_2303 = tpu.dynamic_gather %get3A_2269[%gather3A_2302] in [0] : vector<16xi32>, vector<16xi32> -> vector<16xi32>
    %lt3A_2304 = arith.constant 0 : i32
    %lt3A_2305 = vector.broadcast %lt3A_2304 : i32 to vector<16xi32>
    %lt3A_2306 = arith.cmpi slt, %select_n3A_51, %lt3A_2305 : vector<16xi32>
    %add3A_2307 = arith.constant 16 : i32
    %add3A_2308 = vector.broadcast %add3A_2307 : i32 to vector<16xi32>
    %add3A_2309 = arith.addi %select_n3A_51, %add3A_2308 : vector<16xi32>
    %select_n3A_2310 = arith.select %lt3A_2306, %add3A_2309, %select_n3A_51 : vector<16xi1>, vector<16xi32>
    %broadcast_in_dim3A_2311 = vector.shape_cast %select_n3A_2310 : vector<16xi32> to vector<16x1xi32>
    %gather3A_2312 = vector.shape_cast %broadcast_in_dim3A_2311 : vector<16x1xi32> to vector<16xi32>
    %gather3A_2313 = tpu.dynamic_gather %get3A_2272[%gather3A_2312] in [0] : vector<16xi32>, vector<16xi32> -> vector<16xi32>
    %select_n3A_2314 = arith.select %lt3A_54, %gather3A_2303, %gather3A_2313 : vector<16xi1>, vector<16xi32>
    %swap3A_2315 = arith.constant 608 : index
    %swap3A_2316 = tpu.vector_load %arg6[%swap3A_2315] {strides = array<i32>} : memref<6400xi32, #tpu.memory_space<vmem>>, vector<16xi32>,
    %swap3A_2317 = vector.shape_cast %swap3A_2316 : vector<16xi32> to vector<16xi32>
    %swap3A_2318 = vector.shape_cast %select_n3A_2293 : vector<16xi32> to vector<16xi32>
    tpu.vector_store %arg6[%swap3A_2315], %swap3A_2318 {strides = array<i32>} : memref<6400xi32, #tpu.memory_space<vmem>>, vector<16xi32>,
    %swap3A_2319 = arith.constant 608 : index
    %swap3A_2320 = tpu.vector_load %arg7[%swap3A_2319] {strides = array<i32>} : memref<6400xi32, #tpu.memory_space<vmem>>, vector<16xi32>,
    %swap3A_2321 = vector.shape_cast %swap3A_2320 : vector<16xi32> to vector<16xi32>
    %swap3A_2322 = vector.shape_cast %select_n3A_2314 : vector<16xi32> to vector<16xi32>
    tpu.vector_store %arg7[%swap3A_2319], %swap3A_2322 {strides = array<i32>} : memref<6400xi32, #tpu.memory_space<vmem>>, vector<16xi32>,
    %get3A_2323 = arith.constant 1248 : index
    %get3A_2324 = tpu.vector_load %arg5[%get3A_2323] {strides = array<i32>} : memref<12800xi32, #tpu.memory_space<vmem>>, vector<16xi32>,
    %get3A_2325 = vector.shape_cast %get3A_2324 : vector<16xi32> to vector<16xi32>
    %get3A_2326 = arith.constant 1264 : index
    %get3A_2327 = tpu.vector_load %arg5[%get3A_2326] {strides = array<i32>} : memref<12800xi32, #tpu.memory_space<vmem>>, vector<16xi32>,
    %get3A_2328 = vector.shape_cast %get3A_2327 : vector<16xi32> to vector<16xi32>
    %lt3A_2329 = arith.constant 0 : i32
    %lt3A_2330 = vector.broadcast %lt3A_2329 : i32 to vector<16xi32>
    %lt3A_2331 = arith.cmpi slt, %select_n3A_23, %lt3A_2330 : vector<16xi32>
    %add3A_2332 = arith.constant 16 : i32
    %add3A_2333 = vector.broadcast %add3A_2332 : i32 to vector<16xi32>
    %add3A_2334 = arith.addi %select_n3A_23, %add3A_2333 : vector<16xi32>
    %select_n3A_2335 = arith.select %lt3A_2331, %add3A_2334, %select_n3A_23 : vector<16xi1>, vector<16xi32>
    %broadcast_in_dim3A_2336 = vector.shape_cast %select_n3A_2335 : vector<16xi32> to vector<16x1xi32>
    %gather3A_2337 = vector.shape_cast %broadcast_in_dim3A_2336 : vector<16x1xi32> to vector<16xi32>
    %gather3A_2338 = tpu.dynamic_gather %get3A_2325[%gather3A_2337] in [0] : vector<16xi32>, vector<16xi32> -> vector<16xi32>
    %lt3A_2339 = arith.constant 0 : i32
    %lt3A_2340 = vector.broadcast %lt3A_2339 : i32 to vector<16xi32>
    %lt3A_2341 = arith.cmpi slt, %select_n3A_23, %lt3A_2340 : vector<16xi32>
    %add3A_2342 = arith.constant 16 : i32
    %add3A_2343 = vector.broadcast %add3A_2342 : i32 to vector<16xi32>
    %add3A_2344 = arith.addi %select_n3A_23, %add3A_2343 : vector<16xi32>
    %select_n3A_2345 = arith.select %lt3A_2341, %add3A_2344, %select_n3A_23 : vector<16xi1>, vector<16xi32>
    %broadcast_in_dim3A_2346 = vector.shape_cast %select_n3A_2345 : vector<16xi32> to vector<16x1xi32>
    %gather3A_2347 = vector.shape_cast %broadcast_in_dim3A_2346 : vector<16x1xi32> to vector<16xi32>
    %gather3A_2348 = tpu.dynamic_gather %get3A_2328[%gather3A_2347] in [0] : vector<16xi32>, vector<16xi32> -> vector<16xi32>
    %select_n3A_2349 = arith.select %lt3A_54, %gather3A_2338, %gather3A_2348 : vector<16xi1>, vector<16xi32>
    %lt3A_2350 = arith.constant 0 : i32
    %lt3A_2351 = vector.broadcast %lt3A_2350 : i32 to vector<16xi32>
    %lt3A_2352 = arith.cmpi slt, %select_n3A_51, %lt3A_2351 : vector<16xi32>
    %add3A_2353 = arith.constant 16 : i32
    %add3A_2354 = vector.broadcast %add3A_2353 : i32 to vector<16xi32>
    %add3A_2355 = arith.addi %select_n3A_51, %add3A_2354 : vector<16xi32>
    %select_n3A_2356 = arith.select %lt3A_2352, %add3A_2355, %select_n3A_51 : vector<16xi1>, vector<16xi32>
    %broadcast_in_dim3A_2357 = vector.shape_cast %select_n3A_2356 : vector<16xi32> to vector<16x1xi32>
    %gather3A_2358 = vector.shape_cast %broadcast_in_dim3A_2357 : vector<16x1xi32> to vector<16xi32>
    %gather3A_2359 = tpu.dynamic_gather %get3A_2325[%gather3A_2358] in [0] : vector<16xi32>, vector<16xi32> -> vector<16xi32>
    %lt3A_2360 = arith.constant 0 : i32
    %lt3A_2361 = vector.broadcast %lt3A_2360 : i32 to vector<16xi32>
    %lt3A_2362 = arith.cmpi slt, %select_n3A_51, %lt3A_2361 : vector<16xi32>
    %add3A_2363 = arith.constant 16 : i32
    %add3A_2364 = vector.broadcast %add3A_2363 : i32 to vector<16xi32>
    %add3A_2365 = arith.addi %select_n3A_51, %add3A_2364 : vector<16xi32>
    %select_n3A_2366 = arith.select %lt3A_2362, %add3A_2365, %select_n3A_51 : vector<16xi1>, vector<16xi32>
    %broadcast_in_dim3A_2367 = vector.shape_cast %select_n3A_2366 : vector<16xi32> to vector<16x1xi32>
    %gather3A_2368 = vector.shape_cast %broadcast_in_dim3A_2367 : vector<16x1xi32> to vector<16xi32>
    %gather3A_2369 = tpu.dynamic_gather %get3A_2328[%gather3A_2368] in [0] : vector<16xi32>, vector<16xi32> -> vector<16xi32>
    %select_n3A_2370 = arith.select %lt3A_54, %gather3A_2359, %gather3A_2369 : vector<16xi1>, vector<16xi32>
    %swap3A_2371 = arith.constant 624 : index
    %swap3A_2372 = tpu.vector_load %arg6[%swap3A_2371] {strides = array<i32>} : memref<6400xi32, #tpu.memory_space<vmem>>, vector<16xi32>,
    %swap3A_2373 = vector.shape_cast %swap3A_2372 : vector<16xi32> to vector<16xi32>
    %swap3A_2374 = vector.shape_cast %select_n3A_2349 : vector<16xi32> to vector<16xi32>
    tpu.vector_store %arg6[%swap3A_2371], %swap3A_2374 {strides = array<i32>} : memref<6400xi32, #tpu.memory_space<vmem>>, vector<16xi32>,
    %swap3A_2375 = arith.constant 624 : index
    %swap3A_2376 = tpu.vector_load %arg7[%swap3A_2375] {strides = array<i32>} : memref<6400xi32, #tpu.memory_space<vmem>>, vector<16xi32>,
    %swap3A_2377 = vector.shape_cast %swap3A_2376 : vector<16xi32> to vector<16xi32>
    %swap3A_2378 = vector.shape_cast %select_n3A_2370 : vector<16xi32> to vector<16xi32>
    tpu.vector_store %arg7[%swap3A_2375], %swap3A_2378 {strides = array<i32>} : memref<6400xi32, #tpu.memory_space<vmem>>, vector<16xi32>,
    %dma_start3A_2379 = arith.constant 4 : i32
    %dma_start3A_2380 = arith.constant 512 : i32
    %dma_start3A_2381 = arith.constant 0 : i32
    %dma_start3A_2382 = tpu.memref_slice %arg8[%dma_start3A_2380, %dma_start3A_2381] : memref<768x64xf32, #tpu.memory_space<vmem>> -> memref<128x64xf32, #tpu.memory_space<vmem>>
    %dma_start3A_2383 = arith.constant 512 : i32
    %dma_start3A_2384 = tpu.memref_slice %arg6[%dma_start3A_2383] : memref<6400xi32, #tpu.memory_space<vmem>> -> memref<128xi32, #tpu.memory_space<vmem>>
    %dma_start3A_2385 = arith.constant 0 : i32
    %dma_start3A_2386 = arith.constant 0 : i32
    %dma_start3A_2387 = tpu.memref_slice %arg3[%dma_start3A_2385, %dma_start3A_2386] : memref<100000x64xf32, #tpu.memory_space<hbm>> -> memref<100000x64xf32, #tpu.memory_space<hbm>>
    %dma_start3A_2388 = tpu.memref_slice %arg10[%dma_start3A_2379] : memref<6x!tpu.dma_semaphore, #tpu.memory_space<semaphore_mem>> -> memref<1x!tpu.dma_semaphore, #tpu.memory_space<semaphore_mem>>
    %dma_start3A_2389 = tpu.memref_squeeze %dma_start3A_2388 : memref<1x!tpu.dma_semaphore, #tpu.memory_space<semaphore_mem>> -> memref<!tpu.dma_semaphore, #tpu.memory_space<semaphore_mem>>
    tpu.enqueue_indirect_dma source(%dma_start3A_2387 : memref<100000x64xf32, #tpu.memory_space<hbm>>) target(%dma_start3A_2382 : memref<128x64xf32, #tpu.memory_space<vmem>>) offsets(%dma_start3A_2384 : memref<128xi32, #tpu.memory_space<vmem>>) semaphore(%dma_start3A_2389 : memref<!tpu.dma_semaphore, #tpu.memory_space<semaphore_mem>>)
    %dma_start3A_2390 = arith.constant 4 : i32
    %dma_start3A_2391 = arith.constant 512 : i32
    %dma_start3A_2392 = arith.constant 0 : i32
    %dma_start3A_2393 = tpu.memref_slice %arg9[%dma_start3A_2391, %dma_start3A_2392] : memref<768x64xf32, #tpu.memory_space<vmem>> -> memref<128x64xf32, #tpu.memory_space<vmem>>
    %dma_start3A_2394 = arith.constant 512 : i32
    %dma_start3A_2395 = tpu.memref_slice %arg7[%dma_start3A_2394] : memref<6400xi32, #tpu.memory_space<vmem>> -> memref<128xi32, #tpu.memory_space<vmem>>
    %dma_start3A_2396 = arith.constant 0 : i32
    %dma_start3A_2397 = arith.constant 0 : i32
    %dma_start3A_2398 = tpu.memref_slice %arg3[%dma_start3A_2396, %dma_start3A_2397] : memref<100000x64xf32, #tpu.memory_space<hbm>> -> memref<100000x64xf32, #tpu.memory_space<hbm>>
    %dma_start3A_2399 = tpu.memref_slice %arg11[%dma_start3A_2390] : memref<6x!tpu.dma_semaphore, #tpu.memory_space<semaphore_mem>> -> memref<1x!tpu.dma_semaphore, #tpu.memory_space<semaphore_mem>>
    %dma_start3A_2400 = tpu.memref_squeeze %dma_start3A_2399 : memref<1x!tpu.dma_semaphore, #tpu.memory_space<semaphore_mem>> -> memref<!tpu.dma_semaphore, #tpu.memory_space<semaphore_mem>>
    tpu.enqueue_indirect_dma source(%dma_start3A_2398 : memref<100000x64xf32, #tpu.memory_space<hbm>>) target(%dma_start3A_2393 : memref<128x64xf32, #tpu.memory_space<vmem>>) offsets(%dma_start3A_2395 : memref<128xi32, #tpu.memory_space<vmem>>) semaphore(%dma_start3A_2400 : memref<!tpu.dma_semaphore, #tpu.memory_space<semaphore_mem>>)
    %scan3A = arith.constant 0 : i32
    %scan3A_2401 = arith.constant 0 : i32
    %scan3A_2402 = arith.constant 50 : i32
    %scan3A_2403 = arith.addi %scan3A_2401, %scan3A_2402 : i32
    %scan3A_2404 = arith.constant 1 : i32
    scf.for %scan3A_2600 = %scan3A_2401 to %scan3A_2403 step %scan3A_2404  : i32 {
      %jit3A_2601 = arith.constant 6 : i32
      %eq3A_2602 = arith.constant 0 : i32
      %eq3A_2603 = arith.cmpi eq, %jit3A_2601, %eq3A_2602 : i32
      %jit3A_2604 = arith.constant 1 : i32
      %select_n3A_2605 = arith.select %eq3A_2603, %jit3A_2604, %jit3A_2601 : i32
      %rem3A_2606 = arith.remsi %scan3A_2600, %select_n3A_2605 : i32
      %ne3A_2607 = arith.constant 0 : i32
      %ne3A_2608 = arith.cmpi ne, %rem3A_2606, %ne3A_2607 : i32
      %lt3A_2609 = arith.constant 0 : i32
      %lt3A_2610 = arith.cmpi slt, %rem3A_2606, %lt3A_2609 : i32
      %lt3A_2611 = arith.constant 0 : i32
      %lt3A_2612 = arith.cmpi slt, %select_n3A_2605, %lt3A_2611 : i32
      %ne3A_2613 = arith.xori %lt3A_2610, %lt3A_2612 : i1
      %and3A_2614 = arith.andi %ne3A_2613, %ne3A_2608 : i1
      %add3A_2615 = arith.addi %rem3A_2606, %select_n3A_2605 : i32
      %select_n3A_2616 = arith.select %and3A_2614, %add3A_2615, %rem3A_2606 : i32
      %mul3A_2617 = arith.constant 128 : i32
      %mul3A_2618 = arith.muli %scan3A_2600, %mul3A_2617 : i32
      %mul3A_2619 = arith.constant 128 : i32
      %mul3A_2620 = arith.muli %select_n3A_2616, %mul3A_2619 : i32
      %dma_wait3A_2621 = arith.constant 0 : i32
      %dma_wait3A_2622 = tpu.memref_slice %arg8[%mul3A_2620, %dma_wait3A_2621] : memref<768x64xf32, #tpu.memory_space<vmem>> -> memref<128x64xf32, #tpu.memory_space<vmem>>
      %dma_wait3A_2623 = tpu.memref_slice %arg6[%mul3A_2618] : memref<6400xi32, #tpu.memory_space<vmem>> -> memref<128xi32, #tpu.memory_space<vmem>>
      %dma_wait3A_2624 = arith.constant 0 : i32
      %dma_wait3A_2625 = arith.constant 0 : i32
      %dma_wait3A_2626 = tpu.memref_slice %arg3[%dma_wait3A_2624, %dma_wait3A_2625] : memref<100000x64xf32, #tpu.memory_space<hbm>> -> memref<100000x64xf32, #tpu.memory_space<hbm>>
      %dma_wait3A_2627 = tpu.memref_slice %arg10[%select_n3A_2616] : memref<6x!tpu.dma_semaphore, #tpu.memory_space<semaphore_mem>> -> memref<1x!tpu.dma_semaphore, #tpu.memory_space<semaphore_mem>>
      %dma_wait3A_2628 = tpu.memref_squeeze %dma_wait3A_2627 : memref<1x!tpu.dma_semaphore, #tpu.memory_space<semaphore_mem>> -> memref<!tpu.dma_semaphore, #tpu.memory_space<semaphore_mem>>
      tpu.wait_indirect_dma semaphore(%dma_wait3A_2628 : memref<!tpu.dma_semaphore, #tpu.memory_space<semaphore_mem>>) src(%dma_wait3A_2626 : memref<100000x64xf32, #tpu.memory_space<hbm>>) dst(%dma_wait3A_2622 : memref<128x64xf32, #tpu.memory_space<vmem>>)
      %mul3A_2629 = arith.constant 128 : i32
      %mul3A_2630 = arith.muli %scan3A_2600, %mul3A_2629 : i32
      %mul3A_2631 = arith.constant 128 : i32
      %mul3A_2632 = arith.muli %select_n3A_2616, %mul3A_2631 : i32
      %dma_wait3A_2633 = arith.constant 0 : i32
      %dma_wait3A_2634 = tpu.memref_slice %arg9[%mul3A_2632, %dma_wait3A_2633] : memref<768x64xf32, #tpu.memory_space<vmem>> -> memref<128x64xf32, #tpu.memory_space<vmem>>
      %dma_wait3A_2635 = tpu.memref_slice %arg7[%mul3A_2630] : memref<6400xi32, #tpu.memory_space<vmem>> -> memref<128xi32, #tpu.memory_space<vmem>>
      %dma_wait3A_2636 = arith.constant 0 : i32
      %dma_wait3A_2637 = arith.constant 0 : i32
      %dma_wait3A_2638 = tpu.memref_slice %arg3[%dma_wait3A_2636, %dma_wait3A_2637] : memref<100000x64xf32, #tpu.memory_space<hbm>> -> memref<100000x64xf32, #tpu.memory_space<hbm>>
      %dma_wait3A_2639 = tpu.memref_slice %arg11[%select_n3A_2616] : memref<6x!tpu.dma_semaphore, #tpu.memory_space<semaphore_mem>> -> memref<1x!tpu.dma_semaphore, #tpu.memory_space<semaphore_mem>>
      %dma_wait3A_2640 = tpu.memref_squeeze %dma_wait3A_2639 : memref<1x!tpu.dma_semaphore, #tpu.memory_space<semaphore_mem>> -> memref<!tpu.dma_semaphore, #tpu.memory_space<semaphore_mem>>
      tpu.wait_indirect_dma semaphore(%dma_wait3A_2640 : memref<!tpu.dma_semaphore, #tpu.memory_space<semaphore_mem>>) src(%dma_wait3A_2638 : memref<100000x64xf32, #tpu.memory_space<hbm>>) dst(%dma_wait3A_2634 : memref<128x64xf32, #tpu.memory_space<vmem>>)
      %mul3A_2641 = arith.constant 128 : i32
      %mul3A_2642 = arith.muli %select_n3A_2616, %mul3A_2641 : i32
      %mul3A_2643 = arith.constant 128 : i32
      %mul3A_2644 = arith.muli %scan3A_2600, %mul3A_2643 : i32
      %add3A_2645 = arith.constant 0 : i32
      %add3A_2646 = arith.addi %mul3A_2644, %add3A_2645 : i32
      %get3A_2647 = arith.index_cast %add3A_2646 : i32 to index
      %get3A_2648 = tpu.vector_load %arg6[%get3A_2647] {strides = array<i32>} : memref<6400xi32, #tpu.memory_space<vmem>>, vector<16xi32>,
      %get3A_2649 = vector.shape_cast %get3A_2648 : vector<16xi32> to vector<16xi32>
      %eq3A_2650 = arith.constant 0 : i32
      %eq3A_2651 = vector.broadcast %eq3A_2650 : i32 to vector<16xi32>
      %eq3A_2652 = arith.cmpi eq, %get3A_2649, %eq3A_2651 : vector<16xi32>
      %add3A_2653 = arith.constant 16 : i32
      %add3A_2654 = arith.addi %mul3A_2644, %add3A_2653 : i32
      %get3A_2655 = arith.index_cast %add3A_2654 : i32 to index
      %get3A_2656 = tpu.vector_load %arg6[%get3A_2655] {strides = array<i32>} : memref<6400xi32, #tpu.memory_space<vmem>>, vector<16xi32>,
      %get3A_2657 = vector.shape_cast %get3A_2656 : vector<16xi32> to vector<16xi32>
      %eq3A_2658 = arith.constant 0 : i32
      %eq3A_2659 = vector.broadcast %eq3A_2658 : i32 to vector<16xi32>
      %eq3A_2660 = arith.cmpi eq, %get3A_2657, %eq3A_2659 : vector<16xi32>
      %or3A = arith.ori %eq3A_2652, %eq3A_2660 : vector<16xi1>
      %add3A_2661 = arith.constant 32 : i32
      %add3A_2662 = arith.addi %mul3A_2644, %add3A_2661 : i32
      %get3A_2663 = arith.index_cast %add3A_2662 : i32 to index
      %get3A_2664 = tpu.vector_load %arg6[%get3A_2663] {strides = array<i32>} : memref<6400xi32, #tpu.memory_space<vmem>>, vector<16xi32>,
      %get3A_2665 = vector.shape_cast %get3A_2664 : vector<16xi32> to vector<16xi32>
      %eq3A_2666 = arith.constant 0 : i32
      %eq3A_2667 = vector.broadcast %eq3A_2666 : i32 to vector<16xi32>
      %eq3A_2668 = arith.cmpi eq, %get3A_2665, %eq3A_2667 : vector<16xi32>
      %or3A_2669 = arith.ori %or3A, %eq3A_2668 : vector<16xi1>
      %add3A_2670 = arith.constant 48 : i32
      %add3A_2671 = arith.addi %mul3A_2644, %add3A_2670 : i32
      %get3A_2672 = arith.index_cast %add3A_2671 : i32 to index
      %get3A_2673 = tpu.vector_load %arg6[%get3A_2672] {strides = array<i32>} : memref<6400xi32, #tpu.memory_space<vmem>>, vector<16xi32>,
      %get3A_2674 = vector.shape_cast %get3A_2673 : vector<16xi32> to vector<16xi32>
      %eq3A_2675 = arith.constant 0 : i32
      %eq3A_2676 = vector.broadcast %eq3A_2675 : i32 to vector<16xi32>
      %eq3A_2677 = arith.cmpi eq, %get3A_2674, %eq3A_2676 : vector<16xi32>
      %or3A_2678 = arith.ori %or3A_2669, %eq3A_2677 : vector<16xi1>
      %add3A_2679 = arith.constant 64 : i32
      %add3A_2680 = arith.addi %mul3A_2644, %add3A_2679 : i32
      %get3A_2681 = arith.index_cast %add3A_2680 : i32 to index
      %get3A_2682 = tpu.vector_load %arg6[%get3A_2681] {strides = array<i32>} : memref<6400xi32, #tpu.memory_space<vmem>>, vector<16xi32>,
      %get3A_2683 = vector.shape_cast %get3A_2682 : vector<16xi32> to vector<16xi32>
      %eq3A_2684 = arith.constant 0 : i32
      %eq3A_2685 = vector.broadcast %eq3A_2684 : i32 to vector<16xi32>
      %eq3A_2686 = arith.cmpi eq, %get3A_2683, %eq3A_2685 : vector<16xi32>
      %or3A_2687 = arith.ori %or3A_2678, %eq3A_2686 : vector<16xi1>
      %add3A_2688 = arith.constant 80 : i32
      %add3A_2689 = arith.addi %mul3A_2644, %add3A_2688 : i32
      %get3A_2690 = arith.index_cast %add3A_2689 : i32 to index
      %get3A_2691 = tpu.vector_load %arg6[%get3A_2690] {strides = array<i32>} : memref<6400xi32, #tpu.memory_space<vmem>>, vector<16xi32>,
      %get3A_2692 = vector.shape_cast %get3A_2691 : vector<16xi32> to vector<16xi32>
      %eq3A_2693 = arith.constant 0 : i32
      %eq3A_2694 = vector.broadcast %eq3A_2693 : i32 to vector<16xi32>
      %eq3A_2695 = arith.cmpi eq, %get3A_2692, %eq3A_2694 : vector<16xi32>
      %or3A_2696 = arith.ori %or3A_2687, %eq3A_2695 : vector<16xi1>
      %add3A_2697 = arith.constant 96 : i32
      %add3A_2698 = arith.addi %mul3A_2644, %add3A_2697 : i32
      %get3A_2699 = arith.index_cast %add3A_2698 : i32 to index
      %get3A_2700 = tpu.vector_load %arg6[%get3A_2699] {strides = array<i32>} : memref<6400xi32, #tpu.memory_space<vmem>>, vector<16xi32>,
      %get3A_2701 = vector.shape_cast %get3A_2700 : vector<16xi32> to vector<16xi32>
      %eq3A_2702 = arith.constant 0 : i32
      %eq3A_2703 = vector.broadcast %eq3A_2702 : i32 to vector<16xi32>
      %eq3A_2704 = arith.cmpi eq, %get3A_2701, %eq3A_2703 : vector<16xi32>
      %or3A_2705 = arith.ori %or3A_2696, %eq3A_2704 : vector<16xi1>
      %add3A_2706 = arith.constant 112 : i32
      %add3A_2707 = arith.addi %mul3A_2644, %add3A_2706 : i32
      %get3A_2708 = arith.index_cast %add3A_2707 : i32 to index
      %get3A_2709 = tpu.vector_load %arg6[%get3A_2708] {strides = array<i32>} : memref<6400xi32, #tpu.memory_space<vmem>>, vector<16xi32>,
      %get3A_2710 = vector.shape_cast %get3A_2709 : vector<16xi32> to vector<16xi32>
      %eq3A_2711 = arith.constant 0 : i32
      %eq3A_2712 = vector.broadcast %eq3A_2711 : i32 to vector<16xi32>
      %eq3A_2713 = arith.cmpi eq, %get3A_2710, %eq3A_2712 : vector<16xi32>
      %or3A_2714 = arith.ori %or3A_2705, %eq3A_2713 : vector<16xi1>
      %jit3A_2715 = arith.constant 1 : i32
      %jit3A_2716 = arith.constant 0 : i32
      %broadcast_in_dim3A_2717 = vector.broadcast %jit3A_2715 : i32 to vector<16xi32>
      %broadcast_in_dim3A_2718 = vector.broadcast %jit3A_2716 : i32 to vector<16xi32>
      %select_n3A_2719 = arith.select %or3A_2714, %broadcast_in_dim3A_2717, %broadcast_in_dim3A_2718 : vector<16xi1>, vector<16xi32>
      %add3A_2720 = arith.constant 8 : i32
      %add3A_2721 = vector.broadcast %add3A_2720 : i32 to vector<16xi32>
      %add3A_2722 = arith.addi %iota3A, %add3A_2721 : vector<16xi32>
      %jit3A_2723 = arith.constant 16 : i32
      %eq3A_2724 = arith.constant 0 : i32
      %eq3A_2725 = arith.cmpi eq, %jit3A_2723, %eq3A_2724 : i32
      %jit3A_2726 = arith.constant 1 : i32
      %select_n3A_2727 = arith.select %eq3A_2725, %jit3A_2726, %jit3A_2723 : i32
      %rem3A_2728 = vector.broadcast %select_n3A_2727 : i32 to vector<16xi32>
      %rem3A_2729 = arith.remsi %add3A_2722, %rem3A_2728 : vector<16xi32>
      %ne3A_2730 = arith.constant 0 : i32
      %ne3A_2731 = vector.broadcast %ne3A_2730 : i32 to vector<16xi32>
      %ne3A_2732 = arith.cmpi ne, %rem3A_2729, %ne3A_2731 : vector<16xi32>
      %lt3A_2733 = arith.constant 0 : i32
      %lt3A_2734 = vector.broadcast %lt3A_2733 : i32 to vector<16xi32>
      %lt3A_2735 = arith.cmpi slt, %rem3A_2729, %lt3A_2734 : vector<16xi32>
      %lt3A_2736 = arith.constant 0 : i32
      %lt3A_2737 = arith.cmpi slt, %select_n3A_2727, %lt3A_2736 : i32
      %ne3A_2738 = vector.broadcast %lt3A_2737 : i1 to vector<16xi1>
      %ne3A_2739 = vector.broadcast %ne3A_2738 : vector<16xi1> to vector<16xi1>
      %ne3A_2740 = arith.xori %lt3A_2735, %ne3A_2739 : vector<16xi1>
      %and3A_2741 = arith.andi %ne3A_2740, %ne3A_2732 : vector<16xi1>
      %add3A_2742 = vector.broadcast %select_n3A_2727 : i32 to vector<16xi32>
      %add3A_2743 = arith.addi %rem3A_2729, %add3A_2742 : vector<16xi32>
      %select_n3A_2744 = arith.select %and3A_2741, %add3A_2743, %rem3A_2729 : vector<16xi1>, vector<16xi32>
      %lt3A_2745 = arith.constant 0 : i32
      %lt3A_2746 = vector.broadcast %lt3A_2745 : i32 to vector<16xi32>
      %lt3A_2747 = arith.cmpi slt, %select_n3A_2744, %lt3A_2746 : vector<16xi32>
      %add3A_2748 = arith.constant 16 : i32
      %add3A_2749 = vector.broadcast %add3A_2748 : i32 to vector<16xi32>
      %add3A_2750 = arith.addi %select_n3A_2744, %add3A_2749 : vector<16xi32>
      %select_n3A_2751 = arith.select %lt3A_2747, %add3A_2750, %select_n3A_2744 : vector<16xi1>, vector<16xi32>
      %broadcast_in_dim3A_2752 = vector.shape_cast %select_n3A_2751 : vector<16xi32> to vector<16x1xi32>
      %gather3A_2753 = vector.shape_cast %broadcast_in_dim3A_2752 : vector<16x1xi32> to vector<16xi32>
      %gather3A_2754 = tpu.dynamic_gather %select_n3A_2719[%gather3A_2753] in [0] : vector<16xi32>, vector<16xi32> -> vector<16xi32>
      %or3A_2755 = arith.ori %select_n3A_2719, %gather3A_2754 : vector<16xi32>
      %add3A_2756 = arith.constant 4 : i32
      %add3A_2757 = vector.broadcast %add3A_2756 : i32 to vector<16xi32>
      %add3A_2758 = arith.addi %iota3A, %add3A_2757 : vector<16xi32>
      %jit3A_2759 = arith.constant 16 : i32
      %eq3A_2760 = arith.constant 0 : i32
      %eq3A_2761 = arith.cmpi eq, %jit3A_2759, %eq3A_2760 : i32
      %jit3A_2762 = arith.constant 1 : i32
      %select_n3A_2763 = arith.select %eq3A_2761, %jit3A_2762, %jit3A_2759 : i32
      %rem3A_2764 = vector.broadcast %select_n3A_2763 : i32 to vector<16xi32>
      %rem3A_2765 = arith.remsi %add3A_2758, %rem3A_2764 : vector<16xi32>
      %ne3A_2766 = arith.constant 0 : i32
      %ne3A_2767 = vector.broadcast %ne3A_2766 : i32 to vector<16xi32>
      %ne3A_2768 = arith.cmpi ne, %rem3A_2765, %ne3A_2767 : vector<16xi32>
      %lt3A_2769 = arith.constant 0 : i32
      %lt3A_2770 = vector.broadcast %lt3A_2769 : i32 to vector<16xi32>
      %lt3A_2771 = arith.cmpi slt, %rem3A_2765, %lt3A_2770 : vector<16xi32>
      %lt3A_2772 = arith.constant 0 : i32
      %lt3A_2773 = arith.cmpi slt, %select_n3A_2763, %lt3A_2772 : i32
      %ne3A_2774 = vector.broadcast %lt3A_2773 : i1 to vector<16xi1>
      %ne3A_2775 = vector.broadcast %ne3A_2774 : vector<16xi1> to vector<16xi1>
      %ne3A_2776 = arith.xori %lt3A_2771, %ne3A_2775 : vector<16xi1>
      %and3A_2777 = arith.andi %ne3A_2776, %ne3A_2768 : vector<16xi1>
      %add3A_2778 = vector.broadcast %select_n3A_2763 : i32 to vector<16xi32>
      %add3A_2779 = arith.addi %rem3A_2765, %add3A_2778 : vector<16xi32>
      %select_n3A_2780 = arith.select %and3A_2777, %add3A_2779, %rem3A_2765 : vector<16xi1>, vector<16xi32>
      %lt3A_2781 = arith.constant 0 : i32
      %lt3A_2782 = vector.broadcast %lt3A_2781 : i32 to vector<16xi32>
      %lt3A_2783 = arith.cmpi slt, %select_n3A_2780, %lt3A_2782 : vector<16xi32>
      %add3A_2784 = arith.constant 16 : i32
      %add3A_2785 = vector.broadcast %add3A_2784 : i32 to vector<16xi32>
      %add3A_2786 = arith.addi %select_n3A_2780, %add3A_2785 : vector<16xi32>
      %select_n3A_2787 = arith.select %lt3A_2783, %add3A_2786, %select_n3A_2780 : vector<16xi1>, vector<16xi32>
      %broadcast_in_dim3A_2788 = vector.shape_cast %select_n3A_2787 : vector<16xi32> to vector<16x1xi32>
      %gather3A_2789 = vector.shape_cast %broadcast_in_dim3A_2788 : vector<16x1xi32> to vector<16xi32>
      %gather3A_2790 = tpu.dynamic_gather %or3A_2755[%gather3A_2789] in [0] : vector<16xi32>, vector<16xi32> -> vector<16xi32>
      %or3A_2791 = arith.ori %or3A_2755, %gather3A_2790 : vector<16xi32>
      %add3A_2792 = arith.constant 2 : i32
      %add3A_2793 = vector.broadcast %add3A_2792 : i32 to vector<16xi32>
      %add3A_2794 = arith.addi %iota3A, %add3A_2793 : vector<16xi32>
      %jit3A_2795 = arith.constant 16 : i32
      %eq3A_2796 = arith.constant 0 : i32
      %eq3A_2797 = arith.cmpi eq, %jit3A_2795, %eq3A_2796 : i32
      %jit3A_2798 = arith.constant 1 : i32
      %select_n3A_2799 = arith.select %eq3A_2797, %jit3A_2798, %jit3A_2795 : i32
      %rem3A_2800 = vector.broadcast %select_n3A_2799 : i32 to vector<16xi32>
      %rem3A_2801 = arith.remsi %add3A_2794, %rem3A_2800 : vector<16xi32>
      %ne3A_2802 = arith.constant 0 : i32
      %ne3A_2803 = vector.broadcast %ne3A_2802 : i32 to vector<16xi32>
      %ne3A_2804 = arith.cmpi ne, %rem3A_2801, %ne3A_2803 : vector<16xi32>
      %lt3A_2805 = arith.constant 0 : i32
      %lt3A_2806 = vector.broadcast %lt3A_2805 : i32 to vector<16xi32>
      %lt3A_2807 = arith.cmpi slt, %rem3A_2801, %lt3A_2806 : vector<16xi32>
      %lt3A_2808 = arith.constant 0 : i32
      %lt3A_2809 = arith.cmpi slt, %select_n3A_2799, %lt3A_2808 : i32
      %ne3A_2810 = vector.broadcast %lt3A_2809 : i1 to vector<16xi1>
      %ne3A_2811 = vector.broadcast %ne3A_2810 : vector<16xi1> to vector<16xi1>
      %ne3A_2812 = arith.xori %lt3A_2807, %ne3A_2811 : vector<16xi1>
      %and3A_2813 = arith.andi %ne3A_2812, %ne3A_2804 : vector<16xi1>
      %add3A_2814 = vector.broadcast %select_n3A_2799 : i32 to vector<16xi32>
      %add3A_2815 = arith.addi %rem3A_2801, %add3A_2814 : vector<16xi32>
      %select_n3A_2816 = arith.select %and3A_2813, %add3A_2815, %rem3A_2801 : vector<16xi1>, vector<16xi32>
      %lt3A_2817 = arith.constant 0 : i32
      %lt3A_2818 = vector.broadcast %lt3A_2817 : i32 to vector<16xi32>
      %lt3A_2819 = arith.cmpi slt, %select_n3A_2816, %lt3A_2818 : vector<16xi32>
      %add3A_2820 = arith.constant 16 : i32
      %add3A_2821 = vector.broadcast %add3A_2820 : i32 to vector<16xi32>
      %add3A_2822 = arith.addi %select_n3A_2816, %add3A_2821 : vector<16xi32>
      %select_n3A_2823 = arith.select %lt3A_2819, %add3A_2822, %select_n3A_2816 : vector<16xi1>, vector<16xi32>
      %broadcast_in_dim3A_2824 = vector.shape_cast %select_n3A_2823 : vector<16xi32> to vector<16x1xi32>
      %gather3A_2825 = vector.shape_cast %broadcast_in_dim3A_2824 : vector<16x1xi32> to vector<16xi32>
      %gather3A_2826 = tpu.dynamic_gather %or3A_2791[%gather3A_2825] in [0] : vector<16xi32>, vector<16xi32> -> vector<16xi32>
      %or3A_2827 = arith.ori %or3A_2791, %gather3A_2826 : vector<16xi32>
      %add3A_2828 = arith.constant 1 : i32
      %add3A_2829 = vector.broadcast %add3A_2828 : i32 to vector<16xi32>
      %add3A_2830 = arith.addi %iota3A, %add3A_2829 : vector<16xi32>
      %jit3A_2831 = arith.constant 16 : i32
      %eq3A_2832 = arith.constant 0 : i32
      %eq3A_2833 = arith.cmpi eq, %jit3A_2831, %eq3A_2832 : i32
      %jit3A_2834 = arith.constant 1 : i32
      %select_n3A_2835 = arith.select %eq3A_2833, %jit3A_2834, %jit3A_2831 : i32
      %rem3A_2836 = vector.broadcast %select_n3A_2835 : i32 to vector<16xi32>
      %rem3A_2837 = arith.remsi %add3A_2830, %rem3A_2836 : vector<16xi32>
      %ne3A_2838 = arith.constant 0 : i32
      %ne3A_2839 = vector.broadcast %ne3A_2838 : i32 to vector<16xi32>
      %ne3A_2840 = arith.cmpi ne, %rem3A_2837, %ne3A_2839 : vector<16xi32>
      %lt3A_2841 = arith.constant 0 : i32
      %lt3A_2842 = vector.broadcast %lt3A_2841 : i32 to vector<16xi32>
      %lt3A_2843 = arith.cmpi slt, %rem3A_2837, %lt3A_2842 : vector<16xi32>
      %lt3A_2844 = arith.constant 0 : i32
      %lt3A_2845 = arith.cmpi slt, %select_n3A_2835, %lt3A_2844 : i32
      %ne3A_2846 = vector.broadcast %lt3A_2845 : i1 to vector<16xi1>
      %ne3A_2847 = vector.broadcast %ne3A_2846 : vector<16xi1> to vector<16xi1>
      %ne3A_2848 = arith.xori %lt3A_2843, %ne3A_2847 : vector<16xi1>
      %and3A_2849 = arith.andi %ne3A_2848, %ne3A_2840 : vector<16xi1>
      %add3A_2850 = vector.broadcast %select_n3A_2835 : i32 to vector<16xi32>
      %add3A_2851 = arith.addi %rem3A_2837, %add3A_2850 : vector<16xi32>
      %select_n3A_2852 = arith.select %and3A_2849, %add3A_2851, %rem3A_2837 : vector<16xi1>, vector<16xi32>
      %lt3A_2853 = arith.constant 0 : i32
      %lt3A_2854 = vector.broadcast %lt3A_2853 : i32 to vector<16xi32>
      %lt3A_2855 = arith.cmpi slt, %select_n3A_2852, %lt3A_2854 : vector<16xi32>
      %add3A_2856 = arith.constant 16 : i32
      %add3A_2857 = vector.broadcast %add3A_2856 : i32 to vector<16xi32>
      %add3A_2858 = arith.addi %select_n3A_2852, %add3A_2857 : vector<16xi32>
      %select_n3A_2859 = arith.select %lt3A_2855, %add3A_2858, %select_n3A_2852 : vector<16xi1>, vector<16xi32>
      %broadcast_in_dim3A_2860 = vector.shape_cast %select_n3A_2859 : vector<16xi32> to vector<16x1xi32>
      %gather3A_2861 = vector.shape_cast %broadcast_in_dim3A_2860 : vector<16x1xi32> to vector<16xi32>
      %gather3A_2862 = tpu.dynamic_gather %or3A_2827[%gather3A_2861] in [0] : vector<16xi32>, vector<16xi32> -> vector<16xi32>
      %or3A_2863 = arith.ori %or3A_2827, %gather3A_2862 : vector<16xi32>
      %slice3A = vector.extract_strided_slice %or3A_2863 {offsets = [0], sizes = [1], strides = [1]} : vector<16xi32> to vector<1xi32>
      %squeeze3A = vector.extract %slice3A[0] : i32 from vector<1xi32>
      %gt3A = arith.constant 0 : i32
      %gt3A_2864 = arith.cmpi sgt, %squeeze3A, %gt3A : i32
      %convert_element_type3A = arith.extui %gt3A_2864 : i1 to i32
      %cond3A = arith.constant 0 : i32
      %cond3A_2865 = arith.cmpi ne, %convert_element_type3A, %cond3A : i32
      scf.if %cond3A_2865 {
        %scan3A_3147 = arith.constant 0 : i32
        %scan3A_3148 = arith.constant 0 : i32
        %scan3A_3149 = arith.constant 8 : i32
        %scan3A_3150 = arith.addi %scan3A_3148, %scan3A_3149 : i32
        %scan3A_3151 = arith.constant 1 : i32
        scf.for %scan3A_3153 = %scan3A_3148 to %scan3A_3150 step %scan3A_3151  : i32 {
          %mul3A_3154 = arith.constant 16 : i32
          %mul3A_3155 = arith.muli %scan3A_3153, %mul3A_3154 : i32
          %add3A_3156 = arith.addi %mul3A_2644, %mul3A_3155 : i32
          %get3A_3157 = arith.index_cast %add3A_3156 : i32 to index
          %get3A_3158 = tpu.vector_load %arg6[%get3A_3157] {strides = array<i32>} : memref<6400xi32, #tpu.memory_space<vmem>>, vector<16xi32>,
          %get3A_3159 = vector.shape_cast %get3A_3158 : vector<16xi32> to vector<16xi32>
          %mul3A_3160 = arith.constant 16 : i32
          %mul3A_3161 = arith.muli %scan3A_3153, %mul3A_3160 : i32
          %add3A_3162 = arith.constant 0 : i32
          %add3A_3163 = arith.addi %mul3A_3161, %add3A_3162 : i32
          %slice3A_3164 = vector.extract_strided_slice %get3A_3159 {offsets = [0], sizes = [1], strides = [1]} : vector<16xi32> to vector<1xi32>
          %squeeze3A_3165 = vector.extract %slice3A_3164[0] : i32 from vector<1xi32>
          %eq3A_3166 = arith.constant 0 : i32
          %eq3A_3167 = arith.cmpi eq, %squeeze3A_3165, %eq3A_3166 : i32
          %convert_element_type3A_3168 = arith.extui %eq3A_3167 : i1 to i32
          %cond3A_3169 = arith.constant 0 : i32
          %cond3A_3170 = arith.cmpi ne, %convert_element_type3A_3168, %cond3A_3169 : i32
          scf.if %cond3A_3170 {
            %add3A_3336 = arith.addi %mul3A_2642, %add3A_3163 : i32
            %swap3A_3337 = arith.index_cast %add3A_3336 : i32 to index
            %swap3A_3338 = arith.constant 0 : index
            %swap3A_3339 = tpu.vector_load %arg8[%swap3A_3337, %swap3A_3338] {strides = array<i32>} : memref<768x64xf32, #tpu.memory_space<vmem>>, vector<1x16xf32>,
            %swap3A_3340 = vector.shape_cast %swap3A_3339 : vector<1x16xf32> to vector<16xf32>
            %swap3A_3341 = vector.shape_cast %broadcast_in_dim3A_5 : vector<16xf32> to vector<1x16xf32>
            tpu.vector_store %arg8[%swap3A_3337, %swap3A_3338], %swap3A_3341 {strides = array<i32>} : memref<768x64xf32, #tpu.memory_space<vmem>>, vector<1x16xf32>,
            %add3A_3342 = arith.addi %mul3A_2642, %add3A_3163 : i32
            %swap3A_3343 = arith.index_cast %add3A_3342 : i32 to index
            %swap3A_3344 = arith.constant 16 : index
            %swap3A_3345 = tpu.vector_load %arg8[%swap3A_3343, %swap3A_3344] {strides = array<i32>} : memref<768x64xf32, #tpu.memory_space<vmem>>, vector<1x16xf32>,
            %swap3A_3346 = vector.shape_cast %swap3A_3345 : vector<1x16xf32> to vector<16xf32>
            %swap3A_3347 = vector.shape_cast %broadcast_in_dim3A_5 : vector<16xf32> to vector<1x16xf32>
            tpu.vector_store %arg8[%swap3A_3343, %swap3A_3344], %swap3A_3347 {strides = array<i32>} : memref<768x64xf32, #tpu.memory_space<vmem>>, vector<1x16xf32>,
            %add3A_3348 = arith.addi %mul3A_2642, %add3A_3163 : i32
            %swap3A_3349 = arith.index_cast %add3A_3348 : i32 to index
            %swap3A_3350 = arith.constant 32 : index
            %swap3A_3351 = tpu.vector_load %arg8[%swap3A_3349, %swap3A_3350] {strides = array<i32>} : memref<768x64xf32, #tpu.memory_space<vmem>>, vector<1x16xf32>,
            %swap3A_3352 = vector.shape_cast %swap3A_3351 : vector<1x16xf32> to vector<16xf32>
            %swap3A_3353 = vector.shape_cast %broadcast_in_dim3A_5 : vector<16xf32> to vector<1x16xf32>
            tpu.vector_store %arg8[%swap3A_3349, %swap3A_3350], %swap3A_3353 {strides = array<i32>} : memref<768x64xf32, #tpu.memory_space<vmem>>, vector<1x16xf32>,
            %add3A_3354 = arith.addi %mul3A_2642, %add3A_3163 : i32
            %swap3A_3355 = arith.index_cast %add3A_3354 : i32 to index
            %swap3A_3356 = arith.constant 48 : index
            %swap3A_3357 = tpu.vector_load %arg8[%swap3A_3355, %swap3A_3356] {strides = array<i32>} : memref<768x64xf32, #tpu.memory_space<vmem>>, vector<1x16xf32>,
            %swap3A_3358 = vector.shape_cast %swap3A_3357 : vector<1x16xf32> to vector<16xf32>
            %swap3A_3359 = vector.shape_cast %broadcast_in_dim3A_5 : vector<16xf32> to vector<1x16xf32>
            tpu.vector_store %arg8[%swap3A_3355, %swap3A_3356], %swap3A_3359 {strides = array<i32>} : memref<768x64xf32, #tpu.memory_space<vmem>>, vector<1x16xf32>,
          } else {
          }
          %mul3A_3171 = arith.constant 16 : i32
          %mul3A_3172 = arith.muli %scan3A_3153, %mul3A_3171 : i32
          %add3A_3173 = arith.constant 1 : i32
          %add3A_3174 = arith.addi %mul3A_3172, %add3A_3173 : i32
          %slice3A_3175 = vector.extract_strided_slice %get3A_3159 {offsets = [1], sizes = [1], strides = [1]} : vector<16xi32> to vector<1xi32>
          %squeeze3A_3176 = vector.extract %slice3A_3175[0] : i32 from vector<1xi32>
          %eq3A_3177 = arith.constant 0 : i32
          %eq3A_3178 = arith.cmpi eq, %squeeze3A_3176, %eq3A_3177 : i32
          %convert_element_type3A_3179 = arith.extui %eq3A_3178 : i1 to i32
          %cond3A_3180 = arith.constant 0 : i32
          %cond3A_3181 = arith.cmpi ne, %convert_element_type3A_3179, %cond3A_3180 : i32
          scf.if %cond3A_3181 {
            %add3A_3336 = arith.addi %mul3A_2642, %add3A_3174 : i32
            %swap3A_3337 = arith.index_cast %add3A_3336 : i32 to index
            %swap3A_3338 = arith.constant 0 : index
            %swap3A_3339 = tpu.vector_load %arg8[%swap3A_3337, %swap3A_3338] {strides = array<i32>} : memref<768x64xf32, #tpu.memory_space<vmem>>, vector<1x16xf32>,
            %swap3A_3340 = vector.shape_cast %swap3A_3339 : vector<1x16xf32> to vector<16xf32>
            %swap3A_3341 = vector.shape_cast %broadcast_in_dim3A_5 : vector<16xf32> to vector<1x16xf32>
            tpu.vector_store %arg8[%swap3A_3337, %swap3A_3338], %swap3A_3341 {strides = array<i32>} : memref<768x64xf32, #tpu.memory_space<vmem>>, vector<1x16xf32>,
            %add3A_3342 = arith.addi %mul3A_2642, %add3A_3174 : i32
            %swap3A_3343 = arith.index_cast %add3A_3342 : i32 to index
            %swap3A_3344 = arith.constant 16 : index
            %swap3A_3345 = tpu.vector_load %arg8[%swap3A_3343, %swap3A_3344] {strides = array<i32>} : memref<768x64xf32, #tpu.memory_space<vmem>>, vector<1x16xf32>,
            %swap3A_3346 = vector.shape_cast %swap3A_3345 : vector<1x16xf32> to vector<16xf32>
            %swap3A_3347 = vector.shape_cast %broadcast_in_dim3A_5 : vector<16xf32> to vector<1x16xf32>
            tpu.vector_store %arg8[%swap3A_3343, %swap3A_3344], %swap3A_3347 {strides = array<i32>} : memref<768x64xf32, #tpu.memory_space<vmem>>, vector<1x16xf32>,
            %add3A_3348 = arith.addi %mul3A_2642, %add3A_3174 : i32
            %swap3A_3349 = arith.index_cast %add3A_3348 : i32 to index
            %swap3A_3350 = arith.constant 32 : index
            %swap3A_3351 = tpu.vector_load %arg8[%swap3A_3349, %swap3A_3350] {strides = array<i32>} : memref<768x64xf32, #tpu.memory_space<vmem>>, vector<1x16xf32>,
            %swap3A_3352 = vector.shape_cast %swap3A_3351 : vector<1x16xf32> to vector<16xf32>
            %swap3A_3353 = vector.shape_cast %broadcast_in_dim3A_5 : vector<16xf32> to vector<1x16xf32>
            tpu.vector_store %arg8[%swap3A_3349, %swap3A_3350], %swap3A_3353 {strides = array<i32>} : memref<768x64xf32, #tpu.memory_space<vmem>>, vector<1x16xf32>,
            %add3A_3354 = arith.addi %mul3A_2642, %add3A_3174 : i32
            %swap3A_3355 = arith.index_cast %add3A_3354 : i32 to index
            %swap3A_3356 = arith.constant 48 : index
            %swap3A_3357 = tpu.vector_load %arg8[%swap3A_3355, %swap3A_3356] {strides = array<i32>} : memref<768x64xf32, #tpu.memory_space<vmem>>, vector<1x16xf32>,
            %swap3A_3358 = vector.shape_cast %swap3A_3357 : vector<1x16xf32> to vector<16xf32>
            %swap3A_3359 = vector.shape_cast %broadcast_in_dim3A_5 : vector<16xf32> to vector<1x16xf32>
            tpu.vector_store %arg8[%swap3A_3355, %swap3A_3356], %swap3A_3359 {strides = array<i32>} : memref<768x64xf32, #tpu.memory_space<vmem>>, vector<1x16xf32>,
          } else {
          }
          %mul3A_3182 = arith.constant 16 : i32
          %mul3A_3183 = arith.muli %scan3A_3153, %mul3A_3182 : i32
          %add3A_3184 = arith.constant 2 : i32
          %add3A_3185 = arith.addi %mul3A_3183, %add3A_3184 : i32
          %slice3A_3186 = vector.extract_strided_slice %get3A_3159 {offsets = [2], sizes = [1], strides = [1]} : vector<16xi32> to vector<1xi32>
          %squeeze3A_3187 = vector.extract %slice3A_3186[0] : i32 from vector<1xi32>
          %eq3A_3188 = arith.constant 0 : i32
          %eq3A_3189 = arith.cmpi eq, %squeeze3A_3187, %eq3A_3188 : i32
          %convert_element_type3A_3190 = arith.extui %eq3A_3189 : i1 to i32
          %cond3A_3191 = arith.constant 0 : i32
          %cond3A_3192 = arith.cmpi ne, %convert_element_type3A_3190, %cond3A_3191 : i32
          scf.if %cond3A_3192 {
            %add3A_3336 = arith.addi %mul3A_2642, %add3A_3185 : i32
            %swap3A_3337 = arith.index_cast %add3A_3336 : i32 to index
            %swap3A_3338 = arith.constant 0 : index
            %swap3A_3339 = tpu.vector_load %arg8[%swap3A_3337, %swap3A_3338] {strides = array<i32>} : memref<768x64xf32, #tpu.memory_space<vmem>>, vector<1x16xf32>,
            %swap3A_3340 = vector.shape_cast %swap3A_3339 : vector<1x16xf32> to vector<16xf32>
            %swap3A_3341 = vector.shape_cast %broadcast_in_dim3A_5 : vector<16xf32> to vector<1x16xf32>
            tpu.vector_store %arg8[%swap3A_3337, %swap3A_3338], %swap3A_3341 {strides = array<i32>} : memref<768x64xf32, #tpu.memory_space<vmem>>, vector<1x16xf32>,
            %add3A_3342 = arith.addi %mul3A_2642, %add3A_3185 : i32
            %swap3A_3343 = arith.index_cast %add3A_3342 : i32 to index
            %swap3A_3344 = arith.constant 16 : index
            %swap3A_3345 = tpu.vector_load %arg8[%swap3A_3343, %swap3A_3344] {strides = array<i32>} : memref<768x64xf32, #tpu.memory_space<vmem>>, vector<1x16xf32>,
            %swap3A_3346 = vector.shape_cast %swap3A_3345 : vector<1x16xf32> to vector<16xf32>
            %swap3A_3347 = vector.shape_cast %broadcast_in_dim3A_5 : vector<16xf32> to vector<1x16xf32>
            tpu.vector_store %arg8[%swap3A_3343, %swap3A_3344], %swap3A_3347 {strides = array<i32>} : memref<768x64xf32, #tpu.memory_space<vmem>>, vector<1x16xf32>,
            %add3A_3348 = arith.addi %mul3A_2642, %add3A_3185 : i32
            %swap3A_3349 = arith.index_cast %add3A_3348 : i32 to index
            %swap3A_3350 = arith.constant 32 : index
            %swap3A_3351 = tpu.vector_load %arg8[%swap3A_3349, %swap3A_3350] {strides = array<i32>} : memref<768x64xf32, #tpu.memory_space<vmem>>, vector<1x16xf32>,
            %swap3A_3352 = vector.shape_cast %swap3A_3351 : vector<1x16xf32> to vector<16xf32>
            %swap3A_3353 = vector.shape_cast %broadcast_in_dim3A_5 : vector<16xf32> to vector<1x16xf32>
            tpu.vector_store %arg8[%swap3A_3349, %swap3A_3350], %swap3A_3353 {strides = array<i32>} : memref<768x64xf32, #tpu.memory_space<vmem>>, vector<1x16xf32>,
            %add3A_3354 = arith.addi %mul3A_2642, %add3A_3185 : i32
            %swap3A_3355 = arith.index_cast %add3A_3354 : i32 to index
            %swap3A_3356 = arith.constant 48 : index
            %swap3A_3357 = tpu.vector_load %arg8[%swap3A_3355, %swap3A_3356] {strides = array<i32>} : memref<768x64xf32, #tpu.memory_space<vmem>>, vector<1x16xf32>,
            %swap3A_3358 = vector.shape_cast %swap3A_3357 : vector<1x16xf32> to vector<16xf32>
            %swap3A_3359 = vector.shape_cast %broadcast_in_dim3A_5 : vector<16xf32> to vector<1x16xf32>
            tpu.vector_store %arg8[%swap3A_3355, %swap3A_3356], %swap3A_3359 {strides = array<i32>} : memref<768x64xf32, #tpu.memory_space<vmem>>, vector<1x16xf32>,
          } else {
          }
          %mul3A_3193 = arith.constant 16 : i32
          %mul3A_3194 = arith.muli %scan3A_3153, %mul3A_3193 : i32
          %add3A_3195 = arith.constant 3 : i32
          %add3A_3196 = arith.addi %mul3A_3194, %add3A_3195 : i32
          %slice3A_3197 = vector.extract_strided_slice %get3A_3159 {offsets = [3], sizes = [1], strides = [1]} : vector<16xi32> to vector<1xi32>
          %squeeze3A_3198 = vector.extract %slice3A_3197[0] : i32 from vector<1xi32>
          %eq3A_3199 = arith.constant 0 : i32
          %eq3A_3200 = arith.cmpi eq, %squeeze3A_3198, %eq3A_3199 : i32
          %convert_element_type3A_3201 = arith.extui %eq3A_3200 : i1 to i32
          %cond3A_3202 = arith.constant 0 : i32
          %cond3A_3203 = arith.cmpi ne, %convert_element_type3A_3201, %cond3A_3202 : i32
          scf.if %cond3A_3203 {
            %add3A_3336 = arith.addi %mul3A_2642, %add3A_3196 : i32
            %swap3A_3337 = arith.index_cast %add3A_3336 : i32 to index
            %swap3A_3338 = arith.constant 0 : index
            %swap3A_3339 = tpu.vector_load %arg8[%swap3A_3337, %swap3A_3338] {strides = array<i32>} : memref<768x64xf32, #tpu.memory_space<vmem>>, vector<1x16xf32>,
            %swap3A_3340 = vector.shape_cast %swap3A_3339 : vector<1x16xf32> to vector<16xf32>
            %swap3A_3341 = vector.shape_cast %broadcast_in_dim3A_5 : vector<16xf32> to vector<1x16xf32>
            tpu.vector_store %arg8[%swap3A_3337, %swap3A_3338], %swap3A_3341 {strides = array<i32>} : memref<768x64xf32, #tpu.memory_space<vmem>>, vector<1x16xf32>,
            %add3A_3342 = arith.addi %mul3A_2642, %add3A_3196 : i32
            %swap3A_3343 = arith.index_cast %add3A_3342 : i32 to index
            %swap3A_3344 = arith.constant 16 : index
            %swap3A_3345 = tpu.vector_load %arg8[%swap3A_3343, %swap3A_3344] {strides = array<i32>} : memref<768x64xf32, #tpu.memory_space<vmem>>, vector<1x16xf32>,
            %swap3A_3346 = vector.shape_cast %swap3A_3345 : vector<1x16xf32> to vector<16xf32>
            %swap3A_3347 = vector.shape_cast %broadcast_in_dim3A_5 : vector<16xf32> to vector<1x16xf32>
            tpu.vector_store %arg8[%swap3A_3343, %swap3A_3344], %swap3A_3347 {strides = array<i32>} : memref<768x64xf32, #tpu.memory_space<vmem>>, vector<1x16xf32>,
            %add3A_3348 = arith.addi %mul3A_2642, %add3A_3196 : i32
            %swap3A_3349 = arith.index_cast %add3A_3348 : i32 to index
            %swap3A_3350 = arith.constant 32 : index
            %swap3A_3351 = tpu.vector_load %arg8[%swap3A_3349, %swap3A_3350] {strides = array<i32>} : memref<768x64xf32, #tpu.memory_space<vmem>>, vector<1x16xf32>,
            %swap3A_3352 = vector.shape_cast %swap3A_3351 : vector<1x16xf32> to vector<16xf32>
            %swap3A_3353 = vector.shape_cast %broadcast_in_dim3A_5 : vector<16xf32> to vector<1x16xf32>
            tpu.vector_store %arg8[%swap3A_3349, %swap3A_3350], %swap3A_3353 {strides = array<i32>} : memref<768x64xf32, #tpu.memory_space<vmem>>, vector<1x16xf32>,
            %add3A_3354 = arith.addi %mul3A_2642, %add3A_3196 : i32
            %swap3A_3355 = arith.index_cast %add3A_3354 : i32 to index
            %swap3A_3356 = arith.constant 48 : index
            %swap3A_3357 = tpu.vector_load %arg8[%swap3A_3355, %swap3A_3356] {strides = array<i32>} : memref<768x64xf32, #tpu.memory_space<vmem>>, vector<1x16xf32>,
            %swap3A_3358 = vector.shape_cast %swap3A_3357 : vector<1x16xf32> to vector<16xf32>
            %swap3A_3359 = vector.shape_cast %broadcast_in_dim3A_5 : vector<16xf32> to vector<1x16xf32>
            tpu.vector_store %arg8[%swap3A_3355, %swap3A_3356], %swap3A_3359 {strides = array<i32>} : memref<768x64xf32, #tpu.memory_space<vmem>>, vector<1x16xf32>,
          } else {
          }
          %mul3A_3204 = arith.constant 16 : i32
          %mul3A_3205 = arith.muli %scan3A_3153, %mul3A_3204 : i32
          %add3A_3206 = arith.constant 4 : i32
          %add3A_3207 = arith.addi %mul3A_3205, %add3A_3206 : i32
          %slice3A_3208 = vector.extract_strided_slice %get3A_3159 {offsets = [4], sizes = [1], strides = [1]} : vector<16xi32> to vector<1xi32>
          %squeeze3A_3209 = vector.extract %slice3A_3208[0] : i32 from vector<1xi32>
          %eq3A_3210 = arith.constant 0 : i32
          %eq3A_3211 = arith.cmpi eq, %squeeze3A_3209, %eq3A_3210 : i32
          %convert_element_type3A_3212 = arith.extui %eq3A_3211 : i1 to i32
          %cond3A_3213 = arith.constant 0 : i32
          %cond3A_3214 = arith.cmpi ne, %convert_element_type3A_3212, %cond3A_3213 : i32
          scf.if %cond3A_3214 {
            %add3A_3336 = arith.addi %mul3A_2642, %add3A_3207 : i32
            %swap3A_3337 = arith.index_cast %add3A_3336 : i32 to index
            %swap3A_3338 = arith.constant 0 : index
            %swap3A_3339 = tpu.vector_load %arg8[%swap3A_3337, %swap3A_3338] {strides = array<i32>} : memref<768x64xf32, #tpu.memory_space<vmem>>, vector<1x16xf32>,
            %swap3A_3340 = vector.shape_cast %swap3A_3339 : vector<1x16xf32> to vector<16xf32>
            %swap3A_3341 = vector.shape_cast %broadcast_in_dim3A_5 : vector<16xf32> to vector<1x16xf32>
            tpu.vector_store %arg8[%swap3A_3337, %swap3A_3338], %swap3A_3341 {strides = array<i32>} : memref<768x64xf32, #tpu.memory_space<vmem>>, vector<1x16xf32>,
            %add3A_3342 = arith.addi %mul3A_2642, %add3A_3207 : i32
            %swap3A_3343 = arith.index_cast %add3A_3342 : i32 to index
            %swap3A_3344 = arith.constant 16 : index
            %swap3A_3345 = tpu.vector_load %arg8[%swap3A_3343, %swap3A_3344] {strides = array<i32>} : memref<768x64xf32, #tpu.memory_space<vmem>>, vector<1x16xf32>,
            %swap3A_3346 = vector.shape_cast %swap3A_3345 : vector<1x16xf32> to vector<16xf32>
            %swap3A_3347 = vector.shape_cast %broadcast_in_dim3A_5 : vector<16xf32> to vector<1x16xf32>
            tpu.vector_store %arg8[%swap3A_3343, %swap3A_3344], %swap3A_3347 {strides = array<i32>} : memref<768x64xf32, #tpu.memory_space<vmem>>, vector<1x16xf32>,
            %add3A_3348 = arith.addi %mul3A_2642, %add3A_3207 : i32
            %swap3A_3349 = arith.index_cast %add3A_3348 : i32 to index
            %swap3A_3350 = arith.constant 32 : index
            %swap3A_3351 = tpu.vector_load %arg8[%swap3A_3349, %swap3A_3350] {strides = array<i32>} : memref<768x64xf32, #tpu.memory_space<vmem>>, vector<1x16xf32>,
            %swap3A_3352 = vector.shape_cast %swap3A_3351 : vector<1x16xf32> to vector<16xf32>
            %swap3A_3353 = vector.shape_cast %broadcast_in_dim3A_5 : vector<16xf32> to vector<1x16xf32>
            tpu.vector_store %arg8[%swap3A_3349, %swap3A_3350], %swap3A_3353 {strides = array<i32>} : memref<768x64xf32, #tpu.memory_space<vmem>>, vector<1x16xf32>,
            %add3A_3354 = arith.addi %mul3A_2642, %add3A_3207 : i32
            %swap3A_3355 = arith.index_cast %add3A_3354 : i32 to index
            %swap3A_3356 = arith.constant 48 : index
            %swap3A_3357 = tpu.vector_load %arg8[%swap3A_3355, %swap3A_3356] {strides = array<i32>} : memref<768x64xf32, #tpu.memory_space<vmem>>, vector<1x16xf32>,
            %swap3A_3358 = vector.shape_cast %swap3A_3357 : vector<1x16xf32> to vector<16xf32>
            %swap3A_3359 = vector.shape_cast %broadcast_in_dim3A_5 : vector<16xf32> to vector<1x16xf32>
            tpu.vector_store %arg8[%swap3A_3355, %swap3A_3356], %swap3A_3359 {strides = array<i32>} : memref<768x64xf32, #tpu.memory_space<vmem>>, vector<1x16xf32>,
          } else {
          }
          %mul3A_3215 = arith.constant 16 : i32
          %mul3A_3216 = arith.muli %scan3A_3153, %mul3A_3215 : i32
          %add3A_3217 = arith.constant 5 : i32
          %add3A_3218 = arith.addi %mul3A_3216, %add3A_3217 : i32
          %slice3A_3219 = vector.extract_strided_slice %get3A_3159 {offsets = [5], sizes = [1], strides = [1]} : vector<16xi32> to vector<1xi32>
          %squeeze3A_3220 = vector.extract %slice3A_3219[0] : i32 from vector<1xi32>
          %eq3A_3221 = arith.constant 0 : i32
          %eq3A_3222 = arith.cmpi eq, %squeeze3A_3220, %eq3A_3221 : i32
          %convert_element_type3A_3223 = arith.extui %eq3A_3222 : i1 to i32
          %cond3A_3224 = arith.constant 0 : i32
          %cond3A_3225 = arith.cmpi ne, %convert_element_type3A_3223, %cond3A_3224 : i32
          scf.if %cond3A_3225 {
            %add3A_3336 = arith.addi %mul3A_2642, %add3A_3218 : i32
            %swap3A_3337 = arith.index_cast %add3A_3336 : i32 to index
            %swap3A_3338 = arith.constant 0 : index
            %swap3A_3339 = tpu.vector_load %arg8[%swap3A_3337, %swap3A_3338] {strides = array<i32>} : memref<768x64xf32, #tpu.memory_space<vmem>>, vector<1x16xf32>,
            %swap3A_3340 = vector.shape_cast %swap3A_3339 : vector<1x16xf32> to vector<16xf32>
            %swap3A_3341 = vector.shape_cast %broadcast_in_dim3A_5 : vector<16xf32> to vector<1x16xf32>
            tpu.vector_store %arg8[%swap3A_3337, %swap3A_3338], %swap3A_3341 {strides = array<i32>} : memref<768x64xf32, #tpu.memory_space<vmem>>, vector<1x16xf32>,
            %add3A_3342 = arith.addi %mul3A_2642, %add3A_3218 : i32
            %swap3A_3343 = arith.index_cast %add3A_3342 : i32 to index
            %swap3A_3344 = arith.constant 16 : index
            %swap3A_3345 = tpu.vector_load %arg8[%swap3A_3343, %swap3A_3344] {strides = array<i32>} : memref<768x64xf32, #tpu.memory_space<vmem>>, vector<1x16xf32>,
            %swap3A_3346 = vector.shape_cast %swap3A_3345 : vector<1x16xf32> to vector<16xf32>
            %swap3A_3347 = vector.shape_cast %broadcast_in_dim3A_5 : vector<16xf32> to vector<1x16xf32>
            tpu.vector_store %arg8[%swap3A_3343, %swap3A_3344], %swap3A_3347 {strides = array<i32>} : memref<768x64xf32, #tpu.memory_space<vmem>>, vector<1x16xf32>,
            %add3A_3348 = arith.addi %mul3A_2642, %add3A_3218 : i32
            %swap3A_3349 = arith.index_cast %add3A_3348 : i32 to index
            %swap3A_3350 = arith.constant 32 : index
            %swap3A_3351 = tpu.vector_load %arg8[%swap3A_3349, %swap3A_3350] {strides = array<i32>} : memref<768x64xf32, #tpu.memory_space<vmem>>, vector<1x16xf32>,
            %swap3A_3352 = vector.shape_cast %swap3A_3351 : vector<1x16xf32> to vector<16xf32>
            %swap3A_3353 = vector.shape_cast %broadcast_in_dim3A_5 : vector<16xf32> to vector<1x16xf32>
            tpu.vector_store %arg8[%swap3A_3349, %swap3A_3350], %swap3A_3353 {strides = array<i32>} : memref<768x64xf32, #tpu.memory_space<vmem>>, vector<1x16xf32>,
            %add3A_3354 = arith.addi %mul3A_2642, %add3A_3218 : i32
            %swap3A_3355 = arith.index_cast %add3A_3354 : i32 to index
            %swap3A_3356 = arith.constant 48 : index
            %swap3A_3357 = tpu.vector_load %arg8[%swap3A_3355, %swap3A_3356] {strides = array<i32>} : memref<768x64xf32, #tpu.memory_space<vmem>>, vector<1x16xf32>,
            %swap3A_3358 = vector.shape_cast %swap3A_3357 : vector<1x16xf32> to vector<16xf32>
            %swap3A_3359 = vector.shape_cast %broadcast_in_dim3A_5 : vector<16xf32> to vector<1x16xf32>
            tpu.vector_store %arg8[%swap3A_3355, %swap3A_3356], %swap3A_3359 {strides = array<i32>} : memref<768x64xf32, #tpu.memory_space<vmem>>, vector<1x16xf32>,
          } else {
          }
          %mul3A_3226 = arith.constant 16 : i32
          %mul3A_3227 = arith.muli %scan3A_3153, %mul3A_3226 : i32
          %add3A_3228 = arith.constant 6 : i32
          %add3A_3229 = arith.addi %mul3A_3227, %add3A_3228 : i32
          %slice3A_3230 = vector.extract_strided_slice %get3A_3159 {offsets = [6], sizes = [1], strides = [1]} : vector<16xi32> to vector<1xi32>
          %squeeze3A_3231 = vector.extract %slice3A_3230[0] : i32 from vector<1xi32>
          %eq3A_3232 = arith.constant 0 : i32
          %eq3A_3233 = arith.cmpi eq, %squeeze3A_3231, %eq3A_3232 : i32
          %convert_element_type3A_3234 = arith.extui %eq3A_3233 : i1 to i32
          %cond3A_3235 = arith.constant 0 : i32
          %cond3A_3236 = arith.cmpi ne, %convert_element_type3A_3234, %cond3A_3235 : i32
          scf.if %cond3A_3236 {
            %add3A_3336 = arith.addi %mul3A_2642, %add3A_3229 : i32
            %swap3A_3337 = arith.index_cast %add3A_3336 : i32 to index
            %swap3A_3338 = arith.constant 0 : index
            %swap3A_3339 = tpu.vector_load %arg8[%swap3A_3337, %swap3A_3338] {strides = array<i32>} : memref<768x64xf32, #tpu.memory_space<vmem>>, vector<1x16xf32>,
            %swap3A_3340 = vector.shape_cast %swap3A_3339 : vector<1x16xf32> to vector<16xf32>
            %swap3A_3341 = vector.shape_cast %broadcast_in_dim3A_5 : vector<16xf32> to vector<1x16xf32>
            tpu.vector_store %arg8[%swap3A_3337, %swap3A_3338], %swap3A_3341 {strides = array<i32>} : memref<768x64xf32, #tpu.memory_space<vmem>>, vector<1x16xf32>,
            %add3A_3342 = arith.addi %mul3A_2642, %add3A_3229 : i32
            %swap3A_3343 = arith.index_cast %add3A_3342 : i32 to index
            %swap3A_3344 = arith.constant 16 : index
            %swap3A_3345 = tpu.vector_load %arg8[%swap3A_3343, %swap3A_3344] {strides = array<i32>} : memref<768x64xf32, #tpu.memory_space<vmem>>, vector<1x16xf32>,
            %swap3A_3346 = vector.shape_cast %swap3A_3345 : vector<1x16xf32> to vector<16xf32>
            %swap3A_3347 = vector.shape_cast %broadcast_in_dim3A_5 : vector<16xf32> to vector<1x16xf32>
            tpu.vector_store %arg8[%swap3A_3343, %swap3A_3344], %swap3A_3347 {strides = array<i32>} : memref<768x64xf32, #tpu.memory_space<vmem>>, vector<1x16xf32>,
            %add3A_3348 = arith.addi %mul3A_2642, %add3A_3229 : i32
            %swap3A_3349 = arith.index_cast %add3A_3348 : i32 to index
            %swap3A_3350 = arith.constant 32 : index
            %swap3A_3351 = tpu.vector_load %arg8[%swap3A_3349, %swap3A_3350] {strides = array<i32>} : memref<768x64xf32, #tpu.memory_space<vmem>>, vector<1x16xf32>,
            %swap3A_3352 = vector.shape_cast %swap3A_3351 : vector<1x16xf32> to vector<16xf32>
            %swap3A_3353 = vector.shape_cast %broadcast_in_dim3A_5 : vector<16xf32> to vector<1x16xf32>
            tpu.vector_store %arg8[%swap3A_3349, %swap3A_3350], %swap3A_3353 {strides = array<i32>} : memref<768x64xf32, #tpu.memory_space<vmem>>, vector<1x16xf32>,
            %add3A_3354 = arith.addi %mul3A_2642, %add3A_3229 : i32
            %swap3A_3355 = arith.index_cast %add3A_3354 : i32 to index
            %swap3A_3356 = arith.constant 48 : index
            %swap3A_3357 = tpu.vector_load %arg8[%swap3A_3355, %swap3A_3356] {strides = array<i32>} : memref<768x64xf32, #tpu.memory_space<vmem>>, vector<1x16xf32>,
            %swap3A_3358 = vector.shape_cast %swap3A_3357 : vector<1x16xf32> to vector<16xf32>
            %swap3A_3359 = vector.shape_cast %broadcast_in_dim3A_5 : vector<16xf32> to vector<1x16xf32>
            tpu.vector_store %arg8[%swap3A_3355, %swap3A_3356], %swap3A_3359 {strides = array<i32>} : memref<768x64xf32, #tpu.memory_space<vmem>>, vector<1x16xf32>,
          } else {
          }
          %mul3A_3237 = arith.constant 16 : i32
          %mul3A_3238 = arith.muli %scan3A_3153, %mul3A_3237 : i32
          %add3A_3239 = arith.constant 7 : i32
          %add3A_3240 = arith.addi %mul3A_3238, %add3A_3239 : i32
          %slice3A_3241 = vector.extract_strided_slice %get3A_3159 {offsets = [7], sizes = [1], strides = [1]} : vector<16xi32> to vector<1xi32>
          %squeeze3A_3242 = vector.extract %slice3A_3241[0] : i32 from vector<1xi32>
          %eq3A_3243 = arith.constant 0 : i32
          %eq3A_3244 = arith.cmpi eq, %squeeze3A_3242, %eq3A_3243 : i32
          %convert_element_type3A_3245 = arith.extui %eq3A_3244 : i1 to i32
          %cond3A_3246 = arith.constant 0 : i32
          %cond3A_3247 = arith.cmpi ne, %convert_element_type3A_3245, %cond3A_3246 : i32
          scf.if %cond3A_3247 {
            %add3A_3336 = arith.addi %mul3A_2642, %add3A_3240 : i32
            %swap3A_3337 = arith.index_cast %add3A_3336 : i32 to index
            %swap3A_3338 = arith.constant 0 : index
            %swap3A_3339 = tpu.vector_load %arg8[%swap3A_3337, %swap3A_3338] {strides = array<i32>} : memref<768x64xf32, #tpu.memory_space<vmem>>, vector<1x16xf32>,
            %swap3A_3340 = vector.shape_cast %swap3A_3339 : vector<1x16xf32> to vector<16xf32>
            %swap3A_3341 = vector.shape_cast %broadcast_in_dim3A_5 : vector<16xf32> to vector<1x16xf32>
            tpu.vector_store %arg8[%swap3A_3337, %swap3A_3338], %swap3A_3341 {strides = array<i32>} : memref<768x64xf32, #tpu.memory_space<vmem>>, vector<1x16xf32>,
            %add3A_3342 = arith.addi %mul3A_2642, %add3A_3240 : i32
            %swap3A_3343 = arith.index_cast %add3A_3342 : i32 to index
            %swap3A_3344 = arith.constant 16 : index
            %swap3A_3345 = tpu.vector_load %arg8[%swap3A_3343, %swap3A_3344] {strides = array<i32>} : memref<768x64xf32, #tpu.memory_space<vmem>>, vector<1x16xf32>,
            %swap3A_3346 = vector.shape_cast %swap3A_3345 : vector<1x16xf32> to vector<16xf32>
            %swap3A_3347 = vector.shape_cast %broadcast_in_dim3A_5 : vector<16xf32> to vector<1x16xf32>
            tpu.vector_store %arg8[%swap3A_3343, %swap3A_3344], %swap3A_3347 {strides = array<i32>} : memref<768x64xf32, #tpu.memory_space<vmem>>, vector<1x16xf32>,
            %add3A_3348 = arith.addi %mul3A_2642, %add3A_3240 : i32
            %swap3A_3349 = arith.index_cast %add3A_3348 : i32 to index
            %swap3A_3350 = arith.constant 32 : index
            %swap3A_3351 = tpu.vector_load %arg8[%swap3A_3349, %swap3A_3350] {strides = array<i32>} : memref<768x64xf32, #tpu.memory_space<vmem>>, vector<1x16xf32>,
            %swap3A_3352 = vector.shape_cast %swap3A_3351 : vector<1x16xf32> to vector<16xf32>
            %swap3A_3353 = vector.shape_cast %broadcast_in_dim3A_5 : vector<16xf32> to vector<1x16xf32>
            tpu.vector_store %arg8[%swap3A_3349, %swap3A_3350], %swap3A_3353 {strides = array<i32>} : memref<768x64xf32, #tpu.memory_space<vmem>>, vector<1x16xf32>,
            %add3A_3354 = arith.addi %mul3A_2642, %add3A_3240 : i32
            %swap3A_3355 = arith.index_cast %add3A_3354 : i32 to index
            %swap3A_3356 = arith.constant 48 : index
            %swap3A_3357 = tpu.vector_load %arg8[%swap3A_3355, %swap3A_3356] {strides = array<i32>} : memref<768x64xf32, #tpu.memory_space<vmem>>, vector<1x16xf32>,
            %swap3A_3358 = vector.shape_cast %swap3A_3357 : vector<1x16xf32> to vector<16xf32>
            %swap3A_3359 = vector.shape_cast %broadcast_in_dim3A_5 : vector<16xf32> to vector<1x16xf32>
            tpu.vector_store %arg8[%swap3A_3355, %swap3A_3356], %swap3A_3359 {strides = array<i32>} : memref<768x64xf32, #tpu.memory_space<vmem>>, vector<1x16xf32>,
          } else {
          }
          %mul3A_3248 = arith.constant 16 : i32
          %mul3A_3249 = arith.muli %scan3A_3153, %mul3A_3248 : i32
          %add3A_3250 = arith.constant 8 : i32
          %add3A_3251 = arith.addi %mul3A_3249, %add3A_3250 : i32
          %slice3A_3252 = vector.extract_strided_slice %get3A_3159 {offsets = [8], sizes = [1], strides = [1]} : vector<16xi32> to vector<1xi32>
          %squeeze3A_3253 = vector.extract %slice3A_3252[0] : i32 from vector<1xi32>
          %eq3A_3254 = arith.constant 0 : i32
          %eq3A_3255 = arith.cmpi eq, %squeeze3A_3253, %eq3A_3254 : i32
          %convert_element_type3A_3256 = arith.extui %eq3A_3255 : i1 to i32
          %cond3A_3257 = arith.constant 0 : i32
          %cond3A_3258 = arith.cmpi ne, %convert_element_type3A_3256, %cond3A_3257 : i32
          scf.if %cond3A_3258 {
            %add3A_3336 = arith.addi %mul3A_2642, %add3A_3251 : i32
            %swap3A_3337 = arith.index_cast %add3A_3336 : i32 to index
            %swap3A_3338 = arith.constant 0 : index
            %swap3A_3339 = tpu.vector_load %arg8[%swap3A_3337, %swap3A_3338] {strides = array<i32>} : memref<768x64xf32, #tpu.memory_space<vmem>>, vector<1x16xf32>,
            %swap3A_3340 = vector.shape_cast %swap3A_3339 : vector<1x16xf32> to vector<16xf32>
            %swap3A_3341 = vector.shape_cast %broadcast_in_dim3A_5 : vector<16xf32> to vector<1x16xf32>
            tpu.vector_store %arg8[%swap3A_3337, %swap3A_3338], %swap3A_3341 {strides = array<i32>} : memref<768x64xf32, #tpu.memory_space<vmem>>, vector<1x16xf32>,
            %add3A_3342 = arith.addi %mul3A_2642, %add3A_3251 : i32
            %swap3A_3343 = arith.index_cast %add3A_3342 : i32 to index
            %swap3A_3344 = arith.constant 16 : index
            %swap3A_3345 = tpu.vector_load %arg8[%swap3A_3343, %swap3A_3344] {strides = array<i32>} : memref<768x64xf32, #tpu.memory_space<vmem>>, vector<1x16xf32>,
            %swap3A_3346 = vector.shape_cast %swap3A_3345 : vector<1x16xf32> to vector<16xf32>
            %swap3A_3347 = vector.shape_cast %broadcast_in_dim3A_5 : vector<16xf32> to vector<1x16xf32>
            tpu.vector_store %arg8[%swap3A_3343, %swap3A_3344], %swap3A_3347 {strides = array<i32>} : memref<768x64xf32, #tpu.memory_space<vmem>>, vector<1x16xf32>,
            %add3A_3348 = arith.addi %mul3A_2642, %add3A_3251 : i32
            %swap3A_3349 = arith.index_cast %add3A_3348 : i32 to index
            %swap3A_3350 = arith.constant 32 : index
            %swap3A_3351 = tpu.vector_load %arg8[%swap3A_3349, %swap3A_3350] {strides = array<i32>} : memref<768x64xf32, #tpu.memory_space<vmem>>, vector<1x16xf32>,
            %swap3A_3352 = vector.shape_cast %swap3A_3351 : vector<1x16xf32> to vector<16xf32>
            %swap3A_3353 = vector.shape_cast %broadcast_in_dim3A_5 : vector<16xf32> to vector<1x16xf32>
            tpu.vector_store %arg8[%swap3A_3349, %swap3A_3350], %swap3A_3353 {strides = array<i32>} : memref<768x64xf32, #tpu.memory_space<vmem>>, vector<1x16xf32>,
            %add3A_3354 = arith.addi %mul3A_2642, %add3A_3251 : i32
            %swap3A_3355 = arith.index_cast %add3A_3354 : i32 to index
            %swap3A_3356 = arith.constant 48 : index
            %swap3A_3357 = tpu.vector_load %arg8[%swap3A_3355, %swap3A_3356] {strides = array<i32>} : memref<768x64xf32, #tpu.memory_space<vmem>>, vector<1x16xf32>,
            %swap3A_3358 = vector.shape_cast %swap3A_3357 : vector<1x16xf32> to vector<16xf32>
            %swap3A_3359 = vector.shape_cast %broadcast_in_dim3A_5 : vector<16xf32> to vector<1x16xf32>
            tpu.vector_store %arg8[%swap3A_3355, %swap3A_3356], %swap3A_3359 {strides = array<i32>} : memref<768x64xf32, #tpu.memory_space<vmem>>, vector<1x16xf32>,
          } else {
          }
          %mul3A_3259 = arith.constant 16 : i32
          %mul3A_3260 = arith.muli %scan3A_3153, %mul3A_3259 : i32
          %add3A_3261 = arith.constant 9 : i32
          %add3A_3262 = arith.addi %mul3A_3260, %add3A_3261 : i32
          %slice3A_3263 = vector.extract_strided_slice %get3A_3159 {offsets = [9], sizes = [1], strides = [1]} : vector<16xi32> to vector<1xi32>
          %squeeze3A_3264 = vector.extract %slice3A_3263[0] : i32 from vector<1xi32>
          %eq3A_3265 = arith.constant 0 : i32
          %eq3A_3266 = arith.cmpi eq, %squeeze3A_3264, %eq3A_3265 : i32
          %convert_element_type3A_3267 = arith.extui %eq3A_3266 : i1 to i32
          %cond3A_3268 = arith.constant 0 : i32
          %cond3A_3269 = arith.cmpi ne, %convert_element_type3A_3267, %cond3A_3268 : i32
          scf.if %cond3A_3269 {
            %add3A_3336 = arith.addi %mul3A_2642, %add3A_3262 : i32
            %swap3A_3337 = arith.index_cast %add3A_3336 : i32 to index
            %swap3A_3338 = arith.constant 0 : index
            %swap3A_3339 = tpu.vector_load %arg8[%swap3A_3337, %swap3A_3338] {strides = array<i32>} : memref<768x64xf32, #tpu.memory_space<vmem>>, vector<1x16xf32>,
            %swap3A_3340 = vector.shape_cast %swap3A_3339 : vector<1x16xf32> to vector<16xf32>
            %swap3A_3341 = vector.shape_cast %broadcast_in_dim3A_5 : vector<16xf32> to vector<1x16xf32>
            tpu.vector_store %arg8[%swap3A_3337, %swap3A_3338], %swap3A_3341 {strides = array<i32>} : memref<768x64xf32, #tpu.memory_space<vmem>>, vector<1x16xf32>,
            %add3A_3342 = arith.addi %mul3A_2642, %add3A_3262 : i32
            %swap3A_3343 = arith.index_cast %add3A_3342 : i32 to index
            %swap3A_3344 = arith.constant 16 : index
            %swap3A_3345 = tpu.vector_load %arg8[%swap3A_3343, %swap3A_3344] {strides = array<i32>} : memref<768x64xf32, #tpu.memory_space<vmem>>, vector<1x16xf32>,
            %swap3A_3346 = vector.shape_cast %swap3A_3345 : vector<1x16xf32> to vector<16xf32>
            %swap3A_3347 = vector.shape_cast %broadcast_in_dim3A_5 : vector<16xf32> to vector<1x16xf32>
            tpu.vector_store %arg8[%swap3A_3343, %swap3A_3344], %swap3A_3347 {strides = array<i32>} : memref<768x64xf32, #tpu.memory_space<vmem>>, vector<1x16xf32>,
            %add3A_3348 = arith.addi %mul3A_2642, %add3A_3262 : i32
            %swap3A_3349 = arith.index_cast %add3A_3348 : i32 to index
            %swap3A_3350 = arith.constant 32 : index
            %swap3A_3351 = tpu.vector_load %arg8[%swap3A_3349, %swap3A_3350] {strides = array<i32>} : memref<768x64xf32, #tpu.memory_space<vmem>>, vector<1x16xf32>,
            %swap3A_3352 = vector.shape_cast %swap3A_3351 : vector<1x16xf32> to vector<16xf32>
            %swap3A_3353 = vector.shape_cast %broadcast_in_dim3A_5 : vector<16xf32> to vector<1x16xf32>
            tpu.vector_store %arg8[%swap3A_3349, %swap3A_3350], %swap3A_3353 {strides = array<i32>} : memref<768x64xf32, #tpu.memory_space<vmem>>, vector<1x16xf32>,
            %add3A_3354 = arith.addi %mul3A_2642, %add3A_3262 : i32
            %swap3A_3355 = arith.index_cast %add3A_3354 : i32 to index
            %swap3A_3356 = arith.constant 48 : index
            %swap3A_3357 = tpu.vector_load %arg8[%swap3A_3355, %swap3A_3356] {strides = array<i32>} : memref<768x64xf32, #tpu.memory_space<vmem>>, vector<1x16xf32>,
            %swap3A_3358 = vector.shape_cast %swap3A_3357 : vector<1x16xf32> to vector<16xf32>
            %swap3A_3359 = vector.shape_cast %broadcast_in_dim3A_5 : vector<16xf32> to vector<1x16xf32>
            tpu.vector_store %arg8[%swap3A_3355, %swap3A_3356], %swap3A_3359 {strides = array<i32>} : memref<768x64xf32, #tpu.memory_space<vmem>>, vector<1x16xf32>,
          } else {
          }
          %mul3A_3270 = arith.constant 16 : i32
          %mul3A_3271 = arith.muli %scan3A_3153, %mul3A_3270 : i32
          %add3A_3272 = arith.constant 10 : i32
          %add3A_3273 = arith.addi %mul3A_3271, %add3A_3272 : i32
          %slice3A_3274 = vector.extract_strided_slice %get3A_3159 {offsets = [10], sizes = [1], strides = [1]} : vector<16xi32> to vector<1xi32>
          %squeeze3A_3275 = vector.extract %slice3A_3274[0] : i32 from vector<1xi32>
          %eq3A_3276 = arith.constant 0 : i32
          %eq3A_3277 = arith.cmpi eq, %squeeze3A_3275, %eq3A_3276 : i32
          %convert_element_type3A_3278 = arith.extui %eq3A_3277 : i1 to i32
          %cond3A_3279 = arith.constant 0 : i32
          %cond3A_3280 = arith.cmpi ne, %convert_element_type3A_3278, %cond3A_3279 : i32
          scf.if %cond3A_3280 {
            %add3A_3336 = arith.addi %mul3A_2642, %add3A_3273 : i32
            %swap3A_3337 = arith.index_cast %add3A_3336 : i32 to index
            %swap3A_3338 = arith.constant 0 : index
            %swap3A_3339 = tpu.vector_load %arg8[%swap3A_3337, %swap3A_3338] {strides = array<i32>} : memref<768x64xf32, #tpu.memory_space<vmem>>, vector<1x16xf32>,
            %swap3A_3340 = vector.shape_cast %swap3A_3339 : vector<1x16xf32> to vector<16xf32>
            %swap3A_3341 = vector.shape_cast %broadcast_in_dim3A_5 : vector<16xf32> to vector<1x16xf32>
            tpu.vector_store %arg8[%swap3A_3337, %swap3A_3338], %swap3A_3341 {strides = array<i32>} : memref<768x64xf32, #tpu.memory_space<vmem>>, vector<1x16xf32>,
            %add3A_3342 = arith.addi %mul3A_2642, %add3A_3273 : i32
            %swap3A_3343 = arith.index_cast %add3A_3342 : i32 to index
            %swap3A_3344 = arith.constant 16 : index
            %swap3A_3345 = tpu.vector_load %arg8[%swap3A_3343, %swap3A_3344] {strides = array<i32>} : memref<768x64xf32, #tpu.memory_space<vmem>>, vector<1x16xf32>,
            %swap3A_3346 = vector.shape_cast %swap3A_3345 : vector<1x16xf32> to vector<16xf32>
            %swap3A_3347 = vector.shape_cast %broadcast_in_dim3A_5 : vector<16xf32> to vector<1x16xf32>
            tpu.vector_store %arg8[%swap3A_3343, %swap3A_3344], %swap3A_3347 {strides = array<i32>} : memref<768x64xf32, #tpu.memory_space<vmem>>, vector<1x16xf32>,
            %add3A_3348 = arith.addi %mul3A_2642, %add3A_3273 : i32
            %swap3A_3349 = arith.index_cast %add3A_3348 : i32 to index
            %swap3A_3350 = arith.constant 32 : index
            %swap3A_3351 = tpu.vector_load %arg8[%swap3A_3349, %swap3A_3350] {strides = array<i32>} : memref<768x64xf32, #tpu.memory_space<vmem>>, vector<1x16xf32>,
            %swap3A_3352 = vector.shape_cast %swap3A_3351 : vector<1x16xf32> to vector<16xf32>
            %swap3A_3353 = vector.shape_cast %broadcast_in_dim3A_5 : vector<16xf32> to vector<1x16xf32>
            tpu.vector_store %arg8[%swap3A_3349, %swap3A_3350], %swap3A_3353 {strides = array<i32>} : memref<768x64xf32, #tpu.memory_space<vmem>>, vector<1x16xf32>,
            %add3A_3354 = arith.addi %mul3A_2642, %add3A_3273 : i32
            %swap3A_3355 = arith.index_cast %add3A_3354 : i32 to index
            %swap3A_3356 = arith.constant 48 : index
            %swap3A_3357 = tpu.vector_load %arg8[%swap3A_3355, %swap3A_3356] {strides = array<i32>} : memref<768x64xf32, #tpu.memory_space<vmem>>, vector<1x16xf32>,
            %swap3A_3358 = vector.shape_cast %swap3A_3357 : vector<1x16xf32> to vector<16xf32>
            %swap3A_3359 = vector.shape_cast %broadcast_in_dim3A_5 : vector<16xf32> to vector<1x16xf32>
            tpu.vector_store %arg8[%swap3A_3355, %swap3A_3356], %swap3A_3359 {strides = array<i32>} : memref<768x64xf32, #tpu.memory_space<vmem>>, vector<1x16xf32>,
          } else {
          }
          %mul3A_3281 = arith.constant 16 : i32
          %mul3A_3282 = arith.muli %scan3A_3153, %mul3A_3281 : i32
          %add3A_3283 = arith.constant 11 : i32
          %add3A_3284 = arith.addi %mul3A_3282, %add3A_3283 : i32
          %slice3A_3285 = vector.extract_strided_slice %get3A_3159 {offsets = [11], sizes = [1], strides = [1]} : vector<16xi32> to vector<1xi32>
          %squeeze3A_3286 = vector.extract %slice3A_3285[0] : i32 from vector<1xi32>
          %eq3A_3287 = arith.constant 0 : i32
          %eq3A_3288 = arith.cmpi eq, %squeeze3A_3286, %eq3A_3287 : i32
          %convert_element_type3A_3289 = arith.extui %eq3A_3288 : i1 to i32
          %cond3A_3290 = arith.constant 0 : i32
          %cond3A_3291 = arith.cmpi ne, %convert_element_type3A_3289, %cond3A_3290 : i32
          scf.if %cond3A_3291 {
            %add3A_3336 = arith.addi %mul3A_2642, %add3A_3284 : i32
            %swap3A_3337 = arith.index_cast %add3A_3336 : i32 to index
            %swap3A_3338 = arith.constant 0 : index
            %swap3A_3339 = tpu.vector_load %arg8[%swap3A_3337, %swap3A_3338] {strides = array<i32>} : memref<768x64xf32, #tpu.memory_space<vmem>>, vector<1x16xf32>,
            %swap3A_3340 = vector.shape_cast %swap3A_3339 : vector<1x16xf32> to vector<16xf32>
            %swap3A_3341 = vector.shape_cast %broadcast_in_dim3A_5 : vector<16xf32> to vector<1x16xf32>
            tpu.vector_store %arg8[%swap3A_3337, %swap3A_3338], %swap3A_3341 {strides = array<i32>} : memref<768x64xf32, #tpu.memory_space<vmem>>, vector<1x16xf32>,
            %add3A_3342 = arith.addi %mul3A_2642, %add3A_3284 : i32
            %swap3A_3343 = arith.index_cast %add3A_3342 : i32 to index
            %swap3A_3344 = arith.constant 16 : index
            %swap3A_3345 = tpu.vector_load %arg8[%swap3A_3343, %swap3A_3344] {strides = array<i32>} : memref<768x64xf32, #tpu.memory_space<vmem>>, vector<1x16xf32>,
            %swap3A_3346 = vector.shape_cast %swap3A_3345 : vector<1x16xf32> to vector<16xf32>
            %swap3A_3347 = vector.shape_cast %broadcast_in_dim3A_5 : vector<16xf32> to vector<1x16xf32>
            tpu.vector_store %arg8[%swap3A_3343, %swap3A_3344], %swap3A_3347 {strides = array<i32>} : memref<768x64xf32, #tpu.memory_space<vmem>>, vector<1x16xf32>,
            %add3A_3348 = arith.addi %mul3A_2642, %add3A_3284 : i32
            %swap3A_3349 = arith.index_cast %add3A_3348 : i32 to index
            %swap3A_3350 = arith.constant 32 : index
            %swap3A_3351 = tpu.vector_load %arg8[%swap3A_3349, %swap3A_3350] {strides = array<i32>} : memref<768x64xf32, #tpu.memory_space<vmem>>, vector<1x16xf32>,
            %swap3A_3352 = vector.shape_cast %swap3A_3351 : vector<1x16xf32> to vector<16xf32>
            %swap3A_3353 = vector.shape_cast %broadcast_in_dim3A_5 : vector<16xf32> to vector<1x16xf32>
            tpu.vector_store %arg8[%swap3A_3349, %swap3A_3350], %swap3A_3353 {strides = array<i32>} : memref<768x64xf32, #tpu.memory_space<vmem>>, vector<1x16xf32>,
            %add3A_3354 = arith.addi %mul3A_2642, %add3A_3284 : i32
            %swap3A_3355 = arith.index_cast %add3A_3354 : i32 to index
            %swap3A_3356 = arith.constant 48 : index
            %swap3A_3357 = tpu.vector_load %arg8[%swap3A_3355, %swap3A_3356] {strides = array<i32>} : memref<768x64xf32, #tpu.memory_space<vmem>>, vector<1x16xf32>,
            %swap3A_3358 = vector.shape_cast %swap3A_3357 : vector<1x16xf32> to vector<16xf32>
            %swap3A_3359 = vector.shape_cast %broadcast_in_dim3A_5 : vector<16xf32> to vector<1x16xf32>
            tpu.vector_store %arg8[%swap3A_3355, %swap3A_3356], %swap3A_3359 {strides = array<i32>} : memref<768x64xf32, #tpu.memory_space<vmem>>, vector<1x16xf32>,
          } else {
          }
          %mul3A_3292 = arith.constant 16 : i32
          %mul3A_3293 = arith.muli %scan3A_3153, %mul3A_3292 : i32
          %add3A_3294 = arith.constant 12 : i32
          %add3A_3295 = arith.addi %mul3A_3293, %add3A_3294 : i32
          %slice3A_3296 = vector.extract_strided_slice %get3A_3159 {offsets = [12], sizes = [1], strides = [1]} : vector<16xi32> to vector<1xi32>
          %squeeze3A_3297 = vector.extract %slice3A_3296[0] : i32 from vector<1xi32>
          %eq3A_3298 = arith.constant 0 : i32
          %eq3A_3299 = arith.cmpi eq, %squeeze3A_3297, %eq3A_3298 : i32
          %convert_element_type3A_3300 = arith.extui %eq3A_3299 : i1 to i32
          %cond3A_3301 = arith.constant 0 : i32
          %cond3A_3302 = arith.cmpi ne, %convert_element_type3A_3300, %cond3A_3301 : i32
          scf.if %cond3A_3302 {
            %add3A_3336 = arith.addi %mul3A_2642, %add3A_3295 : i32
            %swap3A_3337 = arith.index_cast %add3A_3336 : i32 to index
            %swap3A_3338 = arith.constant 0 : index
            %swap3A_3339 = tpu.vector_load %arg8[%swap3A_3337, %swap3A_3338] {strides = array<i32>} : memref<768x64xf32, #tpu.memory_space<vmem>>, vector<1x16xf32>,
            %swap3A_3340 = vector.shape_cast %swap3A_3339 : vector<1x16xf32> to vector<16xf32>
            %swap3A_3341 = vector.shape_cast %broadcast_in_dim3A_5 : vector<16xf32> to vector<1x16xf32>
            tpu.vector_store %arg8[%swap3A_3337, %swap3A_3338], %swap3A_3341 {strides = array<i32>} : memref<768x64xf32, #tpu.memory_space<vmem>>, vector<1x16xf32>,
            %add3A_3342 = arith.addi %mul3A_2642, %add3A_3295 : i32
            %swap3A_3343 = arith.index_cast %add3A_3342 : i32 to index
            %swap3A_3344 = arith.constant 16 : index
            %swap3A_3345 = tpu.vector_load %arg8[%swap3A_3343, %swap3A_3344] {strides = array<i32>} : memref<768x64xf32, #tpu.memory_space<vmem>>, vector<1x16xf32>,
            %swap3A_3346 = vector.shape_cast %swap3A_3345 : vector<1x16xf32> to vector<16xf32>
            %swap3A_3347 = vector.shape_cast %broadcast_in_dim3A_5 : vector<16xf32> to vector<1x16xf32>
            tpu.vector_store %arg8[%swap3A_3343, %swap3A_3344], %swap3A_3347 {strides = array<i32>} : memref<768x64xf32, #tpu.memory_space<vmem>>, vector<1x16xf32>,
            %add3A_3348 = arith.addi %mul3A_2642, %add3A_3295 : i32
            %swap3A_3349 = arith.index_cast %add3A_3348 : i32 to index
            %swap3A_3350 = arith.constant 32 : index
            %swap3A_3351 = tpu.vector_load %arg8[%swap3A_3349, %swap3A_3350] {strides = array<i32>} : memref<768x64xf32, #tpu.memory_space<vmem>>, vector<1x16xf32>,
            %swap3A_3352 = vector.shape_cast %swap3A_3351 : vector<1x16xf32> to vector<16xf32>
            %swap3A_3353 = vector.shape_cast %broadcast_in_dim3A_5 : vector<16xf32> to vector<1x16xf32>
            tpu.vector_store %arg8[%swap3A_3349, %swap3A_3350], %swap3A_3353 {strides = array<i32>} : memref<768x64xf32, #tpu.memory_space<vmem>>, vector<1x16xf32>,
            %add3A_3354 = arith.addi %mul3A_2642, %add3A_3295 : i32
            %swap3A_3355 = arith.index_cast %add3A_3354 : i32 to index
            %swap3A_3356 = arith.constant 48 : index
            %swap3A_3357 = tpu.vector_load %arg8[%swap3A_3355, %swap3A_3356] {strides = array<i32>} : memref<768x64xf32, #tpu.memory_space<vmem>>, vector<1x16xf32>,
            %swap3A_3358 = vector.shape_cast %swap3A_3357 : vector<1x16xf32> to vector<16xf32>
            %swap3A_3359 = vector.shape_cast %broadcast_in_dim3A_5 : vector<16xf32> to vector<1x16xf32>
            tpu.vector_store %arg8[%swap3A_3355, %swap3A_3356], %swap3A_3359 {strides = array<i32>} : memref<768x64xf32, #tpu.memory_space<vmem>>, vector<1x16xf32>,
          } else {
          }
          %mul3A_3303 = arith.constant 16 : i32
          %mul3A_3304 = arith.muli %scan3A_3153, %mul3A_3303 : i32
          %add3A_3305 = arith.constant 13 : i32
          %add3A_3306 = arith.addi %mul3A_3304, %add3A_3305 : i32
          %slice3A_3307 = vector.extract_strided_slice %get3A_3159 {offsets = [13], sizes = [1], strides = [1]} : vector<16xi32> to vector<1xi32>
          %squeeze3A_3308 = vector.extract %slice3A_3307[0] : i32 from vector<1xi32>
          %eq3A_3309 = arith.constant 0 : i32
          %eq3A_3310 = arith.cmpi eq, %squeeze3A_3308, %eq3A_3309 : i32
          %convert_element_type3A_3311 = arith.extui %eq3A_3310 : i1 to i32
          %cond3A_3312 = arith.constant 0 : i32
          %cond3A_3313 = arith.cmpi ne, %convert_element_type3A_3311, %cond3A_3312 : i32
          scf.if %cond3A_3313 {
            %add3A_3336 = arith.addi %mul3A_2642, %add3A_3306 : i32
            %swap3A_3337 = arith.index_cast %add3A_3336 : i32 to index
            %swap3A_3338 = arith.constant 0 : index
            %swap3A_3339 = tpu.vector_load %arg8[%swap3A_3337, %swap3A_3338] {strides = array<i32>} : memref<768x64xf32, #tpu.memory_space<vmem>>, vector<1x16xf32>,
            %swap3A_3340 = vector.shape_cast %swap3A_3339 : vector<1x16xf32> to vector<16xf32>
            %swap3A_3341 = vector.shape_cast %broadcast_in_dim3A_5 : vector<16xf32> to vector<1x16xf32>
            tpu.vector_store %arg8[%swap3A_3337, %swap3A_3338], %swap3A_3341 {strides = array<i32>} : memref<768x64xf32, #tpu.memory_space<vmem>>, vector<1x16xf32>,
            %add3A_3342 = arith.addi %mul3A_2642, %add3A_3306 : i32
            %swap3A_3343 = arith.index_cast %add3A_3342 : i32 to index
            %swap3A_3344 = arith.constant 16 : index
            %swap3A_3345 = tpu.vector_load %arg8[%swap3A_3343, %swap3A_3344] {strides = array<i32>} : memref<768x64xf32, #tpu.memory_space<vmem>>, vector<1x16xf32>,
            %swap3A_3346 = vector.shape_cast %swap3A_3345 : vector<1x16xf32> to vector<16xf32>
            %swap3A_3347 = vector.shape_cast %broadcast_in_dim3A_5 : vector<16xf32> to vector<1x16xf32>
            tpu.vector_store %arg8[%swap3A_3343, %swap3A_3344], %swap3A_3347 {strides = array<i32>} : memref<768x64xf32, #tpu.memory_space<vmem>>, vector<1x16xf32>,
            %add3A_3348 = arith.addi %mul3A_2642, %add3A_3306 : i32
            %swap3A_3349 = arith.index_cast %add3A_3348 : i32 to index
            %swap3A_3350 = arith.constant 32 : index
            %swap3A_3351 = tpu.vector_load %arg8[%swap3A_3349, %swap3A_3350] {strides = array<i32>} : memref<768x64xf32, #tpu.memory_space<vmem>>, vector<1x16xf32>,
            %swap3A_3352 = vector.shape_cast %swap3A_3351 : vector<1x16xf32> to vector<16xf32>
            %swap3A_3353 = vector.shape_cast %broadcast_in_dim3A_5 : vector<16xf32> to vector<1x16xf32>
            tpu.vector_store %arg8[%swap3A_3349, %swap3A_3350], %swap3A_3353 {strides = array<i32>} : memref<768x64xf32, #tpu.memory_space<vmem>>, vector<1x16xf32>,
            %add3A_3354 = arith.addi %mul3A_2642, %add3A_3306 : i32
            %swap3A_3355 = arith.index_cast %add3A_3354 : i32 to index
            %swap3A_3356 = arith.constant 48 : index
            %swap3A_3357 = tpu.vector_load %arg8[%swap3A_3355, %swap3A_3356] {strides = array<i32>} : memref<768x64xf32, #tpu.memory_space<vmem>>, vector<1x16xf32>,
            %swap3A_3358 = vector.shape_cast %swap3A_3357 : vector<1x16xf32> to vector<16xf32>
            %swap3A_3359 = vector.shape_cast %broadcast_in_dim3A_5 : vector<16xf32> to vector<1x16xf32>
            tpu.vector_store %arg8[%swap3A_3355, %swap3A_3356], %swap3A_3359 {strides = array<i32>} : memref<768x64xf32, #tpu.memory_space<vmem>>, vector<1x16xf32>,
          } else {
          }
          %mul3A_3314 = arith.constant 16 : i32
          %mul3A_3315 = arith.muli %scan3A_3153, %mul3A_3314 : i32
          %add3A_3316 = arith.constant 14 : i32
          %add3A_3317 = arith.addi %mul3A_3315, %add3A_3316 : i32
          %slice3A_3318 = vector.extract_strided_slice %get3A_3159 {offsets = [14], sizes = [1], strides = [1]} : vector<16xi32> to vector<1xi32>
          %squeeze3A_3319 = vector.extract %slice3A_3318[0] : i32 from vector<1xi32>
          %eq3A_3320 = arith.constant 0 : i32
          %eq3A_3321 = arith.cmpi eq, %squeeze3A_3319, %eq3A_3320 : i32
          %convert_element_type3A_3322 = arith.extui %eq3A_3321 : i1 to i32
          %cond3A_3323 = arith.constant 0 : i32
          %cond3A_3324 = arith.cmpi ne, %convert_element_type3A_3322, %cond3A_3323 : i32
          scf.if %cond3A_3324 {
            %add3A_3336 = arith.addi %mul3A_2642, %add3A_3317 : i32
            %swap3A_3337 = arith.index_cast %add3A_3336 : i32 to index
            %swap3A_3338 = arith.constant 0 : index
            %swap3A_3339 = tpu.vector_load %arg8[%swap3A_3337, %swap3A_3338] {strides = array<i32>} : memref<768x64xf32, #tpu.memory_space<vmem>>, vector<1x16xf32>,
            %swap3A_3340 = vector.shape_cast %swap3A_3339 : vector<1x16xf32> to vector<16xf32>
            %swap3A_3341 = vector.shape_cast %broadcast_in_dim3A_5 : vector<16xf32> to vector<1x16xf32>
            tpu.vector_store %arg8[%swap3A_3337, %swap3A_3338], %swap3A_3341 {strides = array<i32>} : memref<768x64xf32, #tpu.memory_space<vmem>>, vector<1x16xf32>,
            %add3A_3342 = arith.addi %mul3A_2642, %add3A_3317 : i32
            %swap3A_3343 = arith.index_cast %add3A_3342 : i32 to index
            %swap3A_3344 = arith.constant 16 : index
            %swap3A_3345 = tpu.vector_load %arg8[%swap3A_3343, %swap3A_3344] {strides = array<i32>} : memref<768x64xf32, #tpu.memory_space<vmem>>, vector<1x16xf32>,
            %swap3A_3346 = vector.shape_cast %swap3A_3345 : vector<1x16xf32> to vector<16xf32>
            %swap3A_3347 = vector.shape_cast %broadcast_in_dim3A_5 : vector<16xf32> to vector<1x16xf32>
            tpu.vector_store %arg8[%swap3A_3343, %swap3A_3344], %swap3A_3347 {strides = array<i32>} : memref<768x64xf32, #tpu.memory_space<vmem>>, vector<1x16xf32>,
            %add3A_3348 = arith.addi %mul3A_2642, %add3A_3317 : i32
            %swap3A_3349 = arith.index_cast %add3A_3348 : i32 to index
            %swap3A_3350 = arith.constant 32 : index
            %swap3A_3351 = tpu.vector_load %arg8[%swap3A_3349, %swap3A_3350] {strides = array<i32>} : memref<768x64xf32, #tpu.memory_space<vmem>>, vector<1x16xf32>,
            %swap3A_3352 = vector.shape_cast %swap3A_3351 : vector<1x16xf32> to vector<16xf32>
            %swap3A_3353 = vector.shape_cast %broadcast_in_dim3A_5 : vector<16xf32> to vector<1x16xf32>
            tpu.vector_store %arg8[%swap3A_3349, %swap3A_3350], %swap3A_3353 {strides = array<i32>} : memref<768x64xf32, #tpu.memory_space<vmem>>, vector<1x16xf32>,
            %add3A_3354 = arith.addi %mul3A_2642, %add3A_3317 : i32
            %swap3A_3355 = arith.index_cast %add3A_3354 : i32 to index
            %swap3A_3356 = arith.constant 48 : index
            %swap3A_3357 = tpu.vector_load %arg8[%swap3A_3355, %swap3A_3356] {strides = array<i32>} : memref<768x64xf32, #tpu.memory_space<vmem>>, vector<1x16xf32>,
            %swap3A_3358 = vector.shape_cast %swap3A_3357 : vector<1x16xf32> to vector<16xf32>
            %swap3A_3359 = vector.shape_cast %broadcast_in_dim3A_5 : vector<16xf32> to vector<1x16xf32>
            tpu.vector_store %arg8[%swap3A_3355, %swap3A_3356], %swap3A_3359 {strides = array<i32>} : memref<768x64xf32, #tpu.memory_space<vmem>>, vector<1x16xf32>,
          } else {
          }
          %mul3A_3325 = arith.constant 16 : i32
          %mul3A_3326 = arith.muli %scan3A_3153, %mul3A_3325 : i32
          %add3A_3327 = arith.constant 15 : i32
          %add3A_3328 = arith.addi %mul3A_3326, %add3A_3327 : i32
          %slice3A_3329 = vector.extract_strided_slice %get3A_3159 {offsets = [15], sizes = [1], strides = [1]} : vector<16xi32> to vector<1xi32>
          %squeeze3A_3330 = vector.extract %slice3A_3329[0] : i32 from vector<1xi32>
          %eq3A_3331 = arith.constant 0 : i32
          %eq3A_3332 = arith.cmpi eq, %squeeze3A_3330, %eq3A_3331 : i32
          %convert_element_type3A_3333 = arith.extui %eq3A_3332 : i1 to i32
          %cond3A_3334 = arith.constant 0 : i32
          %cond3A_3335 = arith.cmpi ne, %convert_element_type3A_3333, %cond3A_3334 : i32
          scf.if %cond3A_3335 {
            %add3A_3336 = arith.addi %mul3A_2642, %add3A_3328 : i32
            %swap3A_3337 = arith.index_cast %add3A_3336 : i32 to index
            %swap3A_3338 = arith.constant 0 : index
            %swap3A_3339 = tpu.vector_load %arg8[%swap3A_3337, %swap3A_3338] {strides = array<i32>} : memref<768x64xf32, #tpu.memory_space<vmem>>, vector<1x16xf32>,
            %swap3A_3340 = vector.shape_cast %swap3A_3339 : vector<1x16xf32> to vector<16xf32>
            %swap3A_3341 = vector.shape_cast %broadcast_in_dim3A_5 : vector<16xf32> to vector<1x16xf32>
            tpu.vector_store %arg8[%swap3A_3337, %swap3A_3338], %swap3A_3341 {strides = array<i32>} : memref<768x64xf32, #tpu.memory_space<vmem>>, vector<1x16xf32>,
            %add3A_3342 = arith.addi %mul3A_2642, %add3A_3328 : i32
            %swap3A_3343 = arith.index_cast %add3A_3342 : i32 to index
            %swap3A_3344 = arith.constant 16 : index
            %swap3A_3345 = tpu.vector_load %arg8[%swap3A_3343, %swap3A_3344] {strides = array<i32>} : memref<768x64xf32, #tpu.memory_space<vmem>>, vector<1x16xf32>,
            %swap3A_3346 = vector.shape_cast %swap3A_3345 : vector<1x16xf32> to vector<16xf32>
            %swap3A_3347 = vector.shape_cast %broadcast_in_dim3A_5 : vector<16xf32> to vector<1x16xf32>
            tpu.vector_store %arg8[%swap3A_3343, %swap3A_3344], %swap3A_3347 {strides = array<i32>} : memref<768x64xf32, #tpu.memory_space<vmem>>, vector<1x16xf32>,
            %add3A_3348 = arith.addi %mul3A_2642, %add3A_3328 : i32
            %swap3A_3349 = arith.index_cast %add3A_3348 : i32 to index
            %swap3A_3350 = arith.constant 32 : index
            %swap3A_3351 = tpu.vector_load %arg8[%swap3A_3349, %swap3A_3350] {strides = array<i32>} : memref<768x64xf32, #tpu.memory_space<vmem>>, vector<1x16xf32>,
            %swap3A_3352 = vector.shape_cast %swap3A_3351 : vector<1x16xf32> to vector<16xf32>
            %swap3A_3353 = vector.shape_cast %broadcast_in_dim3A_5 : vector<16xf32> to vector<1x16xf32>
            tpu.vector_store %arg8[%swap3A_3349, %swap3A_3350], %swap3A_3353 {strides = array<i32>} : memref<768x64xf32, #tpu.memory_space<vmem>>, vector<1x16xf32>,
            %add3A_3354 = arith.addi %mul3A_2642, %add3A_3328 : i32
            %swap3A_3355 = arith.index_cast %add3A_3354 : i32 to index
            %swap3A_3356 = arith.constant 48 : index
            %swap3A_3357 = tpu.vector_load %arg8[%swap3A_3355, %swap3A_3356] {strides = array<i32>} : memref<768x64xf32, #tpu.memory_space<vmem>>, vector<1x16xf32>,
            %swap3A_3358 = vector.shape_cast %swap3A_3357 : vector<1x16xf32> to vector<16xf32>
            %swap3A_3359 = vector.shape_cast %broadcast_in_dim3A_5 : vector<16xf32> to vector<1x16xf32>
            tpu.vector_store %arg8[%swap3A_3355, %swap3A_3356], %swap3A_3359 {strides = array<i32>} : memref<768x64xf32, #tpu.memory_space<vmem>>, vector<1x16xf32>,
          } else {
          }
        }
        %scan3A_3152 = arith.constant 8 : i32
      } else {
      }
      %mul3A_2866 = arith.constant 128 : i32
      %mul3A_2867 = arith.muli %select_n3A_2616, %mul3A_2866 : i32
      %mul3A_2868 = arith.constant 128 : i32
      %mul3A_2869 = arith.muli %scan3A_2600, %mul3A_2868 : i32
      %add3A_2870 = arith.constant 0 : i32
      %add3A_2871 = arith.addi %mul3A_2869, %add3A_2870 : i32
      %get3A_2872 = arith.index_cast %add3A_2871 : i32 to index
      %get3A_2873 = tpu.vector_load %arg7[%get3A_2872] {strides = array<i32>} : memref<6400xi32, #tpu.memory_space<vmem>>, vector<16xi32>,
      %get3A_2874 = vector.shape_cast %get3A_2873 : vector<16xi32> to vector<16xi32>
      %eq3A_2875 = arith.constant 0 : i32
      %eq3A_2876 = vector.broadcast %eq3A_2875 : i32 to vector<16xi32>
      %eq3A_2877 = arith.cmpi eq, %get3A_2874, %eq3A_2876 : vector<16xi32>
      %add3A_2878 = arith.constant 16 : i32
      %add3A_2879 = arith.addi %mul3A_2869, %add3A_2878 : i32
      %get3A_2880 = arith.index_cast %add3A_2879 : i32 to index
      %get3A_2881 = tpu.vector_load %arg7[%get3A_2880] {strides = array<i32>} : memref<6400xi32, #tpu.memory_space<vmem>>, vector<16xi32>,
      %get3A_2882 = vector.shape_cast %get3A_2881 : vector<16xi32> to vector<16xi32>
      %eq3A_2883 = arith.constant 0 : i32
      %eq3A_2884 = vector.broadcast %eq3A_2883 : i32 to vector<16xi32>
      %eq3A_2885 = arith.cmpi eq, %get3A_2882, %eq3A_2884 : vector<16xi32>
      %or3A_2886 = arith.ori %eq3A_2877, %eq3A_2885 : vector<16xi1>
      %add3A_2887 = arith.constant 32 : i32
      %add3A_2888 = arith.addi %mul3A_2869, %add3A_2887 : i32
      %get3A_2889 = arith.index_cast %add3A_2888 : i32 to index
      %get3A_2890 = tpu.vector_load %arg7[%get3A_2889] {strides = array<i32>} : memref<6400xi32, #tpu.memory_space<vmem>>, vector<16xi32>,
      %get3A_2891 = vector.shape_cast %get3A_2890 : vector<16xi32> to vector<16xi32>
      %eq3A_2892 = arith.constant 0 : i32
      %eq3A_2893 = vector.broadcast %eq3A_2892 : i32 to vector<16xi32>
      %eq3A_2894 = arith.cmpi eq, %get3A_2891, %eq3A_2893 : vector<16xi32>
      %or3A_2895 = arith.ori %or3A_2886, %eq3A_2894 : vector<16xi1>
      %add3A_2896 = arith.constant 48 : i32
      %add3A_2897 = arith.addi %mul3A_2869, %add3A_2896 : i32
      %get3A_2898 = arith.index_cast %add3A_2897 : i32 to index
      %get3A_2899 = tpu.vector_load %arg7[%get3A_2898] {strides = array<i32>} : memref<6400xi32, #tpu.memory_space<vmem>>, vector<16xi32>,
      %get3A_2900 = vector.shape_cast %get3A_2899 : vector<16xi32> to vector<16xi32>
      %eq3A_2901 = arith.constant 0 : i32
      %eq3A_2902 = vector.broadcast %eq3A_2901 : i32 to vector<16xi32>
      %eq3A_2903 = arith.cmpi eq, %get3A_2900, %eq3A_2902 : vector<16xi32>
      %or3A_2904 = arith.ori %or3A_2895, %eq3A_2903 : vector<16xi1>
      %add3A_2905 = arith.constant 64 : i32
      %add3A_2906 = arith.addi %mul3A_2869, %add3A_2905 : i32
      %get3A_2907 = arith.index_cast %add3A_2906 : i32 to index
      %get3A_2908 = tpu.vector_load %arg7[%get3A_2907] {strides = array<i32>} : memref<6400xi32, #tpu.memory_space<vmem>>, vector<16xi32>,
      %get3A_2909 = vector.shape_cast %get3A_2908 : vector<16xi32> to vector<16xi32>
      %eq3A_2910 = arith.constant 0 : i32
      %eq3A_2911 = vector.broadcast %eq3A_2910 : i32 to vector<16xi32>
      %eq3A_2912 = arith.cmpi eq, %get3A_2909, %eq3A_2911 : vector<16xi32>
      %or3A_2913 = arith.ori %or3A_2904, %eq3A_2912 : vector<16xi1>
      %add3A_2914 = arith.constant 80 : i32
      %add3A_2915 = arith.addi %mul3A_2869, %add3A_2914 : i32
      %get3A_2916 = arith.index_cast %add3A_2915 : i32 to index
      %get3A_2917 = tpu.vector_load %arg7[%get3A_2916] {strides = array<i32>} : memref<6400xi32, #tpu.memory_space<vmem>>, vector<16xi32>,
      %get3A_2918 = vector.shape_cast %get3A_2917 : vector<16xi32> to vector<16xi32>
      %eq3A_2919 = arith.constant 0 : i32
      %eq3A_2920 = vector.broadcast %eq3A_2919 : i32 to vector<16xi32>
      %eq3A_2921 = arith.cmpi eq, %get3A_2918, %eq3A_2920 : vector<16xi32>
      %or3A_2922 = arith.ori %or3A_2913, %eq3A_2921 : vector<16xi1>
      %add3A_2923 = arith.constant 96 : i32
      %add3A_2924 = arith.addi %mul3A_2869, %add3A_2923 : i32
      %get3A_2925 = arith.index_cast %add3A_2924 : i32 to index
      %get3A_2926 = tpu.vector_load %arg7[%get3A_2925] {strides = array<i32>} : memref<6400xi32, #tpu.memory_space<vmem>>, vector<16xi32>,
      %get3A_2927 = vector.shape_cast %get3A_2926 : vector<16xi32> to vector<16xi32>
      %eq3A_2928 = arith.constant 0 : i32
      %eq3A_2929 = vector.broadcast %eq3A_2928 : i32 to vector<16xi32>
      %eq3A_2930 = arith.cmpi eq, %get3A_2927, %eq3A_2929 : vector<16xi32>
      %or3A_2931 = arith.ori %or3A_2922, %eq3A_2930 : vector<16xi1>
      %add3A_2932 = arith.constant 112 : i32
      %add3A_2933 = arith.addi %mul3A_2869, %add3A_2932 : i32
      %get3A_2934 = arith.index_cast %add3A_2933 : i32 to index
      %get3A_2935 = tpu.vector_load %arg7[%get3A_2934] {strides = array<i32>} : memref<6400xi32, #tpu.memory_space<vmem>>, vector<16xi32>,
      %get3A_2936 = vector.shape_cast %get3A_2935 : vector<16xi32> to vector<16xi32>
      %eq3A_2937 = arith.constant 0 : i32
      %eq3A_2938 = vector.broadcast %eq3A_2937 : i32 to vector<16xi32>
      %eq3A_2939 = arith.cmpi eq, %get3A_2936, %eq3A_2938 : vector<16xi32>
      %or3A_2940 = arith.ori %or3A_2931, %eq3A_2939 : vector<16xi1>
      %jit3A_2941 = arith.constant 1 : i32
      %jit3A_2942 = arith.constant 0 : i32
      %broadcast_in_dim3A_2943 = vector.broadcast %jit3A_2941 : i32 to vector<16xi32>
      %broadcast_in_dim3A_2944 = vector.broadcast %jit3A_2942 : i32 to vector<16xi32>
      %select_n3A_2945 = arith.select %or3A_2940, %broadcast_in_dim3A_2943, %broadcast_in_dim3A_2944 : vector<16xi1>, vector<16xi32>
      %add3A_2946 = arith.constant 8 : i32
      %add3A_2947 = vector.broadcast %add3A_2946 : i32 to vector<16xi32>
      %add3A_2948 = arith.addi %iota3A, %add3A_2947 : vector<16xi32>
      %jit3A_2949 = arith.constant 16 : i32
      %eq3A_2950 = arith.constant 0 : i32
      %eq3A_2951 = arith.cmpi eq, %jit3A_2949, %eq3A_2950 : i32
      %jit3A_2952 = arith.constant 1 : i32
      %select_n3A_2953 = arith.select %eq3A_2951, %jit3A_2952, %jit3A_2949 : i32
      %rem3A_2954 = vector.broadcast %select_n3A_2953 : i32 to vector<16xi32>
      %rem3A_2955 = arith.remsi %add3A_2948, %rem3A_2954 : vector<16xi32>
      %ne3A_2956 = arith.constant 0 : i32
      %ne3A_2957 = vector.broadcast %ne3A_2956 : i32 to vector<16xi32>
      %ne3A_2958 = arith.cmpi ne, %rem3A_2955, %ne3A_2957 : vector<16xi32>
      %lt3A_2959 = arith.constant 0 : i32
      %lt3A_2960 = vector.broadcast %lt3A_2959 : i32 to vector<16xi32>
      %lt3A_2961 = arith.cmpi slt, %rem3A_2955, %lt3A_2960 : vector<16xi32>
      %lt3A_2962 = arith.constant 0 : i32
      %lt3A_2963 = arith.cmpi slt, %select_n3A_2953, %lt3A_2962 : i32
      %ne3A_2964 = vector.broadcast %lt3A_2963 : i1 to vector<16xi1>
      %ne3A_2965 = vector.broadcast %ne3A_2964 : vector<16xi1> to vector<16xi1>
      %ne3A_2966 = arith.xori %lt3A_2961, %ne3A_2965 : vector<16xi1>
      %and3A_2967 = arith.andi %ne3A_2966, %ne3A_2958 : vector<16xi1>
      %add3A_2968 = vector.broadcast %select_n3A_2953 : i32 to vector<16xi32>
      %add3A_2969 = arith.addi %rem3A_2955, %add3A_2968 : vector<16xi32>
      %select_n3A_2970 = arith.select %and3A_2967, %add3A_2969, %rem3A_2955 : vector<16xi1>, vector<16xi32>
      %lt3A_2971 = arith.constant 0 : i32
      %lt3A_2972 = vector.broadcast %lt3A_2971 : i32 to vector<16xi32>
      %lt3A_2973 = arith.cmpi slt, %select_n3A_2970, %lt3A_2972 : vector<16xi32>
      %add3A_2974 = arith.constant 16 : i32
      %add3A_2975 = vector.broadcast %add3A_2974 : i32 to vector<16xi32>
      %add3A_2976 = arith.addi %select_n3A_2970, %add3A_2975 : vector<16xi32>
      %select_n3A_2977 = arith.select %lt3A_2973, %add3A_2976, %select_n3A_2970 : vector<16xi1>, vector<16xi32>
      %broadcast_in_dim3A_2978 = vector.shape_cast %select_n3A_2977 : vector<16xi32> to vector<16x1xi32>
      %gather3A_2979 = vector.shape_cast %broadcast_in_dim3A_2978 : vector<16x1xi32> to vector<16xi32>
      %gather3A_2980 = tpu.dynamic_gather %select_n3A_2945[%gather3A_2979] in [0] : vector<16xi32>, vector<16xi32> -> vector<16xi32>
      %or3A_2981 = arith.ori %select_n3A_2945, %gather3A_2980 : vector<16xi32>
      %add3A_2982 = arith.constant 4 : i32
      %add3A_2983 = vector.broadcast %add3A_2982 : i32 to vector<16xi32>
      %add3A_2984 = arith.addi %iota3A, %add3A_2983 : vector<16xi32>
      %jit3A_2985 = arith.constant 16 : i32
      %eq3A_2986 = arith.constant 0 : i32
      %eq3A_2987 = arith.cmpi eq, %jit3A_2985, %eq3A_2986 : i32
      %jit3A_2988 = arith.constant 1 : i32
      %select_n3A_2989 = arith.select %eq3A_2987, %jit3A_2988, %jit3A_2985 : i32
      %rem3A_2990 = vector.broadcast %select_n3A_2989 : i32 to vector<16xi32>
      %rem3A_2991 = arith.remsi %add3A_2984, %rem3A_2990 : vector<16xi32>
      %ne3A_2992 = arith.constant 0 : i32
      %ne3A_2993 = vector.broadcast %ne3A_2992 : i32 to vector<16xi32>
      %ne3A_2994 = arith.cmpi ne, %rem3A_2991, %ne3A_2993 : vector<16xi32>
      %lt3A_2995 = arith.constant 0 : i32
      %lt3A_2996 = vector.broadcast %lt3A_2995 : i32 to vector<16xi32>
      %lt3A_2997 = arith.cmpi slt, %rem3A_2991, %lt3A_2996 : vector<16xi32>
      %lt3A_2998 = arith.constant 0 : i32
      %lt3A_2999 = arith.cmpi slt, %select_n3A_2989, %lt3A_2998 : i32
      %ne3A_3000 = vector.broadcast %lt3A_2999 : i1 to vector<16xi1>
      %ne3A_3001 = vector.broadcast %ne3A_3000 : vector<16xi1> to vector<16xi1>
      %ne3A_3002 = arith.xori %lt3A_2997, %ne3A_3001 : vector<16xi1>
      %and3A_3003 = arith.andi %ne3A_3002, %ne3A_2994 : vector<16xi1>
      %add3A_3004 = vector.broadcast %select_n3A_2989 : i32 to vector<16xi32>
      %add3A_3005 = arith.addi %rem3A_2991, %add3A_3004 : vector<16xi32>
      %select_n3A_3006 = arith.select %and3A_3003, %add3A_3005, %rem3A_2991 : vector<16xi1>, vector<16xi32>
      %lt3A_3007 = arith.constant 0 : i32
      %lt3A_3008 = vector.broadcast %lt3A_3007 : i32 to vector<16xi32>
      %lt3A_3009 = arith.cmpi slt, %select_n3A_3006, %lt3A_3008 : vector<16xi32>
      %add3A_3010 = arith.constant 16 : i32
      %add3A_3011 = vector.broadcast %add3A_3010 : i32 to vector<16xi32>
      %add3A_3012 = arith.addi %select_n3A_3006, %add3A_3011 : vector<16xi32>
      %select_n3A_3013 = arith.select %lt3A_3009, %add3A_3012, %select_n3A_3006 : vector<16xi1>, vector<16xi32>
      %broadcast_in_dim3A_3014 = vector.shape_cast %select_n3A_3013 : vector<16xi32> to vector<16x1xi32>
      %gather3A_3015 = vector.shape_cast %broadcast_in_dim3A_3014 : vector<16x1xi32> to vector<16xi32>
      %gather3A_3016 = tpu.dynamic_gather %or3A_2981[%gather3A_3015] in [0] : vector<16xi32>, vector<16xi32> -> vector<16xi32>
      %or3A_3017 = arith.ori %or3A_2981, %gather3A_3016 : vector<16xi32>
      %add3A_3018 = arith.constant 2 : i32
      %add3A_3019 = vector.broadcast %add3A_3018 : i32 to vector<16xi32>
      %add3A_3020 = arith.addi %iota3A, %add3A_3019 : vector<16xi32>
      %jit3A_3021 = arith.constant 16 : i32
      %eq3A_3022 = arith.constant 0 : i32
      %eq3A_3023 = arith.cmpi eq, %jit3A_3021, %eq3A_3022 : i32
      %jit3A_3024 = arith.constant 1 : i32
      %select_n3A_3025 = arith.select %eq3A_3023, %jit3A_3024, %jit3A_3021 : i32
      %rem3A_3026 = vector.broadcast %select_n3A_3025 : i32 to vector<16xi32>
      %rem3A_3027 = arith.remsi %add3A_3020, %rem3A_3026 : vector<16xi32>
      %ne3A_3028 = arith.constant 0 : i32
      %ne3A_3029 = vector.broadcast %ne3A_3028 : i32 to vector<16xi32>
      %ne3A_3030 = arith.cmpi ne, %rem3A_3027, %ne3A_3029 : vector<16xi32>
      %lt3A_3031 = arith.constant 0 : i32
      %lt3A_3032 = vector.broadcast %lt3A_3031 : i32 to vector<16xi32>
      %lt3A_3033 = arith.cmpi slt, %rem3A_3027, %lt3A_3032 : vector<16xi32>
      %lt3A_3034 = arith.constant 0 : i32
      %lt3A_3035 = arith.cmpi slt, %select_n3A_3025, %lt3A_3034 : i32
      %ne3A_3036 = vector.broadcast %lt3A_3035 : i1 to vector<16xi1>
      %ne3A_3037 = vector.broadcast %ne3A_3036 : vector<16xi1> to vector<16xi1>
      %ne3A_3038 = arith.xori %lt3A_3033, %ne3A_3037 : vector<16xi1>
      %and3A_3039 = arith.andi %ne3A_3038, %ne3A_3030 : vector<16xi1>
      %add3A_3040 = vector.broadcast %select_n3A_3025 : i32 to vector<16xi32>
      %add3A_3041 = arith.addi %rem3A_3027, %add3A_3040 : vector<16xi32>
      %select_n3A_3042 = arith.select %and3A_3039, %add3A_3041, %rem3A_3027 : vector<16xi1>, vector<16xi32>
      %lt3A_3043 = arith.constant 0 : i32
      %lt3A_3044 = vector.broadcast %lt3A_3043 : i32 to vector<16xi32>
      %lt3A_3045 = arith.cmpi slt, %select_n3A_3042, %lt3A_3044 : vector<16xi32>
      %add3A_3046 = arith.constant 16 : i32
      %add3A_3047 = vector.broadcast %add3A_3046 : i32 to vector<16xi32>
      %add3A_3048 = arith.addi %select_n3A_3042, %add3A_3047 : vector<16xi32>
      %select_n3A_3049 = arith.select %lt3A_3045, %add3A_3048, %select_n3A_3042 : vector<16xi1>, vector<16xi32>
      %broadcast_in_dim3A_3050 = vector.shape_cast %select_n3A_3049 : vector<16xi32> to vector<16x1xi32>
      %gather3A_3051 = vector.shape_cast %broadcast_in_dim3A_3050 : vector<16x1xi32> to vector<16xi32>
      %gather3A_3052 = tpu.dynamic_gather %or3A_3017[%gather3A_3051] in [0] : vector<16xi32>, vector<16xi32> -> vector<16xi32>
      %or3A_3053 = arith.ori %or3A_3017, %gather3A_3052 : vector<16xi32>
      %add3A_3054 = arith.constant 1 : i32
      %add3A_3055 = vector.broadcast %add3A_3054 : i32 to vector<16xi32>
      %add3A_3056 = arith.addi %iota3A, %add3A_3055 : vector<16xi32>
      %jit3A_3057 = arith.constant 16 : i32
      %eq3A_3058 = arith.constant 0 : i32
      %eq3A_3059 = arith.cmpi eq, %jit3A_3057, %eq3A_3058 : i32
      %jit3A_3060 = arith.constant 1 : i32
      %select_n3A_3061 = arith.select %eq3A_3059, %jit3A_3060, %jit3A_3057 : i32
      %rem3A_3062 = vector.broadcast %select_n3A_3061 : i32 to vector<16xi32>
      %rem3A_3063 = arith.remsi %add3A_3056, %rem3A_3062 : vector<16xi32>
      %ne3A_3064 = arith.constant 0 : i32
      %ne3A_3065 = vector.broadcast %ne3A_3064 : i32 to vector<16xi32>
      %ne3A_3066 = arith.cmpi ne, %rem3A_3063, %ne3A_3065 : vector<16xi32>
      %lt3A_3067 = arith.constant 0 : i32
      %lt3A_3068 = vector.broadcast %lt3A_3067 : i32 to vector<16xi32>
      %lt3A_3069 = arith.cmpi slt, %rem3A_3063, %lt3A_3068 : vector<16xi32>
      %lt3A_3070 = arith.constant 0 : i32
      %lt3A_3071 = arith.cmpi slt, %select_n3A_3061, %lt3A_3070 : i32
      %ne3A_3072 = vector.broadcast %lt3A_3071 : i1 to vector<16xi1>
      %ne3A_3073 = vector.broadcast %ne3A_3072 : vector<16xi1> to vector<16xi1>
      %ne3A_3074 = arith.xori %lt3A_3069, %ne3A_3073 : vector<16xi1>
      %and3A_3075 = arith.andi %ne3A_3074, %ne3A_3066 : vector<16xi1>
      %add3A_3076 = vector.broadcast %select_n3A_3061 : i32 to vector<16xi32>
      %add3A_3077 = arith.addi %rem3A_3063, %add3A_3076 : vector<16xi32>
      %select_n3A_3078 = arith.select %and3A_3075, %add3A_3077, %rem3A_3063 : vector<16xi1>, vector<16xi32>
      %lt3A_3079 = arith.constant 0 : i32
      %lt3A_3080 = vector.broadcast %lt3A_3079 : i32 to vector<16xi32>
      %lt3A_3081 = arith.cmpi slt, %select_n3A_3078, %lt3A_3080 : vector<16xi32>
      %add3A_3082 = arith.constant 16 : i32
      %add3A_3083 = vector.broadcast %add3A_3082 : i32 to vector<16xi32>
      %add3A_3084 = arith.addi %select_n3A_3078, %add3A_3083 : vector<16xi32>
      %select_n3A_3085 = arith.select %lt3A_3081, %add3A_3084, %select_n3A_3078 : vector<16xi1>, vector<16xi32>
      %broadcast_in_dim3A_3086 = vector.shape_cast %select_n3A_3085 : vector<16xi32> to vector<16x1xi32>
      %gather3A_3087 = vector.shape_cast %broadcast_in_dim3A_3086 : vector<16x1xi32> to vector<16xi32>
      %gather3A_3088 = tpu.dynamic_gather %or3A_3053[%gather3A_3087] in [0] : vector<16xi32>, vector<16xi32> -> vector<16xi32>
      %or3A_3089 = arith.ori %or3A_3053, %gather3A_3088 : vector<16xi32>
      %slice3A_3090 = vector.extract_strided_slice %or3A_3089 {offsets = [0], sizes = [1], strides = [1]} : vector<16xi32> to vector<1xi32>
      %squeeze3A_3091 = vector.extract %slice3A_3090[0] : i32 from vector<1xi32>
      %gt3A_3092 = arith.constant 0 : i32
      %gt3A_3093 = arith.cmpi sgt, %squeeze3A_3091, %gt3A_3092 : i32
      %convert_element_type3A_3094 = arith.extui %gt3A_3093 : i1 to i32
      %cond3A_3095 = arith.constant 0 : i32
      %cond3A_3096 = arith.cmpi ne, %convert_element_type3A_3094, %cond3A_3095 : i32
      scf.if %cond3A_3096 {
        %scan3A_3147 = arith.constant 0 : i32
        %scan3A_3148 = arith.constant 0 : i32
        %scan3A_3149 = arith.constant 8 : i32
        %scan3A_3150 = arith.addi %scan3A_3148, %scan3A_3149 : i32
        %scan3A_3151 = arith.constant 1 : i32
        scf.for %scan3A_3153 = %scan3A_3148 to %scan3A_3150 step %scan3A_3151  : i32 {
          %mul3A_3154 = arith.constant 16 : i32
          %mul3A_3155 = arith.muli %scan3A_3153, %mul3A_3154 : i32
          %add3A_3156 = arith.addi %mul3A_2869, %mul3A_3155 : i32
          %get3A_3157 = arith.index_cast %add3A_3156 : i32 to index
          %get3A_3158 = tpu.vector_load %arg7[%get3A_3157] {strides = array<i32>} : memref<6400xi32, #tpu.memory_space<vmem>>, vector<16xi32>,
          %get3A_3159 = vector.shape_cast %get3A_3158 : vector<16xi32> to vector<16xi32>
          %mul3A_3160 = arith.constant 16 : i32
          %mul3A_3161 = arith.muli %scan3A_3153, %mul3A_3160 : i32
          %add3A_3162 = arith.constant 0 : i32
          %add3A_3163 = arith.addi %mul3A_3161, %add3A_3162 : i32
          %slice3A_3164 = vector.extract_strided_slice %get3A_3159 {offsets = [0], sizes = [1], strides = [1]} : vector<16xi32> to vector<1xi32>
          %squeeze3A_3165 = vector.extract %slice3A_3164[0] : i32 from vector<1xi32>
          %eq3A_3166 = arith.constant 0 : i32
          %eq3A_3167 = arith.cmpi eq, %squeeze3A_3165, %eq3A_3166 : i32
          %convert_element_type3A_3168 = arith.extui %eq3A_3167 : i1 to i32
          %cond3A_3169 = arith.constant 0 : i32
          %cond3A_3170 = arith.cmpi ne, %convert_element_type3A_3168, %cond3A_3169 : i32
          scf.if %cond3A_3170 {
            %add3A_3336 = arith.addi %mul3A_2867, %add3A_3163 : i32
            %swap3A_3337 = arith.index_cast %add3A_3336 : i32 to index
            %swap3A_3338 = arith.constant 0 : index
            %swap3A_3339 = tpu.vector_load %arg9[%swap3A_3337, %swap3A_3338] {strides = array<i32>} : memref<768x64xf32, #tpu.memory_space<vmem>>, vector<1x16xf32>,
            %swap3A_3340 = vector.shape_cast %swap3A_3339 : vector<1x16xf32> to vector<16xf32>
            %swap3A_3341 = vector.shape_cast %broadcast_in_dim3A_5 : vector<16xf32> to vector<1x16xf32>
            tpu.vector_store %arg9[%swap3A_3337, %swap3A_3338], %swap3A_3341 {strides = array<i32>} : memref<768x64xf32, #tpu.memory_space<vmem>>, vector<1x16xf32>,
            %add3A_3342 = arith.addi %mul3A_2867, %add3A_3163 : i32
            %swap3A_3343 = arith.index_cast %add3A_3342 : i32 to index
            %swap3A_3344 = arith.constant 16 : index
            %swap3A_3345 = tpu.vector_load %arg9[%swap3A_3343, %swap3A_3344] {strides = array<i32>} : memref<768x64xf32, #tpu.memory_space<vmem>>, vector<1x16xf32>,
            %swap3A_3346 = vector.shape_cast %swap3A_3345 : vector<1x16xf32> to vector<16xf32>
            %swap3A_3347 = vector.shape_cast %broadcast_in_dim3A_5 : vector<16xf32> to vector<1x16xf32>
            tpu.vector_store %arg9[%swap3A_3343, %swap3A_3344], %swap3A_3347 {strides = array<i32>} : memref<768x64xf32, #tpu.memory_space<vmem>>, vector<1x16xf32>,
            %add3A_3348 = arith.addi %mul3A_2867, %add3A_3163 : i32
            %swap3A_3349 = arith.index_cast %add3A_3348 : i32 to index
            %swap3A_3350 = arith.constant 32 : index
            %swap3A_3351 = tpu.vector_load %arg9[%swap3A_3349, %swap3A_3350] {strides = array<i32>} : memref<768x64xf32, #tpu.memory_space<vmem>>, vector<1x16xf32>,
            %swap3A_3352 = vector.shape_cast %swap3A_3351 : vector<1x16xf32> to vector<16xf32>
            %swap3A_3353 = vector.shape_cast %broadcast_in_dim3A_5 : vector<16xf32> to vector<1x16xf32>
            tpu.vector_store %arg9[%swap3A_3349, %swap3A_3350], %swap3A_3353 {strides = array<i32>} : memref<768x64xf32, #tpu.memory_space<vmem>>, vector<1x16xf32>,
            %add3A_3354 = arith.addi %mul3A_2867, %add3A_3163 : i32
            %swap3A_3355 = arith.index_cast %add3A_3354 : i32 to index
            %swap3A_3356 = arith.constant 48 : index
            %swap3A_3357 = tpu.vector_load %arg9[%swap3A_3355, %swap3A_3356] {strides = array<i32>} : memref<768x64xf32, #tpu.memory_space<vmem>>, vector<1x16xf32>,
            %swap3A_3358 = vector.shape_cast %swap3A_3357 : vector<1x16xf32> to vector<16xf32>
            %swap3A_3359 = vector.shape_cast %broadcast_in_dim3A_5 : vector<16xf32> to vector<1x16xf32>
            tpu.vector_store %arg9[%swap3A_3355, %swap3A_3356], %swap3A_3359 {strides = array<i32>} : memref<768x64xf32, #tpu.memory_space<vmem>>, vector<1x16xf32>,
          } else {
          }
          %mul3A_3171 = arith.constant 16 : i32
          %mul3A_3172 = arith.muli %scan3A_3153, %mul3A_3171 : i32
          %add3A_3173 = arith.constant 1 : i32
          %add3A_3174 = arith.addi %mul3A_3172, %add3A_3173 : i32
          %slice3A_3175 = vector.extract_strided_slice %get3A_3159 {offsets = [1], sizes = [1], strides = [1]} : vector<16xi32> to vector<1xi32>
          %squeeze3A_3176 = vector.extract %slice3A_3175[0] : i32 from vector<1xi32>
          %eq3A_3177 = arith.constant 0 : i32
          %eq3A_3178 = arith.cmpi eq, %squeeze3A_3176, %eq3A_3177 : i32
          %convert_element_type3A_3179 = arith.extui %eq3A_3178 : i1 to i32
          %cond3A_3180 = arith.constant 0 : i32
          %cond3A_3181 = arith.cmpi ne, %convert_element_type3A_3179, %cond3A_3180 : i32
          scf.if %cond3A_3181 {
            %add3A_3336 = arith.addi %mul3A_2867, %add3A_3174 : i32
            %swap3A_3337 = arith.index_cast %add3A_3336 : i32 to index
            %swap3A_3338 = arith.constant 0 : index
            %swap3A_3339 = tpu.vector_load %arg9[%swap3A_3337, %swap3A_3338] {strides = array<i32>} : memref<768x64xf32, #tpu.memory_space<vmem>>, vector<1x16xf32>,
            %swap3A_3340 = vector.shape_cast %swap3A_3339 : vector<1x16xf32> to vector<16xf32>
            %swap3A_3341 = vector.shape_cast %broadcast_in_dim3A_5 : vector<16xf32> to vector<1x16xf32>
            tpu.vector_store %arg9[%swap3A_3337, %swap3A_3338], %swap3A_3341 {strides = array<i32>} : memref<768x64xf32, #tpu.memory_space<vmem>>, vector<1x16xf32>,
            %add3A_3342 = arith.addi %mul3A_2867, %add3A_3174 : i32
            %swap3A_3343 = arith.index_cast %add3A_3342 : i32 to index
            %swap3A_3344 = arith.constant 16 : index
            %swap3A_3345 = tpu.vector_load %arg9[%swap3A_3343, %swap3A_3344] {strides = array<i32>} : memref<768x64xf32, #tpu.memory_space<vmem>>, vector<1x16xf32>,
            %swap3A_3346 = vector.shape_cast %swap3A_3345 : vector<1x16xf32> to vector<16xf32>
            %swap3A_3347 = vector.shape_cast %broadcast_in_dim3A_5 : vector<16xf32> to vector<1x16xf32>
            tpu.vector_store %arg9[%swap3A_3343, %swap3A_3344], %swap3A_3347 {strides = array<i32>} : memref<768x64xf32, #tpu.memory_space<vmem>>, vector<1x16xf32>,
            %add3A_3348 = arith.addi %mul3A_2867, %add3A_3174 : i32
            %swap3A_3349 = arith.index_cast %add3A_3348 : i32 to index
            %swap3A_3350 = arith.constant 32 : index
            %swap3A_3351 = tpu.vector_load %arg9[%swap3A_3349, %swap3A_3350] {strides = array<i32>} : memref<768x64xf32, #tpu.memory_space<vmem>>, vector<1x16xf32>,
            %swap3A_3352 = vector.shape_cast %swap3A_3351 : vector<1x16xf32> to vector<16xf32>
            %swap3A_3353 = vector.shape_cast %broadcast_in_dim3A_5 : vector<16xf32> to vector<1x16xf32>
            tpu.vector_store %arg9[%swap3A_3349, %swap3A_3350], %swap3A_3353 {strides = array<i32>} : memref<768x64xf32, #tpu.memory_space<vmem>>, vector<1x16xf32>,
            %add3A_3354 = arith.addi %mul3A_2867, %add3A_3174 : i32
            %swap3A_3355 = arith.index_cast %add3A_3354 : i32 to index
            %swap3A_3356 = arith.constant 48 : index
            %swap3A_3357 = tpu.vector_load %arg9[%swap3A_3355, %swap3A_3356] {strides = array<i32>} : memref<768x64xf32, #tpu.memory_space<vmem>>, vector<1x16xf32>,
            %swap3A_3358 = vector.shape_cast %swap3A_3357 : vector<1x16xf32> to vector<16xf32>
            %swap3A_3359 = vector.shape_cast %broadcast_in_dim3A_5 : vector<16xf32> to vector<1x16xf32>
            tpu.vector_store %arg9[%swap3A_3355, %swap3A_3356], %swap3A_3359 {strides = array<i32>} : memref<768x64xf32, #tpu.memory_space<vmem>>, vector<1x16xf32>,
          } else {
          }
          %mul3A_3182 = arith.constant 16 : i32
          %mul3A_3183 = arith.muli %scan3A_3153, %mul3A_3182 : i32
          %add3A_3184 = arith.constant 2 : i32
          %add3A_3185 = arith.addi %mul3A_3183, %add3A_3184 : i32
          %slice3A_3186 = vector.extract_strided_slice %get3A_3159 {offsets = [2], sizes = [1], strides = [1]} : vector<16xi32> to vector<1xi32>
          %squeeze3A_3187 = vector.extract %slice3A_3186[0] : i32 from vector<1xi32>
          %eq3A_3188 = arith.constant 0 : i32
          %eq3A_3189 = arith.cmpi eq, %squeeze3A_3187, %eq3A_3188 : i32
          %convert_element_type3A_3190 = arith.extui %eq3A_3189 : i1 to i32
          %cond3A_3191 = arith.constant 0 : i32
          %cond3A_3192 = arith.cmpi ne, %convert_element_type3A_3190, %cond3A_3191 : i32
          scf.if %cond3A_3192 {
            %add3A_3336 = arith.addi %mul3A_2867, %add3A_3185 : i32
            %swap3A_3337 = arith.index_cast %add3A_3336 : i32 to index
            %swap3A_3338 = arith.constant 0 : index
            %swap3A_3339 = tpu.vector_load %arg9[%swap3A_3337, %swap3A_3338] {strides = array<i32>} : memref<768x64xf32, #tpu.memory_space<vmem>>, vector<1x16xf32>,
            %swap3A_3340 = vector.shape_cast %swap3A_3339 : vector<1x16xf32> to vector<16xf32>
            %swap3A_3341 = vector.shape_cast %broadcast_in_dim3A_5 : vector<16xf32> to vector<1x16xf32>
            tpu.vector_store %arg9[%swap3A_3337, %swap3A_3338], %swap3A_3341 {strides = array<i32>} : memref<768x64xf32, #tpu.memory_space<vmem>>, vector<1x16xf32>,
            %add3A_3342 = arith.addi %mul3A_2867, %add3A_3185 : i32
            %swap3A_3343 = arith.index_cast %add3A_3342 : i32 to index
            %swap3A_3344 = arith.constant 16 : index
            %swap3A_3345 = tpu.vector_load %arg9[%swap3A_3343, %swap3A_3344] {strides = array<i32>} : memref<768x64xf32, #tpu.memory_space<vmem>>, vector<1x16xf32>,
            %swap3A_3346 = vector.shape_cast %swap3A_3345 : vector<1x16xf32> to vector<16xf32>
            %swap3A_3347 = vector.shape_cast %broadcast_in_dim3A_5 : vector<16xf32> to vector<1x16xf32>
            tpu.vector_store %arg9[%swap3A_3343, %swap3A_3344], %swap3A_3347 {strides = array<i32>} : memref<768x64xf32, #tpu.memory_space<vmem>>, vector<1x16xf32>,
            %add3A_3348 = arith.addi %mul3A_2867, %add3A_3185 : i32
            %swap3A_3349 = arith.index_cast %add3A_3348 : i32 to index
            %swap3A_3350 = arith.constant 32 : index
            %swap3A_3351 = tpu.vector_load %arg9[%swap3A_3349, %swap3A_3350] {strides = array<i32>} : memref<768x64xf32, #tpu.memory_space<vmem>>, vector<1x16xf32>,
            %swap3A_3352 = vector.shape_cast %swap3A_3351 : vector<1x16xf32> to vector<16xf32>
            %swap3A_3353 = vector.shape_cast %broadcast_in_dim3A_5 : vector<16xf32> to vector<1x16xf32>
            tpu.vector_store %arg9[%swap3A_3349, %swap3A_3350], %swap3A_3353 {strides = array<i32>} : memref<768x64xf32, #tpu.memory_space<vmem>>, vector<1x16xf32>,
            %add3A_3354 = arith.addi %mul3A_2867, %add3A_3185 : i32
            %swap3A_3355 = arith.index_cast %add3A_3354 : i32 to index
            %swap3A_3356 = arith.constant 48 : index
            %swap3A_3357 = tpu.vector_load %arg9[%swap3A_3355, %swap3A_3356] {strides = array<i32>} : memref<768x64xf32, #tpu.memory_space<vmem>>, vector<1x16xf32>,
            %swap3A_3358 = vector.shape_cast %swap3A_3357 : vector<1x16xf32> to vector<16xf32>
            %swap3A_3359 = vector.shape_cast %broadcast_in_dim3A_5 : vector<16xf32> to vector<1x16xf32>
            tpu.vector_store %arg9[%swap3A_3355, %swap3A_3356], %swap3A_3359 {strides = array<i32>} : memref<768x64xf32, #tpu.memory_space<vmem>>, vector<1x16xf32>,
          } else {
          }
          %mul3A_3193 = arith.constant 16 : i32
          %mul3A_3194 = arith.muli %scan3A_3153, %mul3A_3193 : i32
          %add3A_3195 = arith.constant 3 : i32
          %add3A_3196 = arith.addi %mul3A_3194, %add3A_3195 : i32
          %slice3A_3197 = vector.extract_strided_slice %get3A_3159 {offsets = [3], sizes = [1], strides = [1]} : vector<16xi32> to vector<1xi32>
          %squeeze3A_3198 = vector.extract %slice3A_3197[0] : i32 from vector<1xi32>
          %eq3A_3199 = arith.constant 0 : i32
          %eq3A_3200 = arith.cmpi eq, %squeeze3A_3198, %eq3A_3199 : i32
          %convert_element_type3A_3201 = arith.extui %eq3A_3200 : i1 to i32
          %cond3A_3202 = arith.constant 0 : i32
          %cond3A_3203 = arith.cmpi ne, %convert_element_type3A_3201, %cond3A_3202 : i32
          scf.if %cond3A_3203 {
            %add3A_3336 = arith.addi %mul3A_2867, %add3A_3196 : i32
            %swap3A_3337 = arith.index_cast %add3A_3336 : i32 to index
            %swap3A_3338 = arith.constant 0 : index
            %swap3A_3339 = tpu.vector_load %arg9[%swap3A_3337, %swap3A_3338] {strides = array<i32>} : memref<768x64xf32, #tpu.memory_space<vmem>>, vector<1x16xf32>,
            %swap3A_3340 = vector.shape_cast %swap3A_3339 : vector<1x16xf32> to vector<16xf32>
            %swap3A_3341 = vector.shape_cast %broadcast_in_dim3A_5 : vector<16xf32> to vector<1x16xf32>
            tpu.vector_store %arg9[%swap3A_3337, %swap3A_3338], %swap3A_3341 {strides = array<i32>} : memref<768x64xf32, #tpu.memory_space<vmem>>, vector<1x16xf32>,
            %add3A_3342 = arith.addi %mul3A_2867, %add3A_3196 : i32
            %swap3A_3343 = arith.index_cast %add3A_3342 : i32 to index
            %swap3A_3344 = arith.constant 16 : index
            %swap3A_3345 = tpu.vector_load %arg9[%swap3A_3343, %swap3A_3344] {strides = array<i32>} : memref<768x64xf32, #tpu.memory_space<vmem>>, vector<1x16xf32>,
            %swap3A_3346 = vector.shape_cast %swap3A_3345 : vector<1x16xf32> to vector<16xf32>
            %swap3A_3347 = vector.shape_cast %broadcast_in_dim3A_5 : vector<16xf32> to vector<1x16xf32>
            tpu.vector_store %arg9[%swap3A_3343, %swap3A_3344], %swap3A_3347 {strides = array<i32>} : memref<768x64xf32, #tpu.memory_space<vmem>>, vector<1x16xf32>,
            %add3A_3348 = arith.addi %mul3A_2867, %add3A_3196 : i32
            %swap3A_3349 = arith.index_cast %add3A_3348 : i32 to index
            %swap3A_3350 = arith.constant 32 : index
            %swap3A_3351 = tpu.vector_load %arg9[%swap3A_3349, %swap3A_3350] {strides = array<i32>} : memref<768x64xf32, #tpu.memory_space<vmem>>, vector<1x16xf32>,
            %swap3A_3352 = vector.shape_cast %swap3A_3351 : vector<1x16xf32> to vector<16xf32>
            %swap3A_3353 = vector.shape_cast %broadcast_in_dim3A_5 : vector<16xf32> to vector<1x16xf32>
            tpu.vector_store %arg9[%swap3A_3349, %swap3A_3350], %swap3A_3353 {strides = array<i32>} : memref<768x64xf32, #tpu.memory_space<vmem>>, vector<1x16xf32>,
            %add3A_3354 = arith.addi %mul3A_2867, %add3A_3196 : i32
            %swap3A_3355 = arith.index_cast %add3A_3354 : i32 to index
            %swap3A_3356 = arith.constant 48 : index
            %swap3A_3357 = tpu.vector_load %arg9[%swap3A_3355, %swap3A_3356] {strides = array<i32>} : memref<768x64xf32, #tpu.memory_space<vmem>>, vector<1x16xf32>,
            %swap3A_3358 = vector.shape_cast %swap3A_3357 : vector<1x16xf32> to vector<16xf32>
            %swap3A_3359 = vector.shape_cast %broadcast_in_dim3A_5 : vector<16xf32> to vector<1x16xf32>
            tpu.vector_store %arg9[%swap3A_3355, %swap3A_3356], %swap3A_3359 {strides = array<i32>} : memref<768x64xf32, #tpu.memory_space<vmem>>, vector<1x16xf32>,
          } else {
          }
          %mul3A_3204 = arith.constant 16 : i32
          %mul3A_3205 = arith.muli %scan3A_3153, %mul3A_3204 : i32
          %add3A_3206 = arith.constant 4 : i32
          %add3A_3207 = arith.addi %mul3A_3205, %add3A_3206 : i32
          %slice3A_3208 = vector.extract_strided_slice %get3A_3159 {offsets = [4], sizes = [1], strides = [1]} : vector<16xi32> to vector<1xi32>
          %squeeze3A_3209 = vector.extract %slice3A_3208[0] : i32 from vector<1xi32>
          %eq3A_3210 = arith.constant 0 : i32
          %eq3A_3211 = arith.cmpi eq, %squeeze3A_3209, %eq3A_3210 : i32
          %convert_element_type3A_3212 = arith.extui %eq3A_3211 : i1 to i32
          %cond3A_3213 = arith.constant 0 : i32
          %cond3A_3214 = arith.cmpi ne, %convert_element_type3A_3212, %cond3A_3213 : i32
          scf.if %cond3A_3214 {
            %add3A_3336 = arith.addi %mul3A_2867, %add3A_3207 : i32
            %swap3A_3337 = arith.index_cast %add3A_3336 : i32 to index
            %swap3A_3338 = arith.constant 0 : index
            %swap3A_3339 = tpu.vector_load %arg9[%swap3A_3337, %swap3A_3338] {strides = array<i32>} : memref<768x64xf32, #tpu.memory_space<vmem>>, vector<1x16xf32>,
            %swap3A_3340 = vector.shape_cast %swap3A_3339 : vector<1x16xf32> to vector<16xf32>
            %swap3A_3341 = vector.shape_cast %broadcast_in_dim3A_5 : vector<16xf32> to vector<1x16xf32>
            tpu.vector_store %arg9[%swap3A_3337, %swap3A_3338], %swap3A_3341 {strides = array<i32>} : memref<768x64xf32, #tpu.memory_space<vmem>>, vector<1x16xf32>,
            %add3A_3342 = arith.addi %mul3A_2867, %add3A_3207 : i32
            %swap3A_3343 = arith.index_cast %add3A_3342 : i32 to index
            %swap3A_3344 = arith.constant 16 : index
            %swap3A_3345 = tpu.vector_load %arg9[%swap3A_3343, %swap3A_3344] {strides = array<i32>} : memref<768x64xf32, #tpu.memory_space<vmem>>, vector<1x16xf32>,
            %swap3A_3346 = vector.shape_cast %swap3A_3345 : vector<1x16xf32> to vector<16xf32>
            %swap3A_3347 = vector.shape_cast %broadcast_in_dim3A_5 : vector<16xf32> to vector<1x16xf32>
            tpu.vector_store %arg9[%swap3A_3343, %swap3A_3344], %swap3A_3347 {strides = array<i32>} : memref<768x64xf32, #tpu.memory_space<vmem>>, vector<1x16xf32>,
            %add3A_3348 = arith.addi %mul3A_2867, %add3A_3207 : i32
            %swap3A_3349 = arith.index_cast %add3A_3348 : i32 to index
            %swap3A_3350 = arith.constant 32 : index
            %swap3A_3351 = tpu.vector_load %arg9[%swap3A_3349, %swap3A_3350] {strides = array<i32>} : memref<768x64xf32, #tpu.memory_space<vmem>>, vector<1x16xf32>,
            %swap3A_3352 = vector.shape_cast %swap3A_3351 : vector<1x16xf32> to vector<16xf32>
            %swap3A_3353 = vector.shape_cast %broadcast_in_dim3A_5 : vector<16xf32> to vector<1x16xf32>
            tpu.vector_store %arg9[%swap3A_3349, %swap3A_3350], %swap3A_3353 {strides = array<i32>} : memref<768x64xf32, #tpu.memory_space<vmem>>, vector<1x16xf32>,
            %add3A_3354 = arith.addi %mul3A_2867, %add3A_3207 : i32
            %swap3A_3355 = arith.index_cast %add3A_3354 : i32 to index
            %swap3A_3356 = arith.constant 48 : index
            %swap3A_3357 = tpu.vector_load %arg9[%swap3A_3355, %swap3A_3356] {strides = array<i32>} : memref<768x64xf32, #tpu.memory_space<vmem>>, vector<1x16xf32>,
            %swap3A_3358 = vector.shape_cast %swap3A_3357 : vector<1x16xf32> to vector<16xf32>
            %swap3A_3359 = vector.shape_cast %broadcast_in_dim3A_5 : vector<16xf32> to vector<1x16xf32>
            tpu.vector_store %arg9[%swap3A_3355, %swap3A_3356], %swap3A_3359 {strides = array<i32>} : memref<768x64xf32, #tpu.memory_space<vmem>>, vector<1x16xf32>,
          } else {
          }
          %mul3A_3215 = arith.constant 16 : i32
          %mul3A_3216 = arith.muli %scan3A_3153, %mul3A_3215 : i32
          %add3A_3217 = arith.constant 5 : i32
          %add3A_3218 = arith.addi %mul3A_3216, %add3A_3217 : i32
          %slice3A_3219 = vector.extract_strided_slice %get3A_3159 {offsets = [5], sizes = [1], strides = [1]} : vector<16xi32> to vector<1xi32>
          %squeeze3A_3220 = vector.extract %slice3A_3219[0] : i32 from vector<1xi32>
          %eq3A_3221 = arith.constant 0 : i32
          %eq3A_3222 = arith.cmpi eq, %squeeze3A_3220, %eq3A_3221 : i32
          %convert_element_type3A_3223 = arith.extui %eq3A_3222 : i1 to i32
          %cond3A_3224 = arith.constant 0 : i32
          %cond3A_3225 = arith.cmpi ne, %convert_element_type3A_3223, %cond3A_3224 : i32
          scf.if %cond3A_3225 {
            %add3A_3336 = arith.addi %mul3A_2867, %add3A_3218 : i32
            %swap3A_3337 = arith.index_cast %add3A_3336 : i32 to index
            %swap3A_3338 = arith.constant 0 : index
            %swap3A_3339 = tpu.vector_load %arg9[%swap3A_3337, %swap3A_3338] {strides = array<i32>} : memref<768x64xf32, #tpu.memory_space<vmem>>, vector<1x16xf32>,
            %swap3A_3340 = vector.shape_cast %swap3A_3339 : vector<1x16xf32> to vector<16xf32>
            %swap3A_3341 = vector.shape_cast %broadcast_in_dim3A_5 : vector<16xf32> to vector<1x16xf32>
            tpu.vector_store %arg9[%swap3A_3337, %swap3A_3338], %swap3A_3341 {strides = array<i32>} : memref<768x64xf32, #tpu.memory_space<vmem>>, vector<1x16xf32>,
            %add3A_3342 = arith.addi %mul3A_2867, %add3A_3218 : i32
            %swap3A_3343 = arith.index_cast %add3A_3342 : i32 to index
            %swap3A_3344 = arith.constant 16 : index
            %swap3A_3345 = tpu.vector_load %arg9[%swap3A_3343, %swap3A_3344] {strides = array<i32>} : memref<768x64xf32, #tpu.memory_space<vmem>>, vector<1x16xf32>,
            %swap3A_3346 = vector.shape_cast %swap3A_3345 : vector<1x16xf32> to vector<16xf32>
            %swap3A_3347 = vector.shape_cast %broadcast_in_dim3A_5 : vector<16xf32> to vector<1x16xf32>
            tpu.vector_store %arg9[%swap3A_3343, %swap3A_3344], %swap3A_3347 {strides = array<i32>} : memref<768x64xf32, #tpu.memory_space<vmem>>, vector<1x16xf32>,
            %add3A_3348 = arith.addi %mul3A_2867, %add3A_3218 : i32
            %swap3A_3349 = arith.index_cast %add3A_3348 : i32 to index
            %swap3A_3350 = arith.constant 32 : index
            %swap3A_3351 = tpu.vector_load %arg9[%swap3A_3349, %swap3A_3350] {strides = array<i32>} : memref<768x64xf32, #tpu.memory_space<vmem>>, vector<1x16xf32>,
            %swap3A_3352 = vector.shape_cast %swap3A_3351 : vector<1x16xf32> to vector<16xf32>
            %swap3A_3353 = vector.shape_cast %broadcast_in_dim3A_5 : vector<16xf32> to vector<1x16xf32>
            tpu.vector_store %arg9[%swap3A_3349, %swap3A_3350], %swap3A_3353 {strides = array<i32>} : memref<768x64xf32, #tpu.memory_space<vmem>>, vector<1x16xf32>,
            %add3A_3354 = arith.addi %mul3A_2867, %add3A_3218 : i32
            %swap3A_3355 = arith.index_cast %add3A_3354 : i32 to index
            %swap3A_3356 = arith.constant 48 : index
            %swap3A_3357 = tpu.vector_load %arg9[%swap3A_3355, %swap3A_3356] {strides = array<i32>} : memref<768x64xf32, #tpu.memory_space<vmem>>, vector<1x16xf32>,
            %swap3A_3358 = vector.shape_cast %swap3A_3357 : vector<1x16xf32> to vector<16xf32>
            %swap3A_3359 = vector.shape_cast %broadcast_in_dim3A_5 : vector<16xf32> to vector<1x16xf32>
            tpu.vector_store %arg9[%swap3A_3355, %swap3A_3356], %swap3A_3359 {strides = array<i32>} : memref<768x64xf32, #tpu.memory_space<vmem>>, vector<1x16xf32>,
          } else {
          }
          %mul3A_3226 = arith.constant 16 : i32
          %mul3A_3227 = arith.muli %scan3A_3153, %mul3A_3226 : i32
          %add3A_3228 = arith.constant 6 : i32
          %add3A_3229 = arith.addi %mul3A_3227, %add3A_3228 : i32
          %slice3A_3230 = vector.extract_strided_slice %get3A_3159 {offsets = [6], sizes = [1], strides = [1]} : vector<16xi32> to vector<1xi32>
          %squeeze3A_3231 = vector.extract %slice3A_3230[0] : i32 from vector<1xi32>
          %eq3A_3232 = arith.constant 0 : i32
          %eq3A_3233 = arith.cmpi eq, %squeeze3A_3231, %eq3A_3232 : i32
          %convert_element_type3A_3234 = arith.extui %eq3A_3233 : i1 to i32
          %cond3A_3235 = arith.constant 0 : i32
          %cond3A_3236 = arith.cmpi ne, %convert_element_type3A_3234, %cond3A_3235 : i32
          scf.if %cond3A_3236 {
            %add3A_3336 = arith.addi %mul3A_2867, %add3A_3229 : i32
            %swap3A_3337 = arith.index_cast %add3A_3336 : i32 to index
            %swap3A_3338 = arith.constant 0 : index
            %swap3A_3339 = tpu.vector_load %arg9[%swap3A_3337, %swap3A_3338] {strides = array<i32>} : memref<768x64xf32, #tpu.memory_space<vmem>>, vector<1x16xf32>,
            %swap3A_3340 = vector.shape_cast %swap3A_3339 : vector<1x16xf32> to vector<16xf32>
            %swap3A_3341 = vector.shape_cast %broadcast_in_dim3A_5 : vector<16xf32> to vector<1x16xf32>
            tpu.vector_store %arg9[%swap3A_3337, %swap3A_3338], %swap3A_3341 {strides = array<i32>} : memref<768x64xf32, #tpu.memory_space<vmem>>, vector<1x16xf32>,
            %add3A_3342 = arith.addi %mul3A_2867, %add3A_3229 : i32
            %swap3A_3343 = arith.index_cast %add3A_3342 : i32 to index
            %swap3A_3344 = arith.constant 16 : index
            %swap3A_3345 = tpu.vector_load %arg9[%swap3A_3343, %swap3A_3344] {strides = array<i32>} : memref<768x64xf32, #tpu.memory_space<vmem>>, vector<1x16xf32>,
            %swap3A_3346 = vector.shape_cast %swap3A_3345 : vector<1x16xf32> to vector<16xf32>
            %swap3A_3347 = vector.shape_cast %broadcast_in_dim3A_5 : vector<16xf32> to vector<1x16xf32>
            tpu.vector_store %arg9[%swap3A_3343, %swap3A_3344], %swap3A_3347 {strides = array<i32>} : memref<768x64xf32, #tpu.memory_space<vmem>>, vector<1x16xf32>,
            %add3A_3348 = arith.addi %mul3A_2867, %add3A_3229 : i32
            %swap3A_3349 = arith.index_cast %add3A_3348 : i32 to index
            %swap3A_3350 = arith.constant 32 : index
            %swap3A_3351 = tpu.vector_load %arg9[%swap3A_3349, %swap3A_3350] {strides = array<i32>} : memref<768x64xf32, #tpu.memory_space<vmem>>, vector<1x16xf32>,
            %swap3A_3352 = vector.shape_cast %swap3A_3351 : vector<1x16xf32> to vector<16xf32>
            %swap3A_3353 = vector.shape_cast %broadcast_in_dim3A_5 : vector<16xf32> to vector<1x16xf32>
            tpu.vector_store %arg9[%swap3A_3349, %swap3A_3350], %swap3A_3353 {strides = array<i32>} : memref<768x64xf32, #tpu.memory_space<vmem>>, vector<1x16xf32>,
            %add3A_3354 = arith.addi %mul3A_2867, %add3A_3229 : i32
            %swap3A_3355 = arith.index_cast %add3A_3354 : i32 to index
            %swap3A_3356 = arith.constant 48 : index
            %swap3A_3357 = tpu.vector_load %arg9[%swap3A_3355, %swap3A_3356] {strides = array<i32>} : memref<768x64xf32, #tpu.memory_space<vmem>>, vector<1x16xf32>,
            %swap3A_3358 = vector.shape_cast %swap3A_3357 : vector<1x16xf32> to vector<16xf32>
            %swap3A_3359 = vector.shape_cast %broadcast_in_dim3A_5 : vector<16xf32> to vector<1x16xf32>
            tpu.vector_store %arg9[%swap3A_3355, %swap3A_3356], %swap3A_3359 {strides = array<i32>} : memref<768x64xf32, #tpu.memory_space<vmem>>, vector<1x16xf32>,
          } else {
          }
          %mul3A_3237 = arith.constant 16 : i32
          %mul3A_3238 = arith.muli %scan3A_3153, %mul3A_3237 : i32
          %add3A_3239 = arith.constant 7 : i32
          %add3A_3240 = arith.addi %mul3A_3238, %add3A_3239 : i32
          %slice3A_3241 = vector.extract_strided_slice %get3A_3159 {offsets = [7], sizes = [1], strides = [1]} : vector<16xi32> to vector<1xi32>
          %squeeze3A_3242 = vector.extract %slice3A_3241[0] : i32 from vector<1xi32>
          %eq3A_3243 = arith.constant 0 : i32
          %eq3A_3244 = arith.cmpi eq, %squeeze3A_3242, %eq3A_3243 : i32
          %convert_element_type3A_3245 = arith.extui %eq3A_3244 : i1 to i32
          %cond3A_3246 = arith.constant 0 : i32
          %cond3A_3247 = arith.cmpi ne, %convert_element_type3A_3245, %cond3A_3246 : i32
          scf.if %cond3A_3247 {
            %add3A_3336 = arith.addi %mul3A_2867, %add3A_3240 : i32
            %swap3A_3337 = arith.index_cast %add3A_3336 : i32 to index
            %swap3A_3338 = arith.constant 0 : index
            %swap3A_3339 = tpu.vector_load %arg9[%swap3A_3337, %swap3A_3338] {strides = array<i32>} : memref<768x64xf32, #tpu.memory_space<vmem>>, vector<1x16xf32>,
            %swap3A_3340 = vector.shape_cast %swap3A_3339 : vector<1x16xf32> to vector<16xf32>
            %swap3A_3341 = vector.shape_cast %broadcast_in_dim3A_5 : vector<16xf32> to vector<1x16xf32>
            tpu.vector_store %arg9[%swap3A_3337, %swap3A_3338], %swap3A_3341 {strides = array<i32>} : memref<768x64xf32, #tpu.memory_space<vmem>>, vector<1x16xf32>,
            %add3A_3342 = arith.addi %mul3A_2867, %add3A_3240 : i32
            %swap3A_3343 = arith.index_cast %add3A_3342 : i32 to index
            %swap3A_3344 = arith.constant 16 : index
            %swap3A_3345 = tpu.vector_load %arg9[%swap3A_3343, %swap3A_3344] {strides = array<i32>} : memref<768x64xf32, #tpu.memory_space<vmem>>, vector<1x16xf32>,
            %swap3A_3346 = vector.shape_cast %swap3A_3345 : vector<1x16xf32> to vector<16xf32>
            %swap3A_3347 = vector.shape_cast %broadcast_in_dim3A_5 : vector<16xf32> to vector<1x16xf32>
            tpu.vector_store %arg9[%swap3A_3343, %swap3A_3344], %swap3A_3347 {strides = array<i32>} : memref<768x64xf32, #tpu.memory_space<vmem>>, vector<1x16xf32>,
            %add3A_3348 = arith.addi %mul3A_2867, %add3A_3240 : i32
            %swap3A_3349 = arith.index_cast %add3A_3348 : i32 to index
            %swap3A_3350 = arith.constant 32 : index
            %swap3A_3351 = tpu.vector_load %arg9[%swap3A_3349, %swap3A_3350] {strides = array<i32>} : memref<768x64xf32, #tpu.memory_space<vmem>>, vector<1x16xf32>,
            %swap3A_3352 = vector.shape_cast %swap3A_3351 : vector<1x16xf32> to vector<16xf32>
            %swap3A_3353 = vector.shape_cast %broadcast_in_dim3A_5 : vector<16xf32> to vector<1x16xf32>
            tpu.vector_store %arg9[%swap3A_3349, %swap3A_3350], %swap3A_3353 {strides = array<i32>} : memref<768x64xf32, #tpu.memory_space<vmem>>, vector<1x16xf32>,
            %add3A_3354 = arith.addi %mul3A_2867, %add3A_3240 : i32
            %swap3A_3355 = arith.index_cast %add3A_3354 : i32 to index
            %swap3A_3356 = arith.constant 48 : index
            %swap3A_3357 = tpu.vector_load %arg9[%swap3A_3355, %swap3A_3356] {strides = array<i32>} : memref<768x64xf32, #tpu.memory_space<vmem>>, vector<1x16xf32>,
            %swap3A_3358 = vector.shape_cast %swap3A_3357 : vector<1x16xf32> to vector<16xf32>
            %swap3A_3359 = vector.shape_cast %broadcast_in_dim3A_5 : vector<16xf32> to vector<1x16xf32>
            tpu.vector_store %arg9[%swap3A_3355, %swap3A_3356], %swap3A_3359 {strides = array<i32>} : memref<768x64xf32, #tpu.memory_space<vmem>>, vector<1x16xf32>,
          } else {
          }
          %mul3A_3248 = arith.constant 16 : i32
          %mul3A_3249 = arith.muli %scan3A_3153, %mul3A_3248 : i32
          %add3A_3250 = arith.constant 8 : i32
          %add3A_3251 = arith.addi %mul3A_3249, %add3A_3250 : i32
          %slice3A_3252 = vector.extract_strided_slice %get3A_3159 {offsets = [8], sizes = [1], strides = [1]} : vector<16xi32> to vector<1xi32>
          %squeeze3A_3253 = vector.extract %slice3A_3252[0] : i32 from vector<1xi32>
          %eq3A_3254 = arith.constant 0 : i32
          %eq3A_3255 = arith.cmpi eq, %squeeze3A_3253, %eq3A_3254 : i32
          %convert_element_type3A_3256 = arith.extui %eq3A_3255 : i1 to i32
          %cond3A_3257 = arith.constant 0 : i32
          %cond3A_3258 = arith.cmpi ne, %convert_element_type3A_3256, %cond3A_3257 : i32
          scf.if %cond3A_3258 {
            %add3A_3336 = arith.addi %mul3A_2867, %add3A_3251 : i32
            %swap3A_3337 = arith.index_cast %add3A_3336 : i32 to index
            %swap3A_3338 = arith.constant 0 : index
            %swap3A_3339 = tpu.vector_load %arg9[%swap3A_3337, %swap3A_3338] {strides = array<i32>} : memref<768x64xf32, #tpu.memory_space<vmem>>, vector<1x16xf32>,
            %swap3A_3340 = vector.shape_cast %swap3A_3339 : vector<1x16xf32> to vector<16xf32>
            %swap3A_3341 = vector.shape_cast %broadcast_in_dim3A_5 : vector<16xf32> to vector<1x16xf32>
            tpu.vector_store %arg9[%swap3A_3337, %swap3A_3338], %swap3A_3341 {strides = array<i32>} : memref<768x64xf32, #tpu.memory_space<vmem>>, vector<1x16xf32>,
            %add3A_3342 = arith.addi %mul3A_2867, %add3A_3251 : i32
            %swap3A_3343 = arith.index_cast %add3A_3342 : i32 to index
            %swap3A_3344 = arith.constant 16 : index
            %swap3A_3345 = tpu.vector_load %arg9[%swap3A_3343, %swap3A_3344] {strides = array<i32>} : memref<768x64xf32, #tpu.memory_space<vmem>>, vector<1x16xf32>,
            %swap3A_3346 = vector.shape_cast %swap3A_3345 : vector<1x16xf32> to vector<16xf32>
            %swap3A_3347 = vector.shape_cast %broadcast_in_dim3A_5 : vector<16xf32> to vector<1x16xf32>
            tpu.vector_store %arg9[%swap3A_3343, %swap3A_3344], %swap3A_3347 {strides = array<i32>} : memref<768x64xf32, #tpu.memory_space<vmem>>, vector<1x16xf32>,
            %add3A_3348 = arith.addi %mul3A_2867, %add3A_3251 : i32
            %swap3A_3349 = arith.index_cast %add3A_3348 : i32 to index
            %swap3A_3350 = arith.constant 32 : index
            %swap3A_3351 = tpu.vector_load %arg9[%swap3A_3349, %swap3A_3350] {strides = array<i32>} : memref<768x64xf32, #tpu.memory_space<vmem>>, vector<1x16xf32>,
            %swap3A_3352 = vector.shape_cast %swap3A_3351 : vector<1x16xf32> to vector<16xf32>
            %swap3A_3353 = vector.shape_cast %broadcast_in_dim3A_5 : vector<16xf32> to vector<1x16xf32>
            tpu.vector_store %arg9[%swap3A_3349, %swap3A_3350], %swap3A_3353 {strides = array<i32>} : memref<768x64xf32, #tpu.memory_space<vmem>>, vector<1x16xf32>,
            %add3A_3354 = arith.addi %mul3A_2867, %add3A_3251 : i32
            %swap3A_3355 = arith.index_cast %add3A_3354 : i32 to index
            %swap3A_3356 = arith.constant 48 : index
            %swap3A_3357 = tpu.vector_load %arg9[%swap3A_3355, %swap3A_3356] {strides = array<i32>} : memref<768x64xf32, #tpu.memory_space<vmem>>, vector<1x16xf32>,
            %swap3A_3358 = vector.shape_cast %swap3A_3357 : vector<1x16xf32> to vector<16xf32>
            %swap3A_3359 = vector.shape_cast %broadcast_in_dim3A_5 : vector<16xf32> to vector<1x16xf32>
            tpu.vector_store %arg9[%swap3A_3355, %swap3A_3356], %swap3A_3359 {strides = array<i32>} : memref<768x64xf32, #tpu.memory_space<vmem>>, vector<1x16xf32>,
          } else {
          }
          %mul3A_3259 = arith.constant 16 : i32
          %mul3A_3260 = arith.muli %scan3A_3153, %mul3A_3259 : i32
          %add3A_3261 = arith.constant 9 : i32
          %add3A_3262 = arith.addi %mul3A_3260, %add3A_3261 : i32
          %slice3A_3263 = vector.extract_strided_slice %get3A_3159 {offsets = [9], sizes = [1], strides = [1]} : vector<16xi32> to vector<1xi32>
          %squeeze3A_3264 = vector.extract %slice3A_3263[0] : i32 from vector<1xi32>
          %eq3A_3265 = arith.constant 0 : i32
          %eq3A_3266 = arith.cmpi eq, %squeeze3A_3264, %eq3A_3265 : i32
          %convert_element_type3A_3267 = arith.extui %eq3A_3266 : i1 to i32
          %cond3A_3268 = arith.constant 0 : i32
          %cond3A_3269 = arith.cmpi ne, %convert_element_type3A_3267, %cond3A_3268 : i32
          scf.if %cond3A_3269 {
            %add3A_3336 = arith.addi %mul3A_2867, %add3A_3262 : i32
            %swap3A_3337 = arith.index_cast %add3A_3336 : i32 to index
            %swap3A_3338 = arith.constant 0 : index
            %swap3A_3339 = tpu.vector_load %arg9[%swap3A_3337, %swap3A_3338] {strides = array<i32>} : memref<768x64xf32, #tpu.memory_space<vmem>>, vector<1x16xf32>,
            %swap3A_3340 = vector.shape_cast %swap3A_3339 : vector<1x16xf32> to vector<16xf32>
            %swap3A_3341 = vector.shape_cast %broadcast_in_dim3A_5 : vector<16xf32> to vector<1x16xf32>
            tpu.vector_store %arg9[%swap3A_3337, %swap3A_3338], %swap3A_3341 {strides = array<i32>} : memref<768x64xf32, #tpu.memory_space<vmem>>, vector<1x16xf32>,
            %add3A_3342 = arith.addi %mul3A_2867, %add3A_3262 : i32
            %swap3A_3343 = arith.index_cast %add3A_3342 : i32 to index
            %swap3A_3344 = arith.constant 16 : index
            %swap3A_3345 = tpu.vector_load %arg9[%swap3A_3343, %swap3A_3344] {strides = array<i32>} : memref<768x64xf32, #tpu.memory_space<vmem>>, vector<1x16xf32>,
            %swap3A_3346 = vector.shape_cast %swap3A_3345 : vector<1x16xf32> to vector<16xf32>
            %swap3A_3347 = vector.shape_cast %broadcast_in_dim3A_5 : vector<16xf32> to vector<1x16xf32>
            tpu.vector_store %arg9[%swap3A_3343, %swap3A_3344], %swap3A_3347 {strides = array<i32>} : memref<768x64xf32, #tpu.memory_space<vmem>>, vector<1x16xf32>,
            %add3A_3348 = arith.addi %mul3A_2867, %add3A_3262 : i32
            %swap3A_3349 = arith.index_cast %add3A_3348 : i32 to index
            %swap3A_3350 = arith.constant 32 : index
            %swap3A_3351 = tpu.vector_load %arg9[%swap3A_3349, %swap3A_3350] {strides = array<i32>} : memref<768x64xf32, #tpu.memory_space<vmem>>, vector<1x16xf32>,
            %swap3A_3352 = vector.shape_cast %swap3A_3351 : vector<1x16xf32> to vector<16xf32>
            %swap3A_3353 = vector.shape_cast %broadcast_in_dim3A_5 : vector<16xf32> to vector<1x16xf32>
            tpu.vector_store %arg9[%swap3A_3349, %swap3A_3350], %swap3A_3353 {strides = array<i32>} : memref<768x64xf32, #tpu.memory_space<vmem>>, vector<1x16xf32>,
            %add3A_3354 = arith.addi %mul3A_2867, %add3A_3262 : i32
            %swap3A_3355 = arith.index_cast %add3A_3354 : i32 to index
            %swap3A_3356 = arith.constant 48 : index
            %swap3A_3357 = tpu.vector_load %arg9[%swap3A_3355, %swap3A_3356] {strides = array<i32>} : memref<768x64xf32, #tpu.memory_space<vmem>>, vector<1x16xf32>,
            %swap3A_3358 = vector.shape_cast %swap3A_3357 : vector<1x16xf32> to vector<16xf32>
            %swap3A_3359 = vector.shape_cast %broadcast_in_dim3A_5 : vector<16xf32> to vector<1x16xf32>
            tpu.vector_store %arg9[%swap3A_3355, %swap3A_3356], %swap3A_3359 {strides = array<i32>} : memref<768x64xf32, #tpu.memory_space<vmem>>, vector<1x16xf32>,
          } else {
          }
          %mul3A_3270 = arith.constant 16 : i32
          %mul3A_3271 = arith.muli %scan3A_3153, %mul3A_3270 : i32
          %add3A_3272 = arith.constant 10 : i32
          %add3A_3273 = arith.addi %mul3A_3271, %add3A_3272 : i32
          %slice3A_3274 = vector.extract_strided_slice %get3A_3159 {offsets = [10], sizes = [1], strides = [1]} : vector<16xi32> to vector<1xi32>
          %squeeze3A_3275 = vector.extract %slice3A_3274[0] : i32 from vector<1xi32>
          %eq3A_3276 = arith.constant 0 : i32
          %eq3A_3277 = arith.cmpi eq, %squeeze3A_3275, %eq3A_3276 : i32
          %convert_element_type3A_3278 = arith.extui %eq3A_3277 : i1 to i32
          %cond3A_3279 = arith.constant 0 : i32
          %cond3A_3280 = arith.cmpi ne, %convert_element_type3A_3278, %cond3A_3279 : i32
          scf.if %cond3A_3280 {
            %add3A_3336 = arith.addi %mul3A_2867, %add3A_3273 : i32
            %swap3A_3337 = arith.index_cast %add3A_3336 : i32 to index
            %swap3A_3338 = arith.constant 0 : index
            %swap3A_3339 = tpu.vector_load %arg9[%swap3A_3337, %swap3A_3338] {strides = array<i32>} : memref<768x64xf32, #tpu.memory_space<vmem>>, vector<1x16xf32>,
            %swap3A_3340 = vector.shape_cast %swap3A_3339 : vector<1x16xf32> to vector<16xf32>
            %swap3A_3341 = vector.shape_cast %broadcast_in_dim3A_5 : vector<16xf32> to vector<1x16xf32>
            tpu.vector_store %arg9[%swap3A_3337, %swap3A_3338], %swap3A_3341 {strides = array<i32>} : memref<768x64xf32, #tpu.memory_space<vmem>>, vector<1x16xf32>,
            %add3A_3342 = arith.addi %mul3A_2867, %add3A_3273 : i32
            %swap3A_3343 = arith.index_cast %add3A_3342 : i32 to index
            %swap3A_3344 = arith.constant 16 : index
            %swap3A_3345 = tpu.vector_load %arg9[%swap3A_3343, %swap3A_3344] {strides = array<i32>} : memref<768x64xf32, #tpu.memory_space<vmem>>, vector<1x16xf32>,
            %swap3A_3346 = vector.shape_cast %swap3A_3345 : vector<1x16xf32> to vector<16xf32>
            %swap3A_3347 = vector.shape_cast %broadcast_in_dim3A_5 : vector<16xf32> to vector<1x16xf32>
            tpu.vector_store %arg9[%swap3A_3343, %swap3A_3344], %swap3A_3347 {strides = array<i32>} : memref<768x64xf32, #tpu.memory_space<vmem>>, vector<1x16xf32>,
            %add3A_3348 = arith.addi %mul3A_2867, %add3A_3273 : i32
            %swap3A_3349 = arith.index_cast %add3A_3348 : i32 to index
            %swap3A_3350 = arith.constant 32 : index
            %swap3A_3351 = tpu.vector_load %arg9[%swap3A_3349, %swap3A_3350] {strides = array<i32>} : memref<768x64xf32, #tpu.memory_space<vmem>>, vector<1x16xf32>,
            %swap3A_3352 = vector.shape_cast %swap3A_3351 : vector<1x16xf32> to vector<16xf32>
            %swap3A_3353 = vector.shape_cast %broadcast_in_dim3A_5 : vector<16xf32> to vector<1x16xf32>
            tpu.vector_store %arg9[%swap3A_3349, %swap3A_3350], %swap3A_3353 {strides = array<i32>} : memref<768x64xf32, #tpu.memory_space<vmem>>, vector<1x16xf32>,
            %add3A_3354 = arith.addi %mul3A_2867, %add3A_3273 : i32
            %swap3A_3355 = arith.index_cast %add3A_3354 : i32 to index
            %swap3A_3356 = arith.constant 48 : index
            %swap3A_3357 = tpu.vector_load %arg9[%swap3A_3355, %swap3A_3356] {strides = array<i32>} : memref<768x64xf32, #tpu.memory_space<vmem>>, vector<1x16xf32>,
            %swap3A_3358 = vector.shape_cast %swap3A_3357 : vector<1x16xf32> to vector<16xf32>
            %swap3A_3359 = vector.shape_cast %broadcast_in_dim3A_5 : vector<16xf32> to vector<1x16xf32>
            tpu.vector_store %arg9[%swap3A_3355, %swap3A_3356], %swap3A_3359 {strides = array<i32>} : memref<768x64xf32, #tpu.memory_space<vmem>>, vector<1x16xf32>,
          } else {
          }
          %mul3A_3281 = arith.constant 16 : i32
          %mul3A_3282 = arith.muli %scan3A_3153, %mul3A_3281 : i32
          %add3A_3283 = arith.constant 11 : i32
          %add3A_3284 = arith.addi %mul3A_3282, %add3A_3283 : i32
          %slice3A_3285 = vector.extract_strided_slice %get3A_3159 {offsets = [11], sizes = [1], strides = [1]} : vector<16xi32> to vector<1xi32>
          %squeeze3A_3286 = vector.extract %slice3A_3285[0] : i32 from vector<1xi32>
          %eq3A_3287 = arith.constant 0 : i32
          %eq3A_3288 = arith.cmpi eq, %squeeze3A_3286, %eq3A_3287 : i32
          %convert_element_type3A_3289 = arith.extui %eq3A_3288 : i1 to i32
          %cond3A_3290 = arith.constant 0 : i32
          %cond3A_3291 = arith.cmpi ne, %convert_element_type3A_3289, %cond3A_3290 : i32
          scf.if %cond3A_3291 {
            %add3A_3336 = arith.addi %mul3A_2867, %add3A_3284 : i32
            %swap3A_3337 = arith.index_cast %add3A_3336 : i32 to index
            %swap3A_3338 = arith.constant 0 : index
            %swap3A_3339 = tpu.vector_load %arg9[%swap3A_3337, %swap3A_3338] {strides = array<i32>} : memref<768x64xf32, #tpu.memory_space<vmem>>, vector<1x16xf32>,
            %swap3A_3340 = vector.shape_cast %swap3A_3339 : vector<1x16xf32> to vector<16xf32>
            %swap3A_3341 = vector.shape_cast %broadcast_in_dim3A_5 : vector<16xf32> to vector<1x16xf32>
            tpu.vector_store %arg9[%swap3A_3337, %swap3A_3338], %swap3A_3341 {strides = array<i32>} : memref<768x64xf32, #tpu.memory_space<vmem>>, vector<1x16xf32>,
            %add3A_3342 = arith.addi %mul3A_2867, %add3A_3284 : i32
            %swap3A_3343 = arith.index_cast %add3A_3342 : i32 to index
            %swap3A_3344 = arith.constant 16 : index
            %swap3A_3345 = tpu.vector_load %arg9[%swap3A_3343, %swap3A_3344] {strides = array<i32>} : memref<768x64xf32, #tpu.memory_space<vmem>>, vector<1x16xf32>,
            %swap3A_3346 = vector.shape_cast %swap3A_3345 : vector<1x16xf32> to vector<16xf32>
            %swap3A_3347 = vector.shape_cast %broadcast_in_dim3A_5 : vector<16xf32> to vector<1x16xf32>
            tpu.vector_store %arg9[%swap3A_3343, %swap3A_3344], %swap3A_3347 {strides = array<i32>} : memref<768x64xf32, #tpu.memory_space<vmem>>, vector<1x16xf32>,
            %add3A_3348 = arith.addi %mul3A_2867, %add3A_3284 : i32
            %swap3A_3349 = arith.index_cast %add3A_3348 : i32 to index
            %swap3A_3350 = arith.constant 32 : index
            %swap3A_3351 = tpu.vector_load %arg9[%swap3A_3349, %swap3A_3350] {strides = array<i32>} : memref<768x64xf32, #tpu.memory_space<vmem>>, vector<1x16xf32>,
            %swap3A_3352 = vector.shape_cast %swap3A_3351 : vector<1x16xf32> to vector<16xf32>
            %swap3A_3353 = vector.shape_cast %broadcast_in_dim3A_5 : vector<16xf32> to vector<1x16xf32>
            tpu.vector_store %arg9[%swap3A_3349, %swap3A_3350], %swap3A_3353 {strides = array<i32>} : memref<768x64xf32, #tpu.memory_space<vmem>>, vector<1x16xf32>,
            %add3A_3354 = arith.addi %mul3A_2867, %add3A_3284 : i32
            %swap3A_3355 = arith.index_cast %add3A_3354 : i32 to index
            %swap3A_3356 = arith.constant 48 : index
            %swap3A_3357 = tpu.vector_load %arg9[%swap3A_3355, %swap3A_3356] {strides = array<i32>} : memref<768x64xf32, #tpu.memory_space<vmem>>, vector<1x16xf32>,
            %swap3A_3358 = vector.shape_cast %swap3A_3357 : vector<1x16xf32> to vector<16xf32>
            %swap3A_3359 = vector.shape_cast %broadcast_in_dim3A_5 : vector<16xf32> to vector<1x16xf32>
            tpu.vector_store %arg9[%swap3A_3355, %swap3A_3356], %swap3A_3359 {strides = array<i32>} : memref<768x64xf32, #tpu.memory_space<vmem>>, vector<1x16xf32>,
          } else {
          }
          %mul3A_3292 = arith.constant 16 : i32
          %mul3A_3293 = arith.muli %scan3A_3153, %mul3A_3292 : i32
          %add3A_3294 = arith.constant 12 : i32
          %add3A_3295 = arith.addi %mul3A_3293, %add3A_3294 : i32
          %slice3A_3296 = vector.extract_strided_slice %get3A_3159 {offsets = [12], sizes = [1], strides = [1]} : vector<16xi32> to vector<1xi32>
          %squeeze3A_3297 = vector.extract %slice3A_3296[0] : i32 from vector<1xi32>
          %eq3A_3298 = arith.constant 0 : i32
          %eq3A_3299 = arith.cmpi eq, %squeeze3A_3297, %eq3A_3298 : i32
          %convert_element_type3A_3300 = arith.extui %eq3A_3299 : i1 to i32
          %cond3A_3301 = arith.constant 0 : i32
          %cond3A_3302 = arith.cmpi ne, %convert_element_type3A_3300, %cond3A_3301 : i32
          scf.if %cond3A_3302 {
            %add3A_3336 = arith.addi %mul3A_2867, %add3A_3295 : i32
            %swap3A_3337 = arith.index_cast %add3A_3336 : i32 to index
            %swap3A_3338 = arith.constant 0 : index
            %swap3A_3339 = tpu.vector_load %arg9[%swap3A_3337, %swap3A_3338] {strides = array<i32>} : memref<768x64xf32, #tpu.memory_space<vmem>>, vector<1x16xf32>,
            %swap3A_3340 = vector.shape_cast %swap3A_3339 : vector<1x16xf32> to vector<16xf32>
            %swap3A_3341 = vector.shape_cast %broadcast_in_dim3A_5 : vector<16xf32> to vector<1x16xf32>
            tpu.vector_store %arg9[%swap3A_3337, %swap3A_3338], %swap3A_3341 {strides = array<i32>} : memref<768x64xf32, #tpu.memory_space<vmem>>, vector<1x16xf32>,
            %add3A_3342 = arith.addi %mul3A_2867, %add3A_3295 : i32
            %swap3A_3343 = arith.index_cast %add3A_3342 : i32 to index
            %swap3A_3344 = arith.constant 16 : index
            %swap3A_3345 = tpu.vector_load %arg9[%swap3A_3343, %swap3A_3344] {strides = array<i32>} : memref<768x64xf32, #tpu.memory_space<vmem>>, vector<1x16xf32>,
            %swap3A_3346 = vector.shape_cast %swap3A_3345 : vector<1x16xf32> to vector<16xf32>
            %swap3A_3347 = vector.shape_cast %broadcast_in_dim3A_5 : vector<16xf32> to vector<1x16xf32>
            tpu.vector_store %arg9[%swap3A_3343, %swap3A_3344], %swap3A_3347 {strides = array<i32>} : memref<768x64xf32, #tpu.memory_space<vmem>>, vector<1x16xf32>,
            %add3A_3348 = arith.addi %mul3A_2867, %add3A_3295 : i32
            %swap3A_3349 = arith.index_cast %add3A_3348 : i32 to index
            %swap3A_3350 = arith.constant 32 : index
            %swap3A_3351 = tpu.vector_load %arg9[%swap3A_3349, %swap3A_3350] {strides = array<i32>} : memref<768x64xf32, #tpu.memory_space<vmem>>, vector<1x16xf32>,
            %swap3A_3352 = vector.shape_cast %swap3A_3351 : vector<1x16xf32> to vector<16xf32>
            %swap3A_3353 = vector.shape_cast %broadcast_in_dim3A_5 : vector<16xf32> to vector<1x16xf32>
            tpu.vector_store %arg9[%swap3A_3349, %swap3A_3350], %swap3A_3353 {strides = array<i32>} : memref<768x64xf32, #tpu.memory_space<vmem>>, vector<1x16xf32>,
            %add3A_3354 = arith.addi %mul3A_2867, %add3A_3295 : i32
            %swap3A_3355 = arith.index_cast %add3A_3354 : i32 to index
            %swap3A_3356 = arith.constant 48 : index
            %swap3A_3357 = tpu.vector_load %arg9[%swap3A_3355, %swap3A_3356] {strides = array<i32>} : memref<768x64xf32, #tpu.memory_space<vmem>>, vector<1x16xf32>,
            %swap3A_3358 = vector.shape_cast %swap3A_3357 : vector<1x16xf32> to vector<16xf32>
            %swap3A_3359 = vector.shape_cast %broadcast_in_dim3A_5 : vector<16xf32> to vector<1x16xf32>
            tpu.vector_store %arg9[%swap3A_3355, %swap3A_3356], %swap3A_3359 {strides = array<i32>} : memref<768x64xf32, #tpu.memory_space<vmem>>, vector<1x16xf32>,
          } else {
          }
          %mul3A_3303 = arith.constant 16 : i32
          %mul3A_3304 = arith.muli %scan3A_3153, %mul3A_3303 : i32
          %add3A_3305 = arith.constant 13 : i32
          %add3A_3306 = arith.addi %mul3A_3304, %add3A_3305 : i32
          %slice3A_3307 = vector.extract_strided_slice %get3A_3159 {offsets = [13], sizes = [1], strides = [1]} : vector<16xi32> to vector<1xi32>
          %squeeze3A_3308 = vector.extract %slice3A_3307[0] : i32 from vector<1xi32>
          %eq3A_3309 = arith.constant 0 : i32
          %eq3A_3310 = arith.cmpi eq, %squeeze3A_3308, %eq3A_3309 : i32
          %convert_element_type3A_3311 = arith.extui %eq3A_3310 : i1 to i32
          %cond3A_3312 = arith.constant 0 : i32
          %cond3A_3313 = arith.cmpi ne, %convert_element_type3A_3311, %cond3A_3312 : i32
          scf.if %cond3A_3313 {
            %add3A_3336 = arith.addi %mul3A_2867, %add3A_3306 : i32
            %swap3A_3337 = arith.index_cast %add3A_3336 : i32 to index
            %swap3A_3338 = arith.constant 0 : index
            %swap3A_3339 = tpu.vector_load %arg9[%swap3A_3337, %swap3A_3338] {strides = array<i32>} : memref<768x64xf32, #tpu.memory_space<vmem>>, vector<1x16xf32>,
            %swap3A_3340 = vector.shape_cast %swap3A_3339 : vector<1x16xf32> to vector<16xf32>
            %swap3A_3341 = vector.shape_cast %broadcast_in_dim3A_5 : vector<16xf32> to vector<1x16xf32>
            tpu.vector_store %arg9[%swap3A_3337, %swap3A_3338], %swap3A_3341 {strides = array<i32>} : memref<768x64xf32, #tpu.memory_space<vmem>>, vector<1x16xf32>,
            %add3A_3342 = arith.addi %mul3A_2867, %add3A_3306 : i32
            %swap3A_3343 = arith.index_cast %add3A_3342 : i32 to index
            %swap3A_3344 = arith.constant 16 : index
            %swap3A_3345 = tpu.vector_load %arg9[%swap3A_3343, %swap3A_3344] {strides = array<i32>} : memref<768x64xf32, #tpu.memory_space<vmem>>, vector<1x16xf32>,
            %swap3A_3346 = vector.shape_cast %swap3A_3345 : vector<1x16xf32> to vector<16xf32>
            %swap3A_3347 = vector.shape_cast %broadcast_in_dim3A_5 : vector<16xf32> to vector<1x16xf32>
            tpu.vector_store %arg9[%swap3A_3343, %swap3A_3344], %swap3A_3347 {strides = array<i32>} : memref<768x64xf32, #tpu.memory_space<vmem>>, vector<1x16xf32>,
            %add3A_3348 = arith.addi %mul3A_2867, %add3A_3306 : i32
            %swap3A_3349 = arith.index_cast %add3A_3348 : i32 to index
            %swap3A_3350 = arith.constant 32 : index
            %swap3A_3351 = tpu.vector_load %arg9[%swap3A_3349, %swap3A_3350] {strides = array<i32>} : memref<768x64xf32, #tpu.memory_space<vmem>>, vector<1x16xf32>,
            %swap3A_3352 = vector.shape_cast %swap3A_3351 : vector<1x16xf32> to vector<16xf32>
            %swap3A_3353 = vector.shape_cast %broadcast_in_dim3A_5 : vector<16xf32> to vector<1x16xf32>
            tpu.vector_store %arg9[%swap3A_3349, %swap3A_3350], %swap3A_3353 {strides = array<i32>} : memref<768x64xf32, #tpu.memory_space<vmem>>, vector<1x16xf32>,
            %add3A_3354 = arith.addi %mul3A_2867, %add3A_3306 : i32
            %swap3A_3355 = arith.index_cast %add3A_3354 : i32 to index
            %swap3A_3356 = arith.constant 48 : index
            %swap3A_3357 = tpu.vector_load %arg9[%swap3A_3355, %swap3A_3356] {strides = array<i32>} : memref<768x64xf32, #tpu.memory_space<vmem>>, vector<1x16xf32>,
            %swap3A_3358 = vector.shape_cast %swap3A_3357 : vector<1x16xf32> to vector<16xf32>
            %swap3A_3359 = vector.shape_cast %broadcast_in_dim3A_5 : vector<16xf32> to vector<1x16xf32>
            tpu.vector_store %arg9[%swap3A_3355, %swap3A_3356], %swap3A_3359 {strides = array<i32>} : memref<768x64xf32, #tpu.memory_space<vmem>>, vector<1x16xf32>,
          } else {
          }
          %mul3A_3314 = arith.constant 16 : i32
          %mul3A_3315 = arith.muli %scan3A_3153, %mul3A_3314 : i32
          %add3A_3316 = arith.constant 14 : i32
          %add3A_3317 = arith.addi %mul3A_3315, %add3A_3316 : i32
          %slice3A_3318 = vector.extract_strided_slice %get3A_3159 {offsets = [14], sizes = [1], strides = [1]} : vector<16xi32> to vector<1xi32>
          %squeeze3A_3319 = vector.extract %slice3A_3318[0] : i32 from vector<1xi32>
          %eq3A_3320 = arith.constant 0 : i32
          %eq3A_3321 = arith.cmpi eq, %squeeze3A_3319, %eq3A_3320 : i32
          %convert_element_type3A_3322 = arith.extui %eq3A_3321 : i1 to i32
          %cond3A_3323 = arith.constant 0 : i32
          %cond3A_3324 = arith.cmpi ne, %convert_element_type3A_3322, %cond3A_3323 : i32
          scf.if %cond3A_3324 {
            %add3A_3336 = arith.addi %mul3A_2867, %add3A_3317 : i32
            %swap3A_3337 = arith.index_cast %add3A_3336 : i32 to index
            %swap3A_3338 = arith.constant 0 : index
            %swap3A_3339 = tpu.vector_load %arg9[%swap3A_3337, %swap3A_3338] {strides = array<i32>} : memref<768x64xf32, #tpu.memory_space<vmem>>, vector<1x16xf32>,
            %swap3A_3340 = vector.shape_cast %swap3A_3339 : vector<1x16xf32> to vector<16xf32>
            %swap3A_3341 = vector.shape_cast %broadcast_in_dim3A_5 : vector<16xf32> to vector<1x16xf32>
            tpu.vector_store %arg9[%swap3A_3337, %swap3A_3338], %swap3A_3341 {strides = array<i32>} : memref<768x64xf32, #tpu.memory_space<vmem>>, vector<1x16xf32>,
            %add3A_3342 = arith.addi %mul3A_2867, %add3A_3317 : i32
            %swap3A_3343 = arith.index_cast %add3A_3342 : i32 to index
            %swap3A_3344 = arith.constant 16 : index
            %swap3A_3345 = tpu.vector_load %arg9[%swap3A_3343, %swap3A_3344] {strides = array<i32>} : memref<768x64xf32, #tpu.memory_space<vmem>>, vector<1x16xf32>,
            %swap3A_3346 = vector.shape_cast %swap3A_3345 : vector<1x16xf32> to vector<16xf32>
            %swap3A_3347 = vector.shape_cast %broadcast_in_dim3A_5 : vector<16xf32> to vector<1x16xf32>
            tpu.vector_store %arg9[%swap3A_3343, %swap3A_3344], %swap3A_3347 {strides = array<i32>} : memref<768x64xf32, #tpu.memory_space<vmem>>, vector<1x16xf32>,
            %add3A_3348 = arith.addi %mul3A_2867, %add3A_3317 : i32
            %swap3A_3349 = arith.index_cast %add3A_3348 : i32 to index
            %swap3A_3350 = arith.constant 32 : index
            %swap3A_3351 = tpu.vector_load %arg9[%swap3A_3349, %swap3A_3350] {strides = array<i32>} : memref<768x64xf32, #tpu.memory_space<vmem>>, vector<1x16xf32>,
            %swap3A_3352 = vector.shape_cast %swap3A_3351 : vector<1x16xf32> to vector<16xf32>
            %swap3A_3353 = vector.shape_cast %broadcast_in_dim3A_5 : vector<16xf32> to vector<1x16xf32>
            tpu.vector_store %arg9[%swap3A_3349, %swap3A_3350], %swap3A_3353 {strides = array<i32>} : memref<768x64xf32, #tpu.memory_space<vmem>>, vector<1x16xf32>,
            %add3A_3354 = arith.addi %mul3A_2867, %add3A_3317 : i32
            %swap3A_3355 = arith.index_cast %add3A_3354 : i32 to index
            %swap3A_3356 = arith.constant 48 : index
            %swap3A_3357 = tpu.vector_load %arg9[%swap3A_3355, %swap3A_3356] {strides = array<i32>} : memref<768x64xf32, #tpu.memory_space<vmem>>, vector<1x16xf32>,
            %swap3A_3358 = vector.shape_cast %swap3A_3357 : vector<1x16xf32> to vector<16xf32>
            %swap3A_3359 = vector.shape_cast %broadcast_in_dim3A_5 : vector<16xf32> to vector<1x16xf32>
            tpu.vector_store %arg9[%swap3A_3355, %swap3A_3356], %swap3A_3359 {strides = array<i32>} : memref<768x64xf32, #tpu.memory_space<vmem>>, vector<1x16xf32>,
          } else {
          }
          %mul3A_3325 = arith.constant 16 : i32
          %mul3A_3326 = arith.muli %scan3A_3153, %mul3A_3325 : i32
          %add3A_3327 = arith.constant 15 : i32
          %add3A_3328 = arith.addi %mul3A_3326, %add3A_3327 : i32
          %slice3A_3329 = vector.extract_strided_slice %get3A_3159 {offsets = [15], sizes = [1], strides = [1]} : vector<16xi32> to vector<1xi32>
          %squeeze3A_3330 = vector.extract %slice3A_3329[0] : i32 from vector<1xi32>
          %eq3A_3331 = arith.constant 0 : i32
          %eq3A_3332 = arith.cmpi eq, %squeeze3A_3330, %eq3A_3331 : i32
          %convert_element_type3A_3333 = arith.extui %eq3A_3332 : i1 to i32
          %cond3A_3334 = arith.constant 0 : i32
          %cond3A_3335 = arith.cmpi ne, %convert_element_type3A_3333, %cond3A_3334 : i32
          scf.if %cond3A_3335 {
            %add3A_3336 = arith.addi %mul3A_2867, %add3A_3328 : i32
            %swap3A_3337 = arith.index_cast %add3A_3336 : i32 to index
            %swap3A_3338 = arith.constant 0 : index
            %swap3A_3339 = tpu.vector_load %arg9[%swap3A_3337, %swap3A_3338] {strides = array<i32>} : memref<768x64xf32, #tpu.memory_space<vmem>>, vector<1x16xf32>,
            %swap3A_3340 = vector.shape_cast %swap3A_3339 : vector<1x16xf32> to vector<16xf32>
            %swap3A_3341 = vector.shape_cast %broadcast_in_dim3A_5 : vector<16xf32> to vector<1x16xf32>
            tpu.vector_store %arg9[%swap3A_3337, %swap3A_3338], %swap3A_3341 {strides = array<i32>} : memref<768x64xf32, #tpu.memory_space<vmem>>, vector<1x16xf32>,
            %add3A_3342 = arith.addi %mul3A_2867, %add3A_3328 : i32
            %swap3A_3343 = arith.index_cast %add3A_3342 : i32 to index
            %swap3A_3344 = arith.constant 16 : index
            %swap3A_3345 = tpu.vector_load %arg9[%swap3A_3343, %swap3A_3344] {strides = array<i32>} : memref<768x64xf32, #tpu.memory_space<vmem>>, vector<1x16xf32>,
            %swap3A_3346 = vector.shape_cast %swap3A_3345 : vector<1x16xf32> to vector<16xf32>
            %swap3A_3347 = vector.shape_cast %broadcast_in_dim3A_5 : vector<16xf32> to vector<1x16xf32>
            tpu.vector_store %arg9[%swap3A_3343, %swap3A_3344], %swap3A_3347 {strides = array<i32>} : memref<768x64xf32, #tpu.memory_space<vmem>>, vector<1x16xf32>,
            %add3A_3348 = arith.addi %mul3A_2867, %add3A_3328 : i32
            %swap3A_3349 = arith.index_cast %add3A_3348 : i32 to index
            %swap3A_3350 = arith.constant 32 : index
            %swap3A_3351 = tpu.vector_load %arg9[%swap3A_3349, %swap3A_3350] {strides = array<i32>} : memref<768x64xf32, #tpu.memory_space<vmem>>, vector<1x16xf32>,
            %swap3A_3352 = vector.shape_cast %swap3A_3351 : vector<1x16xf32> to vector<16xf32>
            %swap3A_3353 = vector.shape_cast %broadcast_in_dim3A_5 : vector<16xf32> to vector<1x16xf32>
            tpu.vector_store %arg9[%swap3A_3349, %swap3A_3350], %swap3A_3353 {strides = array<i32>} : memref<768x64xf32, #tpu.memory_space<vmem>>, vector<1x16xf32>,
            %add3A_3354 = arith.addi %mul3A_2867, %add3A_3328 : i32
            %swap3A_3355 = arith.index_cast %add3A_3354 : i32 to index
            %swap3A_3356 = arith.constant 48 : index
            %swap3A_3357 = tpu.vector_load %arg9[%swap3A_3355, %swap3A_3356] {strides = array<i32>} : memref<768x64xf32, #tpu.memory_space<vmem>>, vector<1x16xf32>,
            %swap3A_3358 = vector.shape_cast %swap3A_3357 : vector<1x16xf32> to vector<16xf32>
            %swap3A_3359 = vector.shape_cast %broadcast_in_dim3A_5 : vector<16xf32> to vector<1x16xf32>
            tpu.vector_store %arg9[%swap3A_3355, %swap3A_3356], %swap3A_3359 {strides = array<i32>} : memref<768x64xf32, #tpu.memory_space<vmem>>, vector<1x16xf32>,
          } else {
          }
        }
        %scan3A_3152 = arith.constant 8 : i32
      } else {
      }
      %mul3A_3097 = arith.constant 128 : i32
      %mul3A_3098 = arith.muli %select_n3A_2616, %mul3A_3097 : i32
      %mul3A_3099 = arith.constant 128 : i32
      %mul3A_3100 = arith.muli %scan3A_2600, %mul3A_3099 : i32
      %add3A_3101 = arith.addi %mul3A_2, %mul3A_3100 : i32
      %dma_start3A_3102 = arith.constant 0 : i32
      %dma_start3A_3103 = tpu.memref_slice %arg8[%mul3A_3098, %dma_start3A_3102] : memref<768x64xf32, #tpu.memory_space<vmem>> -> memref<128x64xf32, #tpu.memory_space<vmem>>
      %dma_start3A_3104 = arith.constant 0 : i32
      %dma_start3A_3105 = tpu.memref_slice %arg4[%add3A_3101, %dma_start3A_3104] : memref<204800x128xf32, #tpu.memory_space<hbm>> -> memref<128x64xf32, #tpu.memory_space<hbm>>
      %dma_start3A_3106 = tpu.memref_slice %arg12[%select_n3A_2616] : memref<6x!tpu.dma_semaphore, #tpu.memory_space<semaphore_mem>> -> memref<1x!tpu.dma_semaphore, #tpu.memory_space<semaphore_mem>>
      %dma_start3A_3107 = tpu.memref_squeeze %dma_start3A_3106 : memref<1x!tpu.dma_semaphore, #tpu.memory_space<semaphore_mem>> -> memref<!tpu.dma_semaphore, #tpu.memory_space<semaphore_mem>>
      %dma_start3A_3108 = arith.constant 0 : i32
      %dma_start3A_3109 = tpu.memref_slice %arg4[%add3A_3101, %dma_start3A_3108] : memref<204800x128xf32, #tpu.memory_space<hbm>> -> memref<128x64xf32, #tpu.memory_space<hbm>>
      %dma_start3A_3110 = arith.constant 0 : i32
      %dma_start3A_3111 = tpu.memref_slice %arg8[%mul3A_3098, %dma_start3A_3110] : memref<768x64xf32, #tpu.memory_space<vmem>> -> memref<128x64xf32, #tpu.memory_space<vmem>>
      tpu.enqueue_dma source(%dma_start3A_3111 : memref<128x64xf32, #tpu.memory_space<vmem>>) target(%dma_start3A_3109 : memref<128x64xf32, #tpu.memory_space<hbm>>) target_semaphore(%dma_start3A_3107 : memref<!tpu.dma_semaphore, #tpu.memory_space<semaphore_mem>>)
      %ge3A = arith.constant 1 : i32
      %ge3A_3112 = arith.cmpi sge, %scan3A_2600, %ge3A : i32
      %convert_element_type3A_3113 = arith.extui %ge3A_3112 : i1 to i32
      %cond3A_3114 = arith.constant 0 : i32
      %cond3A_3115 = arith.cmpi ne, %convert_element_type3A_3113, %cond3A_3114 : i32
      scf.if %cond3A_3115 {
        %sub3A = arith.constant 1 : i32
        %sub3A_3147 = arith.subi %scan3A_2600, %sub3A : i32
        %sub3A_3148 = arith.constant 1 : i32
        %sub3A_3149 = arith.subi %scan3A_2600, %sub3A_3148 : i32
        %jit3A_3150 = arith.constant 6 : i32
        %eq3A_3151 = arith.constant 0 : i32
        %eq3A_3152 = arith.cmpi eq, %jit3A_3150, %eq3A_3151 : i32
        %jit3A_3153 = arith.constant 1 : i32
        %select_n3A_3154 = arith.select %eq3A_3152, %jit3A_3153, %jit3A_3150 : i32
        %rem3A_3155 = arith.remsi %sub3A_3149, %select_n3A_3154 : i32
        %ne3A_3156 = arith.constant 0 : i32
        %ne3A_3157 = arith.cmpi ne, %rem3A_3155, %ne3A_3156 : i32
        %lt3A_3158 = arith.constant 0 : i32
        %lt3A_3159 = arith.cmpi slt, %rem3A_3155, %lt3A_3158 : i32
        %lt3A_3160 = arith.constant 0 : i32
        %lt3A_3161 = arith.cmpi slt, %select_n3A_3154, %lt3A_3160 : i32
        %ne3A_3162 = arith.xori %lt3A_3159, %lt3A_3161 : i1
        %and3A_3163 = arith.andi %ne3A_3162, %ne3A_3157 : i1
        %add3A_3164 = arith.addi %rem3A_3155, %select_n3A_3154 : i32
        %select_n3A_3165 = arith.select %and3A_3163, %add3A_3164, %rem3A_3155 : i32
        %mul3A_3166 = arith.constant 128 : i32
        %mul3A_3167 = arith.muli %select_n3A_3165, %mul3A_3166 : i32
        %mul3A_3168 = arith.constant 128 : i32
        %mul3A_3169 = arith.muli %sub3A_3147, %mul3A_3168 : i32
        %add3A_3170 = arith.addi %mul3A_2, %mul3A_3169 : i32
        %dma_start3A_3171 = arith.constant 0 : i32
        %dma_start3A_3172 = tpu.memref_slice %arg9[%mul3A_3167, %dma_start3A_3171] : memref<768x64xf32, #tpu.memory_space<vmem>> -> memref<128x64xf32, #tpu.memory_space<vmem>>
        %dma_start3A_3173 = arith.constant 64 : i32
        %dma_start3A_3174 = tpu.memref_slice %arg4[%add3A_3170, %dma_start3A_3173] : memref<204800x128xf32, #tpu.memory_space<hbm>> -> memref<128x64xf32, #tpu.memory_space<hbm>>
        %dma_start3A_3175 = tpu.memref_slice %arg13[%select_n3A_3165] : memref<6x!tpu.dma_semaphore, #tpu.memory_space<semaphore_mem>> -> memref<1x!tpu.dma_semaphore, #tpu.memory_space<semaphore_mem>>
        %dma_start3A_3176 = tpu.memref_squeeze %dma_start3A_3175 : memref<1x!tpu.dma_semaphore, #tpu.memory_space<semaphore_mem>> -> memref<!tpu.dma_semaphore, #tpu.memory_space<semaphore_mem>>
        %dma_start3A_3177 = arith.constant 64 : i32
        %dma_start3A_3178 = tpu.memref_slice %arg4[%add3A_3170, %dma_start3A_3177] : memref<204800x128xf32, #tpu.memory_space<hbm>> -> memref<128x64xf32, #tpu.memory_space<hbm>>
        %dma_start3A_3179 = arith.constant 0 : i32
        %dma_start3A_3180 = tpu.memref_slice %arg9[%mul3A_3167, %dma_start3A_3179] : memref<768x64xf32, #tpu.memory_space<vmem>> -> memref<128x64xf32, #tpu.memory_space<vmem>>
        tpu.enqueue_dma source(%dma_start3A_3180 : memref<128x64xf32, #tpu.memory_space<vmem>>) target(%dma_start3A_3178 : memref<128x64xf32, #tpu.memory_space<hbm>>) target_semaphore(%dma_start3A_3176 : memref<!tpu.dma_semaphore, #tpu.memory_space<semaphore_mem>>)
      } else {
      }
      %add3A_3116 = arith.constant 5 : i32
      %add3A_3117 = arith.addi %scan3A_2600, %add3A_3116 : i32
      %jit3A_3118 = arith.constant 6 : i32
      %eq3A_3119 = arith.constant 0 : i32
      %eq3A_3120 = arith.cmpi eq, %jit3A_3118, %eq3A_3119 : i32
      %jit3A_3121 = arith.constant 1 : i32
      %select_n3A_3122 = arith.select %eq3A_3120, %jit3A_3121, %jit3A_3118 : i32
      %rem3A_3123 = arith.remsi %add3A_3117, %select_n3A_3122 : i32
      %ne3A_3124 = arith.constant 0 : i32
      %ne3A_3125 = arith.cmpi ne, %rem3A_3123, %ne3A_3124 : i32
      %lt3A_3126 = arith.constant 0 : i32
      %lt3A_3127 = arith.cmpi slt, %rem3A_3123, %lt3A_3126 : i32
      %lt3A_3128 = arith.constant 0 : i32
      %lt3A_3129 = arith.cmpi slt, %select_n3A_3122, %lt3A_3128 : i32
      %ne3A_3130 = arith.xori %lt3A_3127, %lt3A_3129 : i1
      %and3A_3131 = arith.andi %ne3A_3130, %ne3A_3125 : i1
      %add3A_3132 = arith.addi %rem3A_3123, %select_n3A_3122 : i32
      %select_n3A_3133 = arith.select %and3A_3131, %add3A_3132, %rem3A_3123 : i32
      %lt3A_3134 = arith.constant 50 : i32
      %lt3A_3135 = arith.cmpi slt, %add3A_3117, %lt3A_3134 : i32
      %ge3A_3136 = arith.constant 6 : i32
      %ge3A_3137 = arith.cmpi sge, %add3A_3117, %ge3A_3136 : i32
      %and3A_3138 = arith.andi %lt3A_3135, %ge3A_3137 : i1
      %convert_element_type3A_3139 = arith.extui %and3A_3138 : i1 to i32
      %cond3A_3140 = arith.constant 0 : i32
      %cond3A_3141 = arith.cmpi ne, %convert_element_type3A_3139, %cond3A_3140 : i32
      scf.if %cond3A_3141 {
        %sub3A = arith.constant 6 : i32
        %sub3A_3147 = arith.subi %add3A_3117, %sub3A : i32
        %mul3A_3148 = arith.constant 128 : i32
        %mul3A_3149 = arith.muli %select_n3A_3133, %mul3A_3148 : i32
        %mul3A_3150 = arith.constant 128 : i32
        %mul3A_3151 = arith.muli %sub3A_3147, %mul3A_3150 : i32
        %add3A_3152 = arith.addi %mul3A_2, %mul3A_3151 : i32
        %dma_wait3A_3153 = arith.constant 0 : i32
        %dma_wait3A_3154 = tpu.memref_slice %arg8[%mul3A_3149, %dma_wait3A_3153] : memref<768x64xf32, #tpu.memory_space<vmem>> -> memref<128x64xf32, #tpu.memory_space<vmem>>
        %dma_wait3A_3155 = arith.constant 0 : i32
        %dma_wait3A_3156 = tpu.memref_slice %arg4[%add3A_3152, %dma_wait3A_3155] : memref<204800x128xf32, #tpu.memory_space<hbm>> -> memref<128x64xf32, #tpu.memory_space<hbm>>
        %dma_wait3A_3157 = tpu.memref_slice %arg12[%select_n3A_3133] : memref<6x!tpu.dma_semaphore, #tpu.memory_space<semaphore_mem>> -> memref<1x!tpu.dma_semaphore, #tpu.memory_space<semaphore_mem>>
        %dma_wait3A_3158 = tpu.memref_squeeze %dma_wait3A_3157 : memref<1x!tpu.dma_semaphore, #tpu.memory_space<semaphore_mem>> -> memref<!tpu.dma_semaphore, #tpu.memory_space<semaphore_mem>>
        %dma_wait3A_3159 = arith.constant 0 : i32
        %dma_wait3A_3160 = tpu.memref_slice %arg4[%add3A_3152, %dma_wait3A_3159] : memref<204800x128xf32, #tpu.memory_space<hbm>> -> memref<128x64xf32, #tpu.memory_space<hbm>>
        %dma_wait3A_3161 = arith.constant 0 : i32
        %dma_wait3A_3162 = tpu.memref_slice %arg8[%mul3A_3149, %dma_wait3A_3161] : memref<768x64xf32, #tpu.memory_space<vmem>> -> memref<128x64xf32, #tpu.memory_space<vmem>>
        tpu.wait_dma2 semaphore(%dma_wait3A_3158 : memref<!tpu.dma_semaphore, #tpu.memory_space<semaphore_mem>>) src(%dma_wait3A_3162 : memref<128x64xf32, #tpu.memory_space<vmem>>) dst(%dma_wait3A_3160 : memref<128x64xf32, #tpu.memory_space<hbm>>)
        %sub3A_3163 = arith.constant 6 : i32
        %sub3A_3164 = arith.subi %add3A_3117, %sub3A_3163 : i32
        %mul3A_3165 = arith.constant 128 : i32
        %mul3A_3166 = arith.muli %select_n3A_3133, %mul3A_3165 : i32
        %mul3A_3167 = arith.constant 128 : i32
        %mul3A_3168 = arith.muli %sub3A_3164, %mul3A_3167 : i32
        %add3A_3169 = arith.addi %mul3A_2, %mul3A_3168 : i32
        %dma_wait3A_3170 = arith.constant 0 : i32
        %dma_wait3A_3171 = tpu.memref_slice %arg9[%mul3A_3166, %dma_wait3A_3170] : memref<768x64xf32, #tpu.memory_space<vmem>> -> memref<128x64xf32, #tpu.memory_space<vmem>>
        %dma_wait3A_3172 = arith.constant 64 : i32
        %dma_wait3A_3173 = tpu.memref_slice %arg4[%add3A_3169, %dma_wait3A_3172] : memref<204800x128xf32, #tpu.memory_space<hbm>> -> memref<128x64xf32, #tpu.memory_space<hbm>>
        %dma_wait3A_3174 = tpu.memref_slice %arg13[%select_n3A_3133] : memref<6x!tpu.dma_semaphore, #tpu.memory_space<semaphore_mem>> -> memref<1x!tpu.dma_semaphore, #tpu.memory_space<semaphore_mem>>
        %dma_wait3A_3175 = tpu.memref_squeeze %dma_wait3A_3174 : memref<1x!tpu.dma_semaphore, #tpu.memory_space<semaphore_mem>> -> memref<!tpu.dma_semaphore, #tpu.memory_space<semaphore_mem>>
        %dma_wait3A_3176 = arith.constant 64 : i32
        %dma_wait3A_3177 = tpu.memref_slice %arg4[%add3A_3169, %dma_wait3A_3176] : memref<204800x128xf32, #tpu.memory_space<hbm>> -> memref<128x64xf32, #tpu.memory_space<hbm>>
        %dma_wait3A_3178 = arith.constant 0 : i32
        %dma_wait3A_3179 = tpu.memref_slice %arg9[%mul3A_3166, %dma_wait3A_3178] : memref<768x64xf32, #tpu.memory_space<vmem>> -> memref<128x64xf32, #tpu.memory_space<vmem>>
        tpu.wait_dma2 semaphore(%dma_wait3A_3175 : memref<!tpu.dma_semaphore, #tpu.memory_space<semaphore_mem>>) src(%dma_wait3A_3179 : memref<128x64xf32, #tpu.memory_space<vmem>>) dst(%dma_wait3A_3177 : memref<128x64xf32, #tpu.memory_space<hbm>>)
      } else {
      }
      %lt3A_3142 = arith.constant 50 : i32
      %lt3A_3143 = arith.cmpi slt, %add3A_3117, %lt3A_3142 : i32
      %convert_element_type3A_3144 = arith.extui %lt3A_3143 : i1 to i32
      %cond3A_3145 = arith.constant 0 : i32
      %cond3A_3146 = arith.cmpi ne, %convert_element_type3A_3144, %cond3A_3145 : i32
      scf.if %cond3A_3146 {
        %mul3A_3147 = arith.constant 2 : i32
        %mul3A_3148 = arith.muli %mul3A_3147, %add3A_3117 : i32
        %mul3A_3149 = arith.constant 128 : i32
        %mul3A_3150 = arith.muli %mul3A_3148, %mul3A_3149 : i32
        %add3A_3151 = arith.constant 0 : i32
        %add3A_3152 = arith.addi %mul3A_3150, %add3A_3151 : i32
        %get3A_3153 = arith.index_cast %add3A_3152 : i32 to index
        %get3A_3154 = tpu.vector_load %arg5[%get3A_3153] {strides = array<i32>} : memref<12800xi32, #tpu.memory_space<vmem>>, vector<16xi32>,
        %get3A_3155 = vector.shape_cast %get3A_3154 : vector<16xi32> to vector<16xi32>
        %add3A_3156 = arith.constant 16 : i32
        %add3A_3157 = arith.addi %add3A_3152, %add3A_3156 : i32
        %get3A_3158 = arith.index_cast %add3A_3157 : i32 to index
        %get3A_3159 = tpu.vector_load %arg5[%get3A_3158] {strides = array<i32>} : memref<12800xi32, #tpu.memory_space<vmem>>, vector<16xi32>,
        %get3A_3160 = vector.shape_cast %get3A_3159 : vector<16xi32> to vector<16xi32>
        %lt3A_3161 = arith.constant 0 : i32
        %lt3A_3162 = vector.broadcast %lt3A_3161 : i32 to vector<16xi32>
        %lt3A_3163 = arith.cmpi slt, %select_n3A_23, %lt3A_3162 : vector<16xi32>
        %add3A_3164 = arith.constant 16 : i32
        %add3A_3165 = vector.broadcast %add3A_3164 : i32 to vector<16xi32>
        %add3A_3166 = arith.addi %select_n3A_23, %add3A_3165 : vector<16xi32>
        %select_n3A_3167 = arith.select %lt3A_3163, %add3A_3166, %select_n3A_23 : vector<16xi1>, vector<16xi32>
        %broadcast_in_dim3A_3168 = vector.shape_cast %select_n3A_3167 : vector<16xi32> to vector<16x1xi32>
        %gather3A_3169 = vector.shape_cast %broadcast_in_dim3A_3168 : vector<16x1xi32> to vector<16xi32>
        %gather3A_3170 = tpu.dynamic_gather %get3A_3155[%gather3A_3169] in [0] : vector<16xi32>, vector<16xi32> -> vector<16xi32>
        %lt3A_3171 = arith.constant 0 : i32
        %lt3A_3172 = vector.broadcast %lt3A_3171 : i32 to vector<16xi32>
        %lt3A_3173 = arith.cmpi slt, %select_n3A_23, %lt3A_3172 : vector<16xi32>
        %add3A_3174 = arith.constant 16 : i32
        %add3A_3175 = vector.broadcast %add3A_3174 : i32 to vector<16xi32>
        %add3A_3176 = arith.addi %select_n3A_23, %add3A_3175 : vector<16xi32>
        %select_n3A_3177 = arith.select %lt3A_3173, %add3A_3176, %select_n3A_23 : vector<16xi1>, vector<16xi32>
        %broadcast_in_dim3A_3178 = vector.shape_cast %select_n3A_3177 : vector<16xi32> to vector<16x1xi32>
        %gather3A_3179 = vector.shape_cast %broadcast_in_dim3A_3178 : vector<16x1xi32> to vector<16xi32>
        %gather3A_3180 = tpu.dynamic_gather %get3A_3160[%gather3A_3179] in [0] : vector<16xi32>, vector<16xi32> -> vector<16xi32>
        %select_n3A_3181 = arith.select %lt3A_54, %gather3A_3170, %gather3A_3180 : vector<16xi1>, vector<16xi32>
        %lt3A_3182 = arith.constant 0 : i32
        %lt3A_3183 = vector.broadcast %lt3A_3182 : i32 to vector<16xi32>
        %lt3A_3184 = arith.cmpi slt, %select_n3A_51, %lt3A_3183 : vector<16xi32>
        %add3A_3185 = arith.constant 16 : i32
        %add3A_3186 = vector.broadcast %add3A_3185 : i32 to vector<16xi32>
        %add3A_3187 = arith.addi %select_n3A_51, %add3A_3186 : vector<16xi32>
        %select_n3A_3188 = arith.select %lt3A_3184, %add3A_3187, %select_n3A_51 : vector<16xi1>, vector<16xi32>
        %broadcast_in_dim3A_3189 = vector.shape_cast %select_n3A_3188 : vector<16xi32> to vector<16x1xi32>
        %gather3A_3190 = vector.shape_cast %broadcast_in_dim3A_3189 : vector<16x1xi32> to vector<16xi32>
        %gather3A_3191 = tpu.dynamic_gather %get3A_3155[%gather3A_3190] in [0] : vector<16xi32>, vector<16xi32> -> vector<16xi32>
        %lt3A_3192 = arith.constant 0 : i32
        %lt3A_3193 = vector.broadcast %lt3A_3192 : i32 to vector<16xi32>
        %lt3A_3194 = arith.cmpi slt, %select_n3A_51, %lt3A_3193 : vector<16xi32>
        %add3A_3195 = arith.constant 16 : i32
        %add3A_3196 = vector.broadcast %add3A_3195 : i32 to vector<16xi32>
        %add3A_3197 = arith.addi %select_n3A_51, %add3A_3196 : vector<16xi32>
        %select_n3A_3198 = arith.select %lt3A_3194, %add3A_3197, %select_n3A_51 : vector<16xi1>, vector<16xi32>
        %broadcast_in_dim3A_3199 = vector.shape_cast %select_n3A_3198 : vector<16xi32> to vector<16x1xi32>
        %gather3A_3200 = vector.shape_cast %broadcast_in_dim3A_3199 : vector<16x1xi32> to vector<16xi32>
        %gather3A_3201 = tpu.dynamic_gather %get3A_3160[%gather3A_3200] in [0] : vector<16xi32>, vector<16xi32> -> vector<16xi32>
        %select_n3A_3202 = arith.select %lt3A_54, %gather3A_3191, %gather3A_3201 : vector<16xi1>, vector<16xi32>
        %mul3A_3203 = arith.constant 128 : i32
        %mul3A_3204 = arith.muli %add3A_3117, %mul3A_3203 : i32
        %add3A_3205 = arith.constant 0 : i32
        %add3A_3206 = arith.addi %mul3A_3204, %add3A_3205 : i32
        %swap3A_3207 = arith.index_cast %add3A_3206 : i32 to index
        %swap3A_3208 = tpu.vector_load %arg6[%swap3A_3207] {strides = array<i32>} : memref<6400xi32, #tpu.memory_space<vmem>>, vector<16xi32>,
        %swap3A_3209 = vector.shape_cast %swap3A_3208 : vector<16xi32> to vector<16xi32>
        %swap3A_3210 = vector.shape_cast %select_n3A_3181 : vector<16xi32> to vector<16xi32>
        tpu.vector_store %arg6[%swap3A_3207], %swap3A_3210 {strides = array<i32>} : memref<6400xi32, #tpu.memory_space<vmem>>, vector<16xi32>,
        %swap3A_3211 = arith.index_cast %add3A_3206 : i32 to index
        %swap3A_3212 = tpu.vector_load %arg7[%swap3A_3211] {strides = array<i32>} : memref<6400xi32, #tpu.memory_space<vmem>>, vector<16xi32>,
        %swap3A_3213 = vector.shape_cast %swap3A_3212 : vector<16xi32> to vector<16xi32>
        %swap3A_3214 = vector.shape_cast %select_n3A_3202 : vector<16xi32> to vector<16xi32>
        tpu.vector_store %arg7[%swap3A_3211], %swap3A_3214 {strides = array<i32>} : memref<6400xi32, #tpu.memory_space<vmem>>, vector<16xi32>,
        %mul3A_3215 = arith.constant 2 : i32
        %mul3A_3216 = arith.muli %mul3A_3215, %add3A_3117 : i32
        %mul3A_3217 = arith.constant 128 : i32
        %mul3A_3218 = arith.muli %mul3A_3216, %mul3A_3217 : i32
        %add3A_3219 = arith.constant 32 : i32
        %add3A_3220 = arith.addi %mul3A_3218, %add3A_3219 : i32
        %get3A_3221 = arith.index_cast %add3A_3220 : i32 to index
        %get3A_3222 = tpu.vector_load %arg5[%get3A_3221] {strides = array<i32>} : memref<12800xi32, #tpu.memory_space<vmem>>, vector<16xi32>,
        %get3A_3223 = vector.shape_cast %get3A_3222 : vector<16xi32> to vector<16xi32>
        %add3A_3224 = arith.constant 16 : i32
        %add3A_3225 = arith.addi %add3A_3220, %add3A_3224 : i32
        %get3A_3226 = arith.index_cast %add3A_3225 : i32 to index
        %get3A_3227 = tpu.vector_load %arg5[%get3A_3226] {strides = array<i32>} : memref<12800xi32, #tpu.memory_space<vmem>>, vector<16xi32>,
        %get3A_3228 = vector.shape_cast %get3A_3227 : vector<16xi32> to vector<16xi32>
        %lt3A_3229 = arith.constant 0 : i32
        %lt3A_3230 = vector.broadcast %lt3A_3229 : i32 to vector<16xi32>
        %lt3A_3231 = arith.cmpi slt, %select_n3A_23, %lt3A_3230 : vector<16xi32>
        %add3A_3232 = arith.constant 16 : i32
        %add3A_3233 = vector.broadcast %add3A_3232 : i32 to vector<16xi32>
        %add3A_3234 = arith.addi %select_n3A_23, %add3A_3233 : vector<16xi32>
        %select_n3A_3235 = arith.select %lt3A_3231, %add3A_3234, %select_n3A_23 : vector<16xi1>, vector<16xi32>
        %broadcast_in_dim3A_3236 = vector.shape_cast %select_n3A_3235 : vector<16xi32> to vector<16x1xi32>
        %gather3A_3237 = vector.shape_cast %broadcast_in_dim3A_3236 : vector<16x1xi32> to vector<16xi32>
        %gather3A_3238 = tpu.dynamic_gather %get3A_3223[%gather3A_3237] in [0] : vector<16xi32>, vector<16xi32> -> vector<16xi32>
        %lt3A_3239 = arith.constant 0 : i32
        %lt3A_3240 = vector.broadcast %lt3A_3239 : i32 to vector<16xi32>
        %lt3A_3241 = arith.cmpi slt, %select_n3A_23, %lt3A_3240 : vector<16xi32>
        %add3A_3242 = arith.constant 16 : i32
        %add3A_3243 = vector.broadcast %add3A_3242 : i32 to vector<16xi32>
        %add3A_3244 = arith.addi %select_n3A_23, %add3A_3243 : vector<16xi32>
        %select_n3A_3245 = arith.select %lt3A_3241, %add3A_3244, %select_n3A_23 : vector<16xi1>, vector<16xi32>
        %broadcast_in_dim3A_3246 = vector.shape_cast %select_n3A_3245 : vector<16xi32> to vector<16x1xi32>
        %gather3A_3247 = vector.shape_cast %broadcast_in_dim3A_3246 : vector<16x1xi32> to vector<16xi32>
        %gather3A_3248 = tpu.dynamic_gather %get3A_3228[%gather3A_3247] in [0] : vector<16xi32>, vector<16xi32> -> vector<16xi32>
        %select_n3A_3249 = arith.select %lt3A_54, %gather3A_3238, %gather3A_3248 : vector<16xi1>, vector<16xi32>
        %lt3A_3250 = arith.constant 0 : i32
        %lt3A_3251 = vector.broadcast %lt3A_3250 : i32 to vector<16xi32>
        %lt3A_3252 = arith.cmpi slt, %select_n3A_51, %lt3A_3251 : vector<16xi32>
        %add3A_3253 = arith.constant 16 : i32
        %add3A_3254 = vector.broadcast %add3A_3253 : i32 to vector<16xi32>
        %add3A_3255 = arith.addi %select_n3A_51, %add3A_3254 : vector<16xi32>
        %select_n3A_3256 = arith.select %lt3A_3252, %add3A_3255, %select_n3A_51 : vector<16xi1>, vector<16xi32>
        %broadcast_in_dim3A_3257 = vector.shape_cast %select_n3A_3256 : vector<16xi32> to vector<16x1xi32>
        %gather3A_3258 = vector.shape_cast %broadcast_in_dim3A_3257 : vector<16x1xi32> to vector<16xi32>
        %gather3A_3259 = tpu.dynamic_gather %get3A_3223[%gather3A_3258] in [0] : vector<16xi32>, vector<16xi32> -> vector<16xi32>
        %lt3A_3260 = arith.constant 0 : i32
        %lt3A_3261 = vector.broadcast %lt3A_3260 : i32 to vector<16xi32>
        %lt3A_3262 = arith.cmpi slt, %select_n3A_51, %lt3A_3261 : vector<16xi32>
        %add3A_3263 = arith.constant 16 : i32
        %add3A_3264 = vector.broadcast %add3A_3263 : i32 to vector<16xi32>
        %add3A_3265 = arith.addi %select_n3A_51, %add3A_3264 : vector<16xi32>
        %select_n3A_3266 = arith.select %lt3A_3262, %add3A_3265, %select_n3A_51 : vector<16xi1>, vector<16xi32>
        %broadcast_in_dim3A_3267 = vector.shape_cast %select_n3A_3266 : vector<16xi32> to vector<16x1xi32>
        %gather3A_3268 = vector.shape_cast %broadcast_in_dim3A_3267 : vector<16x1xi32> to vector<16xi32>
        %gather3A_3269 = tpu.dynamic_gather %get3A_3228[%gather3A_3268] in [0] : vector<16xi32>, vector<16xi32> -> vector<16xi32>
        %select_n3A_3270 = arith.select %lt3A_54, %gather3A_3259, %gather3A_3269 : vector<16xi1>, vector<16xi32>
        %mul3A_3271 = arith.constant 128 : i32
        %mul3A_3272 = arith.muli %add3A_3117, %mul3A_3271 : i32
        %add3A_3273 = arith.constant 16 : i32
        %add3A_3274 = arith.addi %mul3A_3272, %add3A_3273 : i32
        %swap3A_3275 = arith.index_cast %add3A_3274 : i32 to index
        %swap3A_3276 = tpu.vector_load %arg6[%swap3A_3275] {strides = array<i32>} : memref<6400xi32, #tpu.memory_space<vmem>>, vector<16xi32>,
        %swap3A_3277 = vector.shape_cast %swap3A_3276 : vector<16xi32> to vector<16xi32>
        %swap3A_3278 = vector.shape_cast %select_n3A_3249 : vector<16xi32> to vector<16xi32>
        tpu.vector_store %arg6[%swap3A_3275], %swap3A_3278 {strides = array<i32>} : memref<6400xi32, #tpu.memory_space<vmem>>, vector<16xi32>,
        %swap3A_3279 = arith.index_cast %add3A_3274 : i32 to index
        %swap3A_3280 = tpu.vector_load %arg7[%swap3A_3279] {strides = array<i32>} : memref<6400xi32, #tpu.memory_space<vmem>>, vector<16xi32>,
        %swap3A_3281 = vector.shape_cast %swap3A_3280 : vector<16xi32> to vector<16xi32>
        %swap3A_3282 = vector.shape_cast %select_n3A_3270 : vector<16xi32> to vector<16xi32>
        tpu.vector_store %arg7[%swap3A_3279], %swap3A_3282 {strides = array<i32>} : memref<6400xi32, #tpu.memory_space<vmem>>, vector<16xi32>,
        %mul3A_3283 = arith.constant 2 : i32
        %mul3A_3284 = arith.muli %mul3A_3283, %add3A_3117 : i32
        %mul3A_3285 = arith.constant 128 : i32
        %mul3A_3286 = arith.muli %mul3A_3284, %mul3A_3285 : i32
        %add3A_3287 = arith.constant 64 : i32
        %add3A_3288 = arith.addi %mul3A_3286, %add3A_3287 : i32
        %get3A_3289 = arith.index_cast %add3A_3288 : i32 to index
        %get3A_3290 = tpu.vector_load %arg5[%get3A_3289] {strides = array<i32>} : memref<12800xi32, #tpu.memory_space<vmem>>, vector<16xi32>,
        %get3A_3291 = vector.shape_cast %get3A_3290 : vector<16xi32> to vector<16xi32>
        %add3A_3292 = arith.constant 16 : i32
        %add3A_3293 = arith.addi %add3A_3288, %add3A_3292 : i32
        %get3A_3294 = arith.index_cast %add3A_3293 : i32 to index
        %get3A_3295 = tpu.vector_load %arg5[%get3A_3294] {strides = array<i32>} : memref<12800xi32, #tpu.memory_space<vmem>>, vector<16xi32>,
        %get3A_3296 = vector.shape_cast %get3A_3295 : vector<16xi32> to vector<16xi32>
        %lt3A_3297 = arith.constant 0 : i32
        %lt3A_3298 = vector.broadcast %lt3A_3297 : i32 to vector<16xi32>
        %lt3A_3299 = arith.cmpi slt, %select_n3A_23, %lt3A_3298 : vector<16xi32>
        %add3A_3300 = arith.constant 16 : i32
        %add3A_3301 = vector.broadcast %add3A_3300 : i32 to vector<16xi32>
        %add3A_3302 = arith.addi %select_n3A_23, %add3A_3301 : vector<16xi32>
        %select_n3A_3303 = arith.select %lt3A_3299, %add3A_3302, %select_n3A_23 : vector<16xi1>, vector<16xi32>
        %broadcast_in_dim3A_3304 = vector.shape_cast %select_n3A_3303 : vector<16xi32> to vector<16x1xi32>
        %gather3A_3305 = vector.shape_cast %broadcast_in_dim3A_3304 : vector<16x1xi32> to vector<16xi32>
        %gather3A_3306 = tpu.dynamic_gather %get3A_3291[%gather3A_3305] in [0] : vector<16xi32>, vector<16xi32> -> vector<16xi32>
        %lt3A_3307 = arith.constant 0 : i32
        %lt3A_3308 = vector.broadcast %lt3A_3307 : i32 to vector<16xi32>
        %lt3A_3309 = arith.cmpi slt, %select_n3A_23, %lt3A_3308 : vector<16xi32>
        %add3A_3310 = arith.constant 16 : i32
        %add3A_3311 = vector.broadcast %add3A_3310 : i32 to vector<16xi32>
        %add3A_3312 = arith.addi %select_n3A_23, %add3A_3311 : vector<16xi32>
        %select_n3A_3313 = arith.select %lt3A_3309, %add3A_3312, %select_n3A_23 : vector<16xi1>, vector<16xi32>
        %broadcast_in_dim3A_3314 = vector.shape_cast %select_n3A_3313 : vector<16xi32> to vector<16x1xi32>
        %gather3A_3315 = vector.shape_cast %broadcast_in_dim3A_3314 : vector<16x1xi32> to vector<16xi32>
        %gather3A_3316 = tpu.dynamic_gather %get3A_3296[%gather3A_3315] in [0] : vector<16xi32>, vector<16xi32> -> vector<16xi32>
        %select_n3A_3317 = arith.select %lt3A_54, %gather3A_3306, %gather3A_3316 : vector<16xi1>, vector<16xi32>
        %lt3A_3318 = arith.constant 0 : i32
        %lt3A_3319 = vector.broadcast %lt3A_3318 : i32 to vector<16xi32>
        %lt3A_3320 = arith.cmpi slt, %select_n3A_51, %lt3A_3319 : vector<16xi32>
        %add3A_3321 = arith.constant 16 : i32
        %add3A_3322 = vector.broadcast %add3A_3321 : i32 to vector<16xi32>
        %add3A_3323 = arith.addi %select_n3A_51, %add3A_3322 : vector<16xi32>
        %select_n3A_3324 = arith.select %lt3A_3320, %add3A_3323, %select_n3A_51 : vector<16xi1>, vector<16xi32>
        %broadcast_in_dim3A_3325 = vector.shape_cast %select_n3A_3324 : vector<16xi32> to vector<16x1xi32>
        %gather3A_3326 = vector.shape_cast %broadcast_in_dim3A_3325 : vector<16x1xi32> to vector<16xi32>
        %gather3A_3327 = tpu.dynamic_gather %get3A_3291[%gather3A_3326] in [0] : vector<16xi32>, vector<16xi32> -> vector<16xi32>
        %lt3A_3328 = arith.constant 0 : i32
        %lt3A_3329 = vector.broadcast %lt3A_3328 : i32 to vector<16xi32>
        %lt3A_3330 = arith.cmpi slt, %select_n3A_51, %lt3A_3329 : vector<16xi32>
        %add3A_3331 = arith.constant 16 : i32
        %add3A_3332 = vector.broadcast %add3A_3331 : i32 to vector<16xi32>
        %add3A_3333 = arith.addi %select_n3A_51, %add3A_3332 : vector<16xi32>
        %select_n3A_3334 = arith.select %lt3A_3330, %add3A_3333, %select_n3A_51 : vector<16xi1>, vector<16xi32>
        %broadcast_in_dim3A_3335 = vector.shape_cast %select_n3A_3334 : vector<16xi32> to vector<16x1xi32>
        %gather3A_3336 = vector.shape_cast %broadcast_in_dim3A_3335 : vector<16x1xi32> to vector<16xi32>
        %gather3A_3337 = tpu.dynamic_gather %get3A_3296[%gather3A_3336] in [0] : vector<16xi32>, vector<16xi32> -> vector<16xi32>
        %select_n3A_3338 = arith.select %lt3A_54, %gather3A_3327, %gather3A_3337 : vector<16xi1>, vector<16xi32>
        %mul3A_3339 = arith.constant 128 : i32
        %mul3A_3340 = arith.muli %add3A_3117, %mul3A_3339 : i32
        %add3A_3341 = arith.constant 32 : i32
        %add3A_3342 = arith.addi %mul3A_3340, %add3A_3341 : i32
        %swap3A_3343 = arith.index_cast %add3A_3342 : i32 to index
        %swap3A_3344 = tpu.vector_load %arg6[%swap3A_3343] {strides = array<i32>} : memref<6400xi32, #tpu.memory_space<vmem>>, vector<16xi32>,
        %swap3A_3345 = vector.shape_cast %swap3A_3344 : vector<16xi32> to vector<16xi32>
        %swap3A_3346 = vector.shape_cast %select_n3A_3317 : vector<16xi32> to vector<16xi32>
        tpu.vector_store %arg6[%swap3A_3343], %swap3A_3346 {strides = array<i32>} : memref<6400xi32, #tpu.memory_space<vmem>>, vector<16xi32>,
        %swap3A_3347 = arith.index_cast %add3A_3342 : i32 to index
        %swap3A_3348 = tpu.vector_load %arg7[%swap3A_3347] {strides = array<i32>} : memref<6400xi32, #tpu.memory_space<vmem>>, vector<16xi32>,
        %swap3A_3349 = vector.shape_cast %swap3A_3348 : vector<16xi32> to vector<16xi32>
        %swap3A_3350 = vector.shape_cast %select_n3A_3338 : vector<16xi32> to vector<16xi32>
        tpu.vector_store %arg7[%swap3A_3347], %swap3A_3350 {strides = array<i32>} : memref<6400xi32, #tpu.memory_space<vmem>>, vector<16xi32>,
        %mul3A_3351 = arith.constant 2 : i32
        %mul3A_3352 = arith.muli %mul3A_3351, %add3A_3117 : i32
        %mul3A_3353 = arith.constant 128 : i32
        %mul3A_3354 = arith.muli %mul3A_3352, %mul3A_3353 : i32
        %add3A_3355 = arith.constant 96 : i32
        %add3A_3356 = arith.addi %mul3A_3354, %add3A_3355 : i32
        %get3A_3357 = arith.index_cast %add3A_3356 : i32 to index
        %get3A_3358 = tpu.vector_load %arg5[%get3A_3357] {strides = array<i32>} : memref<12800xi32, #tpu.memory_space<vmem>>, vector<16xi32>,
        %get3A_3359 = vector.shape_cast %get3A_3358 : vector<16xi32> to vector<16xi32>
        %add3A_3360 = arith.constant 16 : i32
        %add3A_3361 = arith.addi %add3A_3356, %add3A_3360 : i32
        %get3A_3362 = arith.index_cast %add3A_3361 : i32 to index
        %get3A_3363 = tpu.vector_load %arg5[%get3A_3362] {strides = array<i32>} : memref<12800xi32, #tpu.memory_space<vmem>>, vector<16xi32>,
        %get3A_3364 = vector.shape_cast %get3A_3363 : vector<16xi32> to vector<16xi32>
        %lt3A_3365 = arith.constant 0 : i32
        %lt3A_3366 = vector.broadcast %lt3A_3365 : i32 to vector<16xi32>
        %lt3A_3367 = arith.cmpi slt, %select_n3A_23, %lt3A_3366 : vector<16xi32>
        %add3A_3368 = arith.constant 16 : i32
        %add3A_3369 = vector.broadcast %add3A_3368 : i32 to vector<16xi32>
        %add3A_3370 = arith.addi %select_n3A_23, %add3A_3369 : vector<16xi32>
        %select_n3A_3371 = arith.select %lt3A_3367, %add3A_3370, %select_n3A_23 : vector<16xi1>, vector<16xi32>
        %broadcast_in_dim3A_3372 = vector.shape_cast %select_n3A_3371 : vector<16xi32> to vector<16x1xi32>
        %gather3A_3373 = vector.shape_cast %broadcast_in_dim3A_3372 : vector<16x1xi32> to vector<16xi32>
        %gather3A_3374 = tpu.dynamic_gather %get3A_3359[%gather3A_3373] in [0] : vector<16xi32>, vector<16xi32> -> vector<16xi32>
        %lt3A_3375 = arith.constant 0 : i32
        %lt3A_3376 = vector.broadcast %lt3A_3375 : i32 to vector<16xi32>
        %lt3A_3377 = arith.cmpi slt, %select_n3A_23, %lt3A_3376 : vector<16xi32>
        %add3A_3378 = arith.constant 16 : i32
        %add3A_3379 = vector.broadcast %add3A_3378 : i32 to vector<16xi32>
        %add3A_3380 = arith.addi %select_n3A_23, %add3A_3379 : vector<16xi32>
        %select_n3A_3381 = arith.select %lt3A_3377, %add3A_3380, %select_n3A_23 : vector<16xi1>, vector<16xi32>
        %broadcast_in_dim3A_3382 = vector.shape_cast %select_n3A_3381 : vector<16xi32> to vector<16x1xi32>
        %gather3A_3383 = vector.shape_cast %broadcast_in_dim3A_3382 : vector<16x1xi32> to vector<16xi32>
        %gather3A_3384 = tpu.dynamic_gather %get3A_3364[%gather3A_3383] in [0] : vector<16xi32>, vector<16xi32> -> vector<16xi32>
        %select_n3A_3385 = arith.select %lt3A_54, %gather3A_3374, %gather3A_3384 : vector<16xi1>, vector<16xi32>
        %lt3A_3386 = arith.constant 0 : i32
        %lt3A_3387 = vector.broadcast %lt3A_3386 : i32 to vector<16xi32>
        %lt3A_3388 = arith.cmpi slt, %select_n3A_51, %lt3A_3387 : vector<16xi32>
        %add3A_3389 = arith.constant 16 : i32
        %add3A_3390 = vector.broadcast %add3A_3389 : i32 to vector<16xi32>
        %add3A_3391 = arith.addi %select_n3A_51, %add3A_3390 : vector<16xi32>
        %select_n3A_3392 = arith.select %lt3A_3388, %add3A_3391, %select_n3A_51 : vector<16xi1>, vector<16xi32>
        %broadcast_in_dim3A_3393 = vector.shape_cast %select_n3A_3392 : vector<16xi32> to vector<16x1xi32>
        %gather3A_3394 = vector.shape_cast %broadcast_in_dim3A_3393 : vector<16x1xi32> to vector<16xi32>
        %gather3A_3395 = tpu.dynamic_gather %get3A_3359[%gather3A_3394] in [0] : vector<16xi32>, vector<16xi32> -> vector<16xi32>
        %lt3A_3396 = arith.constant 0 : i32
        %lt3A_3397 = vector.broadcast %lt3A_3396 : i32 to vector<16xi32>
        %lt3A_3398 = arith.cmpi slt, %select_n3A_51, %lt3A_3397 : vector<16xi32>
        %add3A_3399 = arith.constant 16 : i32
        %add3A_3400 = vector.broadcast %add3A_3399 : i32 to vector<16xi32>
        %add3A_3401 = arith.addi %select_n3A_51, %add3A_3400 : vector<16xi32>
        %select_n3A_3402 = arith.select %lt3A_3398, %add3A_3401, %select_n3A_51 : vector<16xi1>, vector<16xi32>
        %broadcast_in_dim3A_3403 = vector.shape_cast %select_n3A_3402 : vector<16xi32> to vector<16x1xi32>
        %gather3A_3404 = vector.shape_cast %broadcast_in_dim3A_3403 : vector<16x1xi32> to vector<16xi32>
        %gather3A_3405 = tpu.dynamic_gather %get3A_3364[%gather3A_3404] in [0] : vector<16xi32>, vector<16xi32> -> vector<16xi32>
        %select_n3A_3406 = arith.select %lt3A_54, %gather3A_3395, %gather3A_3405 : vector<16xi1>, vector<16xi32>
        %mul3A_3407 = arith.constant 128 : i32
        %mul3A_3408 = arith.muli %add3A_3117, %mul3A_3407 : i32
        %add3A_3409 = arith.constant 48 : i32
        %add3A_3410 = arith.addi %mul3A_3408, %add3A_3409 : i32
        %swap3A_3411 = arith.index_cast %add3A_3410 : i32 to index
        %swap3A_3412 = tpu.vector_load %arg6[%swap3A_3411] {strides = array<i32>} : memref<6400xi32, #tpu.memory_space<vmem>>, vector<16xi32>,
        %swap3A_3413 = vector.shape_cast %swap3A_3412 : vector<16xi32> to vector<16xi32>
        %swap3A_3414 = vector.shape_cast %select_n3A_3385 : vector<16xi32> to vector<16xi32>
        tpu.vector_store %arg6[%swap3A_3411], %swap3A_3414 {strides = array<i32>} : memref<6400xi32, #tpu.memory_space<vmem>>, vector<16xi32>,
        %swap3A_3415 = arith.index_cast %add3A_3410 : i32 to index
        %swap3A_3416 = tpu.vector_load %arg7[%swap3A_3415] {strides = array<i32>} : memref<6400xi32, #tpu.memory_space<vmem>>, vector<16xi32>,
        %swap3A_3417 = vector.shape_cast %swap3A_3416 : vector<16xi32> to vector<16xi32>
        %swap3A_3418 = vector.shape_cast %select_n3A_3406 : vector<16xi32> to vector<16xi32>
        tpu.vector_store %arg7[%swap3A_3415], %swap3A_3418 {strides = array<i32>} : memref<6400xi32, #tpu.memory_space<vmem>>, vector<16xi32>,
        %mul3A_3419 = arith.constant 2 : i32
        %mul3A_3420 = arith.muli %mul3A_3419, %add3A_3117 : i32
        %mul3A_3421 = arith.constant 128 : i32
        %mul3A_3422 = arith.muli %mul3A_3420, %mul3A_3421 : i32
        %add3A_3423 = arith.constant 128 : i32
        %add3A_3424 = arith.addi %mul3A_3422, %add3A_3423 : i32
        %get3A_3425 = arith.index_cast %add3A_3424 : i32 to index
        %get3A_3426 = tpu.vector_load %arg5[%get3A_3425] {strides = array<i32>} : memref<12800xi32, #tpu.memory_space<vmem>>, vector<16xi32>,
        %get3A_3427 = vector.shape_cast %get3A_3426 : vector<16xi32> to vector<16xi32>
        %add3A_3428 = arith.constant 16 : i32
        %add3A_3429 = arith.addi %add3A_3424, %add3A_3428 : i32
        %get3A_3430 = arith.index_cast %add3A_3429 : i32 to index
        %get3A_3431 = tpu.vector_load %arg5[%get3A_3430] {strides = array<i32>} : memref<12800xi32, #tpu.memory_space<vmem>>, vector<16xi32>,
        %get3A_3432 = vector.shape_cast %get3A_3431 : vector<16xi32> to vector<16xi32>
        %lt3A_3433 = arith.constant 0 : i32
        %lt3A_3434 = vector.broadcast %lt3A_3433 : i32 to vector<16xi32>
        %lt3A_3435 = arith.cmpi slt, %select_n3A_23, %lt3A_3434 : vector<16xi32>
        %add3A_3436 = arith.constant 16 : i32
        %add3A_3437 = vector.broadcast %add3A_3436 : i32 to vector<16xi32>
        %add3A_3438 = arith.addi %select_n3A_23, %add3A_3437 : vector<16xi32>
        %select_n3A_3439 = arith.select %lt3A_3435, %add3A_3438, %select_n3A_23 : vector<16xi1>, vector<16xi32>
        %broadcast_in_dim3A_3440 = vector.shape_cast %select_n3A_3439 : vector<16xi32> to vector<16x1xi32>
        %gather3A_3441 = vector.shape_cast %broadcast_in_dim3A_3440 : vector<16x1xi32> to vector<16xi32>
        %gather3A_3442 = tpu.dynamic_gather %get3A_3427[%gather3A_3441] in [0] : vector<16xi32>, vector<16xi32> -> vector<16xi32>
        %lt3A_3443 = arith.constant 0 : i32
        %lt3A_3444 = vector.broadcast %lt3A_3443 : i32 to vector<16xi32>
        %lt3A_3445 = arith.cmpi slt, %select_n3A_23, %lt3A_3444 : vector<16xi32>
        %add3A_3446 = arith.constant 16 : i32
        %add3A_3447 = vector.broadcast %add3A_3446 : i32 to vector<16xi32>
        %add3A_3448 = arith.addi %select_n3A_23, %add3A_3447 : vector<16xi32>
        %select_n3A_3449 = arith.select %lt3A_3445, %add3A_3448, %select_n3A_23 : vector<16xi1>, vector<16xi32>
        %broadcast_in_dim3A_3450 = vector.shape_cast %select_n3A_3449 : vector<16xi32> to vector<16x1xi32>
        %gather3A_3451 = vector.shape_cast %broadcast_in_dim3A_3450 : vector<16x1xi32> to vector<16xi32>
        %gather3A_3452 = tpu.dynamic_gather %get3A_3432[%gather3A_3451] in [0] : vector<16xi32>, vector<16xi32> -> vector<16xi32>
        %select_n3A_3453 = arith.select %lt3A_54, %gather3A_3442, %gather3A_3452 : vector<16xi1>, vector<16xi32>
        %lt3A_3454 = arith.constant 0 : i32
        %lt3A_3455 = vector.broadcast %lt3A_3454 : i32 to vector<16xi32>
        %lt3A_3456 = arith.cmpi slt, %select_n3A_51, %lt3A_3455 : vector<16xi32>
        %add3A_3457 = arith.constant 16 : i32
        %add3A_3458 = vector.broadcast %add3A_3457 : i32 to vector<16xi32>
        %add3A_3459 = arith.addi %select_n3A_51, %add3A_3458 : vector<16xi32>
        %select_n3A_3460 = arith.select %lt3A_3456, %add3A_3459, %select_n3A_51 : vector<16xi1>, vector<16xi32>
        %broadcast_in_dim3A_3461 = vector.shape_cast %select_n3A_3460 : vector<16xi32> to vector<16x1xi32>
        %gather3A_3462 = vector.shape_cast %broadcast_in_dim3A_3461 : vector<16x1xi32> to vector<16xi32>
        %gather3A_3463 = tpu.dynamic_gather %get3A_3427[%gather3A_3462] in [0] : vector<16xi32>, vector<16xi32> -> vector<16xi32>
        %lt3A_3464 = arith.constant 0 : i32
        %lt3A_3465 = vector.broadcast %lt3A_3464 : i32 to vector<16xi32>
        %lt3A_3466 = arith.cmpi slt, %select_n3A_51, %lt3A_3465 : vector<16xi32>
        %add3A_3467 = arith.constant 16 : i32
        %add3A_3468 = vector.broadcast %add3A_3467 : i32 to vector<16xi32>
        %add3A_3469 = arith.addi %select_n3A_51, %add3A_3468 : vector<16xi32>
        %select_n3A_3470 = arith.select %lt3A_3466, %add3A_3469, %select_n3A_51 : vector<16xi1>, vector<16xi32>
        %broadcast_in_dim3A_3471 = vector.shape_cast %select_n3A_3470 : vector<16xi32> to vector<16x1xi32>
        %gather3A_3472 = vector.shape_cast %broadcast_in_dim3A_3471 : vector<16x1xi32> to vector<16xi32>
        %gather3A_3473 = tpu.dynamic_gather %get3A_3432[%gather3A_3472] in [0] : vector<16xi32>, vector<16xi32> -> vector<16xi32>
        %select_n3A_3474 = arith.select %lt3A_54, %gather3A_3463, %gather3A_3473 : vector<16xi1>, vector<16xi32>
        %mul3A_3475 = arith.constant 128 : i32
        %mul3A_3476 = arith.muli %add3A_3117, %mul3A_3475 : i32
        %add3A_3477 = arith.constant 64 : i32
        %add3A_3478 = arith.addi %mul3A_3476, %add3A_3477 : i32
        %swap3A_3479 = arith.index_cast %add3A_3478 : i32 to index
        %swap3A_3480 = tpu.vector_load %arg6[%swap3A_3479] {strides = array<i32>} : memref<6400xi32, #tpu.memory_space<vmem>>, vector<16xi32>,
        %swap3A_3481 = vector.shape_cast %swap3A_3480 : vector<16xi32> to vector<16xi32>
        %swap3A_3482 = vector.shape_cast %select_n3A_3453 : vector<16xi32> to vector<16xi32>
        tpu.vector_store %arg6[%swap3A_3479], %swap3A_3482 {strides = array<i32>} : memref<6400xi32, #tpu.memory_space<vmem>>, vector<16xi32>,
        %swap3A_3483 = arith.index_cast %add3A_3478 : i32 to index
        %swap3A_3484 = tpu.vector_load %arg7[%swap3A_3483] {strides = array<i32>} : memref<6400xi32, #tpu.memory_space<vmem>>, vector<16xi32>,
        %swap3A_3485 = vector.shape_cast %swap3A_3484 : vector<16xi32> to vector<16xi32>
        %swap3A_3486 = vector.shape_cast %select_n3A_3474 : vector<16xi32> to vector<16xi32>
        tpu.vector_store %arg7[%swap3A_3483], %swap3A_3486 {strides = array<i32>} : memref<6400xi32, #tpu.memory_space<vmem>>, vector<16xi32>,
        %mul3A_3487 = arith.constant 2 : i32
        %mul3A_3488 = arith.muli %mul3A_3487, %add3A_3117 : i32
        %mul3A_3489 = arith.constant 128 : i32
        %mul3A_3490 = arith.muli %mul3A_3488, %mul3A_3489 : i32
        %add3A_3491 = arith.constant 160 : i32
        %add3A_3492 = arith.addi %mul3A_3490, %add3A_3491 : i32
        %get3A_3493 = arith.index_cast %add3A_3492 : i32 to index
        %get3A_3494 = tpu.vector_load %arg5[%get3A_3493] {strides = array<i32>} : memref<12800xi32, #tpu.memory_space<vmem>>, vector<16xi32>,
        %get3A_3495 = vector.shape_cast %get3A_3494 : vector<16xi32> to vector<16xi32>
        %add3A_3496 = arith.constant 16 : i32
        %add3A_3497 = arith.addi %add3A_3492, %add3A_3496 : i32
        %get3A_3498 = arith.index_cast %add3A_3497 : i32 to index
        %get3A_3499 = tpu.vector_load %arg5[%get3A_3498] {strides = array<i32>} : memref<12800xi32, #tpu.memory_space<vmem>>, vector<16xi32>,
        %get3A_3500 = vector.shape_cast %get3A_3499 : vector<16xi32> to vector<16xi32>
        %lt3A_3501 = arith.constant 0 : i32
        %lt3A_3502 = vector.broadcast %lt3A_3501 : i32 to vector<16xi32>
        %lt3A_3503 = arith.cmpi slt, %select_n3A_23, %lt3A_3502 : vector<16xi32>
        %add3A_3504 = arith.constant 16 : i32
        %add3A_3505 = vector.broadcast %add3A_3504 : i32 to vector<16xi32>
        %add3A_3506 = arith.addi %select_n3A_23, %add3A_3505 : vector<16xi32>
        %select_n3A_3507 = arith.select %lt3A_3503, %add3A_3506, %select_n3A_23 : vector<16xi1>, vector<16xi32>
        %broadcast_in_dim3A_3508 = vector.shape_cast %select_n3A_3507 : vector<16xi32> to vector<16x1xi32>
        %gather3A_3509 = vector.shape_cast %broadcast_in_dim3A_3508 : vector<16x1xi32> to vector<16xi32>
        %gather3A_3510 = tpu.dynamic_gather %get3A_3495[%gather3A_3509] in [0] : vector<16xi32>, vector<16xi32> -> vector<16xi32>
        %lt3A_3511 = arith.constant 0 : i32
        %lt3A_3512 = vector.broadcast %lt3A_3511 : i32 to vector<16xi32>
        %lt3A_3513 = arith.cmpi slt, %select_n3A_23, %lt3A_3512 : vector<16xi32>
        %add3A_3514 = arith.constant 16 : i32
        %add3A_3515 = vector.broadcast %add3A_3514 : i32 to vector<16xi32>
        %add3A_3516 = arith.addi %select_n3A_23, %add3A_3515 : vector<16xi32>
        %select_n3A_3517 = arith.select %lt3A_3513, %add3A_3516, %select_n3A_23 : vector<16xi1>, vector<16xi32>
        %broadcast_in_dim3A_3518 = vector.shape_cast %select_n3A_3517 : vector<16xi32> to vector<16x1xi32>
        %gather3A_3519 = vector.shape_cast %broadcast_in_dim3A_3518 : vector<16x1xi32> to vector<16xi32>
        %gather3A_3520 = tpu.dynamic_gather %get3A_3500[%gather3A_3519] in [0] : vector<16xi32>, vector<16xi32> -> vector<16xi32>
        %select_n3A_3521 = arith.select %lt3A_54, %gather3A_3510, %gather3A_3520 : vector<16xi1>, vector<16xi32>
        %lt3A_3522 = arith.constant 0 : i32
        %lt3A_3523 = vector.broadcast %lt3A_3522 : i32 to vector<16xi32>
        %lt3A_3524 = arith.cmpi slt, %select_n3A_51, %lt3A_3523 : vector<16xi32>
        %add3A_3525 = arith.constant 16 : i32
        %add3A_3526 = vector.broadcast %add3A_3525 : i32 to vector<16xi32>
        %add3A_3527 = arith.addi %select_n3A_51, %add3A_3526 : vector<16xi32>
        %select_n3A_3528 = arith.select %lt3A_3524, %add3A_3527, %select_n3A_51 : vector<16xi1>, vector<16xi32>
        %broadcast_in_dim3A_3529 = vector.shape_cast %select_n3A_3528 : vector<16xi32> to vector<16x1xi32>
        %gather3A_3530 = vector.shape_cast %broadcast_in_dim3A_3529 : vector<16x1xi32> to vector<16xi32>
        %gather3A_3531 = tpu.dynamic_gather %get3A_3495[%gather3A_3530] in [0] : vector<16xi32>, vector<16xi32> -> vector<16xi32>
        %lt3A_3532 = arith.constant 0 : i32
        %lt3A_3533 = vector.broadcast %lt3A_3532 : i32 to vector<16xi32>
        %lt3A_3534 = arith.cmpi slt, %select_n3A_51, %lt3A_3533 : vector<16xi32>
        %add3A_3535 = arith.constant 16 : i32
        %add3A_3536 = vector.broadcast %add3A_3535 : i32 to vector<16xi32>
        %add3A_3537 = arith.addi %select_n3A_51, %add3A_3536 : vector<16xi32>
        %select_n3A_3538 = arith.select %lt3A_3534, %add3A_3537, %select_n3A_51 : vector<16xi1>, vector<16xi32>
        %broadcast_in_dim3A_3539 = vector.shape_cast %select_n3A_3538 : vector<16xi32> to vector<16x1xi32>
        %gather3A_3540 = vector.shape_cast %broadcast_in_dim3A_3539 : vector<16x1xi32> to vector<16xi32>
        %gather3A_3541 = tpu.dynamic_gather %get3A_3500[%gather3A_3540] in [0] : vector<16xi32>, vector<16xi32> -> vector<16xi32>
        %select_n3A_3542 = arith.select %lt3A_54, %gather3A_3531, %gather3A_3541 : vector<16xi1>, vector<16xi32>
        %mul3A_3543 = arith.constant 128 : i32
        %mul3A_3544 = arith.muli %add3A_3117, %mul3A_3543 : i32
        %add3A_3545 = arith.constant 80 : i32
        %add3A_3546 = arith.addi %mul3A_3544, %add3A_3545 : i32
        %swap3A_3547 = arith.index_cast %add3A_3546 : i32 to index
        %swap3A_3548 = tpu.vector_load %arg6[%swap3A_3547] {strides = array<i32>} : memref<6400xi32, #tpu.memory_space<vmem>>, vector<16xi32>,
        %swap3A_3549 = vector.shape_cast %swap3A_3548 : vector<16xi32> to vector<16xi32>
        %swap3A_3550 = vector.shape_cast %select_n3A_3521 : vector<16xi32> to vector<16xi32>
        tpu.vector_store %arg6[%swap3A_3547], %swap3A_3550 {strides = array<i32>} : memref<6400xi32, #tpu.memory_space<vmem>>, vector<16xi32>,
        %swap3A_3551 = arith.index_cast %add3A_3546 : i32 to index
        %swap3A_3552 = tpu.vector_load %arg7[%swap3A_3551] {strides = array<i32>} : memref<6400xi32, #tpu.memory_space<vmem>>, vector<16xi32>,
        %swap3A_3553 = vector.shape_cast %swap3A_3552 : vector<16xi32> to vector<16xi32>
        %swap3A_3554 = vector.shape_cast %select_n3A_3542 : vector<16xi32> to vector<16xi32>
        tpu.vector_store %arg7[%swap3A_3551], %swap3A_3554 {strides = array<i32>} : memref<6400xi32, #tpu.memory_space<vmem>>, vector<16xi32>,
        %mul3A_3555 = arith.constant 2 : i32
        %mul3A_3556 = arith.muli %mul3A_3555, %add3A_3117 : i32
        %mul3A_3557 = arith.constant 128 : i32
        %mul3A_3558 = arith.muli %mul3A_3556, %mul3A_3557 : i32
        %add3A_3559 = arith.constant 192 : i32
        %add3A_3560 = arith.addi %mul3A_3558, %add3A_3559 : i32
        %get3A_3561 = arith.index_cast %add3A_3560 : i32 to index
        %get3A_3562 = tpu.vector_load %arg5[%get3A_3561] {strides = array<i32>} : memref<12800xi32, #tpu.memory_space<vmem>>, vector<16xi32>,
        %get3A_3563 = vector.shape_cast %get3A_3562 : vector<16xi32> to vector<16xi32>
        %add3A_3564 = arith.constant 16 : i32
        %add3A_3565 = arith.addi %add3A_3560, %add3A_3564 : i32
        %get3A_3566 = arith.index_cast %add3A_3565 : i32 to index
        %get3A_3567 = tpu.vector_load %arg5[%get3A_3566] {strides = array<i32>} : memref<12800xi32, #tpu.memory_space<vmem>>, vector<16xi32>,
        %get3A_3568 = vector.shape_cast %get3A_3567 : vector<16xi32> to vector<16xi32>
        %lt3A_3569 = arith.constant 0 : i32
        %lt3A_3570 = vector.broadcast %lt3A_3569 : i32 to vector<16xi32>
        %lt3A_3571 = arith.cmpi slt, %select_n3A_23, %lt3A_3570 : vector<16xi32>
        %add3A_3572 = arith.constant 16 : i32
        %add3A_3573 = vector.broadcast %add3A_3572 : i32 to vector<16xi32>
        %add3A_3574 = arith.addi %select_n3A_23, %add3A_3573 : vector<16xi32>
        %select_n3A_3575 = arith.select %lt3A_3571, %add3A_3574, %select_n3A_23 : vector<16xi1>, vector<16xi32>
        %broadcast_in_dim3A_3576 = vector.shape_cast %select_n3A_3575 : vector<16xi32> to vector<16x1xi32>
        %gather3A_3577 = vector.shape_cast %broadcast_in_dim3A_3576 : vector<16x1xi32> to vector<16xi32>
        %gather3A_3578 = tpu.dynamic_gather %get3A_3563[%gather3A_3577] in [0] : vector<16xi32>, vector<16xi32> -> vector<16xi32>
        %lt3A_3579 = arith.constant 0 : i32
        %lt3A_3580 = vector.broadcast %lt3A_3579 : i32 to vector<16xi32>
        %lt3A_3581 = arith.cmpi slt, %select_n3A_23, %lt3A_3580 : vector<16xi32>
        %add3A_3582 = arith.constant 16 : i32
        %add3A_3583 = vector.broadcast %add3A_3582 : i32 to vector<16xi32>
        %add3A_3584 = arith.addi %select_n3A_23, %add3A_3583 : vector<16xi32>
        %select_n3A_3585 = arith.select %lt3A_3581, %add3A_3584, %select_n3A_23 : vector<16xi1>, vector<16xi32>
        %broadcast_in_dim3A_3586 = vector.shape_cast %select_n3A_3585 : vector<16xi32> to vector<16x1xi32>
        %gather3A_3587 = vector.shape_cast %broadcast_in_dim3A_3586 : vector<16x1xi32> to vector<16xi32>
        %gather3A_3588 = tpu.dynamic_gather %get3A_3568[%gather3A_3587] in [0] : vector<16xi32>, vector<16xi32> -> vector<16xi32>
        %select_n3A_3589 = arith.select %lt3A_54, %gather3A_3578, %gather3A_3588 : vector<16xi1>, vector<16xi32>
        %lt3A_3590 = arith.constant 0 : i32
        %lt3A_3591 = vector.broadcast %lt3A_3590 : i32 to vector<16xi32>
        %lt3A_3592 = arith.cmpi slt, %select_n3A_51, %lt3A_3591 : vector<16xi32>
        %add3A_3593 = arith.constant 16 : i32
        %add3A_3594 = vector.broadcast %add3A_3593 : i32 to vector<16xi32>
        %add3A_3595 = arith.addi %select_n3A_51, %add3A_3594 : vector<16xi32>
        %select_n3A_3596 = arith.select %lt3A_3592, %add3A_3595, %select_n3A_51 : vector<16xi1>, vector<16xi32>
        %broadcast_in_dim3A_3597 = vector.shape_cast %select_n3A_3596 : vector<16xi32> to vector<16x1xi32>
        %gather3A_3598 = vector.shape_cast %broadcast_in_dim3A_3597 : vector<16x1xi32> to vector<16xi32>
        %gather3A_3599 = tpu.dynamic_gather %get3A_3563[%gather3A_3598] in [0] : vector<16xi32>, vector<16xi32> -> vector<16xi32>
        %lt3A_3600 = arith.constant 0 : i32
        %lt3A_3601 = vector.broadcast %lt3A_3600 : i32 to vector<16xi32>
        %lt3A_3602 = arith.cmpi slt, %select_n3A_51, %lt3A_3601 : vector<16xi32>
        %add3A_3603 = arith.constant 16 : i32
        %add3A_3604 = vector.broadcast %add3A_3603 : i32 to vector<16xi32>
        %add3A_3605 = arith.addi %select_n3A_51, %add3A_3604 : vector<16xi32>
        %select_n3A_3606 = arith.select %lt3A_3602, %add3A_3605, %select_n3A_51 : vector<16xi1>, vector<16xi32>
        %broadcast_in_dim3A_3607 = vector.shape_cast %select_n3A_3606 : vector<16xi32> to vector<16x1xi32>
        %gather3A_3608 = vector.shape_cast %broadcast_in_dim3A_3607 : vector<16x1xi32> to vector<16xi32>
        %gather3A_3609 = tpu.dynamic_gather %get3A_3568[%gather3A_3608] in [0] : vector<16xi32>, vector<16xi32> -> vector<16xi32>
        %select_n3A_3610 = arith.select %lt3A_54, %gather3A_3599, %gather3A_3609 : vector<16xi1>, vector<16xi32>
        %mul3A_3611 = arith.constant 128 : i32
        %mul3A_3612 = arith.muli %add3A_3117, %mul3A_3611 : i32
        %add3A_3613 = arith.constant 96 : i32
        %add3A_3614 = arith.addi %mul3A_3612, %add3A_3613 : i32
        %swap3A_3615 = arith.index_cast %add3A_3614 : i32 to index
        %swap3A_3616 = tpu.vector_load %arg6[%swap3A_3615] {strides = array<i32>} : memref<6400xi32, #tpu.memory_space<vmem>>, vector<16xi32>,
        %swap3A_3617 = vector.shape_cast %swap3A_3616 : vector<16xi32> to vector<16xi32>
        %swap3A_3618 = vector.shape_cast %select_n3A_3589 : vector<16xi32> to vector<16xi32>
        tpu.vector_store %arg6[%swap3A_3615], %swap3A_3618 {strides = array<i32>} : memref<6400xi32, #tpu.memory_space<vmem>>, vector<16xi32>,
        %swap3A_3619 = arith.index_cast %add3A_3614 : i32 to index
        %swap3A_3620 = tpu.vector_load %arg7[%swap3A_3619] {strides = array<i32>} : memref<6400xi32, #tpu.memory_space<vmem>>, vector<16xi32>,
        %swap3A_3621 = vector.shape_cast %swap3A_3620 : vector<16xi32> to vector<16xi32>
        %swap3A_3622 = vector.shape_cast %select_n3A_3610 : vector<16xi32> to vector<16xi32>
        tpu.vector_store %arg7[%swap3A_3619], %swap3A_3622 {strides = array<i32>} : memref<6400xi32, #tpu.memory_space<vmem>>, vector<16xi32>,
        %mul3A_3623 = arith.constant 2 : i32
        %mul3A_3624 = arith.muli %mul3A_3623, %add3A_3117 : i32
        %mul3A_3625 = arith.constant 128 : i32
        %mul3A_3626 = arith.muli %mul3A_3624, %mul3A_3625 : i32
        %add3A_3627 = arith.constant 224 : i32
        %add3A_3628 = arith.addi %mul3A_3626, %add3A_3627 : i32
        %get3A_3629 = arith.index_cast %add3A_3628 : i32 to index
        %get3A_3630 = tpu.vector_load %arg5[%get3A_3629] {strides = array<i32>} : memref<12800xi32, #tpu.memory_space<vmem>>, vector<16xi32>,
        %get3A_3631 = vector.shape_cast %get3A_3630 : vector<16xi32> to vector<16xi32>
        %add3A_3632 = arith.constant 16 : i32
        %add3A_3633 = arith.addi %add3A_3628, %add3A_3632 : i32
        %get3A_3634 = arith.index_cast %add3A_3633 : i32 to index
        %get3A_3635 = tpu.vector_load %arg5[%get3A_3634] {strides = array<i32>} : memref<12800xi32, #tpu.memory_space<vmem>>, vector<16xi32>,
        %get3A_3636 = vector.shape_cast %get3A_3635 : vector<16xi32> to vector<16xi32>
        %lt3A_3637 = arith.constant 0 : i32
        %lt3A_3638 = vector.broadcast %lt3A_3637 : i32 to vector<16xi32>
        %lt3A_3639 = arith.cmpi slt, %select_n3A_23, %lt3A_3638 : vector<16xi32>
        %add3A_3640 = arith.constant 16 : i32
        %add3A_3641 = vector.broadcast %add3A_3640 : i32 to vector<16xi32>
        %add3A_3642 = arith.addi %select_n3A_23, %add3A_3641 : vector<16xi32>
        %select_n3A_3643 = arith.select %lt3A_3639, %add3A_3642, %select_n3A_23 : vector<16xi1>, vector<16xi32>
        %broadcast_in_dim3A_3644 = vector.shape_cast %select_n3A_3643 : vector<16xi32> to vector<16x1xi32>
        %gather3A_3645 = vector.shape_cast %broadcast_in_dim3A_3644 : vector<16x1xi32> to vector<16xi32>
        %gather3A_3646 = tpu.dynamic_gather %get3A_3631[%gather3A_3645] in [0] : vector<16xi32>, vector<16xi32> -> vector<16xi32>
        %lt3A_3647 = arith.constant 0 : i32
        %lt3A_3648 = vector.broadcast %lt3A_3647 : i32 to vector<16xi32>
        %lt3A_3649 = arith.cmpi slt, %select_n3A_23, %lt3A_3648 : vector<16xi32>
        %add3A_3650 = arith.constant 16 : i32
        %add3A_3651 = vector.broadcast %add3A_3650 : i32 to vector<16xi32>
        %add3A_3652 = arith.addi %select_n3A_23, %add3A_3651 : vector<16xi32>
        %select_n3A_3653 = arith.select %lt3A_3649, %add3A_3652, %select_n3A_23 : vector<16xi1>, vector<16xi32>
        %broadcast_in_dim3A_3654 = vector.shape_cast %select_n3A_3653 : vector<16xi32> to vector<16x1xi32>
        %gather3A_3655 = vector.shape_cast %broadcast_in_dim3A_3654 : vector<16x1xi32> to vector<16xi32>
        %gather3A_3656 = tpu.dynamic_gather %get3A_3636[%gather3A_3655] in [0] : vector<16xi32>, vector<16xi32> -> vector<16xi32>
        %select_n3A_3657 = arith.select %lt3A_54, %gather3A_3646, %gather3A_3656 : vector<16xi1>, vector<16xi32>
        %lt3A_3658 = arith.constant 0 : i32
        %lt3A_3659 = vector.broadcast %lt3A_3658 : i32 to vector<16xi32>
        %lt3A_3660 = arith.cmpi slt, %select_n3A_51, %lt3A_3659 : vector<16xi32>
        %add3A_3661 = arith.constant 16 : i32
        %add3A_3662 = vector.broadcast %add3A_3661 : i32 to vector<16xi32>
        %add3A_3663 = arith.addi %select_n3A_51, %add3A_3662 : vector<16xi32>
        %select_n3A_3664 = arith.select %lt3A_3660, %add3A_3663, %select_n3A_51 : vector<16xi1>, vector<16xi32>
        %broadcast_in_dim3A_3665 = vector.shape_cast %select_n3A_3664 : vector<16xi32> to vector<16x1xi32>
        %gather3A_3666 = vector.shape_cast %broadcast_in_dim3A_3665 : vector<16x1xi32> to vector<16xi32>
        %gather3A_3667 = tpu.dynamic_gather %get3A_3631[%gather3A_3666] in [0] : vector<16xi32>, vector<16xi32> -> vector<16xi32>
        %lt3A_3668 = arith.constant 0 : i32
        %lt3A_3669 = vector.broadcast %lt3A_3668 : i32 to vector<16xi32>
        %lt3A_3670 = arith.cmpi slt, %select_n3A_51, %lt3A_3669 : vector<16xi32>
        %add3A_3671 = arith.constant 16 : i32
        %add3A_3672 = vector.broadcast %add3A_3671 : i32 to vector<16xi32>
        %add3A_3673 = arith.addi %select_n3A_51, %add3A_3672 : vector<16xi32>
        %select_n3A_3674 = arith.select %lt3A_3670, %add3A_3673, %select_n3A_51 : vector<16xi1>, vector<16xi32>
        %broadcast_in_dim3A_3675 = vector.shape_cast %select_n3A_3674 : vector<16xi32> to vector<16x1xi32>
        %gather3A_3676 = vector.shape_cast %broadcast_in_dim3A_3675 : vector<16x1xi32> to vector<16xi32>
        %gather3A_3677 = tpu.dynamic_gather %get3A_3636[%gather3A_3676] in [0] : vector<16xi32>, vector<16xi32> -> vector<16xi32>
        %select_n3A_3678 = arith.select %lt3A_54, %gather3A_3667, %gather3A_3677 : vector<16xi1>, vector<16xi32>
        %mul3A_3679 = arith.constant 128 : i32
        %mul3A_3680 = arith.muli %add3A_3117, %mul3A_3679 : i32
        %add3A_3681 = arith.constant 112 : i32
        %add3A_3682 = arith.addi %mul3A_3680, %add3A_3681 : i32
        %swap3A_3683 = arith.index_cast %add3A_3682 : i32 to index
        %swap3A_3684 = tpu.vector_load %arg6[%swap3A_3683] {strides = array<i32>} : memref<6400xi32, #tpu.memory_space<vmem>>, vector<16xi32>,
        %swap3A_3685 = vector.shape_cast %swap3A_3684 : vector<16xi32> to vector<16xi32>
        %swap3A_3686 = vector.shape_cast %select_n3A_3657 : vector<16xi32> to vector<16xi32>
        tpu.vector_store %arg6[%swap3A_3683], %swap3A_3686 {strides = array<i32>} : memref<6400xi32, #tpu.memory_space<vmem>>, vector<16xi32>,
        %swap3A_3687 = arith.index_cast %add3A_3682 : i32 to index
        %swap3A_3688 = tpu.vector_load %arg7[%swap3A_3687] {strides = array<i32>} : memref<6400xi32, #tpu.memory_space<vmem>>, vector<16xi32>,
        %swap3A_3689 = vector.shape_cast %swap3A_3688 : vector<16xi32> to vector<16xi32>
        %swap3A_3690 = vector.shape_cast %select_n3A_3678 : vector<16xi32> to vector<16xi32>
        tpu.vector_store %arg7[%swap3A_3687], %swap3A_3690 {strides = array<i32>} : memref<6400xi32, #tpu.memory_space<vmem>>, vector<16xi32>,
        %mul3A_3691 = arith.constant 128 : i32
        %mul3A_3692 = arith.muli %add3A_3117, %mul3A_3691 : i32
        %mul3A_3693 = arith.constant 128 : i32
        %mul3A_3694 = arith.muli %select_n3A_3133, %mul3A_3693 : i32
        %dma_start3A_3695 = arith.constant 0 : i32
        %dma_start3A_3696 = tpu.memref_slice %arg8[%mul3A_3694, %dma_start3A_3695] : memref<768x64xf32, #tpu.memory_space<vmem>> -> memref<128x64xf32, #tpu.memory_space<vmem>>
        %dma_start3A_3697 = tpu.memref_slice %arg6[%mul3A_3692] : memref<6400xi32, #tpu.memory_space<vmem>> -> memref<128xi32, #tpu.memory_space<vmem>>
        %dma_start3A_3698 = arith.constant 0 : i32
        %dma_start3A_3699 = arith.constant 0 : i32
        %dma_start3A_3700 = tpu.memref_slice %arg3[%dma_start3A_3698, %dma_start3A_3699] : memref<100000x64xf32, #tpu.memory_space<hbm>> -> memref<100000x64xf32, #tpu.memory_space<hbm>>
        %dma_start3A_3701 = tpu.memref_slice %arg10[%select_n3A_3133] : memref<6x!tpu.dma_semaphore, #tpu.memory_space<semaphore_mem>> -> memref<1x!tpu.dma_semaphore, #tpu.memory_space<semaphore_mem>>
        %dma_start3A_3702 = tpu.memref_squeeze %dma_start3A_3701 : memref<1x!tpu.dma_semaphore, #tpu.memory_space<semaphore_mem>> -> memref<!tpu.dma_semaphore, #tpu.memory_space<semaphore_mem>>
        tpu.enqueue_indirect_dma source(%dma_start3A_3700 : memref<100000x64xf32, #tpu.memory_space<hbm>>) target(%dma_start3A_3696 : memref<128x64xf32, #tpu.memory_space<vmem>>) offsets(%dma_start3A_3697 : memref<128xi32, #tpu.memory_space<vmem>>) semaphore(%dma_start3A_3702 : memref<!tpu.dma_semaphore, #tpu.memory_space<semaphore_mem>>)
        %mul3A_3703 = arith.constant 128 : i32
        %mul3A_3704 = arith.muli %add3A_3117, %mul3A_3703 : i32
        %mul3A_3705 = arith.constant 128 : i32
        %mul3A_3706 = arith.muli %select_n3A_3133, %mul3A_3705 : i32
        %dma_start3A_3707 = arith.constant 0 : i32
        %dma_start3A_3708 = tpu.memref_slice %arg9[%mul3A_3706, %dma_start3A_3707] : memref<768x64xf32, #tpu.memory_space<vmem>> -> memref<128x64xf32, #tpu.memory_space<vmem>>
        %dma_start3A_3709 = tpu.memref_slice %arg7[%mul3A_3704] : memref<6400xi32, #tpu.memory_space<vmem>> -> memref<128xi32, #tpu.memory_space<vmem>>
        %dma_start3A_3710 = arith.constant 0 : i32
        %dma_start3A_3711 = arith.constant 0 : i32
        %dma_start3A_3712 = tpu.memref_slice %arg3[%dma_start3A_3710, %dma_start3A_3711] : memref<100000x64xf32, #tpu.memory_space<hbm>> -> memref<100000x64xf32, #tpu.memory_space<hbm>>
        %dma_start3A_3713 = tpu.memref_slice %arg11[%select_n3A_3133] : memref<6x!tpu.dma_semaphore, #tpu.memory_space<semaphore_mem>> -> memref<1x!tpu.dma_semaphore, #tpu.memory_space<semaphore_mem>>
        %dma_start3A_3714 = tpu.memref_squeeze %dma_start3A_3713 : memref<1x!tpu.dma_semaphore, #tpu.memory_space<semaphore_mem>> -> memref<!tpu.dma_semaphore, #tpu.memory_space<semaphore_mem>>
        tpu.enqueue_indirect_dma source(%dma_start3A_3712 : memref<100000x64xf32, #tpu.memory_space<hbm>>) target(%dma_start3A_3708 : memref<128x64xf32, #tpu.memory_space<vmem>>) offsets(%dma_start3A_3709 : memref<128xi32, #tpu.memory_space<vmem>>) semaphore(%dma_start3A_3714 : memref<!tpu.dma_semaphore, #tpu.memory_space<semaphore_mem>>)
      } else {
      }
    }
    %scan3A_2405 = arith.constant 50 : i32
    %add3A_2406 = arith.constant 6272 : i32
    %add3A_2407 = arith.addi %mul3A_2, %add3A_2406 : i32
    %dma_start3A_2408 = arith.constant 1 : i32
    %dma_start3A_2409 = arith.constant 128 : i32
    %dma_start3A_2410 = arith.constant 0 : i32
    %dma_start3A_2411 = tpu.memref_slice %arg9[%dma_start3A_2409, %dma_start3A_2410] : memref<768x64xf32, #tpu.memory_space<vmem>> -> memref<128x64xf32, #tpu.memory_space<vmem>>
    %dma_start3A_2412 = arith.constant 64 : i32
    %dma_start3A_2413 = tpu.memref_slice %arg4[%add3A_2407, %dma_start3A_2412] : memref<204800x128xf32, #tpu.memory_space<hbm>> -> memref<128x64xf32, #tpu.memory_space<hbm>>
    %dma_start3A_2414 = tpu.memref_slice %arg13[%dma_start3A_2408] : memref<6x!tpu.dma_semaphore, #tpu.memory_space<semaphore_mem>> -> memref<1x!tpu.dma_semaphore, #tpu.memory_space<semaphore_mem>>
    %dma_start3A_2415 = tpu.memref_squeeze %dma_start3A_2414 : memref<1x!tpu.dma_semaphore, #tpu.memory_space<semaphore_mem>> -> memref<!tpu.dma_semaphore, #tpu.memory_space<semaphore_mem>>
    %dma_start3A_2416 = arith.constant 64 : i32
    %dma_start3A_2417 = tpu.memref_slice %arg4[%add3A_2407, %dma_start3A_2416] : memref<204800x128xf32, #tpu.memory_space<hbm>> -> memref<128x64xf32, #tpu.memory_space<hbm>>
    %dma_start3A_2418 = arith.constant 128 : i32
    %dma_start3A_2419 = arith.constant 0 : i32
    %dma_start3A_2420 = tpu.memref_slice %arg9[%dma_start3A_2418, %dma_start3A_2419] : memref<768x64xf32, #tpu.memory_space<vmem>> -> memref<128x64xf32, #tpu.memory_space<vmem>>
    tpu.enqueue_dma source(%dma_start3A_2420 : memref<128x64xf32, #tpu.memory_space<vmem>>) target(%dma_start3A_2417 : memref<128x64xf32, #tpu.memory_space<hbm>>) target_semaphore(%dma_start3A_2415 : memref<!tpu.dma_semaphore, #tpu.memory_space<semaphore_mem>>)
    %add3A_2421 = arith.constant 5632 : i32
    %add3A_2422 = arith.addi %mul3A_2, %add3A_2421 : i32
    %dma_wait3A = arith.constant 2 : i32
    %dma_wait3A_2423 = arith.constant 256 : i32
    %dma_wait3A_2424 = arith.constant 0 : i32
    %dma_wait3A_2425 = tpu.memref_slice %arg8[%dma_wait3A_2423, %dma_wait3A_2424] : memref<768x64xf32, #tpu.memory_space<vmem>> -> memref<128x64xf32, #tpu.memory_space<vmem>>
    %dma_wait3A_2426 = arith.constant 0 : i32
    %dma_wait3A_2427 = tpu.memref_slice %arg4[%add3A_2422, %dma_wait3A_2426] : memref<204800x128xf32, #tpu.memory_space<hbm>> -> memref<128x64xf32, #tpu.memory_space<hbm>>
    %dma_wait3A_2428 = tpu.memref_slice %arg12[%dma_wait3A] : memref<6x!tpu.dma_semaphore, #tpu.memory_space<semaphore_mem>> -> memref<1x!tpu.dma_semaphore, #tpu.memory_space<semaphore_mem>>
    %dma_wait3A_2429 = tpu.memref_squeeze %dma_wait3A_2428 : memref<1x!tpu.dma_semaphore, #tpu.memory_space<semaphore_mem>> -> memref<!tpu.dma_semaphore, #tpu.memory_space<semaphore_mem>>
    %dma_wait3A_2430 = arith.constant 0 : i32
    %dma_wait3A_2431 = tpu.memref_slice %arg4[%add3A_2422, %dma_wait3A_2430] : memref<204800x128xf32, #tpu.memory_space<hbm>> -> memref<128x64xf32, #tpu.memory_space<hbm>>
    %dma_wait3A_2432 = arith.constant 256 : i32
    %dma_wait3A_2433 = arith.constant 0 : i32
    %dma_wait3A_2434 = tpu.memref_slice %arg8[%dma_wait3A_2432, %dma_wait3A_2433] : memref<768x64xf32, #tpu.memory_space<vmem>> -> memref<128x64xf32, #tpu.memory_space<vmem>>
    tpu.wait_dma2 semaphore(%dma_wait3A_2429 : memref<!tpu.dma_semaphore, #tpu.memory_space<semaphore_mem>>) src(%dma_wait3A_2434 : memref<128x64xf32, #tpu.memory_space<vmem>>) dst(%dma_wait3A_2431 : memref<128x64xf32, #tpu.memory_space<hbm>>)
    %add3A_2435 = arith.constant 5632 : i32
    %add3A_2436 = arith.addi %mul3A_2, %add3A_2435 : i32
    %dma_wait3A_2437 = arith.constant 2 : i32
    %dma_wait3A_2438 = arith.constant 256 : i32
    %dma_wait3A_2439 = arith.constant 0 : i32
    %dma_wait3A_2440 = tpu.memref_slice %arg9[%dma_wait3A_2438, %dma_wait3A_2439] : memref<768x64xf32, #tpu.memory_space<vmem>> -> memref<128x64xf32, #tpu.memory_space<vmem>>
    %dma_wait3A_2441 = arith.constant 64 : i32
    %dma_wait3A_2442 = tpu.memref_slice %arg4[%add3A_2436, %dma_wait3A_2441] : memref<204800x128xf32, #tpu.memory_space<hbm>> -> memref<128x64xf32, #tpu.memory_space<hbm>>
    %dma_wait3A_2443 = tpu.memref_slice %arg13[%dma_wait3A_2437] : memref<6x!tpu.dma_semaphore, #tpu.memory_space<semaphore_mem>> -> memref<1x!tpu.dma_semaphore, #tpu.memory_space<semaphore_mem>>
    %dma_wait3A_2444 = tpu.memref_squeeze %dma_wait3A_2443 : memref<1x!tpu.dma_semaphore, #tpu.memory_space<semaphore_mem>> -> memref<!tpu.dma_semaphore, #tpu.memory_space<semaphore_mem>>
    %dma_wait3A_2445 = arith.constant 64 : i32
    %dma_wait3A_2446 = tpu.memref_slice %arg4[%add3A_2436, %dma_wait3A_2445] : memref<204800x128xf32, #tpu.memory_space<hbm>> -> memref<128x64xf32, #tpu.memory_space<hbm>>
    %dma_wait3A_2447 = arith.constant 256 : i32
    %dma_wait3A_2448 = arith.constant 0 : i32
    %dma_wait3A_2449 = tpu.memref_slice %arg9[%dma_wait3A_2447, %dma_wait3A_2448] : memref<768x64xf32, #tpu.memory_space<vmem>> -> memref<128x64xf32, #tpu.memory_space<vmem>>
    tpu.wait_dma2 semaphore(%dma_wait3A_2444 : memref<!tpu.dma_semaphore, #tpu.memory_space<semaphore_mem>>) src(%dma_wait3A_2449 : memref<128x64xf32, #tpu.memory_space<vmem>>) dst(%dma_wait3A_2446 : memref<128x64xf32, #tpu.memory_space<hbm>>)
    %add3A_2450 = arith.constant 5760 : i32
    %add3A_2451 = arith.addi %mul3A_2, %add3A_2450 : i32
    %dma_wait3A_2452 = arith.constant 3 : i32
    %dma_wait3A_2453 = arith.constant 384 : i32
    %dma_wait3A_2454 = arith.constant 0 : i32
    %dma_wait3A_2455 = tpu.memref_slice %arg8[%dma_wait3A_2453, %dma_wait3A_2454] : memref<768x64xf32, #tpu.memory_space<vmem>> -> memref<128x64xf32, #tpu.memory_space<vmem>>
    %dma_wait3A_2456 = arith.constant 0 : i32
    %dma_wait3A_2457 = tpu.memref_slice %arg4[%add3A_2451, %dma_wait3A_2456] : memref<204800x128xf32, #tpu.memory_space<hbm>> -> memref<128x64xf32, #tpu.memory_space<hbm>>
    %dma_wait3A_2458 = tpu.memref_slice %arg12[%dma_wait3A_2452] : memref<6x!tpu.dma_semaphore, #tpu.memory_space<semaphore_mem>> -> memref<1x!tpu.dma_semaphore, #tpu.memory_space<semaphore_mem>>
    %dma_wait3A_2459 = tpu.memref_squeeze %dma_wait3A_2458 : memref<1x!tpu.dma_semaphore, #tpu.memory_space<semaphore_mem>> -> memref<!tpu.dma_semaphore, #tpu.memory_space<semaphore_mem>>
    %dma_wait3A_2460 = arith.constant 0 : i32
    %dma_wait3A_2461 = tpu.memref_slice %arg4[%add3A_2451, %dma_wait3A_2460] : memref<204800x128xf32, #tpu.memory_space<hbm>> -> memref<128x64xf32, #tpu.memory_space<hbm>>
    %dma_wait3A_2462 = arith.constant 384 : i32
    %dma_wait3A_2463 = arith.constant 0 : i32
    %dma_wait3A_2464 = tpu.memref_slice %arg8[%dma_wait3A_2462, %dma_wait3A_2463] : memref<768x64xf32, #tpu.memory_space<vmem>> -> memref<128x64xf32, #tpu.memory_space<vmem>>
    tpu.wait_dma2 semaphore(%dma_wait3A_2459 : memref<!tpu.dma_semaphore, #tpu.memory_space<semaphore_mem>>) src(%dma_wait3A_2464 : memref<128x64xf32, #tpu.memory_space<vmem>>) dst(%dma_wait3A_2461 : memref<128x64xf32, #tpu.memory_space<hbm>>)
    %add3A_2465 = arith.constant 5760 : i32
    %add3A_2466 = arith.addi %mul3A_2, %add3A_2465 : i32
    %dma_wait3A_2467 = arith.constant 3 : i32
    %dma_wait3A_2468 = arith.constant 384 : i32
    %dma_wait3A_2469 = arith.constant 0 : i32
    %dma_wait3A_2470 = tpu.memref_slice %arg9[%dma_wait3A_2468, %dma_wait3A_2469] : memref<768x64xf32, #tpu.memory_space<vmem>> -> memref<128x64xf32, #tpu.memory_space<vmem>>
    %dma_wait3A_2471 = arith.constant 64 : i32
    %dma_wait3A_2472 = tpu.memref_slice %arg4[%add3A_2466, %dma_wait3A_2471] : memref<204800x128xf32, #tpu.memory_space<hbm>> -> memref<128x64xf32, #tpu.memory_space<hbm>>
    %dma_wait3A_2473 = tpu.memref_slice %arg13[%dma_wait3A_2467] : memref<6x!tpu.dma_semaphore, #tpu.memory_space<semaphore_mem>> -> memref<1x!tpu.dma_semaphore, #tpu.memory_space<semaphore_mem>>
    %dma_wait3A_2474 = tpu.memref_squeeze %dma_wait3A_2473 : memref<1x!tpu.dma_semaphore, #tpu.memory_space<semaphore_mem>> -> memref<!tpu.dma_semaphore, #tpu.memory_space<semaphore_mem>>
    %dma_wait3A_2475 = arith.constant 64 : i32
    %dma_wait3A_2476 = tpu.memref_slice %arg4[%add3A_2466, %dma_wait3A_2475] : memref<204800x128xf32, #tpu.memory_space<hbm>> -> memref<128x64xf32, #tpu.memory_space<hbm>>
    %dma_wait3A_2477 = arith.constant 384 : i32
    %dma_wait3A_2478 = arith.constant 0 : i32
    %dma_wait3A_2479 = tpu.memref_slice %arg9[%dma_wait3A_2477, %dma_wait3A_2478] : memref<768x64xf32, #tpu.memory_space<vmem>> -> memref<128x64xf32, #tpu.memory_space<vmem>>
    tpu.wait_dma2 semaphore(%dma_wait3A_2474 : memref<!tpu.dma_semaphore, #tpu.memory_space<semaphore_mem>>) src(%dma_wait3A_2479 : memref<128x64xf32, #tpu.memory_space<vmem>>) dst(%dma_wait3A_2476 : memref<128x64xf32, #tpu.memory_space<hbm>>)
    %add3A_2480 = arith.constant 5888 : i32
    %add3A_2481 = arith.addi %mul3A_2, %add3A_2480 : i32
    %dma_wait3A_2482 = arith.constant 4 : i32
    %dma_wait3A_2483 = arith.constant 512 : i32
    %dma_wait3A_2484 = arith.constant 0 : i32
    %dma_wait3A_2485 = tpu.memref_slice %arg8[%dma_wait3A_2483, %dma_wait3A_2484] : memref<768x64xf32, #tpu.memory_space<vmem>> -> memref<128x64xf32, #tpu.memory_space<vmem>>
    %dma_wait3A_2486 = arith.constant 0 : i32
    %dma_wait3A_2487 = tpu.memref_slice %arg4[%add3A_2481, %dma_wait3A_2486] : memref<204800x128xf32, #tpu.memory_space<hbm>> -> memref<128x64xf32, #tpu.memory_space<hbm>>
    %dma_wait3A_2488 = tpu.memref_slice %arg12[%dma_wait3A_2482] : memref<6x!tpu.dma_semaphore, #tpu.memory_space<semaphore_mem>> -> memref<1x!tpu.dma_semaphore, #tpu.memory_space<semaphore_mem>>
    %dma_wait3A_2489 = tpu.memref_squeeze %dma_wait3A_2488 : memref<1x!tpu.dma_semaphore, #tpu.memory_space<semaphore_mem>> -> memref<!tpu.dma_semaphore, #tpu.memory_space<semaphore_mem>>
    %dma_wait3A_2490 = arith.constant 0 : i32
    %dma_wait3A_2491 = tpu.memref_slice %arg4[%add3A_2481, %dma_wait3A_2490] : memref<204800x128xf32, #tpu.memory_space<hbm>> -> memref<128x64xf32, #tpu.memory_space<hbm>>
    %dma_wait3A_2492 = arith.constant 512 : i32
    %dma_wait3A_2493 = arith.constant 0 : i32
    %dma_wait3A_2494 = tpu.memref_slice %arg8[%dma_wait3A_2492, %dma_wait3A_2493] : memref<768x64xf32, #tpu.memory_space<vmem>> -> memref<128x64xf32, #tpu.memory_space<vmem>>
    tpu.wait_dma2 semaphore(%dma_wait3A_2489 : memref<!tpu.dma_semaphore, #tpu.memory_space<semaphore_mem>>) src(%dma_wait3A_2494 : memref<128x64xf32, #tpu.memory_space<vmem>>) dst(%dma_wait3A_2491 : memref<128x64xf32, #tpu.memory_space<hbm>>)
    %add3A_2495 = arith.constant 5888 : i32
    %add3A_2496 = arith.addi %mul3A_2, %add3A_2495 : i32
    %dma_wait3A_2497 = arith.constant 4 : i32
    %dma_wait3A_2498 = arith.constant 512 : i32
    %dma_wait3A_2499 = arith.constant 0 : i32
    %dma_wait3A_2500 = tpu.memref_slice %arg9[%dma_wait3A_2498, %dma_wait3A_2499] : memref<768x64xf32, #tpu.memory_space<vmem>> -> memref<128x64xf32, #tpu.memory_space<vmem>>
    %dma_wait3A_2501 = arith.constant 64 : i32
    %dma_wait3A_2502 = tpu.memref_slice %arg4[%add3A_2496, %dma_wait3A_2501] : memref<204800x128xf32, #tpu.memory_space<hbm>> -> memref<128x64xf32, #tpu.memory_space<hbm>>
    %dma_wait3A_2503 = tpu.memref_slice %arg13[%dma_wait3A_2497] : memref<6x!tpu.dma_semaphore, #tpu.memory_space<semaphore_mem>> -> memref<1x!tpu.dma_semaphore, #tpu.memory_space<semaphore_mem>>
    %dma_wait3A_2504 = tpu.memref_squeeze %dma_wait3A_2503 : memref<1x!tpu.dma_semaphore, #tpu.memory_space<semaphore_mem>> -> memref<!tpu.dma_semaphore, #tpu.memory_space<semaphore_mem>>
    %dma_wait3A_2505 = arith.constant 64 : i32
    %dma_wait3A_2506 = tpu.memref_slice %arg4[%add3A_2496, %dma_wait3A_2505] : memref<204800x128xf32, #tpu.memory_space<hbm>> -> memref<128x64xf32, #tpu.memory_space<hbm>>
    %dma_wait3A_2507 = arith.constant 512 : i32
    %dma_wait3A_2508 = arith.constant 0 : i32
    %dma_wait3A_2509 = tpu.memref_slice %arg9[%dma_wait3A_2507, %dma_wait3A_2508] : memref<768x64xf32, #tpu.memory_space<vmem>> -> memref<128x64xf32, #tpu.memory_space<vmem>>
    tpu.wait_dma2 semaphore(%dma_wait3A_2504 : memref<!tpu.dma_semaphore, #tpu.memory_space<semaphore_mem>>) src(%dma_wait3A_2509 : memref<128x64xf32, #tpu.memory_space<vmem>>) dst(%dma_wait3A_2506 : memref<128x64xf32, #tpu.memory_space<hbm>>)
    %add3A_2510 = arith.constant 6016 : i32
    %add3A_2511 = arith.addi %mul3A_2, %add3A_2510 : i32
    %dma_wait3A_2512 = arith.constant 5 : i32
    %dma_wait3A_2513 = arith.constant 640 : i32
    %dma_wait3A_2514 = arith.constant 0 : i32
    %dma_wait3A_2515 = tpu.memref_slice %arg8[%dma_wait3A_2513, %dma_wait3A_2514] : memref<768x64xf32, #tpu.memory_space<vmem>> -> memref<128x64xf32, #tpu.memory_space<vmem>>
    %dma_wait3A_2516 = arith.constant 0 : i32
    %dma_wait3A_2517 = tpu.memref_slice %arg4[%add3A_2511, %dma_wait3A_2516] : memref<204800x128xf32, #tpu.memory_space<hbm>> -> memref<128x64xf32, #tpu.memory_space<hbm>>
    %dma_wait3A_2518 = tpu.memref_slice %arg12[%dma_wait3A_2512] : memref<6x!tpu.dma_semaphore, #tpu.memory_space<semaphore_mem>> -> memref<1x!tpu.dma_semaphore, #tpu.memory_space<semaphore_mem>>
    %dma_wait3A_2519 = tpu.memref_squeeze %dma_wait3A_2518 : memref<1x!tpu.dma_semaphore, #tpu.memory_space<semaphore_mem>> -> memref<!tpu.dma_semaphore, #tpu.memory_space<semaphore_mem>>
    %dma_wait3A_2520 = arith.constant 0 : i32
    %dma_wait3A_2521 = tpu.memref_slice %arg4[%add3A_2511, %dma_wait3A_2520] : memref<204800x128xf32, #tpu.memory_space<hbm>> -> memref<128x64xf32, #tpu.memory_space<hbm>>
    %dma_wait3A_2522 = arith.constant 640 : i32
    %dma_wait3A_2523 = arith.constant 0 : i32
    %dma_wait3A_2524 = tpu.memref_slice %arg8[%dma_wait3A_2522, %dma_wait3A_2523] : memref<768x64xf32, #tpu.memory_space<vmem>> -> memref<128x64xf32, #tpu.memory_space<vmem>>
    tpu.wait_dma2 semaphore(%dma_wait3A_2519 : memref<!tpu.dma_semaphore, #tpu.memory_space<semaphore_mem>>) src(%dma_wait3A_2524 : memref<128x64xf32, #tpu.memory_space<vmem>>) dst(%dma_wait3A_2521 : memref<128x64xf32, #tpu.memory_space<hbm>>)
    %add3A_2525 = arith.constant 6016 : i32
    %add3A_2526 = arith.addi %mul3A_2, %add3A_2525 : i32
    %dma_wait3A_2527 = arith.constant 5 : i32
    %dma_wait3A_2528 = arith.constant 640 : i32
    %dma_wait3A_2529 = arith.constant 0 : i32
    %dma_wait3A_2530 = tpu.memref_slice %arg9[%dma_wait3A_2528, %dma_wait3A_2529] : memref<768x64xf32, #tpu.memory_space<vmem>> -> memref<128x64xf32, #tpu.memory_space<vmem>>
    %dma_wait3A_2531 = arith.constant 64 : i32
    %dma_wait3A_2532 = tpu.memref_slice %arg4[%add3A_2526, %dma_wait3A_2531] : memref<204800x128xf32, #tpu.memory_space<hbm>> -> memref<128x64xf32, #tpu.memory_space<hbm>>
    %dma_wait3A_2533 = tpu.memref_slice %arg13[%dma_wait3A_2527] : memref<6x!tpu.dma_semaphore, #tpu.memory_space<semaphore_mem>> -> memref<1x!tpu.dma_semaphore, #tpu.memory_space<semaphore_mem>>
    %dma_wait3A_2534 = tpu.memref_squeeze %dma_wait3A_2533 : memref<1x!tpu.dma_semaphore, #tpu.memory_space<semaphore_mem>> -> memref<!tpu.dma_semaphore, #tpu.memory_space<semaphore_mem>>
    %dma_wait3A_2535 = arith.constant 64 : i32
    %dma_wait3A_2536 = tpu.memref_slice %arg4[%add3A_2526, %dma_wait3A_2535] : memref<204800x128xf32, #tpu.memory_space<hbm>> -> memref<128x64xf32, #tpu.memory_space<hbm>>
    %dma_wait3A_2537 = arith.constant 640 : i32
    %dma_wait3A_2538 = arith.constant 0 : i32
    %dma_wait3A_2539 = tpu.memref_slice %arg9[%dma_wait3A_2537, %dma_wait3A_2538] : memref<768x64xf32, #tpu.memory_space<vmem>> -> memref<128x64xf32, #tpu.memory_space<vmem>>
    tpu.wait_dma2 semaphore(%dma_wait3A_2534 : memref<!tpu.dma_semaphore, #tpu.memory_space<semaphore_mem>>) src(%dma_wait3A_2539 : memref<128x64xf32, #tpu.memory_space<vmem>>) dst(%dma_wait3A_2536 : memref<128x64xf32, #tpu.memory_space<hbm>>)
    %add3A_2540 = arith.constant 6144 : i32
    %add3A_2541 = arith.addi %mul3A_2, %add3A_2540 : i32
    %dma_wait3A_2542 = arith.constant 0 : i32
    %dma_wait3A_2543 = arith.constant 0 : i32
    %dma_wait3A_2544 = arith.constant 0 : i32
    %dma_wait3A_2545 = tpu.memref_slice %arg8[%dma_wait3A_2543, %dma_wait3A_2544] : memref<768x64xf32, #tpu.memory_space<vmem>> -> memref<128x64xf32, #tpu.memory_space<vmem>>
    %dma_wait3A_2546 = arith.constant 0 : i32
    %dma_wait3A_2547 = tpu.memref_slice %arg4[%add3A_2541, %dma_wait3A_2546] : memref<204800x128xf32, #tpu.memory_space<hbm>> -> memref<128x64xf32, #tpu.memory_space<hbm>>
    %dma_wait3A_2548 = tpu.memref_slice %arg12[%dma_wait3A_2542] : memref<6x!tpu.dma_semaphore, #tpu.memory_space<semaphore_mem>> -> memref<1x!tpu.dma_semaphore, #tpu.memory_space<semaphore_mem>>
    %dma_wait3A_2549 = tpu.memref_squeeze %dma_wait3A_2548 : memref<1x!tpu.dma_semaphore, #tpu.memory_space<semaphore_mem>> -> memref<!tpu.dma_semaphore, #tpu.memory_space<semaphore_mem>>
    %dma_wait3A_2550 = arith.constant 0 : i32
    %dma_wait3A_2551 = tpu.memref_slice %arg4[%add3A_2541, %dma_wait3A_2550] : memref<204800x128xf32, #tpu.memory_space<hbm>> -> memref<128x64xf32, #tpu.memory_space<hbm>>
    %dma_wait3A_2552 = arith.constant 0 : i32
    %dma_wait3A_2553 = arith.constant 0 : i32
    %dma_wait3A_2554 = tpu.memref_slice %arg8[%dma_wait3A_2552, %dma_wait3A_2553] : memref<768x64xf32, #tpu.memory_space<vmem>> -> memref<128x64xf32, #tpu.memory_space<vmem>>
    tpu.wait_dma2 semaphore(%dma_wait3A_2549 : memref<!tpu.dma_semaphore, #tpu.memory_space<semaphore_mem>>) src(%dma_wait3A_2554 : memref<128x64xf32, #tpu.memory_space<vmem>>) dst(%dma_wait3A_2551 : memref<128x64xf32, #tpu.memory_space<hbm>>)
    %add3A_2555 = arith.constant 6144 : i32
    %add3A_2556 = arith.addi %mul3A_2, %add3A_2555 : i32
    %dma_wait3A_2557 = arith.constant 0 : i32
    %dma_wait3A_2558 = arith.constant 0 : i32
    %dma_wait3A_2559 = arith.constant 0 : i32
    %dma_wait3A_2560 = tpu.memref_slice %arg9[%dma_wait3A_2558, %dma_wait3A_2559] : memref<768x64xf32, #tpu.memory_space<vmem>> -> memref<128x64xf32, #tpu.memory_space<vmem>>
    %dma_wait3A_2561 = arith.constant 64 : i32
    %dma_wait3A_2562 = tpu.memref_slice %arg4[%add3A_2556, %dma_wait3A_2561] : memref<204800x128xf32, #tpu.memory_space<hbm>> -> memref<128x64xf32, #tpu.memory_space<hbm>>
    %dma_wait3A_2563 = tpu.memref_slice %arg13[%dma_wait3A_2557] : memref<6x!tpu.dma_semaphore, #tpu.memory_space<semaphore_mem>> -> memref<1x!tpu.dma_semaphore, #tpu.memory_space<semaphore_mem>>
    %dma_wait3A_2564 = tpu.memref_squeeze %dma_wait3A_2563 : memref<1x!tpu.dma_semaphore, #tpu.memory_space<semaphore_mem>> -> memref<!tpu.dma_semaphore, #tpu.memory_space<semaphore_mem>>
    %dma_wait3A_2565 = arith.constant 64 : i32
    %dma_wait3A_2566 = tpu.memref_slice %arg4[%add3A_2556, %dma_wait3A_2565] : memref<204800x128xf32, #tpu.memory_space<hbm>> -> memref<128x64xf32, #tpu.memory_space<hbm>>
    %dma_wait3A_2567 = arith.constant 0 : i32
    %dma_wait3A_2568 = arith.constant 0 : i32
    %dma_wait3A_2569 = tpu.memref_slice %arg9[%dma_wait3A_2567, %dma_wait3A_2568] : memref<768x64xf32, #tpu.memory_space<vmem>> -> memref<128x64xf32, #tpu.memory_space<vmem>>
    tpu.wait_dma2 semaphore(%dma_wait3A_2564 : memref<!tpu.dma_semaphore, #tpu.memory_space<semaphore_mem>>) src(%dma_wait3A_2569 : memref<128x64xf32, #tpu.memory_space<vmem>>) dst(%dma_wait3A_2566 : memref<128x64xf32, #tpu.memory_space<hbm>>)
    %add3A_2570 = arith.constant 6272 : i32
    %add3A_2571 = arith.addi %mul3A_2, %add3A_2570 : i32
    %dma_wait3A_2572 = arith.constant 1 : i32
    %dma_wait3A_2573 = arith.constant 128 : i32
    %dma_wait3A_2574 = arith.constant 0 : i32
    %dma_wait3A_2575 = tpu.memref_slice %arg8[%dma_wait3A_2573, %dma_wait3A_2574] : memref<768x64xf32, #tpu.memory_space<vmem>> -> memref<128x64xf32, #tpu.memory_space<vmem>>
    %dma_wait3A_2576 = arith.constant 0 : i32
    %dma_wait3A_2577 = tpu.memref_slice %arg4[%add3A_2571, %dma_wait3A_2576] : memref<204800x128xf32, #tpu.memory_space<hbm>> -> memref<128x64xf32, #tpu.memory_space<hbm>>
    %dma_wait3A_2578 = tpu.memref_slice %arg12[%dma_wait3A_2572] : memref<6x!tpu.dma_semaphore, #tpu.memory_space<semaphore_mem>> -> memref<1x!tpu.dma_semaphore, #tpu.memory_space<semaphore_mem>>
    %dma_wait3A_2579 = tpu.memref_squeeze %dma_wait3A_2578 : memref<1x!tpu.dma_semaphore, #tpu.memory_space<semaphore_mem>> -> memref<!tpu.dma_semaphore, #tpu.memory_space<semaphore_mem>>
    %dma_wait3A_2580 = arith.constant 0 : i32
    %dma_wait3A_2581 = tpu.memref_slice %arg4[%add3A_2571, %dma_wait3A_2580] : memref<204800x128xf32, #tpu.memory_space<hbm>> -> memref<128x64xf32, #tpu.memory_space<hbm>>
    %dma_wait3A_2582 = arith.constant 128 : i32
    %dma_wait3A_2583 = arith.constant 0 : i32
    %dma_wait3A_2584 = tpu.memref_slice %arg8[%dma_wait3A_2582, %dma_wait3A_2583] : memref<768x64xf32, #tpu.memory_space<vmem>> -> memref<128x64xf32, #tpu.memory_space<vmem>>
    tpu.wait_dma2 semaphore(%dma_wait3A_2579 : memref<!tpu.dma_semaphore, #tpu.memory_space<semaphore_mem>>) src(%dma_wait3A_2584 : memref<128x64xf32, #tpu.memory_space<vmem>>) dst(%dma_wait3A_2581 : memref<128x64xf32, #tpu.memory_space<hbm>>)
    %add3A_2585 = arith.constant 6272 : i32
    %add3A_2586 = arith.addi %mul3A_2, %add3A_2585 : i32
    %dma_wait3A_2587 = arith.constant 1 : i32
    %dma_wait3A_2588 = arith.constant 128 : i32
    %dma_wait3A_2589 = arith.constant 0 : i32
    %dma_wait3A_2590 = tpu.memref_slice %arg9[%dma_wait3A_2588, %dma_wait3A_2589] : memref<768x64xf32, #tpu.memory_space<vmem>> -> memref<128x64xf32, #tpu.memory_space<vmem>>
    %dma_wait3A_2591 = arith.constant 64 : i32
    %dma_wait3A_2592 = tpu.memref_slice %arg4[%add3A_2586, %dma_wait3A_2591] : memref<204800x128xf32, #tpu.memory_space<hbm>> -> memref<128x64xf32, #tpu.memory_space<hbm>>
    %dma_wait3A_2593 = tpu.memref_slice %arg13[%dma_wait3A_2587] : memref<6x!tpu.dma_semaphore, #tpu.memory_space<semaphore_mem>> -> memref<1x!tpu.dma_semaphore, #tpu.memory_space<semaphore_mem>>
    %dma_wait3A_2594 = tpu.memref_squeeze %dma_wait3A_2593 : memref<1x!tpu.dma_semaphore, #tpu.memory_space<semaphore_mem>> -> memref<!tpu.dma_semaphore, #tpu.memory_space<semaphore_mem>>
    %dma_wait3A_2595 = arith.constant 64 : i32
    %dma_wait3A_2596 = tpu.memref_slice %arg4[%add3A_2586, %dma_wait3A_2595] : memref<204800x128xf32, #tpu.memory_space<hbm>> -> memref<128x64xf32, #tpu.memory_space<hbm>>
    %dma_wait3A_2597 = arith.constant 128 : i32
    %dma_wait3A_2598 = arith.constant 0 : i32
    %dma_wait3A_2599 = tpu.memref_slice %arg9[%dma_wait3A_2597, %dma_wait3A_2598] : memref<768x64xf32, #tpu.memory_space<vmem>> -> memref<128x64xf32, #tpu.memory_space<vmem>>
    tpu.wait_dma2 semaphore(%dma_wait3A_2594 : memref<!tpu.dma_semaphore, #tpu.memory_space<semaphore_mem>>) src(%dma_wait3A_2599 : memref<128x64xf32, #tpu.memory_space<vmem>>) dst(%dma_wait3A_2596 : memref<128x64xf32, #tpu.memory_space<hbm>>)
    return
  }
}

</mosaic_0001>

<sc_bundles>
// kernel: kernel.3.cloned.1.call-start
scs
__scs_entry_jumppad:
0x0: {  	(pc) =	sbr.rel $0x88, $3  }
0x1: {  	(tag) =	ssettag $0x0;
	lr =	simm.s32 $0x1  }
0x2: {  	[smem:$0x3F9F] =	sst lr;
	_ =	strace $0xD0000000  }
0x3: {  	_ = 	snop  }
0x4: {  	_ = 	snop  }
0x5: {  	_ = 	snop  }
0x6: {  	_ = 	snop  }
0x7: {  	_ = 	snop  }
__scs_overlays_trampoline_lowered:
0x8: {  	[smem:$0x3FAE] =	sst s0  }
0x9: {  	[smem:$0x3FAF] =	sst s1  }
0xa: {  	[smem:$0x3FB0] =	sst s2  }
0xb: {  	[smem:$0x3FB1] =	sst s3  }
0xc: {  	[smem:$0x3FB2] =	sst s4  }
0xd: {  	[smem:$0x3FB3] =	sst s5  }
0xe: {  	[smem:$0x3FB4] =	sst s6  }
0xf: {  	[smem:$0x3FB5] =	sst s7  }
0x10: {  	[smem:$0x3FB6] =	sst s8  }
0x11: {  	[smem:$0x3FB7] =	sst s9;
	s0 =	simm.s32 @!p0 $0x0  }
0x12: {  	s1 =	sld [smem:$0x3F9D];
	s0 =	simm.s32 @p0 $0x1  }
0x13: {  	[smem:$0x3FB8] =	sst s0;
	s0 =	simm.s32 @!p1 $0x0  }
0x14: {  	s2 =	sld [smem:$0x3F9C];
	s0 =	simm.s32 @p1 $0x1  }
0x15: {  	[smem:$0x3FB9] =	sst s0;
	s0 =	simm.s32 @!p2 $0x0  }
0x16: {  	s3 =	sld [smem:$0x3FDB];
	s0 =	simm.s32 @p2 $0x1  }
0x17: {  	s4 =	simm.s32 $0x1BF5;
	[smem:$0x3FBB] =	sst s0  }
0x18: {  	s0 =	sld [smem:$0x3F9E];
	_ =	swait.ge [sflag:s4], $0x0  }
0x19: {  	s7 =	sld [smem:$0x3F9F]  }
0x1a: {  	s8 =	sadd.s32 $0xFFFFE003, lr  }
0x1b: {  	s9 =	sadd.s32 $0xFFFFFEF7, lr;
	s5 =	simm.s32 $0xFFFFFFFF;
	p2 =	slt.u32 s8, $0xFFFFF086  }
0x1c: {  	p1 =	slt.u32 s9, $0xF7A;
	s5 =	simm.s32 @!p2 $0x0  }
0x1d: {  	s5 =	simm.s32 @p1 $0x1;
	p0 =	seq.s32 s7, s2  }
0x1e: {  	s7 =	smul.u32 @!p0 $0xF7A, s2;
	p2 =	seq.s32 @!p0 s5, $0x0  }
0x1f: {  	s9 =	smul.u32 $0xF7A, s1;
	s8 =	simm.s32 @!p0 $0x1BF5;
	p2 =	por !p2, p0  }
0x20: {  	[sflag:s8] =	ssyncset.s32 @!p0 $0xFFFFF086;
	s6 =	sadd.s32 @!p0 s3, s7;
	s7 =	simm.s32 @!p0 $0x108  }
0x21: {  	s3 =	sadd.s32 s3, s9;
	s6 =	sadd.s32 @!p0 $0x88, s6;
	s7 =	simm.s32 @p2 $0x1082  }
0x22: {  	[simem:s7], [sflag:s8] =	dma.local @!p0 [hbm:s6], $0xF7A  }
0x23: {  	s9 =	sor.u32 $0xD0000000, s2;
	s6 =	simm.s32 $0x108;
	_ =	swait.ge @!p0 [sflag:s8], $0x0  }
0x24: {  	s3 =	sadd.s32 $0x88, s3;
	s6 =	simm.s32 @!p1 $0x1082;
	[sflag:s4] =	ssyncset.s32 $0xFFFFF086  }
0x25: {  	[simem:s6], [sflag:s4] =	dma.local [hbm:s3], $0xF7A  }
0x26: {  	[smem:$0x3F9F] =	sst s1;
	(tag) =	ssettag s2;
	_ =	strace s9  }
0x27: {  	s1 =	sld [smem:$0x3FAF]  }
0x28: {  	s2 =	sld [smem:$0x3FB0]  }
0x29: {  	s4 =	sld [smem:$0x3FB2]  }
0x2a: {  	p0 =	seq.s32 s5, $0x0;
	s5 =	sld [smem:$0x3FB3]  }
0x2b: {  	s6 =	sld [smem:$0x3FB4]  }
0x2c: {  	s7 =	sld [smem:$0x3FB5]  }
0x2d: {  	s3 =	simm.s32 $0x108;
	s8 =	sld [smem:$0x3FB6]  }
0x2e: {  	s3 =	simm.s32 @!p0 $0x1082;
	s9 =	sld [smem:$0x3FB7]  }
0x2f: {  	lr =	sadd.s32 s0, s3;
	s0 =	sld [smem:$0x3FAE]  }
0x30: {  	s3 =	sld [smem:$0x3FB1]  }
0x31: {  	[smem:$0x3FBA] =	sst s10  }
0x32: {  	s10 =	sld [smem:$0x3FB8];
	_ =	sdelay $0x3  }
0x33: {  	p0 =	seq.s32 s10, $0x1;
	s10 =	sld [smem:$0x3FBA];
	_ =	sdelay $0x3  }
0x34: {  	[smem:$0x3FBA] =	sst s10  }
0x35: {  	s10 =	sld [smem:$0x3FB9];
	_ =	sdelay $0x3  }
0x36: {  	p1 =	seq.s32 s10, $0x1;
	s10 =	sld [smem:$0x3FBA];
	_ =	sdelay $0x3  }
0x37: {  	[smem:$0x3FBA] =	sst s10  }
0x38: {  	s10 =	sld [smem:$0x3FBB]  }
0x39: {  	_ = 	snop;
	(pc) =	sbr.ind lr, $3  }
0x3a: {  	_ = 	snop  }
0x3b: {  	_ = 	snop  }
0x3c: {  	p2 =	seq.s32 s10, $0x1;
	s10 =	sld [smem:$0x3FBA]  }
0x3d: {  	_ =	shalt  }
0x3e: {  	_ =	shalt  }
0x3f: {  	_ =	shalt  }
0x40: {  	_ =	shalt  }
0x41: {  	_ =	shalt  }
0x42: {  	_ =	shalt  }
0x43: {  	_ =	shalt  }
0x44: {  	_ =	shalt  }
0x45: {  	_ =	shalt  }
0x46: {  	_ =	shalt  }
0x47: {  	_ =	shalt  }
0x48: {  	_ =	shalt  }
0x49: {  	_ =	shalt  }
0x4a: {  	_ =	shalt  }
0x4b: {  	_ =	shalt  }
0x4c: {  	_ =	shalt  }
0x4d: {  	_ =	shalt  }
0x4e: {  	_ =	shalt  }
0x4f: {  	_ =	shalt  }
0x50: {  	_ =	shalt  }
0x51: {  	_ =	shalt  }
0x52: {  	_ =	shalt  }
0x53: {  	_ =	shalt  }
0x54: {  	_ =	shalt  }
0x55: {  	_ =	shalt  }
0x56: {  	_ =	shalt  }
0x57: {  	_ =	shalt  }
0x58: {  	_ =	shalt  }
0x59: {  	_ =	shalt  }
0x5a: {  	_ =	shalt  }
0x5b: {  	_ =	shalt  }
0x5c: {  	_ =	shalt  }
0x5d: {  	_ =	shalt  }
0x5e: {  	_ =	shalt  }
0x5f: {  	_ =	shalt  }
0x60: {  	_ =	shalt  }
0x61: {  	_ =	shalt  }
0x62: {  	_ =	shalt  }
0x63: {  	_ =	shalt  }
0x64: {  	_ =	shalt  }
0x65: {  	_ =	shalt  }
0x66: {  	_ =	shalt  }
0x67: {  	_ =	shalt  }
0x68: {  	_ =	shalt  }
0x69: {  	_ =	shalt  }
0x6a: {  	_ =	shalt  }
0x6b: {  	_ =	shalt  }
0x6c: {  	_ =	shalt  }
0x6d: {  	_ =	shalt  }
0x6e: {  	_ =	shalt  }
0x6f: {  	_ =	shalt  }
0x70: {  	_ =	shalt  }
0x71: {  	_ =	shalt  }
0x72: {  	_ =	shalt  }
0x73: {  	_ =	shalt  }
0x74: {  	_ =	shalt  }
0x75: {  	_ =	shalt  }
0x76: {  	_ =	shalt  }
0x77: {  	_ =	shalt  }
0x78: {  	_ =	shalt  }
0x79: {  	_ =	shalt  }
0x7a: {  	_ =	shalt  }
0x7b: {  	_ =	shalt  }
0x7c: {  	_ =	shalt  }
0x7d: {  	_ =	shalt  }
0x7e: {  	_ =	shalt  }
0x7f: {  	_ =	shalt  }
0x80: {  	_ =	shalt  }
0x81: {  	_ =	shalt  }
0x82: {  	_ =	shalt  }
0x83: {  	_ =	shalt  }
0x84: {  	_ =	shalt  }
0x85: {  	_ =	shalt  }
0x86: {  	_ =	shalt  }
0x87: {  	_ =	shalt  }
.Lfunc_end0:
.L_simem_size_0:
called_computation_lowered:
.L_overlay_start_0:
0x88: {  	s2 =	sld [smem:$0x3FD9]  }
0x89: {  	s3 =	sld [smem:$0x3FFE];
	_ =	sdelay $0x1  }
0x8a: {  	s1 =	srdreg.scid  }
0x8b: {  	s0 =	sand.u32 $0x1, s1  }
0x8c: {  	s17 =	sshll.u32 s0, $0xA;
	s2 =	sadd.s32 s3, s2  }
0x8d: {  	s2 =	sadd.s32 s2, s17  }
0x8e: {  	[smem:$0x3FC6] =	sst s2  }
0x8f: {  	_ = 	snop  }
0x90: {  	s2 =	sld [smem:$0x3FD0];
	(tm) =	ssettm $0x1  }
0x91: {  	s18 =	sld [smem:$0x3FFB];
	_ =	sdelay $0x3  }
0x92: {  	_ =	strace s18  }
0x93: {  	s3 =	sld [smem:$0x3FFC];
	_ =	sdelay $0x3  }
0x94: {  	_ =	strace s3  }
0x95: {  	s3 =	sld [smem:$0x3FFD];
	_ =	sdelay $0x3  }
0x96: {  	_ =	strace s3  }
0x97: {  	_ =	strace $0x8FFFFFFF  }
0x98: {  	s19 =	sld [smem:$0x3FDB];
	_ =	sdelay $0x1  }
0x99: {  	s4 =	simm.s32 $_scs_section_size  }
0x9a: {  	s5 =	simm.s32 $_size__tile_overlayer_lowered;
	s6 =	simm.s32 $_tile_overlayer_lowered  }
0x9b: {  	s22 =	simm.s32 $0x1BFF;
	s21 =	sshll.u32 s6, $0x1;
	s3 =	sadd.s32 s4, s19  }
0x9c: {  	s7 =	simm.s32 $0x0;
	s20 =	sshll.u32 s5, $0x1;
	s5 =	sadd.s32 s21, s3  }
0x9d: {  	[timem:s7], [sflag:s22] =	dma.local [hbm:s5], s20  }
0x9e: {  	_ =	swait.ge [sflag:s22], s20  }
0x9f: {  	s4 =	ssub.s32 $0x0, s20;
	[sflag:s22] =	ssyncset.done $0x0  }
0xa0: {  	[sflag:s22] =	ssyncadd.s32 s4;
	_ =	sdelay $0x1  }
0xa1: {  	s23 =	simm.s32 $0x1B8B  }
0xa2: {  	_ =	swait.ge [sflag:s23], $0x1  }
0xa3: {  	[sflag:s23] =	ssyncset.done $0x0  }
0xa4: {  	s25 =	simm.s32 $0x1B8E;
	s24 =	sld [smem:$0x3FFE];
	[sflag:s23] =	ssyncadd.s32 $0xFFFFFFFF  }
0xa5: {  	s26 =	simm.s32 $execute0_lowered;
	[smem:$0x3FD2] =	sst s25  }
0xa6: {  	s5 =	sshll.u32 s26, $0x1;
	_ =	strace $0x80000046;
	[dreg:$0x1] =	wrdreg $0xFFFFFFFF  }
0xa7: {  	s28 =	simm.s32 $_size_execute0_lowered;
	s3 =	sadd.s32 s3, s5;
	[dreg:$0x0] =	wrdreg $0x0  }
0xa8: {  	s5 =	sshll.u32 s28, $0x1;
	[dreg:$0x2] =	wrdreg s3  }
0xa9: {  	[dreg:$0x3] =	wrdreg s5  }
0xaa: {  	[dreg:$0x4] =	wrdreg $0xC0  }
0xab: {  	_ =	task [dreg:s7], $0x5FFFF  }
0xac: {  	[dreg:$0x1] =	wrdreg $0xFFFFFFFF  }
0xad: {  	[dreg:$0x0] =	wrdreg $0x60  }
0xae: {  	[dreg:$0x2] =	wrdreg s24  }
0xaf: {  	[dreg:$0x3] =	wrdreg s2  }
0xb0: {  	[dreg:$0x4] =	wrdreg $0x9  }
0xb1: {  	_ =	task.clear_ibuf [dreg:s7], $0x5FFFF;
	_ =	strace $0x90000046  }
0xb2: {  	s29 =	simm.s32 $0x9;
	_ =	strace $0x80000048  }
0xb3: {  	_ =	swait.ge [sflag:s29], $0x1  }
0xb4: {  	[sflag:s29] =	ssyncadd.s32 $0xFFFFFFFF  }
0xb5: {  	_ =	strace $0x90000048  }
0xb6: {  	_ =	sfence  }
0xb7: {  	s30 =	sld [smem:$0x0];
	_ =	sdelay $0x2  }
0xb8: {  	s31 =	sshll.u32 s1, $0xD;
	s1 =	sshrl.u32 s1, $0x2  }
0xb9: {  	s3 =	sand.u32 $0x4000, s31;
	s1 =	sadd.s32 s1, s30  }
0xba: {  	s0 =	sor.u32 s3, s0;
	s1 =	sshll.u32 s1, $0x11  }
0xbb: {  	s0 =	sor.u32 s1, s0  }
0xbc: {  	s0 =	sadd.s32 $0x8F2B, s0  }
0xbd: {  	[sflag:s0] =	ssyncadd.remote.s32 $0x1  }
0xbe: {  	_ =	sfence.sel $0xFFFF  }
0xbf: {  	[dreg:$0x0] =	wrdreg $0xFFFFFFFF;
	(pc) =	sbr.abs _section_cstart, $3  }
0xc0: {  	[dreg:$0x1] =	wrdreg $0xFFFFFFFF  }
0xc1: {  	_ =	task.clear_ibuf [dreg:s7], $0x2FFFF;
	_ =	strace $0x9FFFFFFF  }
0xc2: {  	(tm) =	ssettm $0x7FFFFFFF  }
0xc3: {  	_ =	shalt  }
tec
execute0_lowered:
.L_overlay_start_1:
0x0: {  	(tag) =	ssettag $0x1  }
0x1: {  	v0 =	vimm.s32 $0xFEDCBA98;
	v1 =	vimm.s32 $0x76543210;
	v2 =	vlaneseq.u32  }
0x2: {  	s0 =	srdreg.scid;
	s2 =	stileid.u32;
	v4 =	vimm.s32 $0x10FEDCBA;
	v5 =	vimm.s32 $0x98765432;
	v0 =	vunpack.c.l.s4.s8 v0  }
0x3: {  	s1 =	rddreg [dreg:$0x0];
	v6 =	vimm.s32 $0xFEDCBA9;
	v7 =	vimm.s32 $0x87654321;
	s0 =	sand.u32 $0x1, s0;
	s3 =	sshll.u32 s2, $0x1;
	v1 =	vunpack.c.l.s4.s8 v1  }
0x4: {  	s4 =	simm.s32 $0x0;
	s25 =	simm.s32 $0x80;
	v4 =	vunpack.c.l.s4.s8 v4;
	v5 =	vunpack.c.l.s4.s8 v5;
	s3 =	sor.u32 s0, s3;
	v3 =	vunpack.c.0.s8.s32 v0  }
0x5: {  	s30 =	simm.s32 $0x40;
	s2 =	rddreg [dreg:$0x1];
	v6 =	vunpack.c.l.s4.s8 v6;
	v7 =	vunpack.c.l.s4.s8 v7;
	s5 =	smul.u32 $0x640, s3;
	v1 =	vunpack.c.0.s8.s32 v1  }
0x6: {  	[smem:$0x7FF] =	sst s4;
	s0 =	ssub.s32 $0x2, s0;
	s4 =	smul.u32 $0xC8000, s3;
	v0 =	vand.u32 $0x7, v2;
	v2 =	vand.u32 $0xF, v3;
	v3 =	vimm.s32 $0x3210FEDC  }
0x7: {  	_ =	strace $0x80000047;
	s28 =	sshrl.u32 s0, $0x1;
	s6 =	smul.u32 $0x1900, s3;
	v1 =	vcombine.low v2, v1;
	v2 =	vunpack.c.l.s4.s8 v3;
	v3 =	vimm.s32 $0xBA987654  }
.Ltmp0:
0x8: {  	v4 =	vunpack.c.0.s8.s32 v4;
	s3 =	simm.s32 $0x0;
	s0 =	ssub.s32 s0, s28;
	v3 =	vunpack.c.l.s4.s8 v3;
	(pc) =	sbr.rel .LBB2_1-.Ltmp0, $4  }
0x9: {  	v5 =	vunpack.c.0.s8.s32 v5;
	v6 =	vunpack.c.0.s8.s32 v6;
	v7 =	vunpack.c.0.s8.s32 v7;
	s7 =	sadd.s32 s5, s1;
	s8 =	sshrl.u32 s4, $0x3;
	s0 =	smax.u32 s0, $0x1  }
0xa: {  	v0 =	vmul.u32 $0x2, v0;
	s29 =	sadd.s32 s2, s8;
	s31 =	sadd.s32 $0xC3C00, s7;
	[dreg:$0x5] =	wrdreg s0;
	v2 =	vunpack.c.0.s8.s32 v2;
	v3 =	vunpack.c.0.s8.s32 v3  }
0xb: {  	vm0 =	vmmov $0xff;
	s5 =	sadd.s32 $0x600, s1;
	v4 =	vcombine.low v5, v4;
	v5 =	vimm.s32 $0x0;
	[dreg:$0x3] =	wrdreg s31;
	s1 =	sadd.s32 $0x18808, s29  }
0xc: {  	v6 =	vcombine.low v7, v6;
	s8 =	sadd.s32 $0x8, s2;
	s7 =	simm.s32 $0x14400;
	[dreg:$0x4] =	wrdreg s1;
	v2 =	vcombine.low v3, v2;
	v3 =	vor.u32 $0x1, v0  }
.LBB2_16:
0xd: {  	s0 =	rddreg [dreg:$0x4];
	s7 =	simm.s32 $0x14400;
	s17 =	simm.s32 $0xF  }
0xe: {  	[hbm4b:s0+s30] =	stream.strided.scatter [tilespmem:s7], [sflag:$0x14], $0x2000, s25, s30, $0x38;
	[tilespmem:$0x1E400] =	vst v63  }
0xf: {  	_ =	swait.ge [sflag:s17], $0x2000  }
0x10: {  	[sflag:s17] =	ssyncset.done $0x0  }
0x11: {  	s18 =	simm.s32 $0x15;
	[sflag:s17] =	ssyncadd.s32 $0xFFFFE000  }
0x12: {  	_ =	swait.ge [sflag:s18], $0x2000  }
0x13: {  	[sflag:s18] =	ssyncset.done $0x0  }
0x14: {  	s19 =	simm.s32 $0x10;
	[sflag:s18] =	ssyncadd.s32 $0xFFFFE000  }
0x15: {  	_ =	swait.ge [sflag:s19], $0x2000  }
0x16: {  	[sflag:s19] =	ssyncset.done $0x0  }
0x17: {  	s20 =	simm.s32 $0x16;
	[sflag:s19] =	ssyncadd.s32 $0xFFFFE000  }
0x18: {  	_ =	swait.ge [sflag:s20], $0x2000  }
0x19: {  	[sflag:s20] =	ssyncset.done $0x0  }
0x1a: {  	s21 =	simm.s32 $0x11;
	[sflag:s20] =	ssyncadd.s32 $0xFFFFE000  }
0x1b: {  	_ =	swait.ge [sflag:s21], $0x2000  }
0x1c: {  	[sflag:s21] =	ssyncset.done $0x0  }
0x1d: {  	s22 =	simm.s32 $0x17;
	[sflag:s21] =	ssyncadd.s32 $0xFFFFE000  }
0x1e: {  	_ =	swait.ge [sflag:s22], $0x2000  }
0x1f: {  	[sflag:s22] =	ssyncset.done $0x0  }
0x20: {  	s23 =	simm.s32 $0x12;
	[sflag:s22] =	ssyncadd.s32 $0xFFFFE000  }
0x21: {  	_ =	swait.ge [sflag:s23], $0x2000  }
0x22: {  	[sflag:s23] =	ssyncset.done $0x0  }
0x23: {  	s24 =	simm.s32 $0x18;
	[sflag:s23] =	ssyncadd.s32 $0xFFFFE000  }
0x24: {  	_ =	swait.ge [sflag:s24], $0x2000  }
0x25: {  	[sflag:s24] =	ssyncset.done $0x0  }
0x26: {  	s26 =	simm.s32 $0xD;
	[sflag:s24] =	ssyncadd.s32 $0xFFFFE000  }
0x27: {  	_ =	swait.ge [sflag:s26], $0x2000  }
0x28: {  	[sflag:s26] =	ssyncset.done $0x0  }
0x29: {  	s28 =	simm.s32 $0x13;
	[sflag:s26] =	ssyncadd.s32 $0xFFFFE000  }
0x2a: {  	_ =	swait.ge [sflag:s28], $0x2000  }
0x2b: {  	[sflag:s28] =	ssyncset.done $0x0  }
0x2c: {  	s29 =	simm.s32 $0xE;
	[sflag:s28] =	ssyncadd.s32 $0xFFFFE000  }
0x2d: {  	_ =	swait.ge [sflag:s29], $0x2000  }
0x2e: {  	[sflag:s29] =	ssyncset.done $0x0  }
0x2f: {  	s1 =	simm.s32 $0x14;
	[sflag:s29] =	ssyncadd.s32 $0xFFFFE000  }
0x30: {  	_ =	swait.ge [sflag:s1], $0x2000  }
0x31: {  	s3 =	rddreg [dreg:$0x6]  }
0x32: {  	s31 =	rddreg [dreg:$0x5];
	s3 =	sadd.s32 $0x1, s3  }
0x33: {  	p0 =	sne.s32 s3, s31  }
.Ltmp1:
0x34: {  	_ = 	snop;
	(pc) =	sbr.rel @!p0 .LBB2_17-.Ltmp1, $3  }
0x35: {  	_ =	sdelay $0x1  }
0x36: {  	[sflag:s1] =	ssyncset.done $0x0  }
0x37: {  	[sflag:s1] =	ssyncadd.s32 $0xFFFFE000  }
.LBB2_1:
0x38: {  	[dreg:$0x6] =	wrdreg s3  }
0x39: {  	s0 =	simm.s32 $0x0;
	s1 =	rddreg [dreg:$0x3];
	s9 =	simm.s32 $0x19  }
0x3a: {  	[tilespmem:s0], [sflag:$0x19] =	stream.linear.gather [hbm4b:s1+s0], $0x3200, $0x38;
	[tilespmem:$0x1E400] =	vst v63  }
0x3b: {  	_ =	swait.ge [sflag:s9], $0x3200  }
0x3c: {  	[sflag:s9] =	ssyncset.done $0x0  }
0x3d: {  	[sflag:s9] =	ssyncadd.s32 $0xFFFFCE00  }
0x3e: {  	v7 =	vld [tilespmem:$0x0]  }
0x3f: {  	v8 =	vld [tilespmem:$0x10]  }
0x40: {  	v9 =	vld [tilespmem:$0x20]  }
0x41: {  	v10 =	vld [tilespmem:$0x30]  }
0x42: {  	v11 =	vld [tilespmem:$0x40]  }
0x43: {  	v12 =	vld [tilespmem:$0x50]  }
0x44: {  	v15 =	vld [tilespmem:$0x60];
	v13 =	vperm.xlane v7, v0;
	v14 =	vperm.xlane v8, v0  }
0x45: {  	v16 =	vld [tilespmem:$0x70];
	v7 =	vperm.xlane v7, v3;
	v8 =	vperm.xlane v8, v3  }
0x46: {  	v18 =	vld [tilespmem:$0x80];
	v23 =	vperm.xlane v9, v0;
	v17 =	vperm.xlane v10, v0;
	v13 =	vsel vm0, v13, v14  }
0x47: {  	v25 =	vld [tilespmem:$0x90];
	v24 =	vperm.xlane v10, v3;
	v7 =	vsel vm0, v7, v8;
	v8 =	vperm.xlane v9, v3;
	[tilespmem:$0x3200] =	vst v13  }
0x48: {  	v28 =	vld [tilespmem:$0xA0];
	v26 =	vperm.xlane v11, v0;
	v27 =	vperm.xlane v12, v0;
	[tilespmem:$0x4B00] =	vst v7;
	v7 =	vsel vm0, v23, v17  }
0x49: {  	v30 =	vld [tilespmem:$0xB0];
	v29 =	vperm.xlane v12, v3;
	v8 =	vsel vm0, v8, v24;
	[tilespmem:$0x3210] =	vst v7;
	v7 =	vperm.xlane v11, v3  }
0x4a: {  	v33 =	vld [tilespmem:$0xC0];
	v31 =	vperm.xlane v15, v0;
	v32 =	vperm.xlane v16, v0;
	[tilespmem:$0x4B10] =	vst v8;
	v8 =	vsel vm0, v26, v27  }
0x4b: {  	v35 =	vld [tilespmem:$0xD0];
	v34 =	vperm.xlane v16, v3;
	v7 =	vsel vm0, v7, v29;
	[tilespmem:$0x3220] =	vst v8;
	v8 =	vperm.xlane v15, v3  }
0x4c: {  	v38 =	vld [tilespmem:$0xE0];
	v36 =	vperm.xlane v18, v0;
	v37 =	vperm.xlane v25, v0;
	[tilespmem:$0x4B20] =	vst v7;
	v7 =	vsel vm0, v31, v32  }
0x4d: {  	v40 =	vld [tilespmem:$0xF0];
	v39 =	vperm.xlane v25, v3;
	v8 =	vsel vm0, v8, v34;
	[tilespmem:$0x3230] =	vst v7;
	v7 =	vperm.xlane v18, v3  }
0x4e: {  	v41 =	vperm.xlane v28, v0;
	v42 =	vperm.xlane v30, v0;
	[tilespmem:$0x4B30] =	vst v8;
	v8 =	vsel vm0, v36, v37  }
0x4f: {  	v43 =	vperm.xlane v30, v3;
	v7 =	vsel vm0, v7, v39;
	[tilespmem:$0x3240] =	vst v8;
	v8 =	vperm.xlane v28, v3  }
0x50: {  	v44 =	vperm.xlane v33, v0;
	v45 =	vperm.xlane v35, v0;
	[tilespmem:$0x4B40] =	vst v7;
	v7 =	vsel vm0, v41, v42  }
0x51: {  	v46 =	vperm.xlane v35, v3;
	v8 =	vsel vm0, v8, v43;
	[tilespmem:$0x3250] =	vst v7;
	v7 =	vperm.xlane v33, v3  }
0x52: {  	v47 =	vperm.xlane v38, v0;
	v48 =	vperm.xlane v40, v0;
	[tilespmem:$0x4B50] =	vst v8;
	v8 =	vsel vm0, v44, v45  }
0x53: {  	v49 =	vperm.xlane v40, v3;
	v7 =	vsel vm0, v7, v46;
	[tilespmem:$0x3260] =	vst v8;
	v8 =	vperm.xlane v38, v3  }
0x54: {  	[tilespmem:$0x4B60] =	vst v7;
	v7 =	vsel vm0, v47, v48  }
0x55: {  	v8 =	vsel vm0, v8, v49;
	[tilespmem:$0x3270] =	vst v7  }
0x56: {  	s22 =	simm.s32 $0x3200;
	s24 =	simm.s32 $0x6400;
	[tilespmem:$0x4B70] =	vst v8  }
0x57: {  	[tilespmem:s24], [sflag:$0x1] =	stream.indirect.gather [hbm4b:s5+s25], $0x40, s22, s25, $0xb8;
	[tilespmem:$0x1E400] =	vst v63  }
0x58: {  	s3 =	simm.s32 $0x4B00;
	s26 =	simm.s32 $0x12400  }
0x59: {  	[tilespmem:s26], [sflag:$0x7] =	stream.indirect.gather [hbm4b:s5+s25], $0x40, s3, s25, $0xb8;
	[tilespmem:$0x1E400] =	vst v63  }
0x5a: {  	v7 =	vld [tilespmem:$0x100]  }
0x5b: {  	v8 =	vld [tilespmem:$0x110]  }
0x5c: {  	v50 =	vld [tilespmem:$0x120]  }
0x5d: {  	v51 =	vld [tilespmem:$0x130]  }
0x5e: {  	v52 =	vld [tilespmem:$0x140]  }
0x5f: {  	v53 =	vld [tilespmem:$0x150]  }
0x60: {  	v56 =	vld [tilespmem:$0x160];
	v54 =	vperm.xlane v7, v0;
	v55 =	vperm.xlane v8, v0  }
0x61: {  	v57 =	vld [tilespmem:$0x170];
	v7 =	vperm.xlane v7, v3;
	v8 =	vperm.xlane v8, v3  }
0x62: {  	v60 =	vld [tilespmem:$0x180];
	v58 =	vperm.xlane v50, v0;
	v59 =	vperm.xlane v51, v0;
	v13 =	vsel vm0, v54, v55  }
0x63: {  	v62 =	vld [tilespmem:$0x190];
	v61 =	vperm.xlane v51, v3;
	v7 =	vsel vm0, v7, v8;
	v8 =	vperm.xlane v50, v3;
	[tilespmem:$0x3280] =	vst v13  }
0x64: {  	v21 =	vld [tilespmem:$0x1A0];
	v63 =	vperm.xlane v52, v0;
	v20 =	vperm.xlane v53, v0;
	[tilespmem:$0x4B80] =	vst v7;
	v7 =	vsel vm0, v58, v59  }
0x65: {  	v23 =	vld [tilespmem:$0x1B0];
	v22 =	vperm.xlane v53, v3;
	v8 =	vsel vm0, v8, v61;
	[tilespmem:$0x3290] =	vst v7;
	v7 =	vperm.xlane v52, v3  }
0x66: {  	v26 =	vld [tilespmem:$0x1C0];
	v24 =	vperm.xlane v56, v0;
	v25 =	vperm.xlane v57, v0;
	[tilespmem:$0x4B90] =	vst v8;
	v8 =	vsel vm0, v63, v20  }
0x67: {  	v28 =	vld [tilespmem:$0x1D0];
	v27 =	vperm.xlane v57, v3;
	v7 =	vsel vm0, v7, v22;
	[tilespmem:$0x32A0] =	vst v8;
	v8 =	vperm.xlane v56, v3  }
0x68: {  	v31 =	vld [tilespmem:$0x1E0];
	v29 =	vperm.xlane v60, v0;
	v30 =	vperm.xlane v62, v0;
	[tilespmem:$0x4BA0] =	vst v7;
	v7 =	vsel vm0, v24, v25  }
0x69: {  	v33 =	vld [tilespmem:$0x1F0];
	v32 =	vperm.xlane v62, v3;
	v8 =	vsel vm0, v8, v27;
	[tilespmem:$0x32B0] =	vst v7;
	v7 =	vperm.xlane v60, v3  }
0x6a: {  	v34 =	vperm.xlane v21, v0;
	v35 =	vperm.xlane v23, v0;
	[tilespmem:$0x4BB0] =	vst v8;
	v8 =	vsel vm0, v29, v30  }
0x6b: {  	v36 =	vperm.xlane v23, v3;
	v7 =	vsel vm0, v7, v32;
	[tilespmem:$0x32C0] =	vst v8;
	v8 =	vperm.xlane v21, v3  }
0x6c: {  	v37 =	vperm.xlane v26, v0;
	v38 =	vperm.xlane v28, v0;
	[tilespmem:$0x4BC0] =	vst v7;
	v7 =	vsel vm0, v34, v35  }
0x6d: {  	v39 =	vperm.xlane v28, v3;
	v8 =	vsel vm0, v8, v36;
	[tilespmem:$0x32D0] =	vst v7;
	v7 =	vperm.xlane v26, v3  }
0x6e: {  	v40 =	vperm.xlane v31, v0;
	v41 =	vperm.xlane v33, v0;
	[tilespmem:$0x4BD0] =	vst v8;
	v8 =	vsel vm0, v37, v38  }
0x6f: {  	v42 =	vperm.xlane v33, v3;
	v7 =	vsel vm0, v7, v39;
	[tilespmem:$0x32E0] =	vst v8;
	v8 =	vperm.xlane v31, v3  }
0x70: {  	[tilespmem:$0x4BE0] =	vst v7;
	v7 =	vsel vm0, v40, v41  }
0x71: {  	v8 =	vsel vm0, v8, v42;
	[tilespmem:$0x32F0] =	vst v7  }
0x72: {  	s10 =	simm.s32 $0x3280;
	s11 =	simm.s32 $0x8400;
	[tilespmem:$0x4BF0] =	vst v8  }
0x73: {  	[tilespmem:s11], [sflag:$0x2] =	stream.indirect.gather [hbm4b:s5+s25], $0x40, s10, s25, $0xb8;
	[tilespmem:$0x1E400] =	vst v63  }
0x74: {  	s12 =	simm.s32 $0x4B80  }
0x75: {  	[tilespmem:s7], [sflag:$0x8] =	stream.indirect.gather [hbm4b:s5+s25], $0x40, s12, s25, $0xb8;
	[tilespmem:$0x1E400] =	vst v63  }
0x76: {  	v7 =	vld [tilespmem:$0x200]  }
0x77: {  	v8 =	vld [tilespmem:$0x210]  }
0x78: {  	v43 =	vld [tilespmem:$0x220]  }
0x79: {  	v44 =	vld [tilespmem:$0x230]  }
0x7a: {  	v45 =	vld [tilespmem:$0x240]  }
0x7b: {  	v46 =	vld [tilespmem:$0x250]  }
0x7c: {  	v49 =	vld [tilespmem:$0x260];
	v47 =	vperm.xlane v7, v0;
	v48 =	vperm.xlane v8, v0  }
0x7d: {  	v50 =	vld [tilespmem:$0x270];
	v7 =	vperm.xlane v7, v3;
	v8 =	vperm.xlane v8, v3  }
0x7e: {  	v53 =	vld [tilespmem:$0x280];
	v51 =	vperm.xlane v43, v0;
	v52 =	vperm.xlane v44, v0;
	v13 =	vsel vm0, v47, v48  }
0x7f: {  	v55 =	vld [tilespmem:$0x290];
	v54 =	vperm.xlane v44, v3;
	v7 =	vsel vm0, v7, v8;
	v8 =	vperm.xlane v43, v3;
	[tilespmem:$0x3300] =	vst v13  }
0x80: {  	v58 =	vld [tilespmem:$0x2A0];
	v56 =	vperm.xlane v45, v0;
	v57 =	vperm.xlane v46, v0;
	[tilespmem:$0x4C00] =	vst v7;
	v7 =	vsel vm0, v51, v52  }
0x81: {  	v60 =	vld [tilespmem:$0x2B0];
	v59 =	vperm.xlane v46, v3;
	v8 =	vsel vm0, v8, v54;
	[tilespmem:$0x3310] =	vst v7;
	v7 =	vperm.xlane v45, v3  }
0x82: {  	v63 =	vld [tilespmem:$0x2C0];
	v61 =	vperm.xlane v49, v0;
	v62 =	vperm.xlane v50, v0;
	[tilespmem:$0x4C10] =	vst v8;
	v8 =	vsel vm0, v56, v57  }
0x83: {  	v21 =	vld [tilespmem:$0x2D0];
	v20 =	vperm.xlane v50, v3;
	v7 =	vsel vm0, v7, v59;
	[tilespmem:$0x3320] =	vst v8;
	v8 =	vperm.xlane v49, v3  }
0x84: {  	v24 =	vld [tilespmem:$0x2E0];
	v22 =	vperm.xlane v53, v0;
	v23 =	vperm.xlane v55, v0;
	[tilespmem:$0x4C20] =	vst v7;
	v7 =	vsel vm0, v61, v62  }
0x85: {  	v26 =	vld [tilespmem:$0x2F0];
	v25 =	vperm.xlane v55, v3;
	v8 =	vsel vm0, v8, v20;
	[tilespmem:$0x3330] =	vst v7;
	v7 =	vperm.xlane v53, v3  }
0x86: {  	v27 =	vperm.xlane v58, v0;
	v28 =	vperm.xlane v60, v0;
	[tilespmem:$0x4C30] =	vst v8;
	v8 =	vsel vm0, v22, v23  }
0x87: {  	v29 =	vperm.xlane v60, v3;
	v7 =	vsel vm0, v7, v25;
	[tilespmem:$0x3340] =	vst v8;
	v8 =	vperm.xlane v58, v3  }
0x88: {  	v30 =	vperm.xlane v63, v0;
	v31 =	vperm.xlane v21, v0;
	[tilespmem:$0x4C40] =	vst v7;
	v7 =	vsel vm0, v27, v28  }
0x89: {  	v32 =	vperm.xlane v21, v3;
	v8 =	vsel vm0, v8, v29;
	[tilespmem:$0x3350] =	vst v7;
	v7 =	vperm.xlane v63, v3  }
0x8a: {  	v33 =	vperm.xlane v24, v0;
	v34 =	vperm.xlane v26, v0;
	[tilespmem:$0x4C50] =	vst v8;
	v8 =	vsel vm0, v30, v31  }
0x8b: {  	v35 =	vperm.xlane v26, v3;
	v7 =	vsel vm0, v7, v32;
	[tilespmem:$0x3360] =	vst v8;
	v8 =	vperm.xlane v24, v3  }
0x8c: {  	[tilespmem:$0x4C60] =	vst v7;
	v7 =	vsel vm0, v33, v34  }
0x8d: {  	v8 =	vsel vm0, v8, v35;
	[tilespmem:$0x3370] =	vst v7  }
0x8e: {  	s13 =	simm.s32 $0x3300;
	s14 =	simm.s32 $0xA400;
	[tilespmem:$0x4C70] =	vst v8  }
0x8f: {  	[tilespmem:s14], [sflag:$0x3] =	stream.indirect.gather [hbm4b:s5+s25], $0x40, s13, s25, $0xb8;
	[tilespmem:$0x1E400] =	vst v63  }
0x90: {  	s15 =	simm.s32 $0x4C00;
	s16 =	simm.s32 $0x16400  }
0x91: {  	[tilespmem:s16], [sflag:$0x9] =	stream.indirect.gather [hbm4b:s5+s25], $0x40, s15, s25, $0xb8;
	[tilespmem:$0x1E400] =	vst v63  }
0x92: {  	v7 =	vld [tilespmem:$0x300]  }
0x93: {  	v8 =	vld [tilespmem:$0x310]  }
0x94: {  	v36 =	vld [tilespmem:$0x320]  }
0x95: {  	v37 =	vld [tilespmem:$0x330]  }
0x96: {  	v38 =	vld [tilespmem:$0x340]  }
0x97: {  	v39 =	vld [tilespmem:$0x350]  }
0x98: {  	v42 =	vld [tilespmem:$0x360];
	v40 =	vperm.xlane v7, v0;
	v41 =	vperm.xlane v8, v0  }
0x99: {  	v43 =	vld [tilespmem:$0x370];
	v7 =	vperm.xlane v7, v3;
	v8 =	vperm.xlane v8, v3  }
0x9a: {  	v46 =	vld [tilespmem:$0x380];
	v44 =	vperm.xlane v36, v0;
	v45 =	vperm.xlane v37, v0;
	v13 =	vsel vm0, v40, v41  }
0x9b: {  	v48 =	vld [tilespmem:$0x390];
	v47 =	vperm.xlane v37, v3;
	v7 =	vsel vm0, v7, v8;
	v8 =	vperm.xlane v36, v3;
	[tilespmem:$0x3380] =	vst v13  }
0x9c: {  	v51 =	vld [tilespmem:$0x3A0];
	v49 =	vperm.xlane v38, v0;
	v50 =	vperm.xlane v39, v0;
	[tilespmem:$0x4C80] =	vst v7;
	v7 =	vsel vm0, v44, v45  }
0x9d: {  	v53 =	vld [tilespmem:$0x3B0];
	v52 =	vperm.xlane v39, v3;
	v8 =	vsel vm0, v8, v47;
	[tilespmem:$0x3390] =	vst v7;
	v7 =	vperm.xlane v38, v3  }
0x9e: {  	v56 =	vld [tilespmem:$0x3C0];
	v54 =	vperm.xlane v42, v0;
	v55 =	vperm.xlane v43, v0;
	[tilespmem:$0x4C90] =	vst v8;
	v8 =	vsel vm0, v49, v50  }
0x9f: {  	v58 =	vld [tilespmem:$0x3D0];
	v57 =	vperm.xlane v43, v3;
	v7 =	vsel vm0, v7, v52;
	[tilespmem:$0x33A0] =	vst v8;
	v8 =	vperm.xlane v42, v3  }
0xa0: {  	v61 =	vld [tilespmem:$0x3E0];
	v59 =	vperm.xlane v46, v0;
	v60 =	vperm.xlane v48, v0;
	[tilespmem:$0x4CA0] =	vst v7;
	v7 =	vsel vm0, v54, v55  }
0xa1: {  	v63 =	vld [tilespmem:$0x3F0];
	v62 =	vperm.xlane v48, v3;
	v8 =	vsel vm0, v8, v57;
	[tilespmem:$0x33B0] =	vst v7;
	v7 =	vperm.xlane v46, v3  }
0xa2: {  	v18 =	vperm.xlane v51, v0;
	v19 =	vperm.xlane v53, v0;
	[tilespmem:$0x4CB0] =	vst v8;
	v8 =	vsel vm0, v59, v60  }
0xa3: {  	v20 =	vperm.xlane v53, v3;
	v7 =	vsel vm0, v7, v62;
	[tilespmem:$0x33C0] =	vst v8;
	v8 =	vperm.xlane v51, v3  }
0xa4: {  	v21 =	vperm.xlane v56, v0;
	v22 =	vperm.xlane v58, v0;
	[tilespmem:$0x4CC0] =	vst v7;
	v7 =	vsel vm0, v18, v19  }
0xa5: {  	v23 =	vperm.xlane v58, v3;
	v8 =	vsel vm0, v8, v20;
	[tilespmem:$0x33D0] =	vst v7;
	v7 =	vperm.xlane v56, v3  }
0xa6: {  	v24 =	vperm.xlane v61, v0;
	v25 =	vperm.xlane v63, v0;
	[tilespmem:$0x4CD0] =	vst v8;
	v8 =	vsel vm0, v21, v22  }
0xa7: {  	v26 =	vperm.xlane v63, v3;
	v7 =	vsel vm0, v7, v23;
	[tilespmem:$0x33E0] =	vst v8;
	v8 =	vperm.xlane v61, v3  }
0xa8: {  	[tilespmem:$0x4CE0] =	vst v7;
	v7 =	vsel vm0, v24, v25  }
0xa9: {  	v8 =	vsel vm0, v8, v26;
	[tilespmem:$0x33F0] =	vst v7  }
0xaa: {  	s17 =	simm.s32 $0x3380;
	s18 =	simm.s32 $0xC400;
	[tilespmem:$0x4CF0] =	vst v8  }
0xab: {  	[tilespmem:s18], [sflag:$0x4] =	stream.indirect.gather [hbm4b:s5+s25], $0x40, s17, s25, $0xb8;
	[tilespmem:$0x1E400] =	vst v63  }
0xac: {  	s19 =	simm.s32 $0x4C80;
	s20 =	simm.s32 $0x18400  }
0xad: {  	[tilespmem:s20], [sflag:$0xA] =	stream.indirect.gather [hbm4b:s5+s25], $0x40, s19, s25, $0xb8;
	[tilespmem:$0x1E400] =	vst v63  }
0xae: {  	v7 =	vld [tilespmem:$0x400]  }
0xaf: {  	v8 =	vld [tilespmem:$0x410]  }
0xb0: {  	v27 =	vld [tilespmem:$0x420]  }
0xb1: {  	v28 =	vld [tilespmem:$0x430]  }
0xb2: {  	v29 =	vld [tilespmem:$0x440]  }
0xb3: {  	v30 =	vld [tilespmem:$0x450]  }
0xb4: {  	v33 =	vld [tilespmem:$0x460];
	v31 =	vperm.xlane v7, v0;
	v32 =	vperm.xlane v8, v0  }
0xb5: {  	v34 =	vld [tilespmem:$0x470];
	v7 =	vperm.xlane v7, v3;
	v8 =	vperm.xlane v8, v3  }
0xb6: {  	v37 =	vld [tilespmem:$0x480];
	v35 =	vperm.xlane v27, v0;
	v36 =	vperm.xlane v28, v0;
	v13 =	vsel vm0, v31, v32  }
0xb7: {  	v39 =	vld [tilespmem:$0x490];
	v38 =	vperm.xlane v28, v3;
	v7 =	vsel vm0, v7, v8;
	v8 =	vperm.xlane v27, v3;
	[tilespmem:$0x3400] =	vst v13  }
0xb8: {  	v42 =	vld [tilespmem:$0x4A0];
	v40 =	vperm.xlane v29, v0;
	v41 =	vperm.xlane v30, v0;
	[tilespmem:$0x4D00] =	vst v7;
	v7 =	vsel vm0, v35, v36  }
0xb9: {  	v44 =	vld [tilespmem:$0x4B0];
	v43 =	vperm.xlane v30, v3;
	v8 =	vsel vm0, v8, v38;
	[tilespmem:$0x3410] =	vst v7;
	v7 =	vperm.xlane v29, v3  }
0xba: {  	v47 =	vld [tilespmem:$0x4C0];
	v45 =	vperm.xlane v33, v0;
	v46 =	vperm.xlane v34, v0;
	[tilespmem:$0x4D10] =	vst v8;
	v8 =	vsel vm0, v40, v41  }
0xbb: {  	v49 =	vld [tilespmem:$0x4D0];
	v48 =	vperm.xlane v34, v3;
	v7 =	vsel vm0, v7, v43;
	[tilespmem:$0x3420] =	vst v8;
	v8 =	vperm.xlane v33, v3  }
0xbc: {  	v52 =	vld [tilespmem:$0x4E0];
	v50 =	vperm.xlane v37, v0;
	v51 =	vperm.xlane v39, v0;
	[tilespmem:$0x4D20] =	vst v7;
	v7 =	vsel vm0, v45, v46  }
0xbd: {  	v54 =	vld [tilespmem:$0x4F0];
	v53 =	vperm.xlane v39, v3;
	v8 =	vsel vm0, v8, v48;
	[tilespmem:$0x3430] =	vst v7;
	v7 =	vperm.xlane v37, v3  }
0xbe: {  	v55 =	vperm.xlane v42, v0;
	v56 =	vperm.xlane v44, v0;
	[tilespmem:$0x4D30] =	vst v8;
	v8 =	vsel vm0, v50, v51  }
0xbf: {  	v57 =	vperm.xlane v44, v3;
	v7 =	vsel vm0, v7, v53;
	[tilespmem:$0x3440] =	vst v8;
	v8 =	vperm.xlane v42, v3  }
0xc0: {  	v58 =	vperm.xlane v47, v0;
	v59 =	vperm.xlane v49, v0;
	[tilespmem:$0x4D40] =	vst v7;
	v7 =	vsel vm0, v55, v56  }
0xc1: {  	v60 =	vperm.xlane v49, v3;
	v8 =	vsel vm0, v8, v57;
	[tilespmem:$0x3450] =	vst v7;
	v7 =	vperm.xlane v47, v3  }
0xc2: {  	v61 =	vperm.xlane v52, v0;
	v62 =	vperm.xlane v54, v0;
	[tilespmem:$0x4D50] =	vst v8;
	v8 =	vsel vm0, v58, v59  }
0xc3: {  	v63 =	vperm.xlane v54, v3;
	v7 =	vsel vm0, v7, v60;
	[tilespmem:$0x3460] =	vst v8;
	v8 =	vperm.xlane v52, v3  }
0xc4: {  	[tilespmem:$0x4D60] =	vst v7;
	v7 =	vsel vm0, v61, v62  }
.Ltmp2:
0xc5: {  	v8 =	vsel vm0, v8, v63;
	[tilespmem:$0x3470] =	vst v7;
	(pc) =	sbr.rel .LBB2_2-.Ltmp2, $4  }
0xc6: {  	s21 =	simm.s32 $0x3400;
	s23 =	simm.s32 $0xE400;
	[tilespmem:$0x4D70] =	vst v8  }
0xc7: {  	[tilespmem:s23], [sflag:$0x5] =	stream.indirect.gather [hbm4b:s5+s25], $0x40, s21, s25, $0xb8;
	[tilespmem:$0x1E400] =	vst v63  }
0xc8: {  	s29 =	simm.s32 $0x4D00;
	s31 =	simm.s32 $0x1A400;
	s28 =	simm.s32 $0x0  }
0xc9: {  	[tilespmem:s31], [sflag:$0xB] =	stream.indirect.gather [hbm4b:s5+s25], $0x40, s29, s25, $0xb8;
	[tilespmem:$0x1E400] =	vst v63  }
.LBB2_11:
0xca: {  	s1 =	simm.s32 $0x5;
	s0 =	simm.s32 $0x5  }
.LBB2_14:
0xcb: {  	s7 =	sshll.u32 s1, $0x8  }
0xcc: {  	s7 =	sand.u32 $0x3FFFFF00, s7  }
0xcd: {  	v7 =	vld [tilespmem:s7+$0x0]  }
0xce: {  	v8 =	vld [tilespmem:s7+$0x10];
	_ =	sdelay $0x4  }
0xcf: {  	v9 =	vperm.xlane v7, v0;
	v10 =	vperm.xlane v8, v0  }
0xd0: {  	v7 =	vperm.xlane v7, v3;
	v8 =	vperm.xlane v8, v3  }
0xd1: {  	s23 =	sshll.u32 s1, $0x7;
	v9 =	vsel vm0, v9, v10  }
0xd2: {  	v7 =	vsel vm0, v7, v8;
	[tilespmem:s23+$0x3200] =	vst v9  }
0xd3: {  	[tilespmem:s23+$0x4B00] =	vst v7  }
0xd4: {  	v7 =	vld [tilespmem:s7+$0x20]  }
0xd5: {  	v8 =	vld [tilespmem:s7+$0x30];
	_ =	sdelay $0x4  }
0xd6: {  	v50 =	vperm.xlane v7, v0;
	v51 =	vperm.xlane v8, v0  }
0xd7: {  	v7 =	vperm.xlane v7, v3;
	v8 =	vperm.xlane v8, v3  }
0xd8: {  	v9 =	vsel vm0, v50, v51  }
0xd9: {  	v7 =	vsel vm0, v7, v8;
	[tilespmem:s23+$0x3210] =	vst v9  }
0xda: {  	[tilespmem:s23+$0x4B10] =	vst v7  }
0xdb: {  	v7 =	vld [tilespmem:s7+$0x40]  }
0xdc: {  	v8 =	vld [tilespmem:s7+$0x50];
	_ =	sdelay $0x4  }
0xdd: {  	v52 =	vperm.xlane v7, v0;
	v53 =	vperm.xlane v8, v0  }
0xde: {  	v7 =	vperm.xlane v7, v3;
	v8 =	vperm.xlane v8, v3  }
0xdf: {  	v9 =	vsel vm0, v52, v53  }
0xe0: {  	v7 =	vsel vm0, v7, v8;
	[tilespmem:s23+$0x3220] =	vst v9  }
0xe1: {  	[tilespmem:s23+$0x4B20] =	vst v7  }
0xe2: {  	v7 =	vld [tilespmem:s7+$0x60]  }
0xe3: {  	v8 =	vld [tilespmem:s7+$0x70];
	_ =	sdelay $0x4  }
0xe4: {  	v54 =	vperm.xlane v7, v0;
	v55 =	vperm.xlane v8, v0  }
0xe5: {  	v7 =	vperm.xlane v7, v3;
	v8 =	vperm.xlane v8, v3  }
0xe6: {  	v9 =	vsel vm0, v54, v55  }
0xe7: {  	v7 =	vsel vm0, v7, v8;
	[tilespmem:s23+$0x3230] =	vst v9  }
0xe8: {  	[tilespmem:s23+$0x4B30] =	vst v7  }
0xe9: {  	v7 =	vld [tilespmem:s7+$0x80]  }
0xea: {  	v8 =	vld [tilespmem:s7+$0x90];
	_ =	sdelay $0x4  }
0xeb: {  	v56 =	vperm.xlane v7, v0;
	v57 =	vperm.xlane v8, v0  }
0xec: {  	v7 =	vperm.xlane v7, v3;
	v8 =	vperm.xlane v8, v3  }
0xed: {  	v9 =	vsel vm0, v56, v57  }
0xee: {  	v7 =	vsel vm0, v7, v8;
	[tilespmem:s23+$0x3240] =	vst v9  }
0xef: {  	[tilespmem:s23+$0x4B40] =	vst v7  }
0xf0: {  	v7 =	vld [tilespmem:s7+$0xA0]  }
0xf1: {  	v8 =	vld [tilespmem:s7+$0xB0];
	_ =	sdelay $0x4  }
0xf2: {  	v58 =	vperm.xlane v7, v0;
	v59 =	vperm.xlane v8, v0  }
0xf3: {  	v7 =	vperm.xlane v7, v3;
	v8 =	vperm.xlane v8, v3  }
0xf4: {  	v9 =	vsel vm0, v58, v59  }
0xf5: {  	v7 =	vsel vm0, v7, v8;
	[tilespmem:s23+$0x3250] =	vst v9  }
0xf6: {  	[tilespmem:s23+$0x4B50] =	vst v7  }
0xf7: {  	v7 =	vld [tilespmem:s7+$0xC0]  }
0xf8: {  	v8 =	vld [tilespmem:s7+$0xD0];
	_ =	sdelay $0x4  }
0xf9: {  	v60 =	vperm.xlane v7, v0;
	v61 =	vperm.xlane v8, v0  }
0xfa: {  	v7 =	vperm.xlane v7, v3;
	v8 =	vperm.xlane v8, v3  }
0xfb: {  	v9 =	vsel vm0, v60, v61  }
0xfc: {  	v7 =	vsel vm0, v7, v8;
	[tilespmem:s23+$0x3260] =	vst v9  }
0xfd: {  	[tilespmem:s23+$0x4B60] =	vst v7  }
0xfe: {  	v7 =	vld [tilespmem:s7+$0xE0]  }
0xff: {  	v8 =	vld [tilespmem:s7+$0xF0];
	_ =	sdelay $0x4  }
0x100: {  	v62 =	vperm.xlane v7, v0;
	v63 =	vperm.xlane v8, v0  }
0x101: {  	v7 =	vperm.xlane v7, v3;
	v8 =	vperm.xlane v8, v3  }
0x102: {  	v9 =	vsel vm0, v62, v63  }
0x103: {  	s29 =	sshll.u32 s0, $0xD;
	v7 =	vsel vm0, v7, v8;
	[tilespmem:s23+$0x3270] =	vst v9  }
0x104: {  	s11 =	sadd.s32 $0x1, s0;
	s9 =	sadd.s32 $0x3200, s23;
	s10 =	sadd.s32 $0x6400, s29;
	[tilespmem:s23+$0x4B70] =	vst v7  }
0x105: {  	[tilespmem:s10], [sflag:s11] =	stream.indirect.gather [hbm4b:s5+s25], $0x40, s9, s25, $0xb8;
	[tilespmem:$0x1E400] =	vst v63  }
0x106: {  	s31 =	sadd.s32 $0x7, s0;
	s1 =	sadd.s32 $0x4B00, s23;
	s7 =	sadd.s32 $0x12400, s29  }
0x107: {  	[tilespmem:s7], [sflag:s31] =	stream.indirect.gather [hbm4b:s5+s25], $0x40, s1, s25, $0xb8;
	[tilespmem:$0x1E400] =	vst v63  }
.LBB2_15:
0x108: {  	s28 =	sadd.s32 $0x1, s28  }
0x109: {  	p0 =	sne.s32 s28, $0x32  }
.Ltmp3:
0x10a: {  	_ = 	snop;
	(pc) =	sbr.rel @!p0 .LBB2_16-.Ltmp3, $3  }
0x10b: {  	_ =	sdelay $0x1  }
0x10c: {  	s22 =	sadd.s32 $0x80, s22  }
0x10d: {  	s24 =	sadd.s32 $0x2000, s24;
	s3 =	sadd.s32 $0x80, s3;
	s26 =	sadd.s32 $0x2000, s26  }
.LBB2_2:
0x10e: {  	s0 =	smul.u32 $0xAB, s28;
	_ =	sdelay $0x1  }
0x10f: {  	s0 =	sshrl.u32 s0, $0xA  }
0x110: {  	s0 =	sand.u32 $0x3F, s0  }
0x111: {  	s0 =	smul.u32 $0x6, s0;
	_ =	sdelay $0x1  }
0x112: {  	s0 =	ssub.s32 s28, s0  }
0x113: {  	s29 =	sand.u32 $0xFF, s0  }
0x114: {  	s0 =	sadd.s32 $0x1, s29  }
0x115: {  	_ =	swait.ge [sflag:s0], $0x2000  }
0x116: {  	[sflag:s0] =	ssyncset.done $0x0  }
0x117: {  	s23 =	sadd.s32 $0x7, s29;
	[sflag:s0] =	ssyncadd.s32 $0xFFFFE000  }
0x118: {  	_ =	swait.ge [sflag:s23], $0x2000  }
0x119: {  	[sflag:s23] =	ssyncset.done $0x0  }
0x11a: {  	s14 =	sshll.u32 s28, $0x7;
	[sflag:s23] =	ssyncadd.s32 $0xFFFFE000  }
0x11b: {  	v7 =	vld [tilespmem:s14+$0x3200]  }
0x11c: {  	v8 =	vld [tilespmem:s14+$0x3210]  }
0x11d: {  	v9 =	vld [tilespmem:s14+$0x3220]  }
0x11e: {  	v10 =	vld [tilespmem:s14+$0x3230]  }
0x11f: {  	v11 =	vld [tilespmem:s14+$0x3240]  }
0x120: {  	v12 =	vld [tilespmem:s14+$0x3250]  }
0x121: {  	vm1 =	veq.s32 v7, $0x0;
	vm2 =	veq.s32 v8, $0x0;
	v7 =	vld [tilespmem:s14+$0x3260]  }
0x122: {  	v8 =	vld [tilespmem:s14+$0x3270];
	vm1 =	vmor vm1, vm2;
	vm2 =	veq.s32 v9, $0x0  }
0x123: {  	vm1 =	vmor vm1, vm2;
	vm2 =	veq.s32 v10, $0x0  }
0x124: {  	vm1 =	vmor vm1, vm2;
	vm2 =	veq.s32 v11, $0x0  }
0x125: {  	vm1 =	vmor vm1, vm2;
	vm2 =	veq.s32 v12, $0x0  }
0x126: {  	vm1 =	vmor vm1, vm2;
	vm2 =	veq.s32 v7, $0x0  }
0x127: {  	vm1 =	vmor vm1, vm2;
	vm2 =	veq.s32 v8, $0x0  }
0x128: {  	vm1 =	vmor vm1, vm2  }
0x129: {  	v7 =	vsel vm1, $0x1, v5  }
0x12a: {  	v8 =	vperm.xlane v7, v1;
	_ =	sdelay $0x1  }
0x12b: {  	v7 =	vor.u32 v7, v8  }
0x12c: {  	v8 =	vperm.xlane v7, v2;
	_ =	sdelay $0x1  }
0x12d: {  	v7 =	vor.u32 v8, v7  }
0x12e: {  	v8 =	vperm.xlane v7, v4;
	_ =	sdelay $0x1  }
0x12f: {  	v7 =	vor.u32 v8, v7  }
0x130: {  	v8 =	vperm.xlane v7, v6;
	_ =	sdelay $0x1  }
0x131: {  	v7 =	vor.u32 v8, v7  }
0x132: {  	(v2sf) =	vpush v7, $0x0;
	_ =	sdelay $0xe  }
0x133: {  	s1 =	spop (v2sf)  }
0x134: {  	s31 =	smulhi.u32 $0xAAAAAAAB, s28;
	p0 =	slt.s32 s1, $0x1  }
.Ltmp4:
0x135: {  	_ = 	snop;
	(pc) =	sbr.rel @p0 .LBB2_6-.Ltmp4, $3  }
0x136: {  	s0 =	sshrl.u32 s31, $0x2  }
0x137: {  	s0 =	smul.u32 $0xFFFD0000, s0;
	_ =	sdelay $0x1  }
0x138: {  	s7 =	sshra.s32 s0, $0x2  }
0x139: {  	v8 =	vld [tilespmem:s22+$0x0];
	_ =	sdelay $0x4  }
0x13a: {  	(v2sf) =	vpush v8, $0x0;
	_ =	sdelay $0x3  }
0x13b: {  	(v2sf) =	vpush v8, $0x1;
	_ =	sdelay $0x3  }
0x13c: {  	(v2sf) =	vpush v8, $0x2;
	_ =	sdelay $0x3  }
0x13d: {  	s0 =	sadd.s32 s7, s24;
	(v2sf) =	vpush v8, $0x3  }
0x13e: {  	v7 =	vmov s0;
	_ =	sdelay $0x1  }
0x13f: {  	s1 =	spop (v2sf)  }
0x140: {  	(v2sf) =	vpush v8, $0x4;
	p0 =	sne.s32 s1, $0x0  }
0x141: {  	s0 =	simm.s32 @!p0 $0x0;
	v9 =	vimm.f32 @!p0 $0.0e+00  }
0x142: {  	[tilespmem:v7+s0+$0x0 ss:$0x1] =	vst.idx.msk @!p0 $0xffff, v9  }
0x143: {  	s1 =	spop (v2sf);
	[tilespmem:v7+s0+$0x10 ss:$0x1] =	vst.idx.msk @!p0 $0xffff, v9  }
0x144: {  	(v2sf) =	vpush v8, $0x5;
	p1 =	sne.s32 s1, $0x0;
	[tilespmem:v7+s0+$0x20 ss:$0x1] =	vst.idx.msk @!p0 $0xffff, v9  }
0x145: {  	[tilespmem:v7+s0+$0x30 ss:$0x1] =	vst.idx.msk @!p0 $0xffff, v9;
	s0 =	simm.s32 @!p1 $0x0;
	v9 =	vimm.f32 @!p1 $0.0e+00  }
0x146: {  	[tilespmem:v7+s0+$0x40 ss:$0x1] =	vst.idx.msk @!p1 $0xffff, v9  }
0x147: {  	s9 =	spop (v2sf);
	[tilespmem:v7+s0+$0x50 ss:$0x1] =	vst.idx.msk @!p1 $0xffff, v9  }
0x148: {  	(v2sf) =	vpush v8, $0x6;
	p0 =	sne.s32 s9, $0x0;
	[tilespmem:v7+s0+$0x60 ss:$0x1] =	vst.idx.msk @!p1 $0xffff, v9  }
0x149: {  	[tilespmem:v7+s0+$0x70 ss:$0x1] =	vst.idx.msk @!p1 $0xffff, v9;
	s0 =	simm.s32 @!p0 $0x0;
	v9 =	vimm.f32 @!p0 $0.0e+00  }
0x14a: {  	[tilespmem:v7+s0+$0x80 ss:$0x1] =	vst.idx.msk @!p0 $0xffff, v9  }
0x14b: {  	s10 =	spop (v2sf);
	[tilespmem:v7+s0+$0x90 ss:$0x1] =	vst.idx.msk @!p0 $0xffff, v9  }
0x14c: {  	(v2sf) =	vpush v8, $0x7;
	p1 =	sne.s32 s10, $0x0;
	[tilespmem:v7+s0+$0xA0 ss:$0x1] =	vst.idx.msk @!p0 $0xffff, v9  }
0x14d: {  	[tilespmem:v7+s0+$0xB0 ss:$0x1] =	vst.idx.msk @!p0 $0xffff, v9;
	s0 =	simm.s32 @!p1 $0x0;
	v9 =	vimm.f32 @!p1 $0.0e+00  }
0x14e: {  	[tilespmem:v7+s0+$0xC0 ss:$0x1] =	vst.idx.msk @!p1 $0xffff, v9  }
0x14f: {  	s11 =	spop (v2sf);
	[tilespmem:v7+s0+$0xD0 ss:$0x1] =	vst.idx.msk @!p1 $0xffff, v9  }
0x150: {  	(v2sf) =	vpush v8, $0x8;
	p0 =	sne.s32 s11, $0x0;
	[tilespmem:v7+s0+$0xE0 ss:$0x1] =	vst.idx.msk @!p1 $0xffff, v9  }
0x151: {  	[tilespmem:v7+s0+$0xF0 ss:$0x1] =	vst.idx.msk @!p1 $0xffff, v9;
	s0 =	simm.s32 @!p0 $0x0;
	v9 =	vimm.f32 @!p0 $0.0e+00  }
0x152: {  	[tilespmem:v7+s0+$0x100 ss:$0x1] =	vst.idx.msk @!p0 $0xffff, v9  }
0x153: {  	s12 =	spop (v2sf);
	[tilespmem:v7+s0+$0x110 ss:$0x1] =	vst.idx.msk @!p0 $0xffff, v9  }
0x154: {  	(v2sf) =	vpush v8, $0x9;
	p1 =	sne.s32 s12, $0x0;
	[tilespmem:v7+s0+$0x120 ss:$0x1] =	vst.idx.msk @!p0 $0xffff, v9  }
0x155: {  	[tilespmem:v7+s0+$0x130 ss:$0x1] =	vst.idx.msk @!p0 $0xffff, v9;
	s0 =	simm.s32 @!p1 $0x0;
	v9 =	vimm.f32 @!p1 $0.0e+00  }
0x156: {  	[tilespmem:v7+s0+$0x140 ss:$0x1] =	vst.idx.msk @!p1 $0xffff, v9  }
0x157: {  	s13 =	spop (v2sf);
	[tilespmem:v7+s0+$0x150 ss:$0x1] =	vst.idx.msk @!p1 $0xffff, v9  }
0x158: {  	(v2sf) =	vpush v8, $0xA;
	p0 =	sne.s32 s13, $0x0;
	[tilespmem:v7+s0+$0x160 ss:$0x1] =	vst.idx.msk @!p1 $0xffff, v9  }
0x159: {  	[tilespmem:v7+s0+$0x170 ss:$0x1] =	vst.idx.msk @!p1 $0xffff, v9;
	s0 =	simm.s32 @!p0 $0x0;
	v9 =	vimm.f32 @!p0 $0.0e+00  }
0x15a: {  	[tilespmem:v7+s0+$0x180 ss:$0x1] =	vst.idx.msk @!p0 $0xffff, v9  }
0x15b: {  	s15 =	spop (v2sf);
	[tilespmem:v7+s0+$0x190 ss:$0x1] =	vst.idx.msk @!p0 $0xffff, v9  }
0x15c: {  	(v2sf) =	vpush v8, $0xB;
	p1 =	sne.s32 s15, $0x0;
	[tilespmem:v7+s0+$0x1A0 ss:$0x1] =	vst.idx.msk @!p0 $0xffff, v9  }
0x15d: {  	[tilespmem:v7+s0+$0x1B0 ss:$0x1] =	vst.idx.msk @!p0 $0xffff, v9;
	s0 =	simm.s32 @!p1 $0x0;
	v9 =	vimm.f32 @!p1 $0.0e+00  }
0x15e: {  	[tilespmem:v7+s0+$0x1C0 ss:$0x1] =	vst.idx.msk @!p1 $0xffff, v9  }
0x15f: {  	s16 =	spop (v2sf);
	[tilespmem:v7+s0+$0x1D0 ss:$0x1] =	vst.idx.msk @!p1 $0xffff, v9  }
0x160: {  	(v2sf) =	vpush v8, $0xC;
	p0 =	sne.s32 s16, $0x0;
	[tilespmem:v7+s0+$0x1E0 ss:$0x1] =	vst.idx.msk @!p1 $0xffff, v9  }
0x161: {  	[tilespmem:v7+s0+$0x1F0 ss:$0x1] =	vst.idx.msk @!p1 $0xffff, v9;
	s0 =	simm.s32 @!p0 $0x0;
	v9 =	vimm.f32 @!p0 $0.0e+00  }
0x162: {  	[tilespmem:v7+s0+$0x200 ss:$0x1] =	vst.idx.msk @!p0 $0xffff, v9  }
0x163: {  	s17 =	spop (v2sf);
	[tilespmem:v7+s0+$0x210 ss:$0x1] =	vst.idx.msk @!p0 $0xffff, v9  }
0x164: {  	(v2sf) =	vpush v8, $0xD;
	p1 =	sne.s32 s17, $0x0;
	[tilespmem:v7+s0+$0x220 ss:$0x1] =	vst.idx.msk @!p0 $0xffff, v9  }
0x165: {  	[tilespmem:v7+s0+$0x230 ss:$0x1] =	vst.idx.msk @!p0 $0xffff, v9;
	s0 =	simm.s32 @!p1 $0x0;
	v9 =	vimm.f32 @!p1 $0.0e+00  }
0x166: {  	[tilespmem:v7+s0+$0x240 ss:$0x1] =	vst.idx.msk @!p1 $0xffff, v9  }
0x167: {  	s18 =	spop (v2sf);
	[tilespmem:v7+s0+$0x250 ss:$0x1] =	vst.idx.msk @!p1 $0xffff, v9  }
0x168: {  	(v2sf) =	vpush v8, $0xE;
	p0 =	sne.s32 s18, $0x0;
	[tilespmem:v7+s0+$0x260 ss:$0x1] =	vst.idx.msk @!p1 $0xffff, v9  }
0x169: {  	[tilespmem:v7+s0+$0x270 ss:$0x1] =	vst.idx.msk @!p1 $0xffff, v9;
	s0 =	simm.s32 @!p0 $0x0;
	v9 =	vimm.f32 @!p0 $0.0e+00  }
0x16a: {  	[tilespmem:v7+s0+$0x280 ss:$0x1] =	vst.idx.msk @!p0 $0xffff, v9  }
0x16b: {  	s19 =	spop (v2sf);
	[tilespmem:v7+s0+$0x290 ss:$0x1] =	vst.idx.msk @!p0 $0xffff, v9  }
0x16c: {  	(v2sf) =	vpush v8, $0xF;
	p1 =	sne.s32 s19, $0x0;
	[tilespmem:v7+s0+$0x2A0 ss:$0x1] =	vst.idx.msk @!p0 $0xffff, v9  }
0x16d: {  	v8 =	vimm.f32 @!p1 $0.0e+00;
	[tilespmem:v7+s0+$0x2B0 ss:$0x1] =	vst.idx.msk @!p0 $0xffff, v9;
	s0 =	simm.s32 @!p1 $0x0  }
0x16e: {  	[tilespmem:v7+s0+$0x2C0 ss:$0x1] =	vst.idx.msk @!p1 $0xffff, v8  }
0x16f: {  	s20 =	spop (v2sf);
	[tilespmem:v7+s0+$0x2D0 ss:$0x1] =	vst.idx.msk @!p1 $0xffff, v8  }
0x170: {  	p0 =	sne.s32 s20, $0x0;
	[tilespmem:v7+s0+$0x2E0 ss:$0x1] =	vst.idx.msk @!p1 $0xffff, v8  }
0x171: {  	[tilespmem:v7+s0+$0x2F0 ss:$0x1] =	vst.idx.msk @!p1 $0xffff, v8;
	s0 =	simm.s32 @!p0 $0x0;
	v8 =	vimm.f32 @!p0 $0.0e+00  }
0x172: {  	[tilespmem:v7+s0+$0x300 ss:$0x1] =	vst.idx.msk @!p0 $0xffff, v8  }
0x173: {  	s21 =	spop (v2sf);
	[tilespmem:v7+s0+$0x310 ss:$0x1] =	vst.idx.msk @!p0 $0xffff, v8  }
0x174: {  	p1 =	sne.s32 s21, $0x0;
	[tilespmem:v7+s0+$0x320 ss:$0x1] =	vst.idx.msk @!p0 $0xffff, v8  }
0x175: {  	[tilespmem:v7+s0+$0x330 ss:$0x1] =	vst.idx.msk @!p0 $0xffff, v8;
	s0 =	simm.s32 @!p1 $0x0;
	v8 =	vimm.f32 @!p1 $0.0e+00  }
0x176: {  	[tilespmem:v7+s0+$0x340 ss:$0x1] =	vst.idx.msk @!p1 $0xffff, v8  }
0x177: {  	s23 =	spop (v2sf);
	[tilespmem:v7+s0+$0x350 ss:$0x1] =	vst.idx.msk @!p1 $0xffff, v8  }
0x178: {  	p0 =	sne.s32 s23, $0x0;
	[tilespmem:v7+s0+$0x360 ss:$0x1] =	vst.idx.msk @!p1 $0xffff, v8  }
0x179: {  	[tilespmem:v7+s0+$0x370 ss:$0x1] =	vst.idx.msk @!p1 $0xffff, v8;
	s0 =	simm.s32 @!p0 $0x0;
	v8 =	vimm.f32 @!p0 $0.0e+00  }
0x17a: {  	[tilespmem:v7+s0+$0x380 ss:$0x1] =	vst.idx.msk @!p0 $0xffff, v8  }
0x17b: {  	s31 =	spop (v2sf);
	[tilespmem:v7+s0+$0x390 ss:$0x1] =	vst.idx.msk @!p0 $0xffff, v8  }
0x17c: {  	p1 =	sne.s32 s31, $0x0;
	[tilespmem:v7+s0+$0x3A0 ss:$0x1] =	vst.idx.msk @!p0 $0xffff, v8  }
0x17d: {  	[tilespmem:v7+s0+$0x3B0 ss:$0x1] =	vst.idx.msk @!p0 $0xffff, v8;
	s0 =	simm.s32 @!p1 $0x0;
	v8 =	vimm.f32 @!p1 $0.0e+00  }
0x17e: {  	[tilespmem:v7+s0+$0x3C0 ss:$0x1] =	vst.idx.msk @!p1 $0xffff, v8  }
0x17f: {  	[tilespmem:v7+s0+$0x3D0 ss:$0x1] =	vst.idx.msk @!p1 $0xffff, v8  }
0x180: {  	s9 =	simm.s32 $0x1000;
	s23 =	smov.u32 s22;
	[tilespmem:v7+s0+$0x3E0 ss:$0x1] =	vst.idx.msk @!p1 $0xffff, v8  }
.LBB2_4:
0x181: {  	[tilespmem:v7+s0+$0x3F0 ss:$0x1] =	vst.idx.msk @!p1 $0xffff, v8;
	s23 =	sadd.s32 $0x10, s23;
	s10 =	smov.u32 s9;
	s9 =	sadd.s32 $0x1000, s9  }
0x182: {  	v8 =	vld [tilespmem:s23+$0x0];
	p0 =	sne.s32 s9, $0x8000;
	_ =	sdelay $0x4  }
0x183: {  	(v2sf) =	vpush v8, $0x0  }
0x184: {  	(v2sf) =	vpush v8, $0x1  }
0x185: {  	(v2sf) =	vpush v8, $0x2  }
0x186: {  	(v2sf) =	vpush v8, $0x3  }
0x187: {  	(v2sf) =	vpush v8, $0x4  }
0x188: {  	(v2sf) =	vpush v8, $0x5  }
0x189: {  	(v2sf) =	vpush v8, $0x6  }
0x18a: {  	(v2sf) =	vpush v8, $0x7  }
0x18b: {  	(v2sf) =	vpush v8, $0x8  }
0x18c: {  	(v2sf) =	vpush v8, $0x9  }
0x18d: {  	(v2sf) =	vpush v8, $0xA  }
0x18e: {  	(v2sf) =	vpush v8, $0xB  }
0x18f: {  	(v2sf) =	vpush v8, $0xC  }
0x190: {  	(v2sf) =	vpush v8, $0xD  }
0x191: {  	(v2sf) =	vpush v8, $0xE  }
0x192: {  	s0 =	spop (v2sf);
	(v2sf) =	vpush v8, $0xF  }
0x193: {  	p2 =	sne.s32 s0, $0x0;
	s0 =	spop (v2sf)  }
0x194: {  	s1 =	sshra.s32 @!p2 s10, $0x2;
	v8 =	vimm.f32 @!p2 $0.0e+00;
	s11 =	spop (v2sf)  }
0x195: {  	[tilespmem:v7+s1+$0x0 ss:$0x1] =	vst.idx.msk @!p2 $0xffff, v8;
	s31 =	spop (v2sf)  }
0x196: {  	[tilespmem:v7+s1+$0x10 ss:$0x1] =	vst.idx.msk @!p2 $0xffff, v8;
	s18 =	spop (v2sf)  }
0x197: {  	p1 =	sne.s32 s0, $0x0;
	[tilespmem:v7+s1+$0x20 ss:$0x1] =	vst.idx.msk @!p2 $0xffff, v8;
	s19 =	spop (v2sf)  }
0x198: {  	s0 =	sshra.s32 @!p1 s10, $0x2;
	[tilespmem:v7+s1+$0x30 ss:$0x1] =	vst.idx.msk @!p2 $0xffff, v8;
	v8 =	vimm.f32 @!p1 $0.0e+00;
	s20 =	spop (v2sf)  }
0x199: {  	[tilespmem:v7+s0+$0x40 ss:$0x1] =	vst.idx.msk @!p1 $0xffff, v8;
	s17 =	spop (v2sf)  }
0x19a: {  	[tilespmem:v7+s0+$0x50 ss:$0x1] =	vst.idx.msk @!p1 $0xffff, v8;
	s16 =	spop (v2sf)  }
0x19b: {  	p2 =	sne.s32 s11, $0x0;
	[tilespmem:v7+s0+$0x60 ss:$0x1] =	vst.idx.msk @!p1 $0xffff, v8;
	s15 =	spop (v2sf)  }
0x19c: {  	s1 =	sshra.s32 @!p2 s10, $0x2;
	[tilespmem:v7+s0+$0x70 ss:$0x1] =	vst.idx.msk @!p1 $0xffff, v8;
	v8 =	vimm.f32 @!p2 $0.0e+00;
	s13 =	spop (v2sf)  }
0x19d: {  	[tilespmem:v7+s1+$0x80 ss:$0x1] =	vst.idx.msk @!p2 $0xffff, v8;
	s12 =	spop (v2sf)  }
0x19e: {  	[tilespmem:v7+s1+$0x90 ss:$0x1] =	vst.idx.msk @!p2 $0xffff, v8;
	s11 =	spop (v2sf)  }
0x19f: {  	p1 =	sne.s32 s31, $0x0;
	[tilespmem:v7+s1+$0xA0 ss:$0x1] =	vst.idx.msk @!p2 $0xffff, v8;
	s0 =	spop (v2sf)  }
0x1a0: {  	s21 =	sshra.s32 @!p1 s10, $0x2;
	[tilespmem:v7+s1+$0xB0 ss:$0x1] =	vst.idx.msk @!p2 $0xffff, v8;
	v8 =	vimm.f32 @!p1 $0.0e+00;
	s1 =	spop (v2sf)  }
0x1a1: {  	[tilespmem:v7+s21+$0xC0 ss:$0x1] =	vst.idx.msk @!p1 $0xffff, v8;
	s31 =	spop (v2sf)  }
0x1a2: {  	[tilespmem:v7+s21+$0xD0 ss:$0x1] =	vst.idx.msk @!p1 $0xffff, v8  }
0x1a3: {  	p2 =	sne.s32 s18, $0x0;
	[tilespmem:v7+s21+$0xE0 ss:$0x1] =	vst.idx.msk @!p1 $0xffff, v8  }
0x1a4: {  	s18 =	sshra.s32 @!p2 s10, $0x2;
	[tilespmem:v7+s21+$0xF0 ss:$0x1] =	vst.idx.msk @!p1 $0xffff, v8;
	v8 =	vimm.f32 @!p2 $0.0e+00  }
0x1a5: {  	[tilespmem:v7+s18+$0x100 ss:$0x1] =	vst.idx.msk @!p2 $0xffff, v8  }
0x1a6: {  	[tilespmem:v7+s18+$0x110 ss:$0x1] =	vst.idx.msk @!p2 $0xffff, v8  }
0x1a7: {  	p1 =	sne.s32 s19, $0x0;
	[tilespmem:v7+s18+$0x120 ss:$0x1] =	vst.idx.msk @!p2 $0xffff, v8  }
0x1a8: {  	[tilespmem:v7+s18+$0x130 ss:$0x1] =	vst.idx.msk @!p2 $0xffff, v8;
	s18 =	sshra.s32 @!p1 s10, $0x2;
	v8 =	vimm.f32 @!p1 $0.0e+00  }
0x1a9: {  	[tilespmem:v7+s18+$0x140 ss:$0x1] =	vst.idx.msk @!p1 $0xffff, v8  }
0x1aa: {  	[tilespmem:v7+s18+$0x150 ss:$0x1] =	vst.idx.msk @!p1 $0xffff, v8  }
0x1ab: {  	p2 =	sne.s32 s20, $0x0;
	[tilespmem:v7+s18+$0x160 ss:$0x1] =	vst.idx.msk @!p1 $0xffff, v8  }
0x1ac: {  	[tilespmem:v7+s18+$0x170 ss:$0x1] =	vst.idx.msk @!p1 $0xffff, v8;
	s18 =	sshra.s32 @!p2 s10, $0x2;
	v8 =	vimm.f32 @!p2 $0.0e+00  }
0x1ad: {  	[tilespmem:v7+s18+$0x180 ss:$0x1] =	vst.idx.msk @!p2 $0xffff, v8  }
0x1ae: {  	[tilespmem:v7+s18+$0x190 ss:$0x1] =	vst.idx.msk @!p2 $0xffff, v8  }
0x1af: {  	p1 =	sne.s32 s17, $0x0;
	[tilespmem:v7+s18+$0x1A0 ss:$0x1] =	vst.idx.msk @!p2 $0xffff, v8  }
0x1b0: {  	s17 =	sshra.s32 @!p1 s10, $0x2;
	[tilespmem:v7+s18+$0x1B0 ss:$0x1] =	vst.idx.msk @!p2 $0xffff, v8;
	v8 =	vimm.f32 @!p1 $0.0e+00  }
0x1b1: {  	[tilespmem:v7+s17+$0x1C0 ss:$0x1] =	vst.idx.msk @!p1 $0xffff, v8  }
0x1b2: {  	[tilespmem:v7+s17+$0x1D0 ss:$0x1] =	vst.idx.msk @!p1 $0xffff, v8  }
0x1b3: {  	p2 =	sne.s32 s16, $0x0;
	[tilespmem:v7+s17+$0x1E0 ss:$0x1] =	vst.idx.msk @!p1 $0xffff, v8  }
0x1b4: {  	s16 =	sshra.s32 @!p2 s10, $0x2;
	[tilespmem:v7+s17+$0x1F0 ss:$0x1] =	vst.idx.msk @!p1 $0xffff, v8;
	v8 =	vimm.f32 @!p2 $0.0e+00  }
0x1b5: {  	[tilespmem:v7+s16+$0x200 ss:$0x1] =	vst.idx.msk @!p2 $0xffff, v8  }
0x1b6: {  	[tilespmem:v7+s16+$0x210 ss:$0x1] =	vst.idx.msk @!p2 $0xffff, v8  }
0x1b7: {  	p1 =	sne.s32 s15, $0x0;
	[tilespmem:v7+s16+$0x220 ss:$0x1] =	vst.idx.msk @!p2 $0xffff, v8  }
0x1b8: {  	s15 =	sshra.s32 @!p1 s10, $0x2;
	[tilespmem:v7+s16+$0x230 ss:$0x1] =	vst.idx.msk @!p2 $0xffff, v8;
	v8 =	vimm.f32 @!p1 $0.0e+00  }
0x1b9: {  	[tilespmem:v7+s15+$0x240 ss:$0x1] =	vst.idx.msk @!p1 $0xffff, v8  }
0x1ba: {  	[tilespmem:v7+s15+$0x250 ss:$0x1] =	vst.idx.msk @!p1 $0xffff, v8  }
0x1bb: {  	p2 =	sne.s32 s13, $0x0;
	[tilespmem:v7+s15+$0x260 ss:$0x1] =	vst.idx.msk @!p1 $0xffff, v8  }
0x1bc: {  	s13 =	sshra.s32 @!p2 s10, $0x2;
	[tilespmem:v7+s15+$0x270 ss:$0x1] =	vst.idx.msk @!p1 $0xffff, v8;
	v8 =	vimm.f32 @!p2 $0.0e+00  }
0x1bd: {  	[tilespmem:v7+s13+$0x280 ss:$0x1] =	vst.idx.msk @!p2 $0xffff, v8  }
0x1be: {  	[tilespmem:v7+s13+$0x290 ss:$0x1] =	vst.idx.msk @!p2 $0xffff, v8  }
0x1bf: {  	p1 =	sne.s32 s12, $0x0;
	[tilespmem:v7+s13+$0x2A0 ss:$0x1] =	vst.idx.msk @!p2 $0xffff, v8  }
0x1c0: {  	s12 =	sshra.s32 @!p1 s10, $0x2;
	[tilespmem:v7+s13+$0x2B0 ss:$0x1] =	vst.idx.msk @!p2 $0xffff, v8;
	v8 =	vimm.f32 @!p1 $0.0e+00  }
0x1c1: {  	[tilespmem:v7+s12+$0x2C0 ss:$0x1] =	vst.idx.msk @!p1 $0xffff, v8  }
0x1c2: {  	[tilespmem:v7+s12+$0x2D0 ss:$0x1] =	vst.idx.msk @!p1 $0xffff, v8  }
0x1c3: {  	p2 =	sne.s32 s11, $0x0;
	[tilespmem:v7+s12+$0x2E0 ss:$0x1] =	vst.idx.msk @!p1 $0xffff, v8  }
0x1c4: {  	s11 =	sshra.s32 @!p2 s10, $0x2;
	[tilespmem:v7+s12+$0x2F0 ss:$0x1] =	vst.idx.msk @!p1 $0xffff, v8;
	v8 =	vimm.f32 @!p2 $0.0e+00  }
0x1c5: {  	[tilespmem:v7+s11+$0x300 ss:$0x1] =	vst.idx.msk @!p2 $0xffff, v8  }
0x1c6: {  	[tilespmem:v7+s11+$0x310 ss:$0x1] =	vst.idx.msk @!p2 $0xffff, v8  }
0x1c7: {  	p1 =	sne.s32 s0, $0x0;
	[tilespmem:v7+s11+$0x320 ss:$0x1] =	vst.idx.msk @!p2 $0xffff, v8  }
0x1c8: {  	s0 =	sshra.s32 @!p1 s10, $0x2;
	[tilespmem:v7+s11+$0x330 ss:$0x1] =	vst.idx.msk @!p2 $0xffff, v8;
	v8 =	vimm.f32 @!p1 $0.0e+00  }
0x1c9: {  	[tilespmem:v7+s0+$0x340 ss:$0x1] =	vst.idx.msk @!p1 $0xffff, v8  }
0x1ca: {  	[tilespmem:v7+s0+$0x350 ss:$0x1] =	vst.idx.msk @!p1 $0xffff, v8  }
0x1cb: {  	p2 =	sne.s32 s1, $0x0;
	[tilespmem:v7+s0+$0x360 ss:$0x1] =	vst.idx.msk @!p1 $0xffff, v8  }
0x1cc: {  	[tilespmem:v7+s0+$0x370 ss:$0x1] =	vst.idx.msk @!p1 $0xffff, v8;
	s0 =	sshra.s32 @!p2 s10, $0x2;
	v8 =	vimm.f32 @!p2 $0.0e+00  }
0x1cd: {  	[tilespmem:v7+s0+$0x380 ss:$0x1] =	vst.idx.msk @!p2 $0xffff, v8  }
0x1ce: {  	[tilespmem:v7+s0+$0x390 ss:$0x1] =	vst.idx.msk @!p2 $0xffff, v8  }
.Ltmp5:
0x1cf: {  	p1 =	sne.s32 s31, $0x0;
	[tilespmem:v7+s0+$0x3A0 ss:$0x1] =	vst.idx.msk @!p2 $0xffff, v8;
	(pc) =	sbr.rel @p0 .LBB2_4-.Ltmp5, $4  }
0x1d0: {  	[tilespmem:v7+s0+$0x3B0 ss:$0x1] =	vst.idx.msk @!p2 $0xffff, v8;
	s0 =	sshra.s32 @!p1 s10, $0x2;
	v8 =	vimm.f32 @!p1 $0.0e+00  }
0x1d1: {  	[tilespmem:v7+s0+$0x3C0 ss:$0x1] =	vst.idx.msk @!p1 $0xffff, v8  }
0x1d2: {  	[tilespmem:v7+s0+$0x3D0 ss:$0x1] =	vst.idx.msk @!p1 $0xffff, v8  }
0x1d3: {  	[tilespmem:v7+s0+$0x3E0 ss:$0x1] =	vst.idx.msk @!p1 $0xffff, v8  }
0x1d4: {  	_ =	sdelay $0x3  }
0x1d5: {  	[tilespmem:v7+s0+$0x3F0 ss:$0x1] =	vst.idx.msk @!p1 $0xffff, v8  }
.LBB2_6:
0x1d6: {  	s0 =	sor.u32 $0x10, s14;
	v7 =	vld [tilespmem:s14+$0x4B00]  }
0x1d7: {  	s1 =	sor.u32 $0x20, s14;
	v8 =	vld [tilespmem:s0+$0x4B00]  }
0x1d8: {  	s18 =	sor.u32 $0x30, s14;
	v9 =	vld [tilespmem:s1+$0x4B00]  }
0x1d9: {  	s19 =	sor.u32 $0x40, s14;
	v10 =	vld [tilespmem:s18+$0x4B00]  }
0x1da: {  	s20 =	sor.u32 $0x50, s14;
	v11 =	vld [tilespmem:s19+$0x4B00]  }
0x1db: {  	s21 =	sor.u32 $0x60, s14;
	v12 =	vld [tilespmem:s20+$0x4B00]  }
0x1dc: {  	s23 =	sor.u32 $0x70, s14;
	vm1 =	veq.s32 v7, $0x0;
	v7 =	vld [tilespmem:s21+$0x4B00];
	vm2 =	veq.s32 v8, $0x0  }
0x1dd: {  	v8 =	vld [tilespmem:s23+$0x4B00];
	vm1 =	vmor vm1, vm2;
	vm2 =	veq.s32 v9, $0x0  }
0x1de: {  	vm1 =	vmor vm1, vm2;
	vm2 =	veq.s32 v10, $0x0  }
0x1df: {  	vm1 =	vmor vm1, vm2;
	vm2 =	veq.s32 v11, $0x0  }
0x1e0: {  	vm1 =	vmor vm1, vm2;
	vm2 =	veq.s32 v12, $0x0  }
0x1e1: {  	vm1 =	vmor vm1, vm2;
	vm2 =	veq.s32 v7, $0x0  }
0x1e2: {  	vm1 =	vmor vm1, vm2;
	vm2 =	veq.s32 v8, $0x0  }
0x1e3: {  	vm1 =	vmor vm1, vm2  }
0x1e4: {  	v7 =	vsel vm1, $0x1, v5  }
0x1e5: {  	v8 =	vperm.xlane v7, v1;
	_ =	sdelay $0x1  }
0x1e6: {  	v7 =	vor.u32 v7, v8  }
0x1e7: {  	v8 =	vperm.xlane v7, v2;
	_ =	sdelay $0x1  }
0x1e8: {  	v7 =	vor.u32 v8, v7  }
0x1e9: {  	v8 =	vperm.xlane v7, v4;
	_ =	sdelay $0x1  }
0x1ea: {  	v7 =	vor.u32 v8, v7  }
0x1eb: {  	v8 =	vperm.xlane v7, v6;
	_ =	sdelay $0x1  }
0x1ec: {  	v7 =	vor.u32 v8, v7  }
0x1ed: {  	(v2sf) =	vpush v7, $0x0;
	_ =	sdelay $0xe  }
0x1ee: {  	s31 =	spop (v2sf)  }
0x1ef: {  	p0 =	slt.s32 s31, $0x1  }
.Ltmp6:
0x1f0: {  	_ = 	snop;
	(pc) =	sbr.rel @p0 .LBB2_10-.Ltmp6, $1  }
0x1f1: {  	_ =	sdelay $0x3  }
0x1f2: {  	v8 =	vld [tilespmem:s3+$0x0];
	_ =	sdelay $0x4  }
0x1f3: {  	(v2sf) =	vpush v8, $0x0;
	_ =	sdelay $0x3  }
0x1f4: {  	(v2sf) =	vpush v8, $0x1;
	_ =	sdelay $0x3  }
0x1f5: {  	(v2sf) =	vpush v8, $0x2;
	_ =	sdelay $0x3  }
0x1f6: {  	s0 =	sadd.s32 s7, s26;
	(v2sf) =	vpush v8, $0x3  }
0x1f7: {  	v7 =	vmov s0;
	_ =	sdelay $0x1  }
0x1f8: {  	s7 =	spop (v2sf)  }
0x1f9: {  	(v2sf) =	vpush v8, $0x4;
	p0 =	sne.s32 s7, $0x0  }
0x1fa: {  	s0 =	simm.s32 @!p0 $0x0;
	v9 =	vimm.f32 @!p0 $0.0e+00  }
0x1fb: {  	[tilespmem:v7+s0+$0x0 ss:$0x1] =	vst.idx.msk @!p0 $0xffff, v9  }
0x1fc: {  	s1 =	spop (v2sf);
	[tilespmem:v7+s0+$0x10 ss:$0x1] =	vst.idx.msk @!p0 $0xffff, v9  }
0x1fd: {  	(v2sf) =	vpush v8, $0x5;
	p1 =	sne.s32 s1, $0x0;
	[tilespmem:v7+s0+$0x20 ss:$0x1] =	vst.idx.msk @!p0 $0xffff, v9  }
0x1fe: {  	[tilespmem:v7+s0+$0x30 ss:$0x1] =	vst.idx.msk @!p0 $0xffff, v9;
	s0 =	simm.s32 @!p1 $0x0;
	v9 =	vimm.f32 @!p1 $0.0e+00  }
0x1ff: {  	[tilespmem:v7+s0+$0x40 ss:$0x1] =	vst.idx.msk @!p1 $0xffff, v9  }
0x200: {  	s9 =	spop (v2sf);
	[tilespmem:v7+s0+$0x50 ss:$0x1] =	vst.idx.msk @!p1 $0xffff, v9  }
0x201: {  	(v2sf) =	vpush v8, $0x6;
	p0 =	sne.s32 s9, $0x0;
	[tilespmem:v7+s0+$0x60 ss:$0x1] =	vst.idx.msk @!p1 $0xffff, v9  }
0x202: {  	[tilespmem:v7+s0+$0x70 ss:$0x1] =	vst.idx.msk @!p1 $0xffff, v9;
	s0 =	simm.s32 @!p0 $0x0;
	v9 =	vimm.f32 @!p0 $0.0e+00  }
0x203: {  	[tilespmem:v7+s0+$0x80 ss:$0x1] =	vst.idx.msk @!p0 $0xffff, v9  }
0x204: {  	s10 =	spop (v2sf);
	[tilespmem:v7+s0+$0x90 ss:$0x1] =	vst.idx.msk @!p0 $0xffff, v9  }
0x205: {  	(v2sf) =	vpush v8, $0x7;
	p1 =	sne.s32 s10, $0x0;
	[tilespmem:v7+s0+$0xA0 ss:$0x1] =	vst.idx.msk @!p0 $0xffff, v9  }
0x206: {  	[tilespmem:v7+s0+$0xB0 ss:$0x1] =	vst.idx.msk @!p0 $0xffff, v9;
	s0 =	simm.s32 @!p1 $0x0;
	v9 =	vimm.f32 @!p1 $0.0e+00  }
0x207: {  	[tilespmem:v7+s0+$0xC0 ss:$0x1] =	vst.idx.msk @!p1 $0xffff, v9  }
0x208: {  	s11 =	spop (v2sf);
	[tilespmem:v7+s0+$0xD0 ss:$0x1] =	vst.idx.msk @!p1 $0xffff, v9  }
0x209: {  	(v2sf) =	vpush v8, $0x8;
	p0 =	sne.s32 s11, $0x0;
	[tilespmem:v7+s0+$0xE0 ss:$0x1] =	vst.idx.msk @!p1 $0xffff, v9  }
0x20a: {  	[tilespmem:v7+s0+$0xF0 ss:$0x1] =	vst.idx.msk @!p1 $0xffff, v9;
	s0 =	simm.s32 @!p0 $0x0;
	v9 =	vimm.f32 @!p0 $0.0e+00  }
0x20b: {  	[tilespmem:v7+s0+$0x100 ss:$0x1] =	vst.idx.msk @!p0 $0xffff, v9  }
0x20c: {  	s12 =	spop (v2sf);
	[tilespmem:v7+s0+$0x110 ss:$0x1] =	vst.idx.msk @!p0 $0xffff, v9  }
0x20d: {  	(v2sf) =	vpush v8, $0x9;
	p1 =	sne.s32 s12, $0x0;
	[tilespmem:v7+s0+$0x120 ss:$0x1] =	vst.idx.msk @!p0 $0xffff, v9  }
0x20e: {  	[tilespmem:v7+s0+$0x130 ss:$0x1] =	vst.idx.msk @!p0 $0xffff, v9;
	s0 =	simm.s32 @!p1 $0x0;
	v9 =	vimm.f32 @!p1 $0.0e+00  }
0x20f: {  	[tilespmem:v7+s0+$0x140 ss:$0x1] =	vst.idx.msk @!p1 $0xffff, v9  }
0x210: {  	s13 =	spop (v2sf);
	[tilespmem:v7+s0+$0x150 ss:$0x1] =	vst.idx.msk @!p1 $0xffff, v9  }
0x211: {  	(v2sf) =	vpush v8, $0xA;
	p0 =	sne.s32 s13, $0x0;
	[tilespmem:v7+s0+$0x160 ss:$0x1] =	vst.idx.msk @!p1 $0xffff, v9  }
0x212: {  	[tilespmem:v7+s0+$0x170 ss:$0x1] =	vst.idx.msk @!p1 $0xffff, v9;
	s0 =	simm.s32 @!p0 $0x0;
	v9 =	vimm.f32 @!p0 $0.0e+00  }
0x213: {  	[tilespmem:v7+s0+$0x180 ss:$0x1] =	vst.idx.msk @!p0 $0xffff, v9  }
0x214: {  	s15 =	spop (v2sf);
	[tilespmem:v7+s0+$0x190 ss:$0x1] =	vst.idx.msk @!p0 $0xffff, v9  }
0x215: {  	(v2sf) =	vpush v8, $0xB;
	p1 =	sne.s32 s15, $0x0;
	[tilespmem:v7+s0+$0x1A0 ss:$0x1] =	vst.idx.msk @!p0 $0xffff, v9  }
0x216: {  	[tilespmem:v7+s0+$0x1B0 ss:$0x1] =	vst.idx.msk @!p0 $0xffff, v9;
	s0 =	simm.s32 @!p1 $0x0;
	v9 =	vimm.f32 @!p1 $0.0e+00  }
0x217: {  	[tilespmem:v7+s0+$0x1C0 ss:$0x1] =	vst.idx.msk @!p1 $0xffff, v9  }
0x218: {  	s16 =	spop (v2sf);
	[tilespmem:v7+s0+$0x1D0 ss:$0x1] =	vst.idx.msk @!p1 $0xffff, v9  }
0x219: {  	(v2sf) =	vpush v8, $0xC;
	p0 =	sne.s32 s16, $0x0;
	[tilespmem:v7+s0+$0x1E0 ss:$0x1] =	vst.idx.msk @!p1 $0xffff, v9  }
0x21a: {  	[tilespmem:v7+s0+$0x1F0 ss:$0x1] =	vst.idx.msk @!p1 $0xffff, v9;
	s0 =	simm.s32 @!p0 $0x0;
	v9 =	vimm.f32 @!p0 $0.0e+00  }
0x21b: {  	[tilespmem:v7+s0+$0x200 ss:$0x1] =	vst.idx.msk @!p0 $0xffff, v9  }
0x21c: {  	s17 =	spop (v2sf);
	[tilespmem:v7+s0+$0x210 ss:$0x1] =	vst.idx.msk @!p0 $0xffff, v9  }
0x21d: {  	(v2sf) =	vpush v8, $0xD;
	p1 =	sne.s32 s17, $0x0;
	[tilespmem:v7+s0+$0x220 ss:$0x1] =	vst.idx.msk @!p0 $0xffff, v9  }
0x21e: {  	[tilespmem:v7+s0+$0x230 ss:$0x1] =	vst.idx.msk @!p0 $0xffff, v9;
	s0 =	simm.s32 @!p1 $0x0;
	v9 =	vimm.f32 @!p1 $0.0e+00  }
0x21f: {  	[tilespmem:v7+s0+$0x240 ss:$0x1] =	vst.idx.msk @!p1 $0xffff, v9  }
0x220: {  	s18 =	spop (v2sf);
	[tilespmem:v7+s0+$0x250 ss:$0x1] =	vst.idx.msk @!p1 $0xffff, v9  }
0x221: {  	(v2sf) =	vpush v8, $0xE;
	p0 =	sne.s32 s18, $0x0;
	[tilespmem:v7+s0+$0x260 ss:$0x1] =	vst.idx.msk @!p1 $0xffff, v9  }
0x222: {  	[tilespmem:v7+s0+$0x270 ss:$0x1] =	vst.idx.msk @!p1 $0xffff, v9;
	s0 =	simm.s32 @!p0 $0x0;
	v9 =	vimm.f32 @!p0 $0.0e+00  }
0x223: {  	[tilespmem:v7+s0+$0x280 ss:$0x1] =	vst.idx.msk @!p0 $0xffff, v9  }
0x224: {  	s19 =	spop (v2sf);
	[tilespmem:v7+s0+$0x290 ss:$0x1] =	vst.idx.msk @!p0 $0xffff, v9  }
0x225: {  	(v2sf) =	vpush v8, $0xF;
	p1 =	sne.s32 s19, $0x0;
	[tilespmem:v7+s0+$0x2A0 ss:$0x1] =	vst.idx.msk @!p0 $0xffff, v9  }
0x226: {  	v8 =	vimm.f32 @!p1 $0.0e+00;
	[tilespmem:v7+s0+$0x2B0 ss:$0x1] =	vst.idx.msk @!p0 $0xffff, v9;
	s0 =	simm.s32 @!p1 $0x0  }
0x227: {  	[tilespmem:v7+s0+$0x2C0 ss:$0x1] =	vst.idx.msk @!p1 $0xffff, v8  }
0x228: {  	s20 =	spop (v2sf);
	[tilespmem:v7+s0+$0x2D0 ss:$0x1] =	vst.idx.msk @!p1 $0xffff, v8  }
0x229: {  	p0 =	sne.s32 s20, $0x0;
	[tilespmem:v7+s0+$0x2E0 ss:$0x1] =	vst.idx.msk @!p1 $0xffff, v8  }
0x22a: {  	[tilespmem:v7+s0+$0x2F0 ss:$0x1] =	vst.idx.msk @!p1 $0xffff, v8;
	s0 =	simm.s32 @!p0 $0x0;
	v8 =	vimm.f32 @!p0 $0.0e+00  }
0x22b: {  	[tilespmem:v7+s0+$0x300 ss:$0x1] =	vst.idx.msk @!p0 $0xffff, v8  }
0x22c: {  	s21 =	spop (v2sf);
	[tilespmem:v7+s0+$0x310 ss:$0x1] =	vst.idx.msk @!p0 $0xffff, v8  }
0x22d: {  	p1 =	sne.s32 s21, $0x0;
	[tilespmem:v7+s0+$0x320 ss:$0x1] =	vst.idx.msk @!p0 $0xffff, v8  }
0x22e: {  	[tilespmem:v7+s0+$0x330 ss:$0x1] =	vst.idx.msk @!p0 $0xffff, v8;
	s0 =	simm.s32 @!p1 $0x0;
	v8 =	vimm.f32 @!p1 $0.0e+00  }
0x22f: {  	[tilespmem:v7+s0+$0x340 ss:$0x1] =	vst.idx.msk @!p1 $0xffff, v8  }
0x230: {  	s23 =	spop (v2sf);
	[tilespmem:v7+s0+$0x350 ss:$0x1] =	vst.idx.msk @!p1 $0xffff, v8  }
0x231: {  	p0 =	sne.s32 s23, $0x0;
	[tilespmem:v7+s0+$0x360 ss:$0x1] =	vst.idx.msk @!p1 $0xffff, v8  }
0x232: {  	[tilespmem:v7+s0+$0x370 ss:$0x1] =	vst.idx.msk @!p1 $0xffff, v8;
	s0 =	simm.s32 @!p0 $0x0;
	v8 =	vimm.f32 @!p0 $0.0e+00  }
0x233: {  	[tilespmem:v7+s0+$0x380 ss:$0x1] =	vst.idx.msk @!p0 $0xffff, v8  }
0x234: {  	s31 =	spop (v2sf);
	[tilespmem:v7+s0+$0x390 ss:$0x1] =	vst.idx.msk @!p0 $0xffff, v8  }
0x235: {  	p1 =	sne.s32 s31, $0x0;
	[tilespmem:v7+s0+$0x3A0 ss:$0x1] =	vst.idx.msk @!p0 $0xffff, v8  }
0x236: {  	[tilespmem:v7+s0+$0x3B0 ss:$0x1] =	vst.idx.msk @!p0 $0xffff, v8;
	s0 =	simm.s32 @!p1 $0x0;
	v8 =	vimm.f32 @!p1 $0.0e+00  }
0x237: {  	[tilespmem:v7+s0+$0x3C0 ss:$0x1] =	vst.idx.msk @!p1 $0xffff, v8  }
0x238: {  	[tilespmem:v7+s0+$0x3D0 ss:$0x1] =	vst.idx.msk @!p1 $0xffff, v8  }
0x239: {  	s7 =	simm.s32 $0x1000;
	s9 =	smov.u32 s3;
	[tilespmem:v7+s0+$0x3E0 ss:$0x1] =	vst.idx.msk @!p1 $0xffff, v8  }
.LBB2_8:
0x23a: {  	[tilespmem:v7+s0+$0x3F0 ss:$0x1] =	vst.idx.msk @!p1 $0xffff, v8;
	s9 =	sadd.s32 $0x10, s9;
	s10 =	smov.u32 s7;
	s7 =	sadd.s32 $0x1000, s7  }
0x23b: {  	v8 =	vld [tilespmem:s9+$0x0];
	p0 =	sne.s32 s7, $0x8000;
	_ =	sdelay $0x4  }
0x23c: {  	(v2sf) =	vpush v8, $0x0  }
0x23d: {  	(v2sf) =	vpush v8, $0x1  }
0x23e: {  	(v2sf) =	vpush v8, $0x2  }
0x23f: {  	(v2sf) =	vpush v8, $0x3  }
0x240: {  	(v2sf) =	vpush v8, $0x4  }
0x241: {  	(v2sf) =	vpush v8, $0x5  }
0x242: {  	(v2sf) =	vpush v8, $0x6  }
0x243: {  	(v2sf) =	vpush v8, $0x7  }
0x244: {  	(v2sf) =	vpush v8, $0x8  }
0x245: {  	(v2sf) =	vpush v8, $0x9  }
0x246: {  	(v2sf) =	vpush v8, $0xA  }
0x247: {  	(v2sf) =	vpush v8, $0xB  }
0x248: {  	(v2sf) =	vpush v8, $0xC  }
0x249: {  	(v2sf) =	vpush v8, $0xD  }
0x24a: {  	(v2sf) =	vpush v8, $0xE  }
0x24b: {  	s0 =	spop (v2sf);
	(v2sf) =	vpush v8, $0xF  }
0x24c: {  	p2 =	sne.s32 s0, $0x0;
	s0 =	spop (v2sf)  }
0x24d: {  	s1 =	sshra.s32 @!p2 s10, $0x2;
	v8 =	vimm.f32 @!p2 $0.0e+00;
	s11 =	spop (v2sf)  }
0x24e: {  	[tilespmem:v7+s1+$0x0 ss:$0x1] =	vst.idx.msk @!p2 $0xffff, v8;
	s18 =	spop (v2sf)  }
0x24f: {  	[tilespmem:v7+s1+$0x10 ss:$0x1] =	vst.idx.msk @!p2 $0xffff, v8;
	s19 =	spop (v2sf)  }
0x250: {  	p1 =	sne.s32 s0, $0x0;
	[tilespmem:v7+s1+$0x20 ss:$0x1] =	vst.idx.msk @!p2 $0xffff, v8;
	s20 =	spop (v2sf)  }
0x251: {  	s0 =	sshra.s32 @!p1 s10, $0x2;
	[tilespmem:v7+s1+$0x30 ss:$0x1] =	vst.idx.msk @!p2 $0xffff, v8;
	v8 =	vimm.f32 @!p1 $0.0e+00;
	s21 =	spop (v2sf)  }
0x252: {  	[tilespmem:v7+s0+$0x40 ss:$0x1] =	vst.idx.msk @!p1 $0xffff, v8;
	s17 =	spop (v2sf)  }
0x253: {  	[tilespmem:v7+s0+$0x50 ss:$0x1] =	vst.idx.msk @!p1 $0xffff, v8;
	s16 =	spop (v2sf)  }
0x254: {  	p2 =	sne.s32 s11, $0x0;
	[tilespmem:v7+s0+$0x60 ss:$0x1] =	vst.idx.msk @!p1 $0xffff, v8;
	s15 =	spop (v2sf)  }
0x255: {  	s1 =	sshra.s32 @!p2 s10, $0x2;
	[tilespmem:v7+s0+$0x70 ss:$0x1] =	vst.idx.msk @!p1 $0xffff, v8;
	v8 =	vimm.f32 @!p2 $0.0e+00;
	s13 =	spop (v2sf)  }
0x256: {  	[tilespmem:v7+s1+$0x80 ss:$0x1] =	vst.idx.msk @!p2 $0xffff, v8;
	s12 =	spop (v2sf)  }
0x257: {  	[tilespmem:v7+s1+$0x90 ss:$0x1] =	vst.idx.msk @!p2 $0xffff, v8;
	s11 =	spop (v2sf)  }
0x258: {  	p1 =	sne.s32 s18, $0x0;
	[tilespmem:v7+s1+$0xA0 ss:$0x1] =	vst.idx.msk @!p2 $0xffff, v8;
	s0 =	spop (v2sf)  }
0x259: {  	s18 =	sshra.s32 @!p1 s10, $0x2;
	[tilespmem:v7+s1+$0xB0 ss:$0x1] =	vst.idx.msk @!p2 $0xffff, v8;
	v8 =	vimm.f32 @!p1 $0.0e+00;
	s1 =	spop (v2sf)  }
0x25a: {  	[tilespmem:v7+s18+$0xC0 ss:$0x1] =	vst.idx.msk @!p1 $0xffff, v8;
	s23 =	spop (v2sf)  }
0x25b: {  	[tilespmem:v7+s18+$0xD0 ss:$0x1] =	vst.idx.msk @!p1 $0xffff, v8  }
0x25c: {  	p2 =	sne.s32 s19, $0x0;
	[tilespmem:v7+s18+$0xE0 ss:$0x1] =	vst.idx.msk @!p1 $0xffff, v8  }
0x25d: {  	[tilespmem:v7+s18+$0xF0 ss:$0x1] =	vst.idx.msk @!p1 $0xffff, v8;
	s18 =	sshra.s32 @!p2 s10, $0x2;
	v8 =	vimm.f32 @!p2 $0.0e+00  }
0x25e: {  	[tilespmem:v7+s18+$0x100 ss:$0x1] =	vst.idx.msk @!p2 $0xffff, v8  }
0x25f: {  	[tilespmem:v7+s18+$0x110 ss:$0x1] =	vst.idx.msk @!p2 $0xffff, v8  }
0x260: {  	p1 =	sne.s32 s20, $0x0;
	[tilespmem:v7+s18+$0x120 ss:$0x1] =	vst.idx.msk @!p2 $0xffff, v8  }
0x261: {  	[tilespmem:v7+s18+$0x130 ss:$0x1] =	vst.idx.msk @!p2 $0xffff, v8;
	s18 =	sshra.s32 @!p1 s10, $0x2;
	v8 =	vimm.f32 @!p1 $0.0e+00  }
0x262: {  	[tilespmem:v7+s18+$0x140 ss:$0x1] =	vst.idx.msk @!p1 $0xffff, v8  }
0x263: {  	[tilespmem:v7+s18+$0x150 ss:$0x1] =	vst.idx.msk @!p1 $0xffff, v8  }
0x264: {  	p2 =	sne.s32 s21, $0x0;
	[tilespmem:v7+s18+$0x160 ss:$0x1] =	vst.idx.msk @!p1 $0xffff, v8  }
0x265: {  	[tilespmem:v7+s18+$0x170 ss:$0x1] =	vst.idx.msk @!p1 $0xffff, v8;
	s18 =	sshra.s32 @!p2 s10, $0x2;
	v8 =	vimm.f32 @!p2 $0.0e+00  }
0x266: {  	[tilespmem:v7+s18+$0x180 ss:$0x1] =	vst.idx.msk @!p2 $0xffff, v8  }
0x267: {  	[tilespmem:v7+s18+$0x190 ss:$0x1] =	vst.idx.msk @!p2 $0xffff, v8  }
0x268: {  	p1 =	sne.s32 s17, $0x0;
	[tilespmem:v7+s18+$0x1A0 ss:$0x1] =	vst.idx.msk @!p2 $0xffff, v8  }
0x269: {  	s17 =	sshra.s32 @!p1 s10, $0x2;
	[tilespmem:v7+s18+$0x1B0 ss:$0x1] =	vst.idx.msk @!p2 $0xffff, v8;
	v8 =	vimm.f32 @!p1 $0.0e+00  }
0x26a: {  	[tilespmem:v7+s17+$0x1C0 ss:$0x1] =	vst.idx.msk @!p1 $0xffff, v8  }
0x26b: {  	[tilespmem:v7+s17+$0x1D0 ss:$0x1] =	vst.idx.msk @!p1 $0xffff, v8  }
0x26c: {  	p2 =	sne.s32 s16, $0x0;
	[tilespmem:v7+s17+$0x1E0 ss:$0x1] =	vst.idx.msk @!p1 $0xffff, v8  }
0x26d: {  	s16 =	sshra.s32 @!p2 s10, $0x2;
	[tilespmem:v7+s17+$0x1F0 ss:$0x1] =	vst.idx.msk @!p1 $0xffff, v8;
	v8 =	vimm.f32 @!p2 $0.0e+00  }
0x26e: {  	[tilespmem:v7+s16+$0x200 ss:$0x1] =	vst.idx.msk @!p2 $0xffff, v8  }
0x26f: {  	[tilespmem:v7+s16+$0x210 ss:$0x1] =	vst.idx.msk @!p2 $0xffff, v8  }
0x270: {  	p1 =	sne.s32 s15, $0x0;
	[tilespmem:v7+s16+$0x220 ss:$0x1] =	vst.idx.msk @!p2 $0xffff, v8  }
0x271: {  	s15 =	sshra.s32 @!p1 s10, $0x2;
	[tilespmem:v7+s16+$0x230 ss:$0x1] =	vst.idx.msk @!p2 $0xffff, v8;
	v8 =	vimm.f32 @!p1 $0.0e+00  }
0x272: {  	[tilespmem:v7+s15+$0x240 ss:$0x1] =	vst.idx.msk @!p1 $0xffff, v8  }
0x273: {  	[tilespmem:v7+s15+$0x250 ss:$0x1] =	vst.idx.msk @!p1 $0xffff, v8  }
0x274: {  	p2 =	sne.s32 s13, $0x0;
	[tilespmem:v7+s15+$0x260 ss:$0x1] =	vst.idx.msk @!p1 $0xffff, v8  }
0x275: {  	s13 =	sshra.s32 @!p2 s10, $0x2;
	[tilespmem:v7+s15+$0x270 ss:$0x1] =	vst.idx.msk @!p1 $0xffff, v8;
	v8 =	vimm.f32 @!p2 $0.0e+00  }
0x276: {  	[tilespmem:v7+s13+$0x280 ss:$0x1] =	vst.idx.msk @!p2 $0xffff, v8  }
0x277: {  	[tilespmem:v7+s13+$0x290 ss:$0x1] =	vst.idx.msk @!p2 $0xffff, v8  }
0x278: {  	p1 =	sne.s32 s12, $0x0;
	[tilespmem:v7+s13+$0x2A0 ss:$0x1] =	vst.idx.msk @!p2 $0xffff, v8  }
0x279: {  	s12 =	sshra.s32 @!p1 s10, $0x2;
	[tilespmem:v7+s13+$0x2B0 ss:$0x1] =	vst.idx.msk @!p2 $0xffff, v8;
	v8 =	vimm.f32 @!p1 $0.0e+00  }
0x27a: {  	[tilespmem:v7+s12+$0x2C0 ss:$0x1] =	vst.idx.msk @!p1 $0xffff, v8  }
0x27b: {  	[tilespmem:v7+s12+$0x2D0 ss:$0x1] =	vst.idx.msk @!p1 $0xffff, v8  }
0x27c: {  	p2 =	sne.s32 s11, $0x0;
	[tilespmem:v7+s12+$0x2E0 ss:$0x1] =	vst.idx.msk @!p1 $0xffff, v8  }
0x27d: {  	s11 =	sshra.s32 @!p2 s10, $0x2;
	[tilespmem:v7+s12+$0x2F0 ss:$0x1] =	vst.idx.msk @!p1 $0xffff, v8;
	v8 =	vimm.f32 @!p2 $0.0e+00  }
0x27e: {  	[tilespmem:v7+s11+$0x300 ss:$0x1] =	vst.idx.msk @!p2 $0xffff, v8  }
0x27f: {  	[tilespmem:v7+s11+$0x310 ss:$0x1] =	vst.idx.msk @!p2 $0xffff, v8  }
0x280: {  	p1 =	sne.s32 s0, $0x0;
	[tilespmem:v7+s11+$0x320 ss:$0x1] =	vst.idx.msk @!p2 $0xffff, v8  }
0x281: {  	s0 =	sshra.s32 @!p1 s10, $0x2;
	[tilespmem:v7+s11+$0x330 ss:$0x1] =	vst.idx.msk @!p2 $0xffff, v8;
	v8 =	vimm.f32 @!p1 $0.0e+00  }
0x282: {  	[tilespmem:v7+s0+$0x340 ss:$0x1] =	vst.idx.msk @!p1 $0xffff, v8  }
0x283: {  	[tilespmem:v7+s0+$0x350 ss:$0x1] =	vst.idx.msk @!p1 $0xffff, v8  }
0x284: {  	p2 =	sne.s32 s1, $0x0;
	[tilespmem:v7+s0+$0x360 ss:$0x1] =	vst.idx.msk @!p1 $0xffff, v8  }
0x285: {  	[tilespmem:v7+s0+$0x370 ss:$0x1] =	vst.idx.msk @!p1 $0xffff, v8;
	s0 =	sshra.s32 @!p2 s10, $0x2;
	v8 =	vimm.f32 @!p2 $0.0e+00  }
0x286: {  	[tilespmem:v7+s0+$0x380 ss:$0x1] =	vst.idx.msk @!p2 $0xffff, v8  }
0x287: {  	[tilespmem:v7+s0+$0x390 ss:$0x1] =	vst.idx.msk @!p2 $0xffff, v8  }
.Ltmp7:
0x288: {  	p1 =	sne.s32 s23, $0x0;
	[tilespmem:v7+s0+$0x3A0 ss:$0x1] =	vst.idx.msk @!p2 $0xffff, v8;
	(pc) =	sbr.rel @p0 .LBB2_8-.Ltmp7, $4  }
0x289: {  	[tilespmem:v7+s0+$0x3B0 ss:$0x1] =	vst.idx.msk @!p2 $0xffff, v8;
	s0 =	sshra.s32 @!p1 s10, $0x2;
	v8 =	vimm.f32 @!p1 $0.0e+00  }
0x28a: {  	[tilespmem:v7+s0+$0x3C0 ss:$0x1] =	vst.idx.msk @!p1 $0xffff, v8  }
0x28b: {  	[tilespmem:v7+s0+$0x3D0 ss:$0x1] =	vst.idx.msk @!p1 $0xffff, v8  }
0x28c: {  	[tilespmem:v7+s0+$0x3E0 ss:$0x1] =	vst.idx.msk @!p1 $0xffff, v8  }
0x28d: {  	_ =	sdelay $0x3  }
0x28e: {  	[tilespmem:v7+s0+$0x3F0 ss:$0x1] =	vst.idx.msk @!p1 $0xffff, v8  }
.LBB2_10:
0x28f: {  	p0 =	seq.s32 s28, $0x0  }
.Ltmp8:
0x290: {  	_ = 	snop;
	(pc) =	sbr.rel @p0 .LBB2_11-.Ltmp8, $4  }
0x291: {  	s0 =	sadd.s32 s6, s14  }
0x292: {  	s1 =	sshll.u32 s29, $0xD;
	s0 =	sshll.u32 s0, $0x4  }
0x293: {  	s7 =	sadd.s32 $0xD, s29;
	s1 =	sadd.s32 $0x6400, s1;
	s0 =	sadd.s32 s2, s0  }
0x294: {  	[hbm4b:s0+s30] =	stream.strided.scatter [tilespmem:s1], [sflag:s7], $0x2000, s25, s30, $0x38;
	[tilespmem:$0x1E400] =	vst v63  }
0x295: {  	s0 =	sadd.s32 $0xFFFFFFFF, s28  }
0x296: {  	s1 =	smulhi.u32 $0xAAAAAAAB, s0;
	_ =	sdelay $0x1  }
0x297: {  	s1 =	sshrl.u32 s1, $0x2  }
0x298: {  	p0 =	sgt.u32 s28, $0x2C;
	s1 =	smul.u32 $0x6, s1  }
.Ltmp9:
0x299: {  	s7 =	sshll.u32 s0, $0xE;
	(pc) =	sbr.rel @p0 .LBB2_15-.Ltmp9, $4  }
0x29a: {  	s7 =	sadd.s32 s4, s7;
	s0 =	ssub.s32 s0, s1  }
0x29b: {  	s29 =	sshrl.u32 s7, $0x3;
	s31 =	sshll.u32 s0, $0xD  }
0x29c: {  	s1 =	sadd.s32 s29, s8;
	s0 =	sadd.s32 $0x13, s0;
	s7 =	sadd.s32 $0x12400, s31  }
0x29d: {  	[hbm4b:s1+s30] =	stream.strided.scatter [tilespmem:s7], [sflag:s0], $0x2000, s25, s30, $0x38;
	[tilespmem:$0x1E400] =	vst v63  }
0x29e: {  	s1 =	sadd.s32 $0x5, s28  }
0x29f: {  	s0 =	smul.u32 $0xAB, s1;
	_ =	sdelay $0x1  }
0x2a0: {  	s0 =	sshrl.u32 s0, $0xA  }
0x2a1: {  	s0 =	sand.u32 $0x3F, s0  }
0x2a2: {  	s0 =	smul.u32 $0x6, s0;
	_ =	sdelay $0x1  }
0x2a3: {  	s0 =	ssub.s32 s1, s0  }
0x2a4: {  	s0 =	sand.u32 $0xFF, s0  }
0x2a5: {  	s7 =	sadd.s32 $0xD, s0  }
0x2a6: {  	_ =	swait.ge [sflag:s7], $0x2000  }
.Ltmp10:
0x2a7: {  	[sflag:s7] =	ssyncset.done $0x0;
	(pc) =	sbr.rel .LBB2_14-.Ltmp10, $4  }
0x2a8: {  	s31 =	sadd.s32 $0x13, s0;
	[sflag:s7] =	ssyncadd.s32 $0xFFFFE000  }
0x2a9: {  	_ =	swait.ge [sflag:s31], $0x2000  }
0x2aa: {  	[sflag:s31] =	ssyncset.done $0x0  }
0x2ab: {  	[sflag:s31] =	ssyncadd.s32 $0xFFFFE000  }
.LBB2_17:
0x2ac: {  	_ =	sfence.sel $0x180000  }
0x2ad: {  	[bflag:$0x0] =	sbarrier.arrive $0xFFFF  }
0x2ae: {  	_ =	strace $0x90000047  }
0x2af: {  	s0 =	stileid.u32;
	[bflag:$0x2] =	sbarrier.arrive $0xFFFF  }
0x2b0: {  	p0 =	sne.s32 s0, $0x0;
	s0 =	rddreg [dreg:$0x2]  }
0x2b1: {  	s0 =	sadd.s32 @!p0 $0x100000, s0  }
0x2b2: {  	[sflag:s0] =	ssyncadd.tile.s32 @!p0 $0x1;
	_ =	shalt  }
.Lfunc_end2:
_tile_overlayer_lowered:
.L_overlay_start_2:
0x2b3: {  	(tag) =	ssettag $0x2  }
0x2b4: {  	s0 =	rddreg [dreg:$0x0];
	s2 =	stileid.u32  }
0x2b5: {  	s1 =	rddreg [dreg:$0x1];
	p0 =	sne.s32 s2, $0x0  }
0x2b6: {  	s3 =	rddreg [dreg:$0x2];
	[bflag:$0x3] =	sbarrier.arrive $0xFFFF;
	s2 =	simm.s32 @!p0 $0x1C19  }
0x2b7: {  	[timem:s3], [sflag:s2] =	dma.local @!p0 [hbm:s0], s1  }
0x2b8: {  	s0 =	simm.s32 @!p0 $0x19  }
0x2b9: {  	_ =	swait.ge @!p0 [sflag:s0], s1  }
0x2ba: {  	s1 =	ssub.s32 @!p0 $0x0, s1;
	[sflag:s0] =	ssyncset.done @!p0 $0x0  }
0x2bb: {  	[sflag:s0] =	ssyncadd.s32 @!p0 s1  }
0x2bc: {  	[bflag:$0x3] =	sbarrier.arrive $0xFFFF  }
0x2bd: {  	_ =	shalt  }

</sc_bundles>
